<compile_context>
chip_gen: v7x
topology: tpu7x:2x2x1
jax: 0.10.2.dev20260603
libtpu: 0.0.44.dev20260713+nightly
codegen_flags: <defaults>
</compile_context>

<pallas_src>
import functools

import jax
import jax.numpy as jnp
from jax import lax
from jax.experimental import pallas as pl
from jax.experimental.pallas import tpu as pltpu
from jax.experimental.pallas import tpu_sc as plsc

N = 10000
E = 320000
D = 128
OUT = 16
HEADS = 10
HID = OUT * HEADS
G = 64

RB = 1000
NBLK = N // RB
NW = 32
EPW = E // NW
HHID = HID // 2
EPW1 = E // 16
K1 = 40
CH1 = EPW1 // K1
K2 = 50
CH2 = EPW1 // K2
N2 = 10240
RPS = N2 // 16


def _mm2_body(x_ref, wla_ref, wlb_ref, wra_ref, wrb_ref, xl_ref, xr_ref):
    xb = x_ref[...]
    xl_ref[0] = jnp.dot(xb, wla_ref[...], preferred_element_type=jnp.float32)
    xl_ref[1] = jnp.dot(xb, wlb_ref[...], preferred_element_type=jnp.float32)
    xr_ref[0] = jnp.dot(xb, wra_ref[...], preferred_element_type=jnp.float32)
    xr_ref[1] = jnp.dot(xb, wrb_ref[...], preferred_element_type=jnp.float32)


def _mm2(x, wla, wlb, wra, wrb):
    wspec = pl.BlockSpec((D, HHID), lambda i: (0, 0))
    ospec = pl.BlockSpec((2, RB, HHID), lambda i: (0, i, 0))
    return pl.pallas_call(
        _mm2_body,
        grid=(NBLK,),
        in_specs=[pl.BlockSpec((RB, D), lambda i: (i, 0)),
                  wspec, wspec, wspec, wspec],
        out_specs=[ospec, ospec],
        out_shape=[
            jax.ShapeDtypeStruct((2, N, HHID), jnp.float32),
            jax.ShapeDtypeStruct((2, N, HHID), jnp.float32),
        ],
    )(x, wla, wlb, wra, wrb)


def _sc_mesh():
    return plsc.VectorSubcoreMesh(core_axis_name="c", subcore_axis_name="s",
                                  num_cores=2, num_subcores=16)


NBUF1 = 5
NBUF2 = 8


def _pass1_body(xl_hbm, xr_hbm, src_hbm, dst_hbm, att_hbm, z80_hbm, z16_hbm,
                u_out, den_out,
                srcg, dstg,
                xlb0, xlb1, xlb2, xlb3, xlb4,
                xrb0, xrb1, xrb2, xrb3, xrb4,
                wb0, wb1, wb2, wb3, wb4, attb, usp, densp,
                g0, g1, g2, g3, g4, s0, s1, s2, s3, s4):
    xlbs = [xlb0, xlb1, xlb2, xlb3, xlb4]
    xrbs = [xrb0, xrb1, xrb2, xrb3, xrb4]
    wbs = [wb0, wb1, wb2, wb3, wb4]
    gsems = [g0, g1, g2, g3, g4]
    ssems = [s0, s1, s2, s3, s4]
    c = lax.axis_index("c")
    s = lax.axis_index("s")
    rows = pl.ds(s * RPS, RPS)
    pltpu.sync_copy(z80_hbm, usp.at[rows])
    pltpu.sync_copy(z16_hbm, densp.at[rows])
    pltpu.sync_copy(att_hbm.at[c], attb)
    plsc.subcore_barrier()
    attvs = [attb[pl.ds(16 * h, 16)] for h in range(HEADS // 2)]

    def group(g, carry):
        c0 = g * NBUF1
        pltpu.sync_copy(src_hbm.at[s, pl.ds(c0, NBUF1)], srcg)
        pltpu.sync_copy(dst_hbm.at[s, pl.ds(c0, NBUF1)], dstg)
        cps = []
        for bi in range(NBUF1):
            cps.append(pltpu.async_copy(
                xl_hbm.at[c].at[srcg.at[bi]], xlbs[bi], gsems[bi]))
            cps.append(pltpu.async_copy(
                xr_hbm.at[c].at[dstg.at[bi]], xrbs[bi], gsems[bi]))
        scs = []
        for bi in range(NBUF1):
            xlb, xrb, wb = xlbs[bi], xrbs[bi], wbs[bi]
            cps[2 * bi].wait()
            cps[2 * bi + 1].wait()

            @plsc.parallel_loop(0, K1, unroll=2)
            def edge(e):
                lanei = lax.iota(jnp.int32, 16)
                xh = [xlb[e, pl.ds(OUT * h, OUT)] for h in range(HEADS // 2)]
                logitv = jnp.zeros((16,), jnp.float32)
                for h in range(HEADS // 2):
                    z = xh[h] + xrb[e, pl.ds(OUT * h, OUT)]
                    lz = jnp.maximum(z, 0.2 * z)
                    sh = jnp.sum(lz * attvs[h])
                    logitv = jnp.where(lanei == h, sh, logitv)
                w = jnp.exp(logitv)
                wb[e, :] = w
                for h in range(HEADS // 2):
                    xlb[e, pl.ds(OUT * h, OUT)] = xh[h] * w[h]
            scs.append(pltpu.async_copy(
                xlb, usp.at[dstg.at[bi]], gsems[bi], add=True))
            scs.append(pltpu.async_copy(
                wb, densp.at[dstg.at[bi]], ssems[bi], add=True))
        for cp in scs:
            cp.wait()
        return carry

    lax.fori_loop(0, CH1 // NBUF1, group, 0)
    plsc.subcore_barrier()
    pltpu.sync_copy(usp.at[rows], u_out.at[c, rows])
    pltpu.sync_copy(densp.at[rows], den_out.at[c, rows])


@functools.lru_cache(maxsize=None)
def _pass1_kernel():
    return pl.kernel(
        _pass1_body,
        out_type=[
            jax.ShapeDtypeStruct((2, N2, HHID), jnp.float32),
            jax.ShapeDtypeStruct((2, N2, 16), jnp.float32),
        ],
        mesh=_sc_mesh(),
        compiler_params=pltpu.CompilerParams(use_tc_tiling_on_sc=False,
                                             needs_layout_passes=False),
        scratch_types=(
            [pltpu.VMEM((NBUF1, K1), jnp.int32)] * 2
            + [pltpu.VMEM((K1, HHID), jnp.float32)] * (2 * NBUF1)
            + [pltpu.VMEM((K1, 16), jnp.float32)] * NBUF1
            + [pltpu.VMEM((HHID,), jnp.float32)]
            + [pltpu.VMEM_SHARED((N2, HHID), jnp.float32),
               pltpu.VMEM_SHARED((N2, 16), jnp.float32)]
            + [pltpu.SemaphoreType.DMA] * (2 * NBUF1)
        ),
    )


def _pass2_body(hs_hbm, src_hbm, dst_hbm, z80_hbm,
                a_out,
                srcg, dstg, rb0, rb1, rb2, rb3, rb4, rb5, rb6, rb7,
                asp,
                g0, g1, g2, g3, g4, g5, g6, g7,
                s0, s1, s2, s3, s4, s5, s6, s7):
    rowbs = [rb0, rb1, rb2, rb3, rb4, rb5, rb6, rb7]
    gsems = [g0, g1, g2, g3, g4, g5, g6, g7]
    ssems = [s0, s1, s2, s3, s4, s5, s6, s7]
    c = lax.axis_index("c")
    s = lax.axis_index("s")
    rows = pl.ds(s * RPS, RPS)
    pltpu.sync_copy(z80_hbm, asp.at[rows])
    plsc.subcore_barrier()

    def group(g, carry):
        c0 = g * NBUF2
        pltpu.sync_copy(src_hbm.at[s, pl.ds(c0, NBUF2)], srcg)
        pltpu.sync_copy(dst_hbm.at[s, pl.ds(c0, NBUF2)], dstg)
        cps = []
        for bi in range(NBUF2):
            cps.append(pltpu.async_copy(
                hs_hbm.at[c].at[srcg.at[bi]], rowbs[bi], gsems[bi]))
        scs = []
        for bi in range(NBUF2):
            cps[bi].wait()
            scs.append(pltpu.async_copy(
                rowbs[bi], asp.at[dstg.at[bi]], ssems[bi], add=True))
        for cp in scs:
            cp.wait()
        return carry

    lax.fori_loop(0, CH2 // NBUF2, group, 0)
    plsc.subcore_barrier()
    pltpu.sync_copy(asp.at[rows], a_out.at[c, rows])


@functools.lru_cache(maxsize=None)
def _pass2_kernel():
    return pl.kernel(
        _pass2_body,
        out_type=jax.ShapeDtypeStruct((2, N2, HHID), jnp.float32),
        mesh=_sc_mesh(),
        compiler_params=pltpu.CompilerParams(use_tc_tiling_on_sc=False,
                                             needs_layout_passes=False),
        scratch_types=(
            [pltpu.VMEM((NBUF2, K2), jnp.int32)] * 2
            + [pltpu.VMEM((K2, HHID), jnp.float32)] * NBUF2
            + [pltpu.VMEM_SHARED((N2, HHID), jnp.float32)]
            + [pltpu.SemaphoreType.DMA] * (2 * NBUF2)
        ),
    )


def _r5mat():
    lanes = lax.broadcasted_iota(jnp.int32, (16, HHID), 1) // OUT
    rowi = lax.broadcasted_iota(jnp.int32, (16, HHID), 0)
    return (lanes == rowi).astype(jnp.float32)


def _e15mat():
    rowi = lax.broadcasted_iota(jnp.int32, (16, HID), 0)
    return (rowi == 15).astype(jnp.float32)


def _halfsplit():
    rowi = lax.broadcasted_iota(jnp.int32, (HID, HHID), 0)
    coli = lax.broadcasted_iota(jnp.int32, (HID, HHID), 1)
    p0t = (rowi == coli).astype(jnp.float32)
    p1t = (rowi == coli + HHID).astype(jnp.float32)
    return p0t, p1t


def _halfcat():
    rowi = lax.broadcasted_iota(jnp.int32, (HHID, HID), 0)
    coli = lax.broadcasted_iota(jnp.int32, (HHID, HID), 1)
    p0 = (coli == rowi).astype(jnp.float32)
    p1 = (coli == rowi + HHID).astype(jnp.float32)
    return p0, p1


def _stage_c_body(u0_ref, u1_ref, dn0_ref, dn1_ref, gatb_ref, gw_ref, gcnb_ref,
                  hs_ref, base_ref):
    r5 = _r5mat()
    denb0 = jnp.dot(dn0_ref[0], r5, preferred_element_type=jnp.float32)
    denb1 = jnp.dot(dn1_ref[0], r5, preferred_element_type=jnp.float32)
    a0 = u0_ref[0] / (denb0 + 1e-16)
    a1 = u1_ref[0] / (denb1 + 1e-16)
    p0, p1 = _halfcat()
    agg = (jnp.dot(a0, p0, preferred_element_type=jnp.float32)
           + jnp.dot(a1, p1, preferred_element_type=jnp.float32))
    degb = jnp.dot(dn0_ref[0], _e15mat(), preferred_element_type=jnp.float32) + 1.0
    h1 = agg + gatb_ref[...]
    h1 = jnp.where(h1 > 0, h1, jnp.exp(h1) - 1.0)
    dinv = lax.rsqrt(jnp.maximum(degb, 1.0))
    h = jnp.dot(h1, gw_ref[...], preferred_element_type=jnp.float32)
    hsv = dinv * h
    p0t, p1t = _halfsplit()
    hs_ref[0] = jnp.dot(hsv, p0t, preferred_element_type=jnp.float32)
    hs_ref[1] = jnp.dot(hsv, p1t, preferred_element_type=jnp.float32)
    base_ref[...] = dinv * dinv * h + gcnb_ref[...]


def _stage_c(u0, u1, dn0, dn1, gatb, gw, gcnb):
    return pl.pallas_call(
        _stage_c_body,
        grid=(NBLK,),
        in_specs=[
            pl.BlockSpec((1, RB, HHID), lambda i: (0, i, 0)),
            pl.BlockSpec((1, RB, HHID), lambda i: (1, i, 0)),
            pl.BlockSpec((1, RB, 16), lambda i: (0, i, 0)),
            pl.BlockSpec((1, RB, 16), lambda i: (1, i, 0)),
            pl.BlockSpec((1, HID), lambda i: (0, 0)),
            pl.BlockSpec((HID, HID), lambda i: (0, 0)),
            pl.BlockSpec((1, HID), lambda i: (0, 0)),
        ],
        out_specs=[
            pl.BlockSpec((2, RB, HHID), lambda i: (0, i, 0)),
            pl.BlockSpec((RB, HID), lambda i: (i, 0)),
        ],
        out_shape=[
            jax.ShapeDtypeStruct((2, N, HHID), jnp.float32),
            jax.ShapeDtypeStruct((N, HID), jnp.float32),
        ],
    )(u0, u1, dn0, dn1, gatb, gw, gcnb)


def _stage_e_body(a0_ref, a1_ref, dn0_ref, base_ref, batch_ref,
                  out_ref, smax, ssum, scnt):
    i = pl.program_id(0)

    @pl.when(i == 0)
    def _init():
        smax[...] = jnp.zeros_like(smax)
        ssum[...] = jnp.zeros_like(ssum)
        scnt[...] = jnp.zeros_like(scnt)

    degb = jnp.dot(dn0_ref[0], _e15mat(),
                   preferred_element_type=jnp.float32) + 1.0
    dinv = lax.rsqrt(jnp.maximum(degb, 1.0))
    p0, p1 = _halfcat()
    acat = (jnp.dot(a0_ref[0], p0, preferred_element_type=jnp.float32)
            + jnp.dot(a1_ref[0], p1, preferred_element_type=jnp.float32))
    h2 = jnp.maximum(dinv * acat + base_ref[...], 0.0)

    b = batch_ref[...]
    onehot = (b == lax.broadcasted_iota(jnp.int32, (RB, G), 1)
              ).astype(jnp.float32)

    runmax = h2
    sft = 1
    while sft < RB:
        prev = jnp.concatenate(
            [jnp.zeros((sft, HID), jnp.float32), runmax[:-sft]], axis=0)
        bprev = jnp.concatenate(
            [jnp.full((sft, 1), -1, jnp.int32), b[:-sft]], axis=0)
        same = (b == bprev)
        runmax = jnp.maximum(runmax, jnp.where(same, prev, 0.0))
        sft *= 2
    bnxt = jnp.concatenate([b[1:], jnp.full((1, 1), -1, jnp.int32)], axis=0)
    lastm = (b != bnxt).astype(jnp.float32)
    ext = runmax * lastm
    blkmax = lax.dot_general(onehot, ext, (((0,), (0,)), ((), ())),
                             preferred_element_type=jnp.float32)
    smax[...] = jnp.maximum(smax[...], blkmax)
    ssum[...] += lax.dot_general(onehot, h2, (((0,), (0,)), ((), ())),
                                 preferred_element_type=jnp.float32)
    scnt[...] += lax.dot_general(onehot, jnp.ones((RB, 128), jnp.float32),
                                 (((0,), (0,)), ((), ())),
                                 preferred_element_type=jnp.float32)

    @pl.when(i == NBLK - 1)
    def _fin():
        cnt = jnp.maximum(scnt[:, :1], 1.0)
        out_ref[:, :HID] = smax[...]
        out_ref[:, HID:] = ssum[...] / cnt


def _stage_e(a0, a1, dn0, base, batchr):
    return pl.pallas_call(
        _stage_e_body,
        grid=(NBLK,),
        in_specs=[
            pl.BlockSpec((1, RB, HHID), lambda i: (0, i, 0)),
            pl.BlockSpec((1, RB, HHID), lambda i: (1, i, 0)),
            pl.BlockSpec((1, RB, 16), lambda i: (0, i, 0)),
            pl.BlockSpec((RB, HID), lambda i: (i, 0)),
            pl.BlockSpec((RB, 1), lambda i: (i, 0)),
        ],
        out_specs=pl.BlockSpec((G, 2 * HID), lambda i: (0, 0)),
        out_shape=jax.ShapeDtypeStruct((G, 2 * HID), jnp.float32),
        scratch_shapes=[
            pltpu.VMEM((G, HID), jnp.float32),
            pltpu.VMEM((G, HID), jnp.float32),
            pltpu.VMEM((G, 128), jnp.float32),
        ],
    )(a0, a1, dn0, base, batchr)


def kernel(x, edge_index, batch, gat_Wl, gat_Wr, gat_att, gat_bias, gcn_W, gcn_bias):
    src = edge_index[0]
    dst = edge_index[1]
    xl2, xr2 = _mm2(x, gat_Wl[:, :HHID], gat_Wl[:, HHID:],
                    gat_Wr[:, :HHID], gat_Wr[:, HHID:])
    att2 = gat_att.reshape(2, HHID)
    z80 = jnp.zeros((RPS, HHID), jnp.float32)
    z16 = jnp.zeros((RPS, 16), jnp.float32)
    u2, den2 = _pass1_kernel()(xl2, xr2, src.reshape(16, CH1, K1),
                               dst.reshape(16, CH1, K1), att2, z80, z16)
    hs, base = _stage_c(u2, u2, den2, den2,
                        gat_bias.reshape(1, HID), gcn_W, gcn_bias.reshape(1, HID))
    a2 = _pass2_kernel()(hs, src.reshape(16, CH2, K2), dst.reshape(16, CH2, K2), z80)
    batchr = batch.reshape(N, 1)
    return _stage_e(a2, a2, den2, base, batchr)

# --- scband reference (transcript-rebuilt; emitter-appended) ---
"""Pipeline reference for scband-graph-convolutional-block-21165598835006 (READ-ONLY COPY).

The authoritative reference and input builder live on the scoring server;
editing this copy changes nothing except your own understanding.
"""

import jax, jax.numpy as jnp
import numpy as np

N = 10000
E = 320000
D = 128
OUT = 16
HEADS = 10
HID = OUT * HEADS  # 160
G = 64


def setup_inputs(seed: int = 0) -> dict:
    key = jax.random.key(seed)
    ks = jax.random.split(key, 10)
    x = jax.random.normal(ks[0], (N, D), dtype=jnp.float32)
    edge_index = jax.random.randint(ks[1], (2, E), 0, N, dtype=jnp.int32)
    batch = jnp.sort(jax.random.randint(ks[2], (N,), 0, G, dtype=jnp.int32))
    gat_Wl = jax.random.normal(ks[3], (D, HID), dtype=jnp.float32) * 0.05
    gat_Wr = jax.random.normal(ks[4], (D, HID), dtype=jnp.float32) * 0.05
    gat_att = jax.random.normal(ks[5], (HEADS, OUT), dtype=jnp.float32) * 0.05
    gat_bias = jnp.zeros((HID,), dtype=jnp.float32)
    gcn_W = jax.random.normal(ks[6], (HID, HID), dtype=jnp.float32) * 0.05
    gcn_bias = jnp.zeros((HID,), dtype=jnp.float32)
    return {"x": x, "edge_index": edge_index, "batch": batch,
            "gat_Wl": gat_Wl, "gat_Wr": gat_Wr, "gat_att": gat_att, "gat_bias": gat_bias,
            "gcn_W": gcn_W, "gcn_bias": gcn_bias}


def reference(x, edge_index, batch, gat_Wl, gat_Wr, gat_att, gat_bias, gcn_W, gcn_bias):
    # eval mode: all dropouts are identity
    src = edge_index[0]
    dst = edge_index[1]

    # --- GATv2Conv(D -> OUT, heads=HEADS, concat) ---
    xl = (x @ gat_Wl).reshape(N, HEADS, OUT)
    xr = (x @ gat_Wr).reshape(N, HEADS, OUT)
    e = jax.nn.leaky_relu(xl[src] + xr[dst], 0.2)          # [E,H,C]
    logits = jnp.einsum('ehc,hc->eh', e, gat_att)          # [E,H]
    m = jax.ops.segment_max(logits, dst, num_segments=N)
    m = jnp.where(jnp.isfinite(m), m, 0.0)
    expv = jnp.exp(logits - m[dst])
    denom = jax.ops.segment_sum(expv, dst, num_segments=N)
    alpha = expv / (denom[dst] + 1e-16)                    # [E,H]
    agg = jax.ops.segment_sum(alpha[:, :, None] * xl[src], dst, num_segments=N)
    h1 = agg.reshape(N, HID) + gat_bias
    h1 = jax.nn.elu(h1)

    # --- GCNConv(HID -> HID), add self-loops + symmetric norm ---
    loop = jnp.arange(N, dtype=src.dtype)
    s2 = jnp.concatenate([src, loop])
    d2 = jnp.concatenate([dst, loop])
    deg = jax.ops.segment_sum(jnp.ones((E + N,), dtype=jnp.float32), d2, num_segments=N)
    dinv = jax.lax.rsqrt(jnp.maximum(deg, 1.0))
    norm = dinv[s2] * dinv[d2]
    h = h1 @ gcn_W
    h2 = jax.ops.segment_sum(norm[:, None] * h[s2], d2, num_segments=N) + gcn_bias
    h2 = jax.nn.relu(h2)

    # --- global max pool + global mean pool over batch ids ---
    maxp = jax.ops.segment_max(h2, batch, num_segments=G)
    maxp = jnp.where(jnp.isfinite(maxp), maxp, 0.0)
    cnt = jax.ops.segment_sum(jnp.ones((N,), dtype=jnp.float32), batch, num_segments=G)
    meanp = jax.ops.segment_sum(h2, batch, num_segments=G) / jnp.maximum(cnt, 1.0)[:, None]
    return jnp.concatenate([maxp, meanp], axis=1)          # [G, 2*HID]

if __name__ == "__main__":
    import jax
    _d = setup_inputs()
    print(jax.jit(kernel)(*tuple(_d.values())))

</pallas_src>

<mosaic_0001>
#map = affine_map<(d0, d1) -> (0, 0, 0)>
#map1 = affine_map<(d0, d1) -> (0, 0)>
module attributes {stable_mosaic.version = 14 : i64} {
  func.func @_pass1_body(%arg0: i32, %arg1: i32, %arg2: memref<2x10000x80xf32, #tpu.memory_space<hbm>>, %arg3: memref<2x10000x80xf32, #tpu.memory_space<hbm>>, %arg4: memref<16x500x40xi32, #tpu.memory_space<hbm>>, %arg5: memref<16x500x40xi32, #tpu.memory_space<hbm>>, %arg6: memref<2x80xf32, #tpu.memory_space<hbm>>, %arg7: memref<640x80xf32, #tpu.memory_space<hbm>>, %arg8: memref<640x16xf32, #tpu.memory_space<hbm>>, %arg9: memref<2x10240x80xf32, #tpu.memory_space<hbm>>, %arg10: memref<2x10240x16xf32, #tpu.memory_space<hbm>>, %arg11: memref<5x40xi32, #tpu.memory_space<vmem>>, %arg12: memref<5x40xi32, #tpu.memory_space<vmem>>, %arg13: memref<40x80xf32, #tpu.memory_space<vmem>>, %arg14: memref<40x80xf32, #tpu.memory_space<vmem>>, %arg15: memref<40x80xf32, #tpu.memory_space<vmem>>, %arg16: memref<40x80xf32, #tpu.memory_space<vmem>>, %arg17: memref<40x80xf32, #tpu.memory_space<vmem>>, %arg18: memref<40x80xf32, #tpu.memory_space<vmem>>, %arg19: memref<40x80xf32, #tpu.memory_space<vmem>>, %arg20: memref<40x80xf32, #tpu.memory_space<vmem>>, %arg21: memref<40x80xf32, #tpu.memory_space<vmem>>, %arg22: memref<40x80xf32, #tpu.memory_space<vmem>>, %arg23: memref<40x16xf32, #tpu.memory_space<vmem>>, %arg24: memref<40x16xf32, #tpu.memory_space<vmem>>, %arg25: memref<40x16xf32, #tpu.memory_space<vmem>>, %arg26: memref<40x16xf32, #tpu.memory_space<vmem>>, %arg27: memref<40x16xf32, #tpu.memory_space<vmem>>, %arg28: memref<80xf32, #tpu.memory_space<vmem>>, %arg29: memref<10240x80xf32, #tpu.memory_space<vmem_shared>>, %arg30: memref<10240x16xf32, #tpu.memory_space<vmem_shared>>, %arg31: memref<!tpu.dma_semaphore, #tpu.memory_space<semaphore_mem>>, %arg32: memref<!tpu.dma_semaphore, #tpu.memory_space<semaphore_mem>>, %arg33: memref<!tpu.dma_semaphore, #tpu.memory_space<semaphore_mem>>, %arg34: memref<!tpu.dma_semaphore, #tpu.memory_space<semaphore_mem>>, %arg35: memref<!tpu.dma_semaphore, #tpu.memory_space<semaphore_mem>>, %arg36: memref<!tpu.dma_semaphore, #tpu.memory_space<semaphore_mem>>, %arg37: memref<!tpu.dma_semaphore, #tpu.memory_space<semaphore_mem>>, %arg38: memref<!tpu.dma_semaphore, #tpu.memory_space<semaphore_mem>>, %arg39: memref<!tpu.dma_semaphore, #tpu.memory_space<semaphore_mem>>, %arg40: memref<!tpu.dma_semaphore, #tpu.memory_space<semaphore_mem>>) attributes {dimension_semantics = [#tpu.dimension_semantics<core_parallel>, #tpu.dimension_semantics<subcore_parallel>], iteration_bounds = array<i64: 2, 16>, scalar_prefetch = 0 : i64, scratch_operands = 30 : i64, tpu.core_type = #tpu.core_type<sc_vector_subcore>, window_params = [{transform_indices = #map}, {transform_indices = #map}, {transform_indices = #map}, {transform_indices = #map}, {transform_indices = #map1}, {transform_indices = #map1}, {transform_indices = #map1}, {transform_indices = #map}, {transform_indices = #map}]} {
    %mul3A = arith.constant 640 : i32
    %mul3A_0 = arith.muli %arg1, %mul3A : i32
    "tpu.region"() ({
      %run_scoped3A = tpu.sem_alloc : memref<!tpu.dma_semaphore, #tpu.memory_space<semaphore_mem>>
      %dma_start3A = arith.constant 0 : i32
      %dma_start3A_16 = tpu.memref_slice %arg29[%mul3A_0, %dma_start3A] : memref<10240x80xf32, #tpu.memory_space<vmem_shared>> -> memref<640x80xf32, #tpu.memory_space<vmem_shared>>
      tpu.enqueue_dma source(%arg7 : memref<640x80xf32, #tpu.memory_space<hbm>>) target(%dma_start3A_16 : memref<640x80xf32, #tpu.memory_space<vmem_shared>>) target_semaphore(%run_scoped3A : memref<!tpu.dma_semaphore, #tpu.memory_space<semaphore_mem>>)
      %dma_wait3A = arith.constant 0 : i32
      %dma_wait3A_17 = tpu.memref_slice %arg29[%mul3A_0, %dma_wait3A] : memref<10240x80xf32, #tpu.memory_space<vmem_shared>> -> memref<640x80xf32, #tpu.memory_space<vmem_shared>>
      tpu.wait_dma2 semaphore(%run_scoped3A : memref<!tpu.dma_semaphore, #tpu.memory_space<semaphore_mem>>) src(%arg7 : memref<640x80xf32, #tpu.memory_space<hbm>>) dst(%dma_wait3A_17 : memref<640x80xf32, #tpu.memory_space<vmem_shared>>)
      tpu.yield
    }) : () -> ()
    "tpu.region"() ({
      %run_scoped3A = tpu.sem_alloc : memref<!tpu.dma_semaphore, #tpu.memory_space<semaphore_mem>>
      %dma_start3A = arith.constant 0 : i32
      %dma_start3A_16 = tpu.memref_slice %arg30[%mul3A_0, %dma_start3A] : memref<10240x16xf32, #tpu.memory_space<vmem_shared>> -> memref<640x16xf32, #tpu.memory_space<vmem_shared>>
      tpu.enqueue_dma source(%arg8 : memref<640x16xf32, #tpu.memory_space<hbm>>) target(%dma_start3A_16 : memref<640x16xf32, #tpu.memory_space<vmem_shared>>) target_semaphore(%run_scoped3A : memref<!tpu.dma_semaphore, #tpu.memory_space<semaphore_mem>>)
      %dma_wait3A = arith.constant 0 : i32
      %dma_wait3A_17 = tpu.memref_slice %arg30[%mul3A_0, %dma_wait3A] : memref<10240x16xf32, #tpu.memory_space<vmem_shared>> -> memref<640x16xf32, #tpu.memory_space<vmem_shared>>
      tpu.wait_dma2 semaphore(%run_scoped3A : memref<!tpu.dma_semaphore, #tpu.memory_space<semaphore_mem>>) src(%arg8 : memref<640x16xf32, #tpu.memory_space<hbm>>) dst(%dma_wait3A_17 : memref<640x16xf32, #tpu.memory_space<vmem_shared>>)
      tpu.yield
    }) : () -> ()
    "tpu.region"() ({
      %run_scoped3A = tpu.sem_alloc : memref<!tpu.dma_semaphore, #tpu.memory_space<semaphore_mem>>
      %dma_start3A = arith.constant 0 : i32
      %dma_start3A_16 = tpu.memref_slice %arg6[%arg0, %dma_start3A] : memref<2x80xf32, #tpu.memory_space<hbm>> -> memref<1x80xf32, #tpu.memory_space<hbm>>
      %dma_start3A_17 = tpu.memref_squeeze %dma_start3A_16 : memref<1x80xf32, #tpu.memory_space<hbm>> -> memref<80xf32, #tpu.memory_space<hbm>>
      %dma_start3A_18 = arith.constant 0 : i32
      %dma_start3A_19 = tpu.memref_slice %arg6[%arg0, %dma_start3A_18] : memref<2x80xf32, #tpu.memory_space<hbm>> -> memref<1x80xf32, #tpu.memory_space<hbm>>
      %dma_start3A_20 = tpu.memref_squeeze %dma_start3A_19 : memref<1x80xf32, #tpu.memory_space<hbm>> -> memref<80xf32, #tpu.memory_space<hbm>>
      tpu.enqueue_dma source(%dma_start3A_20 : memref<80xf32, #tpu.memory_space<hbm>>) target(%arg28 : memref<80xf32, #tpu.memory_space<vmem>>) target_semaphore(%run_scoped3A : memref<!tpu.dma_semaphore, #tpu.memory_space<semaphore_mem>>)
      %dma_wait3A = arith.constant 0 : i32
      %dma_wait3A_21 = tpu.memref_slice %arg6[%arg0, %dma_wait3A] : memref<2x80xf32, #tpu.memory_space<hbm>> -> memref<1x80xf32, #tpu.memory_space<hbm>>
      %dma_wait3A_22 = tpu.memref_squeeze %dma_wait3A_21 : memref<1x80xf32, #tpu.memory_space<hbm>> -> memref<80xf32, #tpu.memory_space<hbm>>
      %dma_wait3A_23 = arith.constant 0 : i32
      %dma_wait3A_24 = tpu.memref_slice %arg6[%arg0, %dma_wait3A_23] : memref<2x80xf32, #tpu.memory_space<hbm>> -> memref<1x80xf32, #tpu.memory_space<hbm>>
      %dma_wait3A_25 = tpu.memref_squeeze %dma_wait3A_24 : memref<1x80xf32, #tpu.memory_space<hbm>> -> memref<80xf32, #tpu.memory_space<hbm>>
      tpu.wait_dma2 semaphore(%run_scoped3A : memref<!tpu.dma_semaphore, #tpu.memory_space<semaphore_mem>>) src(%dma_wait3A_25 : memref<80xf32, #tpu.memory_space<hbm>>) dst(%arg28 : memref<80xf32, #tpu.memory_space<vmem>>)
      tpu.yield
    }) : () -> ()
    %barrier3A = arith.constant 0 : index
    tpu.barrier barrier_id(%barrier3A)
    %get3A = arith.constant 0 : index
    %get3A_1 = tpu.vector_load %arg28[%get3A] {strides = array<i32>} : memref<80xf32, #tpu.memory_space<vmem>>, vector<16xf32>,
    %get3A_2 = arith.constant 16 : index
    %get3A_3 = tpu.vector_load %arg28[%get3A_2] {strides = array<i32>} : memref<80xf32, #tpu.memory_space<vmem>>, vector<16xf32>,
    %get3A_4 = arith.constant 32 : index
    %get3A_5 = tpu.vector_load %arg28[%get3A_4] {strides = array<i32>} : memref<80xf32, #tpu.memory_space<vmem>>, vector<16xf32>,
    %get3A_6 = arith.constant 48 : index
    %get3A_7 = tpu.vector_load %arg28[%get3A_6] {strides = array<i32>} : memref<80xf32, #tpu.memory_space<vmem>>, vector<16xf32>,
    %get3A_8 = arith.constant 64 : index
    %get3A_9 = tpu.vector_load %arg28[%get3A_8] {strides = array<i32>} : memref<80xf32, #tpu.memory_space<vmem>>, vector<16xf32>,
    %scan3A = arith.constant 0 : i32
    %scan3A_10 = arith.constant 0 : i32
    %scan3A_11 = arith.constant 100 : i32
    %scan3A_12 = arith.addi %scan3A_10, %scan3A_11 : i32
    %scan3A_13 = arith.constant 1 : i32
    scf.for %scan3A_16 = %scan3A_10 to %scan3A_12 step %scan3A_13  : i32 {
      %mul3A_17 = arith.constant 5 : i32
      %mul3A_18 = arith.muli %scan3A_16, %mul3A_17 : i32
      "tpu.region"() ({
        %run_scoped3A = tpu.sem_alloc : memref<!tpu.dma_semaphore, #tpu.memory_space<semaphore_mem>>
        %dma_start3A_391 = arith.constant 0 : i32
        %dma_start3A_392 = tpu.memref_slice %arg4[%arg1, %mul3A_18, %dma_start3A_391] : memref<16x500x40xi32, #tpu.memory_space<hbm>> -> memref<1x5x40xi32, #tpu.memory_space<hbm>>
        %dma_start3A_393 = tpu.memref_squeeze %dma_start3A_392 : memref<1x5x40xi32, #tpu.memory_space<hbm>> -> memref<5x40xi32, #tpu.memory_space<hbm>>
        %dma_start3A_394 = arith.constant 0 : i32
        %dma_start3A_395 = tpu.memref_slice %arg4[%arg1, %mul3A_18, %dma_start3A_394] : memref<16x500x40xi32, #tpu.memory_space<hbm>> -> memref<1x5x40xi32, #tpu.memory_space<hbm>>
        %dma_start3A_396 = tpu.memref_squeeze %dma_start3A_395 : memref<1x5x40xi32, #tpu.memory_space<hbm>> -> memref<5x40xi32, #tpu.memory_space<hbm>>
        tpu.enqueue_dma source(%dma_start3A_396 : memref<5x40xi32, #tpu.memory_space<hbm>>) target(%arg11 : memref<5x40xi32, #tpu.memory_space<vmem>>) target_semaphore(%run_scoped3A : memref<!tpu.dma_semaphore, #tpu.memory_space<semaphore_mem>>)
        %dma_wait3A_397 = arith.constant 0 : i32
        %dma_wait3A_398 = tpu.memref_slice %arg4[%arg1, %mul3A_18, %dma_wait3A_397] : memref<16x500x40xi32, #tpu.memory_space<hbm>> -> memref<1x5x40xi32, #tpu.memory_space<hbm>>
        %dma_wait3A_399 = tpu.memref_squeeze %dma_wait3A_398 : memref<1x5x40xi32, #tpu.memory_space<hbm>> -> memref<5x40xi32, #tpu.memory_space<hbm>>
        %dma_wait3A_400 = arith.constant 0 : i32
        %dma_wait3A_401 = tpu.memref_slice %arg4[%arg1, %mul3A_18, %dma_wait3A_400] : memref<16x500x40xi32, #tpu.memory_space<hbm>> -> memref<1x5x40xi32, #tpu.memory_space<hbm>>
        %dma_wait3A_402 = tpu.memref_squeeze %dma_wait3A_401 : memref<1x5x40xi32, #tpu.memory_space<hbm>> -> memref<5x40xi32, #tpu.memory_space<hbm>>
        tpu.wait_dma2 semaphore(%run_scoped3A : memref<!tpu.dma_semaphore, #tpu.memory_space<semaphore_mem>>) src(%dma_wait3A_402 : memref<5x40xi32, #tpu.memory_space<hbm>>) dst(%arg11 : memref<5x40xi32, #tpu.memory_space<vmem>>)
        tpu.yield
      }) : () -> ()
      "tpu.region"() ({
        %run_scoped3A = tpu.sem_alloc : memref<!tpu.dma_semaphore, #tpu.memory_space<semaphore_mem>>
        %dma_start3A_391 = arith.constant 0 : i32
        %dma_start3A_392 = tpu.memref_slice %arg5[%arg1, %mul3A_18, %dma_start3A_391] : memref<16x500x40xi32, #tpu.memory_space<hbm>> -> memref<1x5x40xi32, #tpu.memory_space<hbm>>
        %dma_start3A_393 = tpu.memref_squeeze %dma_start3A_392 : memref<1x5x40xi32, #tpu.memory_space<hbm>> -> memref<5x40xi32, #tpu.memory_space<hbm>>
        %dma_start3A_394 = arith.constant 0 : i32
        %dma_start3A_395 = tpu.memref_slice %arg5[%arg1, %mul3A_18, %dma_start3A_394] : memref<16x500x40xi32, #tpu.memory_space<hbm>> -> memref<1x5x40xi32, #tpu.memory_space<hbm>>
        %dma_start3A_396 = tpu.memref_squeeze %dma_start3A_395 : memref<1x5x40xi32, #tpu.memory_space<hbm>> -> memref<5x40xi32, #tpu.memory_space<hbm>>
        tpu.enqueue_dma source(%dma_start3A_396 : memref<5x40xi32, #tpu.memory_space<hbm>>) target(%arg12 : memref<5x40xi32, #tpu.memory_space<vmem>>) target_semaphore(%run_scoped3A : memref<!tpu.dma_semaphore, #tpu.memory_space<semaphore_mem>>)
        %dma_wait3A_397 = arith.constant 0 : i32
        %dma_wait3A_398 = tpu.memref_slice %arg5[%arg1, %mul3A_18, %dma_wait3A_397] : memref<16x500x40xi32, #tpu.memory_space<hbm>> -> memref<1x5x40xi32, #tpu.memory_space<hbm>>
        %dma_wait3A_399 = tpu.memref_squeeze %dma_wait3A_398 : memref<1x5x40xi32, #tpu.memory_space<hbm>> -> memref<5x40xi32, #tpu.memory_space<hbm>>
        %dma_wait3A_400 = arith.constant 0 : i32
        %dma_wait3A_401 = tpu.memref_slice %arg5[%arg1, %mul3A_18, %dma_wait3A_400] : memref<16x500x40xi32, #tpu.memory_space<hbm>> -> memref<1x5x40xi32, #tpu.memory_space<hbm>>
        %dma_wait3A_402 = tpu.memref_squeeze %dma_wait3A_401 : memref<1x5x40xi32, #tpu.memory_space<hbm>> -> memref<5x40xi32, #tpu.memory_space<hbm>>
        tpu.wait_dma2 semaphore(%run_scoped3A : memref<!tpu.dma_semaphore, #tpu.memory_space<semaphore_mem>>) src(%dma_wait3A_402 : memref<5x40xi32, #tpu.memory_space<hbm>>) dst(%arg12 : memref<5x40xi32, #tpu.memory_space<vmem>>)
        tpu.yield
      }) : () -> ()
      %dma_start3A = arith.constant 0 : i32
      %dma_start3A_19 = arith.constant 0 : i32
      %dma_start3A_20 = tpu.memref_slice %arg11[%dma_start3A, %dma_start3A_19] : memref<5x40xi32, #tpu.memory_space<vmem>> -> memref<1x40xi32, #tpu.memory_space<vmem>>
      %dma_start3A_21 = tpu.memref_squeeze %dma_start3A_20 : memref<1x40xi32, #tpu.memory_space<vmem>> -> memref<40xi32, #tpu.memory_space<vmem>>
      %dma_start3A_22 = arith.constant 0 : i32
      %dma_start3A_23 = arith.constant 0 : i32
      %dma_start3A_24 = tpu.memref_slice %arg2[%arg0, %dma_start3A_22, %dma_start3A_23] : memref<2x10000x80xf32, #tpu.memory_space<hbm>> -> memref<1x10000x80xf32, #tpu.memory_space<hbm>>
      %dma_start3A_25 = tpu.memref_squeeze %dma_start3A_24 : memref<1x10000x80xf32, #tpu.memory_space<hbm>> -> memref<10000x80xf32, #tpu.memory_space<hbm>>
      %dma_start3A_26 = arith.constant 0 : i32
      %dma_start3A_27 = arith.constant 0 : i32
      %dma_start3A_28 = tpu.memref_slice %dma_start3A_25[%dma_start3A_26, %dma_start3A_27] : memref<10000x80xf32, #tpu.memory_space<hbm>> -> memref<10000x80xf32, #tpu.memory_space<hbm>>
      tpu.enqueue_indirect_dma source(%dma_start3A_28 : memref<10000x80xf32, #tpu.memory_space<hbm>>) target(%arg13 : memref<40x80xf32, #tpu.memory_space<vmem>>) offsets(%dma_start3A_21 : memref<40xi32, #tpu.memory_space<vmem>>) semaphore(%arg31 : memref<!tpu.dma_semaphore, #tpu.memory_space<semaphore_mem>>)
      %dma_start3A_29 = arith.constant 0 : i32
      %dma_start3A_30 = arith.constant 0 : i32
      %dma_start3A_31 = tpu.memref_slice %arg12[%dma_start3A_29, %dma_start3A_30] : memref<5x40xi32, #tpu.memory_space<vmem>> -> memref<1x40xi32, #tpu.memory_space<vmem>>
      %dma_start3A_32 = tpu.memref_squeeze %dma_start3A_31 : memref<1x40xi32, #tpu.memory_space<vmem>> -> memref<40xi32, #tpu.memory_space<vmem>>
      %dma_start3A_33 = arith.constant 0 : i32
      %dma_start3A_34 = arith.constant 0 : i32
      %dma_start3A_35 = tpu.memref_slice %arg3[%arg0, %dma_start3A_33, %dma_start3A_34] : memref<2x10000x80xf32, #tpu.memory_space<hbm>> -> memref<1x10000x80xf32, #tpu.memory_space<hbm>>
      %dma_start3A_36 = tpu.memref_squeeze %dma_start3A_35 : memref<1x10000x80xf32, #tpu.memory_space<hbm>> -> memref<10000x80xf32, #tpu.memory_space<hbm>>
      %dma_start3A_37 = arith.constant 0 : i32
      %dma_start3A_38 = arith.constant 0 : i32
      %dma_start3A_39 = tpu.memref_slice %dma_start3A_36[%dma_start3A_37, %dma_start3A_38] : memref<10000x80xf32, #tpu.memory_space<hbm>> -> memref<10000x80xf32, #tpu.memory_space<hbm>>
      tpu.enqueue_indirect_dma source(%dma_start3A_39 : memref<10000x80xf32, #tpu.memory_space<hbm>>) target(%arg18 : memref<40x80xf32, #tpu.memory_space<vmem>>) offsets(%dma_start3A_32 : memref<40xi32, #tpu.memory_space<vmem>>) semaphore(%arg31 : memref<!tpu.dma_semaphore, #tpu.memory_space<semaphore_mem>>)
      %dma_start3A_40 = arith.constant 1 : i32
      %dma_start3A_41 = arith.constant 0 : i32
      %dma_start3A_42 = tpu.memref_slice %arg11[%dma_start3A_40, %dma_start3A_41] : memref<5x40xi32, #tpu.memory_space<vmem>> -> memref<1x40xi32, #tpu.memory_space<vmem>>
      %dma_start3A_43 = tpu.memref_squeeze %dma_start3A_42 : memref<1x40xi32, #tpu.memory_space<vmem>> -> memref<40xi32, #tpu.memory_space<vmem>>
      %dma_start3A_44 = arith.constant 0 : i32
      %dma_start3A_45 = arith.constant 0 : i32
      %dma_start3A_46 = tpu.memref_slice %arg2[%arg0, %dma_start3A_44, %dma_start3A_45] : memref<2x10000x80xf32, #tpu.memory_space<hbm>> -> memref<1x10000x80xf32, #tpu.memory_space<hbm>>
      %dma_start3A_47 = tpu.memref_squeeze %dma_start3A_46 : memref<1x10000x80xf32, #tpu.memory_space<hbm>> -> memref<10000x80xf32, #tpu.memory_space<hbm>>
      %dma_start3A_48 = arith.constant 0 : i32
      %dma_start3A_49 = arith.constant 0 : i32
      %dma_start3A_50 = tpu.memref_slice %dma_start3A_47[%dma_start3A_48, %dma_start3A_49] : memref<10000x80xf32, #tpu.memory_space<hbm>> -> memref<10000x80xf32, #tpu.memory_space<hbm>>
      tpu.enqueue_indirect_dma source(%dma_start3A_50 : memref<10000x80xf32, #tpu.memory_space<hbm>>) target(%arg14 : memref<40x80xf32, #tpu.memory_space<vmem>>) offsets(%dma_start3A_43 : memref<40xi32, #tpu.memory_space<vmem>>) semaphore(%arg32 : memref<!tpu.dma_semaphore, #tpu.memory_space<semaphore_mem>>)
      %dma_start3A_51 = arith.constant 1 : i32
      %dma_start3A_52 = arith.constant 0 : i32
      %dma_start3A_53 = tpu.memref_slice %arg12[%dma_start3A_51, %dma_start3A_52] : memref<5x40xi32, #tpu.memory_space<vmem>> -> memref<1x40xi32, #tpu.memory_space<vmem>>
      %dma_start3A_54 = tpu.memref_squeeze %dma_start3A_53 : memref<1x40xi32, #tpu.memory_space<vmem>> -> memref<40xi32, #tpu.memory_space<vmem>>
      %dma_start3A_55 = arith.constant 0 : i32
      %dma_start3A_56 = arith.constant 0 : i32
      %dma_start3A_57 = tpu.memref_slice %arg3[%arg0, %dma_start3A_55, %dma_start3A_56] : memref<2x10000x80xf32, #tpu.memory_space<hbm>> -> memref<1x10000x80xf32, #tpu.memory_space<hbm>>
      %dma_start3A_58 = tpu.memref_squeeze %dma_start3A_57 : memref<1x10000x80xf32, #tpu.memory_space<hbm>> -> memref<10000x80xf32, #tpu.memory_space<hbm>>
      %dma_start3A_59 = arith.constant 0 : i32
      %dma_start3A_60 = arith.constant 0 : i32
      %dma_start3A_61 = tpu.memref_slice %dma_start3A_58[%dma_start3A_59, %dma_start3A_60] : memref<10000x80xf32, #tpu.memory_space<hbm>> -> memref<10000x80xf32, #tpu.memory_space<hbm>>
      tpu.enqueue_indirect_dma source(%dma_start3A_61 : memref<10000x80xf32, #tpu.memory_space<hbm>>) target(%arg19 : memref<40x80xf32, #tpu.memory_space<vmem>>) offsets(%dma_start3A_54 : memref<40xi32, #tpu.memory_space<vmem>>) semaphore(%arg32 : memref<!tpu.dma_semaphore, #tpu.memory_space<semaphore_mem>>)
      %dma_start3A_62 = arith.constant 2 : i32
      %dma_start3A_63 = arith.constant 0 : i32
      %dma_start3A_64 = tpu.memref_slice %arg11[%dma_start3A_62, %dma_start3A_63] : memref<5x40xi32, #tpu.memory_space<vmem>> -> memref<1x40xi32, #tpu.memory_space<vmem>>
      %dma_start3A_65 = tpu.memref_squeeze %dma_start3A_64 : memref<1x40xi32, #tpu.memory_space<vmem>> -> memref<40xi32, #tpu.memory_space<vmem>>
      %dma_start3A_66 = arith.constant 0 : i32
      %dma_start3A_67 = arith.constant 0 : i32
      %dma_start3A_68 = tpu.memref_slice %arg2[%arg0, %dma_start3A_66, %dma_start3A_67] : memref<2x10000x80xf32, #tpu.memory_space<hbm>> -> memref<1x10000x80xf32, #tpu.memory_space<hbm>>
      %dma_start3A_69 = tpu.memref_squeeze %dma_start3A_68 : memref<1x10000x80xf32, #tpu.memory_space<hbm>> -> memref<10000x80xf32, #tpu.memory_space<hbm>>
      %dma_start3A_70 = arith.constant 0 : i32
      %dma_start3A_71 = arith.constant 0 : i32
      %dma_start3A_72 = tpu.memref_slice %dma_start3A_69[%dma_start3A_70, %dma_start3A_71] : memref<10000x80xf32, #tpu.memory_space<hbm>> -> memref<10000x80xf32, #tpu.memory_space<hbm>>
      tpu.enqueue_indirect_dma source(%dma_start3A_72 : memref<10000x80xf32, #tpu.memory_space<hbm>>) target(%arg15 : memref<40x80xf32, #tpu.memory_space<vmem>>) offsets(%dma_start3A_65 : memref<40xi32, #tpu.memory_space<vmem>>) semaphore(%arg33 : memref<!tpu.dma_semaphore, #tpu.memory_space<semaphore_mem>>)
      %dma_start3A_73 = arith.constant 2 : i32
      %dma_start3A_74 = arith.constant 0 : i32
      %dma_start3A_75 = tpu.memref_slice %arg12[%dma_start3A_73, %dma_start3A_74] : memref<5x40xi32, #tpu.memory_space<vmem>> -> memref<1x40xi32, #tpu.memory_space<vmem>>
      %dma_start3A_76 = tpu.memref_squeeze %dma_start3A_75 : memref<1x40xi32, #tpu.memory_space<vmem>> -> memref<40xi32, #tpu.memory_space<vmem>>
      %dma_start3A_77 = arith.constant 0 : i32
      %dma_start3A_78 = arith.constant 0 : i32
      %dma_start3A_79 = tpu.memref_slice %arg3[%arg0, %dma_start3A_77, %dma_start3A_78] : memref<2x10000x80xf32, #tpu.memory_space<hbm>> -> memref<1x10000x80xf32, #tpu.memory_space<hbm>>
      %dma_start3A_80 = tpu.memref_squeeze %dma_start3A_79 : memref<1x10000x80xf32, #tpu.memory_space<hbm>> -> memref<10000x80xf32, #tpu.memory_space<hbm>>
      %dma_start3A_81 = arith.constant 0 : i32
      %dma_start3A_82 = arith.constant 0 : i32
      %dma_start3A_83 = tpu.memref_slice %dma_start3A_80[%dma_start3A_81, %dma_start3A_82] : memref<10000x80xf32, #tpu.memory_space<hbm>> -> memref<10000x80xf32, #tpu.memory_space<hbm>>
      tpu.enqueue_indirect_dma source(%dma_start3A_83 : memref<10000x80xf32, #tpu.memory_space<hbm>>) target(%arg20 : memref<40x80xf32, #tpu.memory_space<vmem>>) offsets(%dma_start3A_76 : memref<40xi32, #tpu.memory_space<vmem>>) semaphore(%arg33 : memref<!tpu.dma_semaphore, #tpu.memory_space<semaphore_mem>>)
      %dma_start3A_84 = arith.constant 3 : i32
      %dma_start3A_85 = arith.constant 0 : i32
      %dma_start3A_86 = tpu.memref_slice %arg11[%dma_start3A_84, %dma_start3A_85] : memref<5x40xi32, #tpu.memory_space<vmem>> -> memref<1x40xi32, #tpu.memory_space<vmem>>
      %dma_start3A_87 = tpu.memref_squeeze %dma_start3A_86 : memref<1x40xi32, #tpu.memory_space<vmem>> -> memref<40xi32, #tpu.memory_space<vmem>>
      %dma_start3A_88 = arith.constant 0 : i32
      %dma_start3A_89 = arith.constant 0 : i32
      %dma_start3A_90 = tpu.memref_slice %arg2[%arg0, %dma_start3A_88, %dma_start3A_89] : memref<2x10000x80xf32, #tpu.memory_space<hbm>> -> memref<1x10000x80xf32, #tpu.memory_space<hbm>>
      %dma_start3A_91 = tpu.memref_squeeze %dma_start3A_90 : memref<1x10000x80xf32, #tpu.memory_space<hbm>> -> memref<10000x80xf32, #tpu.memory_space<hbm>>
      %dma_start3A_92 = arith.constant 0 : i32
      %dma_start3A_93 = arith.constant 0 : i32
      %dma_start3A_94 = tpu.memref_slice %dma_start3A_91[%dma_start3A_92, %dma_start3A_93] : memref<10000x80xf32, #tpu.memory_space<hbm>> -> memref<10000x80xf32, #tpu.memory_space<hbm>>
      tpu.enqueue_indirect_dma source(%dma_start3A_94 : memref<10000x80xf32, #tpu.memory_space<hbm>>) target(%arg16 : memref<40x80xf32, #tpu.memory_space<vmem>>) offsets(%dma_start3A_87 : memref<40xi32, #tpu.memory_space<vmem>>) semaphore(%arg34 : memref<!tpu.dma_semaphore, #tpu.memory_space<semaphore_mem>>)
      %dma_start3A_95 = arith.constant 3 : i32
      %dma_start3A_96 = arith.constant 0 : i32
      %dma_start3A_97 = tpu.memref_slice %arg12[%dma_start3A_95, %dma_start3A_96] : memref<5x40xi32, #tpu.memory_space<vmem>> -> memref<1x40xi32, #tpu.memory_space<vmem>>
      %dma_start3A_98 = tpu.memref_squeeze %dma_start3A_97 : memref<1x40xi32, #tpu.memory_space<vmem>> -> memref<40xi32, #tpu.memory_space<vmem>>
      %dma_start3A_99 = arith.constant 0 : i32
      %dma_start3A_100 = arith.constant 0 : i32
      %dma_start3A_101 = tpu.memref_slice %arg3[%arg0, %dma_start3A_99, %dma_start3A_100] : memref<2x10000x80xf32, #tpu.memory_space<hbm>> -> memref<1x10000x80xf32, #tpu.memory_space<hbm>>
      %dma_start3A_102 = tpu.memref_squeeze %dma_start3A_101 : memref<1x10000x80xf32, #tpu.memory_space<hbm>> -> memref<10000x80xf32, #tpu.memory_space<hbm>>
      %dma_start3A_103 = arith.constant 0 : i32
      %dma_start3A_104 = arith.constant 0 : i32
      %dma_start3A_105 = tpu.memref_slice %dma_start3A_102[%dma_start3A_103, %dma_start3A_104] : memref<10000x80xf32, #tpu.memory_space<hbm>> -> memref<10000x80xf32, #tpu.memory_space<hbm>>
      tpu.enqueue_indirect_dma source(%dma_start3A_105 : memref<10000x80xf32, #tpu.memory_space<hbm>>) target(%arg21 : memref<40x80xf32, #tpu.memory_space<vmem>>) offsets(%dma_start3A_98 : memref<40xi32, #tpu.memory_space<vmem>>) semaphore(%arg34 : memref<!tpu.dma_semaphore, #tpu.memory_space<semaphore_mem>>)
      %dma_start3A_106 = arith.constant 4 : i32
      %dma_start3A_107 = arith.constant 0 : i32
      %dma_start3A_108 = tpu.memref_slice %arg11[%dma_start3A_106, %dma_start3A_107] : memref<5x40xi32, #tpu.memory_space<vmem>> -> memref<1x40xi32, #tpu.memory_space<vmem>>
      %dma_start3A_109 = tpu.memref_squeeze %dma_start3A_108 : memref<1x40xi32, #tpu.memory_space<vmem>> -> memref<40xi32, #tpu.memory_space<vmem>>
      %dma_start3A_110 = arith.constant 0 : i32
      %dma_start3A_111 = arith.constant 0 : i32
      %dma_start3A_112 = tpu.memref_slice %arg2[%arg0, %dma_start3A_110, %dma_start3A_111] : memref<2x10000x80xf32, #tpu.memory_space<hbm>> -> memref<1x10000x80xf32, #tpu.memory_space<hbm>>
      %dma_start3A_113 = tpu.memref_squeeze %dma_start3A_112 : memref<1x10000x80xf32, #tpu.memory_space<hbm>> -> memref<10000x80xf32, #tpu.memory_space<hbm>>
      %dma_start3A_114 = arith.constant 0 : i32
      %dma_start3A_115 = arith.constant 0 : i32
      %dma_start3A_116 = tpu.memref_slice %dma_start3A_113[%dma_start3A_114, %dma_start3A_115] : memref<10000x80xf32, #tpu.memory_space<hbm>> -> memref<10000x80xf32, #tpu.memory_space<hbm>>
      tpu.enqueue_indirect_dma source(%dma_start3A_116 : memref<10000x80xf32, #tpu.memory_space<hbm>>) target(%arg17 : memref<40x80xf32, #tpu.memory_space<vmem>>) offsets(%dma_start3A_109 : memref<40xi32, #tpu.memory_space<vmem>>) semaphore(%arg35 : memref<!tpu.dma_semaphore, #tpu.memory_space<semaphore_mem>>)
      %dma_start3A_117 = arith.constant 4 : i32
      %dma_start3A_118 = arith.constant 0 : i32
      %dma_start3A_119 = tpu.memref_slice %arg12[%dma_start3A_117, %dma_start3A_118] : memref<5x40xi32, #tpu.memory_space<vmem>> -> memref<1x40xi32, #tpu.memory_space<vmem>>
      %dma_start3A_120 = tpu.memref_squeeze %dma_start3A_119 : memref<1x40xi32, #tpu.memory_space<vmem>> -> memref<40xi32, #tpu.memory_space<vmem>>
      %dma_start3A_121 = arith.constant 0 : i32
      %dma_start3A_122 = arith.constant 0 : i32
      %dma_start3A_123 = tpu.memref_slice %arg3[%arg0, %dma_start3A_121, %dma_start3A_122] : memref<2x10000x80xf32, #tpu.memory_space<hbm>> -> memref<1x10000x80xf32, #tpu.memory_space<hbm>>
      %dma_start3A_124 = tpu.memref_squeeze %dma_start3A_123 : memref<1x10000x80xf32, #tpu.memory_space<hbm>> -> memref<10000x80xf32, #tpu.memory_space<hbm>>
      %dma_start3A_125 = arith.constant 0 : i32
      %dma_start3A_126 = arith.constant 0 : i32
      %dma_start3A_127 = tpu.memref_slice %dma_start3A_124[%dma_start3A_125, %dma_start3A_126] : memref<10000x80xf32, #tpu.memory_space<hbm>> -> memref<10000x80xf32, #tpu.memory_space<hbm>>
      tpu.enqueue_indirect_dma source(%dma_start3A_127 : memref<10000x80xf32, #tpu.memory_space<hbm>>) target(%arg22 : memref<40x80xf32, #tpu.memory_space<vmem>>) offsets(%dma_start3A_120 : memref<40xi32, #tpu.memory_space<vmem>>) semaphore(%arg35 : memref<!tpu.dma_semaphore, #tpu.memory_space<semaphore_mem>>)
      %dma_wait3A = arith.constant 0 : i32
      %dma_wait3A_128 = arith.constant 0 : i32
      %dma_wait3A_129 = tpu.memref_slice %arg11[%dma_wait3A, %dma_wait3A_128] : memref<5x40xi32, #tpu.memory_space<vmem>> -> memref<1x40xi32, #tpu.memory_space<vmem>>
      %dma_wait3A_130 = tpu.memref_squeeze %dma_wait3A_129 : memref<1x40xi32, #tpu.memory_space<vmem>> -> memref<40xi32, #tpu.memory_space<vmem>>
      %dma_wait3A_131 = arith.constant 0 : i32
      %dma_wait3A_132 = arith.constant 0 : i32
      %dma_wait3A_133 = tpu.memref_slice %arg2[%arg0, %dma_wait3A_131, %dma_wait3A_132] : memref<2x10000x80xf32, #tpu.memory_space<hbm>> -> memref<1x10000x80xf32, #tpu.memory_space<hbm>>
      %dma_wait3A_134 = tpu.memref_squeeze %dma_wait3A_133 : memref<1x10000x80xf32, #tpu.memory_space<hbm>> -> memref<10000x80xf32, #tpu.memory_space<hbm>>
      %dma_wait3A_135 = arith.constant 0 : i32
      %dma_wait3A_136 = arith.constant 0 : i32
      %dma_wait3A_137 = tpu.memref_slice %dma_wait3A_134[%dma_wait3A_135, %dma_wait3A_136] : memref<10000x80xf32, #tpu.memory_space<hbm>> -> memref<10000x80xf32, #tpu.memory_space<hbm>>
      tpu.wait_indirect_dma semaphore(%arg31 : memref<!tpu.dma_semaphore, #tpu.memory_space<semaphore_mem>>) src(%dma_wait3A_137 : memref<10000x80xf32, #tpu.memory_space<hbm>>) dst(%arg13 : memref<40x80xf32, #tpu.memory_space<vmem>>)
      %dma_wait3A_138 = arith.constant 0 : i32
      %dma_wait3A_139 = arith.constant 0 : i32
      %dma_wait3A_140 = tpu.memref_slice %arg12[%dma_wait3A_138, %dma_wait3A_139] : memref<5x40xi32, #tpu.memory_space<vmem>> -> memref<1x40xi32, #tpu.memory_space<vmem>>
      %dma_wait3A_141 = tpu.memref_squeeze %dma_wait3A_140 : memref<1x40xi32, #tpu.memory_space<vmem>> -> memref<40xi32, #tpu.memory_space<vmem>>
      %dma_wait3A_142 = arith.constant 0 : i32
      %dma_wait3A_143 = arith.constant 0 : i32
      %dma_wait3A_144 = tpu.memref_slice %arg3[%arg0, %dma_wait3A_142, %dma_wait3A_143] : memref<2x10000x80xf32, #tpu.memory_space<hbm>> -> memref<1x10000x80xf32, #tpu.memory_space<hbm>>
      %dma_wait3A_145 = tpu.memref_squeeze %dma_wait3A_144 : memref<1x10000x80xf32, #tpu.memory_space<hbm>> -> memref<10000x80xf32, #tpu.memory_space<hbm>>
      %dma_wait3A_146 = arith.constant 0 : i32
      %dma_wait3A_147 = arith.constant 0 : i32
      %dma_wait3A_148 = tpu.memref_slice %dma_wait3A_145[%dma_wait3A_146, %dma_wait3A_147] : memref<10000x80xf32, #tpu.memory_space<hbm>> -> memref<10000x80xf32, #tpu.memory_space<hbm>>
      tpu.wait_indirect_dma semaphore(%arg31 : memref<!tpu.dma_semaphore, #tpu.memory_space<semaphore_mem>>) src(%dma_wait3A_148 : memref<10000x80xf32, #tpu.memory_space<hbm>>) dst(%arg18 : memref<40x80xf32, #tpu.memory_space<vmem>>)
      %parallel_loop3A = arith.constant 0 : i32
      %parallel_loop3A_149 = arith.constant 40 : i32
      %parallel_loop3A_150 = arith.constant 1 : i32
      scf.for %parallel_loop3A_391 = %parallel_loop3A to %parallel_loop3A_149 step %parallel_loop3A_150  : i32 {
        %parallel_loop3A_392 = tpu.iota {dimensions = array<i32: 0>} : vector<16xi32>
        %parallel_loop3A_393 = arith.index_cast %parallel_loop3A_391 : i32 to index
        %parallel_loop3A_394 = arith.constant 0 : index
        %parallel_loop3A_395 = tpu.vector_load %arg13[%parallel_loop3A_393, %parallel_loop3A_394] {strides = array<i32>} : memref<40x80xf32, #tpu.memory_space<vmem>>, vector<16xf32>,
        %parallel_loop3A_396 = arith.index_cast %parallel_loop3A_391 : i32 to index
        %parallel_loop3A_397 = arith.constant 16 : index
        %parallel_loop3A_398 = tpu.vector_load %arg13[%parallel_loop3A_396, %parallel_loop3A_397] {strides = array<i32>} : memref<40x80xf32, #tpu.memory_space<vmem>>, vector<16xf32>,
        %parallel_loop3A_399 = arith.index_cast %parallel_loop3A_391 : i32 to index
        %parallel_loop3A_400 = arith.constant 32 : index
        %parallel_loop3A_401 = tpu.vector_load %arg13[%parallel_loop3A_399, %parallel_loop3A_400] {strides = array<i32>} : memref<40x80xf32, #tpu.memory_space<vmem>>, vector<16xf32>,
        %parallel_loop3A_402 = arith.index_cast %parallel_loop3A_391 : i32 to index
        %parallel_loop3A_403 = arith.constant 48 : index
        %parallel_loop3A_404 = tpu.vector_load %arg13[%parallel_loop3A_402, %parallel_loop3A_403] {strides = array<i32>} : memref<40x80xf32, #tpu.memory_space<vmem>>, vector<16xf32>,
        %parallel_loop3A_405 = arith.index_cast %parallel_loop3A_391 : i32 to index
        %parallel_loop3A_406 = arith.constant 64 : index
        %parallel_loop3A_407 = tpu.vector_load %arg13[%parallel_loop3A_405, %parallel_loop3A_406] {strides = array<i32>} : memref<40x80xf32, #tpu.memory_space<vmem>>, vector<16xf32>,
        %parallel_loop3A_408 = arith.constant 0.000000e+00 : f32
        %parallel_loop3A_409 = vector.broadcast %parallel_loop3A_408 : f32 to vector<16xf32>
        %parallel_loop3A_410 = arith.index_cast %parallel_loop3A_391 : i32 to index
        %parallel_loop3A_411 = arith.constant 0 : index
        %parallel_loop3A_412 = tpu.vector_load %arg18[%parallel_loop3A_410, %parallel_loop3A_411] {strides = array<i32>} : memref<40x80xf32, #tpu.memory_space<vmem>>, vector<16xf32>,
        %parallel_loop3A_413 = arith.addf %parallel_loop3A_395, %parallel_loop3A_412 : vector<16xf32>
        %parallel_loop3A_414 = arith.constant 2.000000e-01 : f32
        %parallel_loop3A_415 = vector.broadcast %parallel_loop3A_414 : f32 to vector<16xf32>
        %parallel_loop3A_416 = arith.mulf %parallel_loop3A_415, %parallel_loop3A_413 : vector<16xf32>
        %parallel_loop3A_417 = arith.maximumf %parallel_loop3A_413, %parallel_loop3A_416 : vector<16xf32>
        %parallel_loop3A_418 = arith.mulf %parallel_loop3A_417, %get3A_1 : vector<16xf32>
        %parallel_loop3A_419 = arith.constant true
        %parallel_loop3A_420 = vector.broadcast %parallel_loop3A_419 : i1 to vector<16xi1>
        %parallel_loop3A_421 = tpu.scan <sum>, %parallel_loop3A_418 masked %parallel_loop3A_420 : vector<16xf32>, vector<16xi1> -> vector<16xf32>
        %parallel_loop3A_422 = vector.extract %parallel_loop3A_421[15] : f32 from vector<16xf32>
        %parallel_loop3A_423 = arith.constant 0 : i32
        %parallel_loop3A_424 = vector.broadcast %parallel_loop3A_423 : i32 to vector<16xi32>
        %parallel_loop3A_425 = arith.cmpi eq, %parallel_loop3A_392, %parallel_loop3A_424 : vector<16xi32>
        %parallel_loop3A_426 = vector.broadcast %parallel_loop3A_422 : f32 to vector<16xf32>
        %parallel_loop3A_427 = arith.select %parallel_loop3A_425, %parallel_loop3A_426, %parallel_loop3A_409 : vector<16xi1>, vector<16xf32>
        %parallel_loop3A_428 = arith.index_cast %parallel_loop3A_391 : i32 to index
        %parallel_loop3A_429 = arith.constant 16 : index
        %parallel_loop3A_430 = tpu.vector_load %arg18[%parallel_loop3A_428, %parallel_loop3A_429] {strides = array<i32>} : memref<40x80xf32, #tpu.memory_space<vmem>>, vector<16xf32>,
        %parallel_loop3A_431 = arith.addf %parallel_loop3A_398, %parallel_loop3A_430 : vector<16xf32>
        %parallel_loop3A_432 = arith.constant 2.000000e-01 : f32
        %parallel_loop3A_433 = vector.broadcast %parallel_loop3A_432 : f32 to vector<16xf32>
        %parallel_loop3A_434 = arith.mulf %parallel_loop3A_433, %parallel_loop3A_431 : vector<16xf32>
        %parallel_loop3A_435 = arith.maximumf %parallel_loop3A_431, %parallel_loop3A_434 : vector<16xf32>
        %parallel_loop3A_436 = arith.mulf %parallel_loop3A_435, %get3A_3 : vector<16xf32>
        %parallel_loop3A_437 = arith.constant true
        %parallel_loop3A_438 = vector.broadcast %parallel_loop3A_437 : i1 to vector<16xi1>
        %parallel_loop3A_439 = tpu.scan <sum>, %parallel_loop3A_436 masked %parallel_loop3A_438 : vector<16xf32>, vector<16xi1> -> vector<16xf32>
        %parallel_loop3A_440 = vector.extract %parallel_loop3A_439[15] : f32 from vector<16xf32>
        %parallel_loop3A_441 = arith.constant 1 : i32
        %parallel_loop3A_442 = vector.broadcast %parallel_loop3A_441 : i32 to vector<16xi32>
        %parallel_loop3A_443 = arith.cmpi eq, %parallel_loop3A_392, %parallel_loop3A_442 : vector<16xi32>
        %parallel_loop3A_444 = vector.broadcast %parallel_loop3A_440 : f32 to vector<16xf32>
        %parallel_loop3A_445 = arith.select %parallel_loop3A_443, %parallel_loop3A_444, %parallel_loop3A_427 : vector<16xi1>, vector<16xf32>
        %parallel_loop3A_446 = arith.index_cast %parallel_loop3A_391 : i32 to index
        %parallel_loop3A_447 = arith.constant 32 : index
        %parallel_loop3A_448 = tpu.vector_load %arg18[%parallel_loop3A_446, %parallel_loop3A_447] {strides = array<i32>} : memref<40x80xf32, #tpu.memory_space<vmem>>, vector<16xf32>,
        %parallel_loop3A_449 = arith.addf %parallel_loop3A_401, %parallel_loop3A_448 : vector<16xf32>
        %parallel_loop3A_450 = arith.constant 2.000000e-01 : f32
        %parallel_loop3A_451 = vector.broadcast %parallel_loop3A_450 : f32 to vector<16xf32>
        %parallel_loop3A_452 = arith.mulf %parallel_loop3A_451, %parallel_loop3A_449 : vector<16xf32>
        %parallel_loop3A_453 = arith.maximumf %parallel_loop3A_449, %parallel_loop3A_452 : vector<16xf32>
        %parallel_loop3A_454 = arith.mulf %parallel_loop3A_453, %get3A_5 : vector<16xf32>
        %parallel_loop3A_455 = arith.constant true
        %parallel_loop3A_456 = vector.broadcast %parallel_loop3A_455 : i1 to vector<16xi1>
        %parallel_loop3A_457 = tpu.scan <sum>, %parallel_loop3A_454 masked %parallel_loop3A_456 : vector<16xf32>, vector<16xi1> -> vector<16xf32>
        %parallel_loop3A_458 = vector.extract %parallel_loop3A_457[15] : f32 from vector<16xf32>
        %parallel_loop3A_459 = arith.constant 2 : i32
        %parallel_loop3A_460 = vector.broadcast %parallel_loop3A_459 : i32 to vector<16xi32>
        %parallel_loop3A_461 = arith.cmpi eq, %parallel_loop3A_392, %parallel_loop3A_460 : vector<16xi32>
        %parallel_loop3A_462 = vector.broadcast %parallel_loop3A_458 : f32 to vector<16xf32>
        %parallel_loop3A_463 = arith.select %parallel_loop3A_461, %parallel_loop3A_462, %parallel_loop3A_445 : vector<16xi1>, vector<16xf32>
        %parallel_loop3A_464 = arith.index_cast %parallel_loop3A_391 : i32 to index
        %parallel_loop3A_465 = arith.constant 48 : index
        %parallel_loop3A_466 = tpu.vector_load %arg18[%parallel_loop3A_464, %parallel_loop3A_465] {strides = array<i32>} : memref<40x80xf32, #tpu.memory_space<vmem>>, vector<16xf32>,
        %parallel_loop3A_467 = arith.addf %parallel_loop3A_404, %parallel_loop3A_466 : vector<16xf32>
        %parallel_loop3A_468 = arith.constant 2.000000e-01 : f32
        %parallel_loop3A_469 = vector.broadcast %parallel_loop3A_468 : f32 to vector<16xf32>
        %parallel_loop3A_470 = arith.mulf %parallel_loop3A_469, %parallel_loop3A_467 : vector<16xf32>
        %parallel_loop3A_471 = arith.maximumf %parallel_loop3A_467, %parallel_loop3A_470 : vector<16xf32>
        %parallel_loop3A_472 = arith.mulf %parallel_loop3A_471, %get3A_7 : vector<16xf32>
        %parallel_loop3A_473 = arith.constant true
        %parallel_loop3A_474 = vector.broadcast %parallel_loop3A_473 : i1 to vector<16xi1>
        %parallel_loop3A_475 = tpu.scan <sum>, %parallel_loop3A_472 masked %parallel_loop3A_474 : vector<16xf32>, vector<16xi1> -> vector<16xf32>
        %parallel_loop3A_476 = vector.extract %parallel_loop3A_475[15] : f32 from vector<16xf32>
        %parallel_loop3A_477 = arith.constant 3 : i32
        %parallel_loop3A_478 = vector.broadcast %parallel_loop3A_477 : i32 to vector<16xi32>
        %parallel_loop3A_479 = arith.cmpi eq, %parallel_loop3A_392, %parallel_loop3A_478 : vector<16xi32>
        %parallel_loop3A_480 = vector.broadcast %parallel_loop3A_476 : f32 to vector<16xf32>
        %parallel_loop3A_481 = arith.select %parallel_loop3A_479, %parallel_loop3A_480, %parallel_loop3A_463 : vector<16xi1>, vector<16xf32>
        %parallel_loop3A_482 = arith.index_cast %parallel_loop3A_391 : i32 to index
        %parallel_loop3A_483 = arith.constant 64 : index
        %parallel_loop3A_484 = tpu.vector_load %arg18[%parallel_loop3A_482, %parallel_loop3A_483] {strides = array<i32>} : memref<40x80xf32, #tpu.memory_space<vmem>>, vector<16xf32>,
        %parallel_loop3A_485 = arith.addf %parallel_loop3A_407, %parallel_loop3A_484 : vector<16xf32>
        %parallel_loop3A_486 = arith.constant 2.000000e-01 : f32
        %parallel_loop3A_487 = vector.broadcast %parallel_loop3A_486 : f32 to vector<16xf32>
        %parallel_loop3A_488 = arith.mulf %parallel_loop3A_487, %parallel_loop3A_485 : vector<16xf32>
        %parallel_loop3A_489 = arith.maximumf %parallel_loop3A_485, %parallel_loop3A_488 : vector<16xf32>
        %parallel_loop3A_490 = arith.mulf %parallel_loop3A_489, %get3A_9 : vector<16xf32>
        %parallel_loop3A_491 = arith.constant true
        %parallel_loop3A_492 = vector.broadcast %parallel_loop3A_491 : i1 to vector<16xi1>
        %parallel_loop3A_493 = tpu.scan <sum>, %parallel_loop3A_490 masked %parallel_loop3A_492 : vector<16xf32>, vector<16xi1> -> vector<16xf32>
        %parallel_loop3A_494 = vector.extract %parallel_loop3A_493[15] : f32 from vector<16xf32>
        %parallel_loop3A_495 = arith.constant 4 : i32
        %parallel_loop3A_496 = vector.broadcast %parallel_loop3A_495 : i32 to vector<16xi32>
        %parallel_loop3A_497 = arith.cmpi eq, %parallel_loop3A_392, %parallel_loop3A_496 : vector<16xi32>
        %parallel_loop3A_498 = vector.broadcast %parallel_loop3A_494 : f32 to vector<16xf32>
        %parallel_loop3A_499 = arith.select %parallel_loop3A_497, %parallel_loop3A_498, %parallel_loop3A_481 : vector<16xi1>, vector<16xf32>
        %parallel_loop3A_500 = math.exp %parallel_loop3A_499 : vector<16xf32>
        %parallel_loop3A_501 = arith.index_cast %parallel_loop3A_391 : i32 to index
        %parallel_loop3A_502 = arith.constant 0 : index
        %parallel_loop3A_503 = tpu.vector_load %arg23[%parallel_loop3A_501, %parallel_loop3A_502] {strides = array<i32>} : memref<40x16xf32, #tpu.memory_space<vmem>>, vector<16xf32>,
        tpu.vector_store %arg23[%parallel_loop3A_501, %parallel_loop3A_502], %parallel_loop3A_500 {strides = array<i32>} : memref<40x16xf32, #tpu.memory_space<vmem>>, vector<16xf32>,
        %parallel_loop3A_504 = vector.extract_strided_slice %parallel_loop3A_500 {offsets = [0], sizes = [1], strides = [1]} : vector<16xf32> to vector<1xf32>
        %parallel_loop3A_505 = vector.extract %parallel_loop3A_504[0] : f32 from vector<1xf32>
        %parallel_loop3A_506 = vector.broadcast %parallel_loop3A_505 : f32 to vector<16xf32>
        %parallel_loop3A_507 = arith.mulf %parallel_loop3A_395, %parallel_loop3A_506 : vector<16xf32>
        %parallel_loop3A_508 = arith.index_cast %parallel_loop3A_391 : i32 to index
        %parallel_loop3A_509 = arith.constant 0 : index
        %parallel_loop3A_510 = tpu.vector_load %arg13[%parallel_loop3A_508, %parallel_loop3A_509] {strides = array<i32>} : memref<40x80xf32, #tpu.memory_space<vmem>>, vector<16xf32>,
        tpu.vector_store %arg13[%parallel_loop3A_508, %parallel_loop3A_509], %parallel_loop3A_507 {strides = array<i32>} : memref<40x80xf32, #tpu.memory_space<vmem>>, vector<16xf32>,
        %parallel_loop3A_511 = vector.extract_strided_slice %parallel_loop3A_500 {offsets = [1], sizes = [1], strides = [1]} : vector<16xf32> to vector<1xf32>
        %parallel_loop3A_512 = vector.extract %parallel_loop3A_511[0] : f32 from vector<1xf32>
        %parallel_loop3A_513 = vector.broadcast %parallel_loop3A_512 : f32 to vector<16xf32>
        %parallel_loop3A_514 = arith.mulf %parallel_loop3A_398, %parallel_loop3A_513 : vector<16xf32>
        %parallel_loop3A_515 = arith.index_cast %parallel_loop3A_391 : i32 to index
        %parallel_loop3A_516 = arith.constant 16 : index
        %parallel_loop3A_517 = tpu.vector_load %arg13[%parallel_loop3A_515, %parallel_loop3A_516] {strides = array<i32>} : memref<40x80xf32, #tpu.memory_space<vmem>>, vector<16xf32>,
        tpu.vector_store %arg13[%parallel_loop3A_515, %parallel_loop3A_516], %parallel_loop3A_514 {strides = array<i32>} : memref<40x80xf32, #tpu.memory_space<vmem>>, vector<16xf32>,
        %parallel_loop3A_518 = vector.extract_strided_slice %parallel_loop3A_500 {offsets = [2], sizes = [1], strides = [1]} : vector<16xf32> to vector<1xf32>
        %parallel_loop3A_519 = vector.extract %parallel_loop3A_518[0] : f32 from vector<1xf32>
        %parallel_loop3A_520 = vector.broadcast %parallel_loop3A_519 : f32 to vector<16xf32>
        %parallel_loop3A_521 = arith.mulf %parallel_loop3A_401, %parallel_loop3A_520 : vector<16xf32>
        %parallel_loop3A_522 = arith.index_cast %parallel_loop3A_391 : i32 to index
        %parallel_loop3A_523 = arith.constant 32 : index
        %parallel_loop3A_524 = tpu.vector_load %arg13[%parallel_loop3A_522, %parallel_loop3A_523] {strides = array<i32>} : memref<40x80xf32, #tpu.memory_space<vmem>>, vector<16xf32>,
        tpu.vector_store %arg13[%parallel_loop3A_522, %parallel_loop3A_523], %parallel_loop3A_521 {strides = array<i32>} : memref<40x80xf32, #tpu.memory_space<vmem>>, vector<16xf32>,
        %parallel_loop3A_525 = vector.extract_strided_slice %parallel_loop3A_500 {offsets = [3], sizes = [1], strides = [1]} : vector<16xf32> to vector<1xf32>
        %parallel_loop3A_526 = vector.extract %parallel_loop3A_525[0] : f32 from vector<1xf32>
        %parallel_loop3A_527 = vector.broadcast %parallel_loop3A_526 : f32 to vector<16xf32>
        %parallel_loop3A_528 = arith.mulf %parallel_loop3A_404, %parallel_loop3A_527 : vector<16xf32>
        %parallel_loop3A_529 = arith.index_cast %parallel_loop3A_391 : i32 to index
        %parallel_loop3A_530 = arith.constant 48 : index
        %parallel_loop3A_531 = tpu.vector_load %arg13[%parallel_loop3A_529, %parallel_loop3A_530] {strides = array<i32>} : memref<40x80xf32, #tpu.memory_space<vmem>>, vector<16xf32>,
        tpu.vector_store %arg13[%parallel_loop3A_529, %parallel_loop3A_530], %parallel_loop3A_528 {strides = array<i32>} : memref<40x80xf32, #tpu.memory_space<vmem>>, vector<16xf32>,
        %parallel_loop3A_532 = vector.extract_strided_slice %parallel_loop3A_500 {offsets = [4], sizes = [1], strides = [1]} : vector<16xf32> to vector<1xf32>
        %parallel_loop3A_533 = vector.extract %parallel_loop3A_532[0] : f32 from vector<1xf32>
        %parallel_loop3A_534 = vector.broadcast %parallel_loop3A_533 : f32 to vector<16xf32>
        %parallel_loop3A_535 = arith.mulf %parallel_loop3A_407, %parallel_loop3A_534 : vector<16xf32>
        %parallel_loop3A_536 = arith.index_cast %parallel_loop3A_391 : i32 to index
        %parallel_loop3A_537 = arith.constant 64 : index
        %parallel_loop3A_538 = tpu.vector_load %arg13[%parallel_loop3A_536, %parallel_loop3A_537] {strides = array<i32>} : memref<40x80xf32, #tpu.memory_space<vmem>>, vector<16xf32>,
        tpu.vector_store %arg13[%parallel_loop3A_536, %parallel_loop3A_537], %parallel_loop3A_535 {strides = array<i32>} : memref<40x80xf32, #tpu.memory_space<vmem>>, vector<16xf32>,
      } {sc.loop_unroll_factor = 2 : i64, sc.parallel_access}
      %dma_start3A_151 = arith.constant 0 : i32
      %dma_start3A_152 = arith.constant 0 : i32
      %dma_start3A_153 = tpu.memref_slice %arg12[%dma_start3A_151, %dma_start3A_152] : memref<5x40xi32, #tpu.memory_space<vmem>> -> memref<1x40xi32, #tpu.memory_space<vmem>>
      %dma_start3A_154 = tpu.memref_squeeze %dma_start3A_153 : memref<1x40xi32, #tpu.memory_space<vmem>> -> memref<40xi32, #tpu.memory_space<vmem>>
      %dma_start3A_155 = arith.constant 0 : i32
      %dma_start3A_156 = arith.constant 0 : i32
      %dma_start3A_157 = tpu.memref_slice %arg29[%dma_start3A_155, %dma_start3A_156] : memref<10240x80xf32, #tpu.memory_space<vmem_shared>> -> memref<10240x80xf32, #tpu.memory_space<vmem_shared>>
      tpu.enqueue_indirect_dma source(%arg13 : memref<40x80xf32, #tpu.memory_space<vmem>>) target(%dma_start3A_157 : memref<10240x80xf32, #tpu.memory_space<vmem_shared>>) offsets(%dma_start3A_154 : memref<40xi32, #tpu.memory_space<vmem>>) semaphore(%arg31 : memref<!tpu.dma_semaphore, #tpu.memory_space<semaphore_mem>>) {add = true}
      %dma_start3A_158 = arith.constant 0 : i32
      %dma_start3A_159 = arith.constant 0 : i32
      %dma_start3A_160 = tpu.memref_slice %arg12[%dma_start3A_158, %dma_start3A_159] : memref<5x40xi32, #tpu.memory_space<vmem>> -> memref<1x40xi32, #tpu.memory_space<vmem>>
      %dma_start3A_161 = tpu.memref_squeeze %dma_start3A_160 : memref<1x40xi32, #tpu.memory_space<vmem>> -> memref<40xi32, #tpu.memory_space<vmem>>
      %dma_start3A_162 = arith.constant 0 : i32
      %dma_start3A_163 = arith.constant 0 : i32
      %dma_start3A_164 = tpu.memref_slice %arg30[%dma_start3A_162, %dma_start3A_163] : memref<10240x16xf32, #tpu.memory_space<vmem_shared>> -> memref<10240x16xf32, #tpu.memory_space<vmem_shared>>
      tpu.enqueue_indirect_dma source(%arg23 : memref<40x16xf32, #tpu.memory_space<vmem>>) target(%dma_start3A_164 : memref<10240x16xf32, #tpu.memory_space<vmem_shared>>) offsets(%dma_start3A_161 : memref<40xi32, #tpu.memory_space<vmem>>) semaphore(%arg36 : memref<!tpu.dma_semaphore, #tpu.memory_space<semaphore_mem>>) {add = true}
      %dma_wait3A_165 = arith.constant 1 : i32
      %dma_wait3A_166 = arith.constant 0 : i32
      %dma_wait3A_167 = tpu.memref_slice %arg11[%dma_wait3A_165, %dma_wait3A_166] : memref<5x40xi32, #tpu.memory_space<vmem>> -> memref<1x40xi32, #tpu.memory_space<vmem>>
      %dma_wait3A_168 = tpu.memref_squeeze %dma_wait3A_167 : memref<1x40xi32, #tpu.memory_space<vmem>> -> memref<40xi32, #tpu.memory_space<vmem>>
      %dma_wait3A_169 = arith.constant 0 : i32
      %dma_wait3A_170 = arith.constant 0 : i32
      %dma_wait3A_171 = tpu.memref_slice %arg2[%arg0, %dma_wait3A_169, %dma_wait3A_170] : memref<2x10000x80xf32, #tpu.memory_space<hbm>> -> memref<1x10000x80xf32, #tpu.memory_space<hbm>>
      %dma_wait3A_172 = tpu.memref_squeeze %dma_wait3A_171 : memref<1x10000x80xf32, #tpu.memory_space<hbm>> -> memref<10000x80xf32, #tpu.memory_space<hbm>>
      %dma_wait3A_173 = arith.constant 0 : i32
      %dma_wait3A_174 = arith.constant 0 : i32
      %dma_wait3A_175 = tpu.memref_slice %dma_wait3A_172[%dma_wait3A_173, %dma_wait3A_174] : memref<10000x80xf32, #tpu.memory_space<hbm>> -> memref<10000x80xf32, #tpu.memory_space<hbm>>
      tpu.wait_indirect_dma semaphore(%arg32 : memref<!tpu.dma_semaphore, #tpu.memory_space<semaphore_mem>>) src(%dma_wait3A_175 : memref<10000x80xf32, #tpu.memory_space<hbm>>) dst(%arg14 : memref<40x80xf32, #tpu.memory_space<vmem>>)
      %dma_wait3A_176 = arith.constant 1 : i32
      %dma_wait3A_177 = arith.constant 0 : i32
      %dma_wait3A_178 = tpu.memref_slice %arg12[%dma_wait3A_176, %dma_wait3A_177] : memref<5x40xi32, #tpu.memory_space<vmem>> -> memref<1x40xi32, #tpu.memory_space<vmem>>
      %dma_wait3A_179 = tpu.memref_squeeze %dma_wait3A_178 : memref<1x40xi32, #tpu.memory_space<vmem>> -> memref<40xi32, #tpu.memory_space<vmem>>
      %dma_wait3A_180 = arith.constant 0 : i32
      %dma_wait3A_181 = arith.constant 0 : i32
      %dma_wait3A_182 = tpu.memref_slice %arg3[%arg0, %dma_wait3A_180, %dma_wait3A_181] : memref<2x10000x80xf32, #tpu.memory_space<hbm>> -> memref<1x10000x80xf32, #tpu.memory_space<hbm>>
      %dma_wait3A_183 = tpu.memref_squeeze %dma_wait3A_182 : memref<1x10000x80xf32, #tpu.memory_space<hbm>> -> memref<10000x80xf32, #tpu.memory_space<hbm>>
      %dma_wait3A_184 = arith.constant 0 : i32
      %dma_wait3A_185 = arith.constant 0 : i32
      %dma_wait3A_186 = tpu.memref_slice %dma_wait3A_183[%dma_wait3A_184, %dma_wait3A_185] : memref<10000x80xf32, #tpu.memory_space<hbm>> -> memref<10000x80xf32, #tpu.memory_space<hbm>>
      tpu.wait_indirect_dma semaphore(%arg32 : memref<!tpu.dma_semaphore, #tpu.memory_space<semaphore_mem>>) src(%dma_wait3A_186 : memref<10000x80xf32, #tpu.memory_space<hbm>>) dst(%arg19 : memref<40x80xf32, #tpu.memory_space<vmem>>)
      %parallel_loop3A_187 = arith.constant 0 : i32
      %parallel_loop3A_188 = arith.constant 40 : i32
      %parallel_loop3A_189 = arith.constant 1 : i32
      scf.for %parallel_loop3A_391 = %parallel_loop3A_187 to %parallel_loop3A_188 step %parallel_loop3A_189  : i32 {
        %parallel_loop3A_392 = tpu.iota {dimensions = array<i32: 0>} : vector<16xi32>
        %parallel_loop3A_393 = arith.index_cast %parallel_loop3A_391 : i32 to index
        %parallel_loop3A_394 = arith.constant 0 : index
        %parallel_loop3A_395 = tpu.vector_load %arg14[%parallel_loop3A_393, %parallel_loop3A_394] {strides = array<i32>} : memref<40x80xf32, #tpu.memory_space<vmem>>, vector<16xf32>,
        %parallel_loop3A_396 = arith.index_cast %parallel_loop3A_391 : i32 to index
        %parallel_loop3A_397 = arith.constant 16 : index
        %parallel_loop3A_398 = tpu.vector_load %arg14[%parallel_loop3A_396, %parallel_loop3A_397] {strides = array<i32>} : memref<40x80xf32, #tpu.memory_space<vmem>>, vector<16xf32>,
        %parallel_loop3A_399 = arith.index_cast %parallel_loop3A_391 : i32 to index
        %parallel_loop3A_400 = arith.constant 32 : index
        %parallel_loop3A_401 = tpu.vector_load %arg14[%parallel_loop3A_399, %parallel_loop3A_400] {strides = array<i32>} : memref<40x80xf32, #tpu.memory_space<vmem>>, vector<16xf32>,
        %parallel_loop3A_402 = arith.index_cast %parallel_loop3A_391 : i32 to index
        %parallel_loop3A_403 = arith.constant 48 : index
        %parallel_loop3A_404 = tpu.vector_load %arg14[%parallel_loop3A_402, %parallel_loop3A_403] {strides = array<i32>} : memref<40x80xf32, #tpu.memory_space<vmem>>, vector<16xf32>,
        %parallel_loop3A_405 = arith.index_cast %parallel_loop3A_391 : i32 to index
        %parallel_loop3A_406 = arith.constant 64 : index
        %parallel_loop3A_407 = tpu.vector_load %arg14[%parallel_loop3A_405, %parallel_loop3A_406] {strides = array<i32>} : memref<40x80xf32, #tpu.memory_space<vmem>>, vector<16xf32>,
        %parallel_loop3A_408 = arith.constant 0.000000e+00 : f32
        %parallel_loop3A_409 = vector.broadcast %parallel_loop3A_408 : f32 to vector<16xf32>
        %parallel_loop3A_410 = arith.index_cast %parallel_loop3A_391 : i32 to index
        %parallel_loop3A_411 = arith.constant 0 : index
        %parallel_loop3A_412 = tpu.vector_load %arg19[%parallel_loop3A_410, %parallel_loop3A_411] {strides = array<i32>} : memref<40x80xf32, #tpu.memory_space<vmem>>, vector<16xf32>,
        %parallel_loop3A_413 = arith.addf %parallel_loop3A_395, %parallel_loop3A_412 : vector<16xf32>
        %parallel_loop3A_414 = arith.constant 2.000000e-01 : f32
        %parallel_loop3A_415 = vector.broadcast %parallel_loop3A_414 : f32 to vector<16xf32>
        %parallel_loop3A_416 = arith.mulf %parallel_loop3A_415, %parallel_loop3A_413 : vector<16xf32>
        %parallel_loop3A_417 = arith.maximumf %parallel_loop3A_413, %parallel_loop3A_416 : vector<16xf32>
        %parallel_loop3A_418 = arith.mulf %parallel_loop3A_417, %get3A_1 : vector<16xf32>
        %parallel_loop3A_419 = arith.constant true
        %parallel_loop3A_420 = vector.broadcast %parallel_loop3A_419 : i1 to vector<16xi1>
        %parallel_loop3A_421 = tpu.scan <sum>, %parallel_loop3A_418 masked %parallel_loop3A_420 : vector<16xf32>, vector<16xi1> -> vector<16xf32>
        %parallel_loop3A_422 = vector.extract %parallel_loop3A_421[15] : f32 from vector<16xf32>
        %parallel_loop3A_423 = arith.constant 0 : i32
        %parallel_loop3A_424 = vector.broadcast %parallel_loop3A_423 : i32 to vector<16xi32>
        %parallel_loop3A_425 = arith.cmpi eq, %parallel_loop3A_392, %parallel_loop3A_424 : vector<16xi32>
        %parallel_loop3A_426 = vector.broadcast %parallel_loop3A_422 : f32 to vector<16xf32>
        %parallel_loop3A_427 = arith.select %parallel_loop3A_425, %parallel_loop3A_426, %parallel_loop3A_409 : vector<16xi1>, vector<16xf32>
        %parallel_loop3A_428 = arith.index_cast %parallel_loop3A_391 : i32 to index
        %parallel_loop3A_429 = arith.constant 16 : index
        %parallel_loop3A_430 = tpu.vector_load %arg19[%parallel_loop3A_428, %parallel_loop3A_429] {strides = array<i32>} : memref<40x80xf32, #tpu.memory_space<vmem>>, vector<16xf32>,
        %parallel_loop3A_431 = arith.addf %parallel_loop3A_398, %parallel_loop3A_430 : vector<16xf32>
        %parallel_loop3A_432 = arith.constant 2.000000e-01 : f32
        %parallel_loop3A_433 = vector.broadcast %parallel_loop3A_432 : f32 to vector<16xf32>
        %parallel_loop3A_434 = arith.mulf %parallel_loop3A_433, %parallel_loop3A_431 : vector<16xf32>
        %parallel_loop3A_435 = arith.maximumf %parallel_loop3A_431, %parallel_loop3A_434 : vector<16xf32>
        %parallel_loop3A_436 = arith.mulf %parallel_loop3A_435, %get3A_3 : vector<16xf32>
        %parallel_loop3A_437 = arith.constant true
        %parallel_loop3A_438 = vector.broadcast %parallel_loop3A_437 : i1 to vector<16xi1>
        %parallel_loop3A_439 = tpu.scan <sum>, %parallel_loop3A_436 masked %parallel_loop3A_438 : vector<16xf32>, vector<16xi1> -> vector<16xf32>
        %parallel_loop3A_440 = vector.extract %parallel_loop3A_439[15] : f32 from vector<16xf32>
        %parallel_loop3A_441 = arith.constant 1 : i32
        %parallel_loop3A_442 = vector.broadcast %parallel_loop3A_441 : i32 to vector<16xi32>
        %parallel_loop3A_443 = arith.cmpi eq, %parallel_loop3A_392, %parallel_loop3A_442 : vector<16xi32>
        %parallel_loop3A_444 = vector.broadcast %parallel_loop3A_440 : f32 to vector<16xf32>
        %parallel_loop3A_445 = arith.select %parallel_loop3A_443, %parallel_loop3A_444, %parallel_loop3A_427 : vector<16xi1>, vector<16xf32>
        %parallel_loop3A_446 = arith.index_cast %parallel_loop3A_391 : i32 to index
        %parallel_loop3A_447 = arith.constant 32 : index
        %parallel_loop3A_448 = tpu.vector_load %arg19[%parallel_loop3A_446, %parallel_loop3A_447] {strides = array<i32>} : memref<40x80xf32, #tpu.memory_space<vmem>>, vector<16xf32>,
        %parallel_loop3A_449 = arith.addf %parallel_loop3A_401, %parallel_loop3A_448 : vector<16xf32>
        %parallel_loop3A_450 = arith.constant 2.000000e-01 : f32
        %parallel_loop3A_451 = vector.broadcast %parallel_loop3A_450 : f32 to vector<16xf32>
        %parallel_loop3A_452 = arith.mulf %parallel_loop3A_451, %parallel_loop3A_449 : vector<16xf32>
        %parallel_loop3A_453 = arith.maximumf %parallel_loop3A_449, %parallel_loop3A_452 : vector<16xf32>
        %parallel_loop3A_454 = arith.mulf %parallel_loop3A_453, %get3A_5 : vector<16xf32>
        %parallel_loop3A_455 = arith.constant true
        %parallel_loop3A_456 = vector.broadcast %parallel_loop3A_455 : i1 to vector<16xi1>
        %parallel_loop3A_457 = tpu.scan <sum>, %parallel_loop3A_454 masked %parallel_loop3A_456 : vector<16xf32>, vector<16xi1> -> vector<16xf32>
        %parallel_loop3A_458 = vector.extract %parallel_loop3A_457[15] : f32 from vector<16xf32>
        %parallel_loop3A_459 = arith.constant 2 : i32
        %parallel_loop3A_460 = vector.broadcast %parallel_loop3A_459 : i32 to vector<16xi32>
        %parallel_loop3A_461 = arith.cmpi eq, %parallel_loop3A_392, %parallel_loop3A_460 : vector<16xi32>
        %parallel_loop3A_462 = vector.broadcast %parallel_loop3A_458 : f32 to vector<16xf32>
        %parallel_loop3A_463 = arith.select %parallel_loop3A_461, %parallel_loop3A_462, %parallel_loop3A_445 : vector<16xi1>, vector<16xf32>
        %parallel_loop3A_464 = arith.index_cast %parallel_loop3A_391 : i32 to index
        %parallel_loop3A_465 = arith.constant 48 : index
        %parallel_loop3A_466 = tpu.vector_load %arg19[%parallel_loop3A_464, %parallel_loop3A_465] {strides = array<i32>} : memref<40x80xf32, #tpu.memory_space<vmem>>, vector<16xf32>,
        %parallel_loop3A_467 = arith.addf %parallel_loop3A_404, %parallel_loop3A_466 : vector<16xf32>
        %parallel_loop3A_468 = arith.constant 2.000000e-01 : f32
        %parallel_loop3A_469 = vector.broadcast %parallel_loop3A_468 : f32 to vector<16xf32>
        %parallel_loop3A_470 = arith.mulf %parallel_loop3A_469, %parallel_loop3A_467 : vector<16xf32>
        %parallel_loop3A_471 = arith.maximumf %parallel_loop3A_467, %parallel_loop3A_470 : vector<16xf32>
        %parallel_loop3A_472 = arith.mulf %parallel_loop3A_471, %get3A_7 : vector<16xf32>
        %parallel_loop3A_473 = arith.constant true
        %parallel_loop3A_474 = vector.broadcast %parallel_loop3A_473 : i1 to vector<16xi1>
        %parallel_loop3A_475 = tpu.scan <sum>, %parallel_loop3A_472 masked %parallel_loop3A_474 : vector<16xf32>, vector<16xi1> -> vector<16xf32>
        %parallel_loop3A_476 = vector.extract %parallel_loop3A_475[15] : f32 from vector<16xf32>
        %parallel_loop3A_477 = arith.constant 3 : i32
        %parallel_loop3A_478 = vector.broadcast %parallel_loop3A_477 : i32 to vector<16xi32>
        %parallel_loop3A_479 = arith.cmpi eq, %parallel_loop3A_392, %parallel_loop3A_478 : vector<16xi32>
        %parallel_loop3A_480 = vector.broadcast %parallel_loop3A_476 : f32 to vector<16xf32>
        %parallel_loop3A_481 = arith.select %parallel_loop3A_479, %parallel_loop3A_480, %parallel_loop3A_463 : vector<16xi1>, vector<16xf32>
        %parallel_loop3A_482 = arith.index_cast %parallel_loop3A_391 : i32 to index
        %parallel_loop3A_483 = arith.constant 64 : index
        %parallel_loop3A_484 = tpu.vector_load %arg19[%parallel_loop3A_482, %parallel_loop3A_483] {strides = array<i32>} : memref<40x80xf32, #tpu.memory_space<vmem>>, vector<16xf32>,
        %parallel_loop3A_485 = arith.addf %parallel_loop3A_407, %parallel_loop3A_484 : vector<16xf32>
        %parallel_loop3A_486 = arith.constant 2.000000e-01 : f32
        %parallel_loop3A_487 = vector.broadcast %parallel_loop3A_486 : f32 to vector<16xf32>
        %parallel_loop3A_488 = arith.mulf %parallel_loop3A_487, %parallel_loop3A_485 : vector<16xf32>
        %parallel_loop3A_489 = arith.maximumf %parallel_loop3A_485, %parallel_loop3A_488 : vector<16xf32>
        %parallel_loop3A_490 = arith.mulf %parallel_loop3A_489, %get3A_9 : vector<16xf32>
        %parallel_loop3A_491 = arith.constant true
        %parallel_loop3A_492 = vector.broadcast %parallel_loop3A_491 : i1 to vector<16xi1>
        %parallel_loop3A_493 = tpu.scan <sum>, %parallel_loop3A_490 masked %parallel_loop3A_492 : vector<16xf32>, vector<16xi1> -> vector<16xf32>
        %parallel_loop3A_494 = vector.extract %parallel_loop3A_493[15] : f32 from vector<16xf32>
        %parallel_loop3A_495 = arith.constant 4 : i32
        %parallel_loop3A_496 = vector.broadcast %parallel_loop3A_495 : i32 to vector<16xi32>
        %parallel_loop3A_497 = arith.cmpi eq, %parallel_loop3A_392, %parallel_loop3A_496 : vector<16xi32>
        %parallel_loop3A_498 = vector.broadcast %parallel_loop3A_494 : f32 to vector<16xf32>
        %parallel_loop3A_499 = arith.select %parallel_loop3A_497, %parallel_loop3A_498, %parallel_loop3A_481 : vector<16xi1>, vector<16xf32>
        %parallel_loop3A_500 = math.exp %parallel_loop3A_499 : vector<16xf32>
        %parallel_loop3A_501 = arith.index_cast %parallel_loop3A_391 : i32 to index
        %parallel_loop3A_502 = arith.constant 0 : index
        %parallel_loop3A_503 = tpu.vector_load %arg24[%parallel_loop3A_501, %parallel_loop3A_502] {strides = array<i32>} : memref<40x16xf32, #tpu.memory_space<vmem>>, vector<16xf32>,
        tpu.vector_store %arg24[%parallel_loop3A_501, %parallel_loop3A_502], %parallel_loop3A_500 {strides = array<i32>} : memref<40x16xf32, #tpu.memory_space<vmem>>, vector<16xf32>,
        %parallel_loop3A_504 = vector.extract_strided_slice %parallel_loop3A_500 {offsets = [0], sizes = [1], strides = [1]} : vector<16xf32> to vector<1xf32>
        %parallel_loop3A_505 = vector.extract %parallel_loop3A_504[0] : f32 from vector<1xf32>
        %parallel_loop3A_506 = vector.broadcast %parallel_loop3A_505 : f32 to vector<16xf32>
        %parallel_loop3A_507 = arith.mulf %parallel_loop3A_395, %parallel_loop3A_506 : vector<16xf32>
        %parallel_loop3A_508 = arith.index_cast %parallel_loop3A_391 : i32 to index
        %parallel_loop3A_509 = arith.constant 0 : index
        %parallel_loop3A_510 = tpu.vector_load %arg14[%parallel_loop3A_508, %parallel_loop3A_509] {strides = array<i32>} : memref<40x80xf32, #tpu.memory_space<vmem>>, vector<16xf32>,
        tpu.vector_store %arg14[%parallel_loop3A_508, %parallel_loop3A_509], %parallel_loop3A_507 {strides = array<i32>} : memref<40x80xf32, #tpu.memory_space<vmem>>, vector<16xf32>,
        %parallel_loop3A_511 = vector.extract_strided_slice %parallel_loop3A_500 {offsets = [1], sizes = [1], strides = [1]} : vector<16xf32> to vector<1xf32>
        %parallel_loop3A_512 = vector.extract %parallel_loop3A_511[0] : f32 from vector<1xf32>
        %parallel_loop3A_513 = vector.broadcast %parallel_loop3A_512 : f32 to vector<16xf32>
        %parallel_loop3A_514 = arith.mulf %parallel_loop3A_398, %parallel_loop3A_513 : vector<16xf32>
        %parallel_loop3A_515 = arith.index_cast %parallel_loop3A_391 : i32 to index
        %parallel_loop3A_516 = arith.constant 16 : index
        %parallel_loop3A_517 = tpu.vector_load %arg14[%parallel_loop3A_515, %parallel_loop3A_516] {strides = array<i32>} : memref<40x80xf32, #tpu.memory_space<vmem>>, vector<16xf32>,
        tpu.vector_store %arg14[%parallel_loop3A_515, %parallel_loop3A_516], %parallel_loop3A_514 {strides = array<i32>} : memref<40x80xf32, #tpu.memory_space<vmem>>, vector<16xf32>,
        %parallel_loop3A_518 = vector.extract_strided_slice %parallel_loop3A_500 {offsets = [2], sizes = [1], strides = [1]} : vector<16xf32> to vector<1xf32>
        %parallel_loop3A_519 = vector.extract %parallel_loop3A_518[0] : f32 from vector<1xf32>
        %parallel_loop3A_520 = vector.broadcast %parallel_loop3A_519 : f32 to vector<16xf32>
        %parallel_loop3A_521 = arith.mulf %parallel_loop3A_401, %parallel_loop3A_520 : vector<16xf32>
        %parallel_loop3A_522 = arith.index_cast %parallel_loop3A_391 : i32 to index
        %parallel_loop3A_523 = arith.constant 32 : index
        %parallel_loop3A_524 = tpu.vector_load %arg14[%parallel_loop3A_522, %parallel_loop3A_523] {strides = array<i32>} : memref<40x80xf32, #tpu.memory_space<vmem>>, vector<16xf32>,
        tpu.vector_store %arg14[%parallel_loop3A_522, %parallel_loop3A_523], %parallel_loop3A_521 {strides = array<i32>} : memref<40x80xf32, #tpu.memory_space<vmem>>, vector<16xf32>,
        %parallel_loop3A_525 = vector.extract_strided_slice %parallel_loop3A_500 {offsets = [3], sizes = [1], strides = [1]} : vector<16xf32> to vector<1xf32>
        %parallel_loop3A_526 = vector.extract %parallel_loop3A_525[0] : f32 from vector<1xf32>
        %parallel_loop3A_527 = vector.broadcast %parallel_loop3A_526 : f32 to vector<16xf32>
        %parallel_loop3A_528 = arith.mulf %parallel_loop3A_404, %parallel_loop3A_527 : vector<16xf32>
        %parallel_loop3A_529 = arith.index_cast %parallel_loop3A_391 : i32 to index
        %parallel_loop3A_530 = arith.constant 48 : index
        %parallel_loop3A_531 = tpu.vector_load %arg14[%parallel_loop3A_529, %parallel_loop3A_530] {strides = array<i32>} : memref<40x80xf32, #tpu.memory_space<vmem>>, vector<16xf32>,
        tpu.vector_store %arg14[%parallel_loop3A_529, %parallel_loop3A_530], %parallel_loop3A_528 {strides = array<i32>} : memref<40x80xf32, #tpu.memory_space<vmem>>, vector<16xf32>,
        %parallel_loop3A_532 = vector.extract_strided_slice %parallel_loop3A_500 {offsets = [4], sizes = [1], strides = [1]} : vector<16xf32> to vector<1xf32>
        %parallel_loop3A_533 = vector.extract %parallel_loop3A_532[0] : f32 from vector<1xf32>
        %parallel_loop3A_534 = vector.broadcast %parallel_loop3A_533 : f32 to vector<16xf32>
        %parallel_loop3A_535 = arith.mulf %parallel_loop3A_407, %parallel_loop3A_534 : vector<16xf32>
        %parallel_loop3A_536 = arith.index_cast %parallel_loop3A_391 : i32 to index
        %parallel_loop3A_537 = arith.constant 64 : index
        %parallel_loop3A_538 = tpu.vector_load %arg14[%parallel_loop3A_536, %parallel_loop3A_537] {strides = array<i32>} : memref<40x80xf32, #tpu.memory_space<vmem>>, vector<16xf32>,
        tpu.vector_store %arg14[%parallel_loop3A_536, %parallel_loop3A_537], %parallel_loop3A_535 {strides = array<i32>} : memref<40x80xf32, #tpu.memory_space<vmem>>, vector<16xf32>,
      } {sc.loop_unroll_factor = 2 : i64, sc.parallel_access}
      %dma_start3A_190 = arith.constant 1 : i32
      %dma_start3A_191 = arith.constant 0 : i32
      %dma_start3A_192 = tpu.memref_slice %arg12[%dma_start3A_190, %dma_start3A_191] : memref<5x40xi32, #tpu.memory_space<vmem>> -> memref<1x40xi32, #tpu.memory_space<vmem>>
      %dma_start3A_193 = tpu.memref_squeeze %dma_start3A_192 : memref<1x40xi32, #tpu.memory_space<vmem>> -> memref<40xi32, #tpu.memory_space<vmem>>
      %dma_start3A_194 = arith.constant 0 : i32
      %dma_start3A_195 = arith.constant 0 : i32
      %dma_start3A_196 = tpu.memref_slice %arg29[%dma_start3A_194, %dma_start3A_195] : memref<10240x80xf32, #tpu.memory_space<vmem_shared>> -> memref<10240x80xf32, #tpu.memory_space<vmem_shared>>
      tpu.enqueue_indirect_dma source(%arg14 : memref<40x80xf32, #tpu.memory_space<vmem>>) target(%dma_start3A_196 : memref<10240x80xf32, #tpu.memory_space<vmem_shared>>) offsets(%dma_start3A_193 : memref<40xi32, #tpu.memory_space<vmem>>) semaphore(%arg32 : memref<!tpu.dma_semaphore, #tpu.memory_space<semaphore_mem>>) {add = true}
      %dma_start3A_197 = arith.constant 1 : i32
      %dma_start3A_198 = arith.constant 0 : i32
      %dma_start3A_199 = tpu.memref_slice %arg12[%dma_start3A_197, %dma_start3A_198] : memref<5x40xi32, #tpu.memory_space<vmem>> -> memref<1x40xi32, #tpu.memory_space<vmem>>
      %dma_start3A_200 = tpu.memref_squeeze %dma_start3A_199 : memref<1x40xi32, #tpu.memory_space<vmem>> -> memref<40xi32, #tpu.memory_space<vmem>>
      %dma_start3A_201 = arith.constant 0 : i32
      %dma_start3A_202 = arith.constant 0 : i32
      %dma_start3A_203 = tpu.memref_slice %arg30[%dma_start3A_201, %dma_start3A_202] : memref<10240x16xf32, #tpu.memory_space<vmem_shared>> -> memref<10240x16xf32, #tpu.memory_space<vmem_shared>>
      tpu.enqueue_indirect_dma source(%arg24 : memref<40x16xf32, #tpu.memory_space<vmem>>) target(%dma_start3A_203 : memref<10240x16xf32, #tpu.memory_space<vmem_shared>>) offsets(%dma_start3A_200 : memref<40xi32, #tpu.memory_space<vmem>>) semaphore(%arg37 : memref<!tpu.dma_semaphore, #tpu.memory_space<semaphore_mem>>) {add = true}
      %dma_wait3A_204 = arith.constant 2 : i32
      %dma_wait3A_205 = arith.constant 0 : i32
      %dma_wait3A_206 = tpu.memref_slice %arg11[%dma_wait3A_204, %dma_wait3A_205] : memref<5x40xi32, #tpu.memory_space<vmem>> -> memref<1x40xi32, #tpu.memory_space<vmem>>
      %dma_wait3A_207 = tpu.memref_squeeze %dma_wait3A_206 : memref<1x40xi32, #tpu.memory_space<vmem>> -> memref<40xi32, #tpu.memory_space<vmem>>
      %dma_wait3A_208 = arith.constant 0 : i32
      %dma_wait3A_209 = arith.constant 0 : i32
      %dma_wait3A_210 = tpu.memref_slice %arg2[%arg0, %dma_wait3A_208, %dma_wait3A_209] : memref<2x10000x80xf32, #tpu.memory_space<hbm>> -> memref<1x10000x80xf32, #tpu.memory_space<hbm>>
      %dma_wait3A_211 = tpu.memref_squeeze %dma_wait3A_210 : memref<1x10000x80xf32, #tpu.memory_space<hbm>> -> memref<10000x80xf32, #tpu.memory_space<hbm>>
      %dma_wait3A_212 = arith.constant 0 : i32
      %dma_wait3A_213 = arith.constant 0 : i32
      %dma_wait3A_214 = tpu.memref_slice %dma_wait3A_211[%dma_wait3A_212, %dma_wait3A_213] : memref<10000x80xf32, #tpu.memory_space<hbm>> -> memref<10000x80xf32, #tpu.memory_space<hbm>>
      tpu.wait_indirect_dma semaphore(%arg33 : memref<!tpu.dma_semaphore, #tpu.memory_space<semaphore_mem>>) src(%dma_wait3A_214 : memref<10000x80xf32, #tpu.memory_space<hbm>>) dst(%arg15 : memref<40x80xf32, #tpu.memory_space<vmem>>)
      %dma_wait3A_215 = arith.constant 2 : i32
      %dma_wait3A_216 = arith.constant 0 : i32
      %dma_wait3A_217 = tpu.memref_slice %arg12[%dma_wait3A_215, %dma_wait3A_216] : memref<5x40xi32, #tpu.memory_space<vmem>> -> memref<1x40xi32, #tpu.memory_space<vmem>>
      %dma_wait3A_218 = tpu.memref_squeeze %dma_wait3A_217 : memref<1x40xi32, #tpu.memory_space<vmem>> -> memref<40xi32, #tpu.memory_space<vmem>>
      %dma_wait3A_219 = arith.constant 0 : i32
      %dma_wait3A_220 = arith.constant 0 : i32
      %dma_wait3A_221 = tpu.memref_slice %arg3[%arg0, %dma_wait3A_219, %dma_wait3A_220] : memref<2x10000x80xf32, #tpu.memory_space<hbm>> -> memref<1x10000x80xf32, #tpu.memory_space<hbm>>
      %dma_wait3A_222 = tpu.memref_squeeze %dma_wait3A_221 : memref<1x10000x80xf32, #tpu.memory_space<hbm>> -> memref<10000x80xf32, #tpu.memory_space<hbm>>
      %dma_wait3A_223 = arith.constant 0 : i32
      %dma_wait3A_224 = arith.constant 0 : i32
      %dma_wait3A_225 = tpu.memref_slice %dma_wait3A_222[%dma_wait3A_223, %dma_wait3A_224] : memref<10000x80xf32, #tpu.memory_space<hbm>> -> memref<10000x80xf32, #tpu.memory_space<hbm>>
      tpu.wait_indirect_dma semaphore(%arg33 : memref<!tpu.dma_semaphore, #tpu.memory_space<semaphore_mem>>) src(%dma_wait3A_225 : memref<10000x80xf32, #tpu.memory_space<hbm>>) dst(%arg20 : memref<40x80xf32, #tpu.memory_space<vmem>>)
      %parallel_loop3A_226 = arith.constant 0 : i32
      %parallel_loop3A_227 = arith.constant 40 : i32
      %parallel_loop3A_228 = arith.constant 1 : i32
      scf.for %parallel_loop3A_391 = %parallel_loop3A_226 to %parallel_loop3A_227 step %parallel_loop3A_228  : i32 {
        %parallel_loop3A_392 = tpu.iota {dimensions = array<i32: 0>} : vector<16xi32>
        %parallel_loop3A_393 = arith.index_cast %parallel_loop3A_391 : i32 to index
        %parallel_loop3A_394 = arith.constant 0 : index
        %parallel_loop3A_395 = tpu.vector_load %arg15[%parallel_loop3A_393, %parallel_loop3A_394] {strides = array<i32>} : memref<40x80xf32, #tpu.memory_space<vmem>>, vector<16xf32>,
        %parallel_loop3A_396 = arith.index_cast %parallel_loop3A_391 : i32 to index
        %parallel_loop3A_397 = arith.constant 16 : index
        %parallel_loop3A_398 = tpu.vector_load %arg15[%parallel_loop3A_396, %parallel_loop3A_397] {strides = array<i32>} : memref<40x80xf32, #tpu.memory_space<vmem>>, vector<16xf32>,
        %parallel_loop3A_399 = arith.index_cast %parallel_loop3A_391 : i32 to index
        %parallel_loop3A_400 = arith.constant 32 : index
        %parallel_loop3A_401 = tpu.vector_load %arg15[%parallel_loop3A_399, %parallel_loop3A_400] {strides = array<i32>} : memref<40x80xf32, #tpu.memory_space<vmem>>, vector<16xf32>,
        %parallel_loop3A_402 = arith.index_cast %parallel_loop3A_391 : i32 to index
        %parallel_loop3A_403 = arith.constant 48 : index
        %parallel_loop3A_404 = tpu.vector_load %arg15[%parallel_loop3A_402, %parallel_loop3A_403] {strides = array<i32>} : memref<40x80xf32, #tpu.memory_space<vmem>>, vector<16xf32>,
        %parallel_loop3A_405 = arith.index_cast %parallel_loop3A_391 : i32 to index
        %parallel_loop3A_406 = arith.constant 64 : index
        %parallel_loop3A_407 = tpu.vector_load %arg15[%parallel_loop3A_405, %parallel_loop3A_406] {strides = array<i32>} : memref<40x80xf32, #tpu.memory_space<vmem>>, vector<16xf32>,
        %parallel_loop3A_408 = arith.constant 0.000000e+00 : f32
        %parallel_loop3A_409 = vector.broadcast %parallel_loop3A_408 : f32 to vector<16xf32>
        %parallel_loop3A_410 = arith.index_cast %parallel_loop3A_391 : i32 to index
        %parallel_loop3A_411 = arith.constant 0 : index
        %parallel_loop3A_412 = tpu.vector_load %arg20[%parallel_loop3A_410, %parallel_loop3A_411] {strides = array<i32>} : memref<40x80xf32, #tpu.memory_space<vmem>>, vector<16xf32>,
        %parallel_loop3A_413 = arith.addf %parallel_loop3A_395, %parallel_loop3A_412 : vector<16xf32>
        %parallel_loop3A_414 = arith.constant 2.000000e-01 : f32
        %parallel_loop3A_415 = vector.broadcast %parallel_loop3A_414 : f32 to vector<16xf32>
        %parallel_loop3A_416 = arith.mulf %parallel_loop3A_415, %parallel_loop3A_413 : vector<16xf32>
        %parallel_loop3A_417 = arith.maximumf %parallel_loop3A_413, %parallel_loop3A_416 : vector<16xf32>
        %parallel_loop3A_418 = arith.mulf %parallel_loop3A_417, %get3A_1 : vector<16xf32>
        %parallel_loop3A_419 = arith.constant true
        %parallel_loop3A_420 = vector.broadcast %parallel_loop3A_419 : i1 to vector<16xi1>
        %parallel_loop3A_421 = tpu.scan <sum>, %parallel_loop3A_418 masked %parallel_loop3A_420 : vector<16xf32>, vector<16xi1> -> vector<16xf32>
        %parallel_loop3A_422 = vector.extract %parallel_loop3A_421[15] : f32 from vector<16xf32>
        %parallel_loop3A_423 = arith.constant 0 : i32
        %parallel_loop3A_424 = vector.broadcast %parallel_loop3A_423 : i32 to vector<16xi32>
        %parallel_loop3A_425 = arith.cmpi eq, %parallel_loop3A_392, %parallel_loop3A_424 : vector<16xi32>
        %parallel_loop3A_426 = vector.broadcast %parallel_loop3A_422 : f32 to vector<16xf32>
        %parallel_loop3A_427 = arith.select %parallel_loop3A_425, %parallel_loop3A_426, %parallel_loop3A_409 : vector<16xi1>, vector<16xf32>
        %parallel_loop3A_428 = arith.index_cast %parallel_loop3A_391 : i32 to index
        %parallel_loop3A_429 = arith.constant 16 : index
        %parallel_loop3A_430 = tpu.vector_load %arg20[%parallel_loop3A_428, %parallel_loop3A_429] {strides = array<i32>} : memref<40x80xf32, #tpu.memory_space<vmem>>, vector<16xf32>,
        %parallel_loop3A_431 = arith.addf %parallel_loop3A_398, %parallel_loop3A_430 : vector<16xf32>
        %parallel_loop3A_432 = arith.constant 2.000000e-01 : f32
        %parallel_loop3A_433 = vector.broadcast %parallel_loop3A_432 : f32 to vector<16xf32>
        %parallel_loop3A_434 = arith.mulf %parallel_loop3A_433, %parallel_loop3A_431 : vector<16xf32>
        %parallel_loop3A_435 = arith.maximumf %parallel_loop3A_431, %parallel_loop3A_434 : vector<16xf32>
        %parallel_loop3A_436 = arith.mulf %parallel_loop3A_435, %get3A_3 : vector<16xf32>
        %parallel_loop3A_437 = arith.constant true
        %parallel_loop3A_438 = vector.broadcast %parallel_loop3A_437 : i1 to vector<16xi1>
        %parallel_loop3A_439 = tpu.scan <sum>, %parallel_loop3A_436 masked %parallel_loop3A_438 : vector<16xf32>, vector<16xi1> -> vector<16xf32>
        %parallel_loop3A_440 = vector.extract %parallel_loop3A_439[15] : f32 from vector<16xf32>
        %parallel_loop3A_441 = arith.constant 1 : i32
        %parallel_loop3A_442 = vector.broadcast %parallel_loop3A_441 : i32 to vector<16xi32>
        %parallel_loop3A_443 = arith.cmpi eq, %parallel_loop3A_392, %parallel_loop3A_442 : vector<16xi32>
        %parallel_loop3A_444 = vector.broadcast %parallel_loop3A_440 : f32 to vector<16xf32>
        %parallel_loop3A_445 = arith.select %parallel_loop3A_443, %parallel_loop3A_444, %parallel_loop3A_427 : vector<16xi1>, vector<16xf32>
        %parallel_loop3A_446 = arith.index_cast %parallel_loop3A_391 : i32 to index
        %parallel_loop3A_447 = arith.constant 32 : index
        %parallel_loop3A_448 = tpu.vector_load %arg20[%parallel_loop3A_446, %parallel_loop3A_447] {strides = array<i32>} : memref<40x80xf32, #tpu.memory_space<vmem>>, vector<16xf32>,
        %parallel_loop3A_449 = arith.addf %parallel_loop3A_401, %parallel_loop3A_448 : vector<16xf32>
        %parallel_loop3A_450 = arith.constant 2.000000e-01 : f32
        %parallel_loop3A_451 = vector.broadcast %parallel_loop3A_450 : f32 to vector<16xf32>
        %parallel_loop3A_452 = arith.mulf %parallel_loop3A_451, %parallel_loop3A_449 : vector<16xf32>
        %parallel_loop3A_453 = arith.maximumf %parallel_loop3A_449, %parallel_loop3A_452 : vector<16xf32>
        %parallel_loop3A_454 = arith.mulf %parallel_loop3A_453, %get3A_5 : vector<16xf32>
        %parallel_loop3A_455 = arith.constant true
        %parallel_loop3A_456 = vector.broadcast %parallel_loop3A_455 : i1 to vector<16xi1>
        %parallel_loop3A_457 = tpu.scan <sum>, %parallel_loop3A_454 masked %parallel_loop3A_456 : vector<16xf32>, vector<16xi1> -> vector<16xf32>
        %parallel_loop3A_458 = vector.extract %parallel_loop3A_457[15] : f32 from vector<16xf32>
        %parallel_loop3A_459 = arith.constant 2 : i32
        %parallel_loop3A_460 = vector.broadcast %parallel_loop3A_459 : i32 to vector<16xi32>
        %parallel_loop3A_461 = arith.cmpi eq, %parallel_loop3A_392, %parallel_loop3A_460 : vector<16xi32>
        %parallel_loop3A_462 = vector.broadcast %parallel_loop3A_458 : f32 to vector<16xf32>
        %parallel_loop3A_463 = arith.select %parallel_loop3A_461, %parallel_loop3A_462, %parallel_loop3A_445 : vector<16xi1>, vector<16xf32>
        %parallel_loop3A_464 = arith.index_cast %parallel_loop3A_391 : i32 to index
        %parallel_loop3A_465 = arith.constant 48 : index
        %parallel_loop3A_466 = tpu.vector_load %arg20[%parallel_loop3A_464, %parallel_loop3A_465] {strides = array<i32>} : memref<40x80xf32, #tpu.memory_space<vmem>>, vector<16xf32>,
        %parallel_loop3A_467 = arith.addf %parallel_loop3A_404, %parallel_loop3A_466 : vector<16xf32>
        %parallel_loop3A_468 = arith.constant 2.000000e-01 : f32
        %parallel_loop3A_469 = vector.broadcast %parallel_loop3A_468 : f32 to vector<16xf32>
        %parallel_loop3A_470 = arith.mulf %parallel_loop3A_469, %parallel_loop3A_467 : vector<16xf32>
        %parallel_loop3A_471 = arith.maximumf %parallel_loop3A_467, %parallel_loop3A_470 : vector<16xf32>
        %parallel_loop3A_472 = arith.mulf %parallel_loop3A_471, %get3A_7 : vector<16xf32>
        %parallel_loop3A_473 = arith.constant true
        %parallel_loop3A_474 = vector.broadcast %parallel_loop3A_473 : i1 to vector<16xi1>
        %parallel_loop3A_475 = tpu.scan <sum>, %parallel_loop3A_472 masked %parallel_loop3A_474 : vector<16xf32>, vector<16xi1> -> vector<16xf32>
        %parallel_loop3A_476 = vector.extract %parallel_loop3A_475[15] : f32 from vector<16xf32>
        %parallel_loop3A_477 = arith.constant 3 : i32
        %parallel_loop3A_478 = vector.broadcast %parallel_loop3A_477 : i32 to vector<16xi32>
        %parallel_loop3A_479 = arith.cmpi eq, %parallel_loop3A_392, %parallel_loop3A_478 : vector<16xi32>
        %parallel_loop3A_480 = vector.broadcast %parallel_loop3A_476 : f32 to vector<16xf32>
        %parallel_loop3A_481 = arith.select %parallel_loop3A_479, %parallel_loop3A_480, %parallel_loop3A_463 : vector<16xi1>, vector<16xf32>
        %parallel_loop3A_482 = arith.index_cast %parallel_loop3A_391 : i32 to index
        %parallel_loop3A_483 = arith.constant 64 : index
        %parallel_loop3A_484 = tpu.vector_load %arg20[%parallel_loop3A_482, %parallel_loop3A_483] {strides = array<i32>} : memref<40x80xf32, #tpu.memory_space<vmem>>, vector<16xf32>,
        %parallel_loop3A_485 = arith.addf %parallel_loop3A_407, %parallel_loop3A_484 : vector<16xf32>
        %parallel_loop3A_486 = arith.constant 2.000000e-01 : f32
        %parallel_loop3A_487 = vector.broadcast %parallel_loop3A_486 : f32 to vector<16xf32>
        %parallel_loop3A_488 = arith.mulf %parallel_loop3A_487, %parallel_loop3A_485 : vector<16xf32>
        %parallel_loop3A_489 = arith.maximumf %parallel_loop3A_485, %parallel_loop3A_488 : vector<16xf32>
        %parallel_loop3A_490 = arith.mulf %parallel_loop3A_489, %get3A_9 : vector<16xf32>
        %parallel_loop3A_491 = arith.constant true
        %parallel_loop3A_492 = vector.broadcast %parallel_loop3A_491 : i1 to vector<16xi1>
        %parallel_loop3A_493 = tpu.scan <sum>, %parallel_loop3A_490 masked %parallel_loop3A_492 : vector<16xf32>, vector<16xi1> -> vector<16xf32>
        %parallel_loop3A_494 = vector.extract %parallel_loop3A_493[15] : f32 from vector<16xf32>
        %parallel_loop3A_495 = arith.constant 4 : i32
        %parallel_loop3A_496 = vector.broadcast %parallel_loop3A_495 : i32 to vector<16xi32>
        %parallel_loop3A_497 = arith.cmpi eq, %parallel_loop3A_392, %parallel_loop3A_496 : vector<16xi32>
        %parallel_loop3A_498 = vector.broadcast %parallel_loop3A_494 : f32 to vector<16xf32>
        %parallel_loop3A_499 = arith.select %parallel_loop3A_497, %parallel_loop3A_498, %parallel_loop3A_481 : vector<16xi1>, vector<16xf32>
        %parallel_loop3A_500 = math.exp %parallel_loop3A_499 : vector<16xf32>
        %parallel_loop3A_501 = arith.index_cast %parallel_loop3A_391 : i32 to index
        %parallel_loop3A_502 = arith.constant 0 : index
        %parallel_loop3A_503 = tpu.vector_load %arg25[%parallel_loop3A_501, %parallel_loop3A_502] {strides = array<i32>} : memref<40x16xf32, #tpu.memory_space<vmem>>, vector<16xf32>,
        tpu.vector_store %arg25[%parallel_loop3A_501, %parallel_loop3A_502], %parallel_loop3A_500 {strides = array<i32>} : memref<40x16xf32, #tpu.memory_space<vmem>>, vector<16xf32>,
        %parallel_loop3A_504 = vector.extract_strided_slice %parallel_loop3A_500 {offsets = [0], sizes = [1], strides = [1]} : vector<16xf32> to vector<1xf32>
        %parallel_loop3A_505 = vector.extract %parallel_loop3A_504[0] : f32 from vector<1xf32>
        %parallel_loop3A_506 = vector.broadcast %parallel_loop3A_505 : f32 to vector<16xf32>
        %parallel_loop3A_507 = arith.mulf %parallel_loop3A_395, %parallel_loop3A_506 : vector<16xf32>
        %parallel_loop3A_508 = arith.index_cast %parallel_loop3A_391 : i32 to index
        %parallel_loop3A_509 = arith.constant 0 : index
        %parallel_loop3A_510 = tpu.vector_load %arg15[%parallel_loop3A_508, %parallel_loop3A_509] {strides = array<i32>} : memref<40x80xf32, #tpu.memory_space<vmem>>, vector<16xf32>,
        tpu.vector_store %arg15[%parallel_loop3A_508, %parallel_loop3A_509], %parallel_loop3A_507 {strides = array<i32>} : memref<40x80xf32, #tpu.memory_space<vmem>>, vector<16xf32>,
        %parallel_loop3A_511 = vector.extract_strided_slice %parallel_loop3A_500 {offsets = [1], sizes = [1], strides = [1]} : vector<16xf32> to vector<1xf32>
        %parallel_loop3A_512 = vector.extract %parallel_loop3A_511[0] : f32 from vector<1xf32>
        %parallel_loop3A_513 = vector.broadcast %parallel_loop3A_512 : f32 to vector<16xf32>
        %parallel_loop3A_514 = arith.mulf %parallel_loop3A_398, %parallel_loop3A_513 : vector<16xf32>
        %parallel_loop3A_515 = arith.index_cast %parallel_loop3A_391 : i32 to index
        %parallel_loop3A_516 = arith.constant 16 : index
        %parallel_loop3A_517 = tpu.vector_load %arg15[%parallel_loop3A_515, %parallel_loop3A_516] {strides = array<i32>} : memref<40x80xf32, #tpu.memory_space<vmem>>, vector<16xf32>,
        tpu.vector_store %arg15[%parallel_loop3A_515, %parallel_loop3A_516], %parallel_loop3A_514 {strides = array<i32>} : memref<40x80xf32, #tpu.memory_space<vmem>>, vector<16xf32>,
        %parallel_loop3A_518 = vector.extract_strided_slice %parallel_loop3A_500 {offsets = [2], sizes = [1], strides = [1]} : vector<16xf32> to vector<1xf32>
        %parallel_loop3A_519 = vector.extract %parallel_loop3A_518[0] : f32 from vector<1xf32>
        %parallel_loop3A_520 = vector.broadcast %parallel_loop3A_519 : f32 to vector<16xf32>
        %parallel_loop3A_521 = arith.mulf %parallel_loop3A_401, %parallel_loop3A_520 : vector<16xf32>
        %parallel_loop3A_522 = arith.index_cast %parallel_loop3A_391 : i32 to index
        %parallel_loop3A_523 = arith.constant 32 : index
        %parallel_loop3A_524 = tpu.vector_load %arg15[%parallel_loop3A_522, %parallel_loop3A_523] {strides = array<i32>} : memref<40x80xf32, #tpu.memory_space<vmem>>, vector<16xf32>,
        tpu.vector_store %arg15[%parallel_loop3A_522, %parallel_loop3A_523], %parallel_loop3A_521 {strides = array<i32>} : memref<40x80xf32, #tpu.memory_space<vmem>>, vector<16xf32>,
        %parallel_loop3A_525 = vector.extract_strided_slice %parallel_loop3A_500 {offsets = [3], sizes = [1], strides = [1]} : vector<16xf32> to vector<1xf32>
        %parallel_loop3A_526 = vector.extract %parallel_loop3A_525[0] : f32 from vector<1xf32>
        %parallel_loop3A_527 = vector.broadcast %parallel_loop3A_526 : f32 to vector<16xf32>
        %parallel_loop3A_528 = arith.mulf %parallel_loop3A_404, %parallel_loop3A_527 : vector<16xf32>
        %parallel_loop3A_529 = arith.index_cast %parallel_loop3A_391 : i32 to index
        %parallel_loop3A_530 = arith.constant 48 : index
        %parallel_loop3A_531 = tpu.vector_load %arg15[%parallel_loop3A_529, %parallel_loop3A_530] {strides = array<i32>} : memref<40x80xf32, #tpu.memory_space<vmem>>, vector<16xf32>,
        tpu.vector_store %arg15[%parallel_loop3A_529, %parallel_loop3A_530], %parallel_loop3A_528 {strides = array<i32>} : memref<40x80xf32, #tpu.memory_space<vmem>>, vector<16xf32>,
        %parallel_loop3A_532 = vector.extract_strided_slice %parallel_loop3A_500 {offsets = [4], sizes = [1], strides = [1]} : vector<16xf32> to vector<1xf32>
        %parallel_loop3A_533 = vector.extract %parallel_loop3A_532[0] : f32 from vector<1xf32>
        %parallel_loop3A_534 = vector.broadcast %parallel_loop3A_533 : f32 to vector<16xf32>
        %parallel_loop3A_535 = arith.mulf %parallel_loop3A_407, %parallel_loop3A_534 : vector<16xf32>
        %parallel_loop3A_536 = arith.index_cast %parallel_loop3A_391 : i32 to index
        %parallel_loop3A_537 = arith.constant 64 : index
        %parallel_loop3A_538 = tpu.vector_load %arg15[%parallel_loop3A_536, %parallel_loop3A_537] {strides = array<i32>} : memref<40x80xf32, #tpu.memory_space<vmem>>, vector<16xf32>,
        tpu.vector_store %arg15[%parallel_loop3A_536, %parallel_loop3A_537], %parallel_loop3A_535 {strides = array<i32>} : memref<40x80xf32, #tpu.memory_space<vmem>>, vector<16xf32>,
      } {sc.loop_unroll_factor = 2 : i64, sc.parallel_access}
      %dma_start3A_229 = arith.constant 2 : i32
      %dma_start3A_230 = arith.constant 0 : i32
      %dma_start3A_231 = tpu.memref_slice %arg12[%dma_start3A_229, %dma_start3A_230] : memref<5x40xi32, #tpu.memory_space<vmem>> -> memref<1x40xi32, #tpu.memory_space<vmem>>
      %dma_start3A_232 = tpu.memref_squeeze %dma_start3A_231 : memref<1x40xi32, #tpu.memory_space<vmem>> -> memref<40xi32, #tpu.memory_space<vmem>>
      %dma_start3A_233 = arith.constant 0 : i32
      %dma_start3A_234 = arith.constant 0 : i32
      %dma_start3A_235 = tpu.memref_slice %arg29[%dma_start3A_233, %dma_start3A_234] : memref<10240x80xf32, #tpu.memory_space<vmem_shared>> -> memref<10240x80xf32, #tpu.memory_space<vmem_shared>>
      tpu.enqueue_indirect_dma source(%arg15 : memref<40x80xf32, #tpu.memory_space<vmem>>) target(%dma_start3A_235 : memref<10240x80xf32, #tpu.memory_space<vmem_shared>>) offsets(%dma_start3A_232 : memref<40xi32, #tpu.memory_space<vmem>>) semaphore(%arg33 : memref<!tpu.dma_semaphore, #tpu.memory_space<semaphore_mem>>) {add = true}
      %dma_start3A_236 = arith.constant 2 : i32
      %dma_start3A_237 = arith.constant 0 : i32
      %dma_start3A_238 = tpu.memref_slice %arg12[%dma_start3A_236, %dma_start3A_237] : memref<5x40xi32, #tpu.memory_space<vmem>> -> memref<1x40xi32, #tpu.memory_space<vmem>>
      %dma_start3A_239 = tpu.memref_squeeze %dma_start3A_238 : memref<1x40xi32, #tpu.memory_space<vmem>> -> memref<40xi32, #tpu.memory_space<vmem>>
      %dma_start3A_240 = arith.constant 0 : i32
      %dma_start3A_241 = arith.constant 0 : i32
      %dma_start3A_242 = tpu.memref_slice %arg30[%dma_start3A_240, %dma_start3A_241] : memref<10240x16xf32, #tpu.memory_space<vmem_shared>> -> memref<10240x16xf32, #tpu.memory_space<vmem_shared>>
      tpu.enqueue_indirect_dma source(%arg25 : memref<40x16xf32, #tpu.memory_space<vmem>>) target(%dma_start3A_242 : memref<10240x16xf32, #tpu.memory_space<vmem_shared>>) offsets(%dma_start3A_239 : memref<40xi32, #tpu.memory_space<vmem>>) semaphore(%arg38 : memref<!tpu.dma_semaphore, #tpu.memory_space<semaphore_mem>>) {add = true}
      %dma_wait3A_243 = arith.constant 3 : i32
      %dma_wait3A_244 = arith.constant 0 : i32
      %dma_wait3A_245 = tpu.memref_slice %arg11[%dma_wait3A_243, %dma_wait3A_244] : memref<5x40xi32, #tpu.memory_space<vmem>> -> memref<1x40xi32, #tpu.memory_space<vmem>>
      %dma_wait3A_246 = tpu.memref_squeeze %dma_wait3A_245 : memref<1x40xi32, #tpu.memory_space<vmem>> -> memref<40xi32, #tpu.memory_space<vmem>>
      %dma_wait3A_247 = arith.constant 0 : i32
      %dma_wait3A_248 = arith.constant 0 : i32
      %dma_wait3A_249 = tpu.memref_slice %arg2[%arg0, %dma_wait3A_247, %dma_wait3A_248] : memref<2x10000x80xf32, #tpu.memory_space<hbm>> -> memref<1x10000x80xf32, #tpu.memory_space<hbm>>
      %dma_wait3A_250 = tpu.memref_squeeze %dma_wait3A_249 : memref<1x10000x80xf32, #tpu.memory_space<hbm>> -> memref<10000x80xf32, #tpu.memory_space<hbm>>
      %dma_wait3A_251 = arith.constant 0 : i32
      %dma_wait3A_252 = arith.constant 0 : i32
      %dma_wait3A_253 = tpu.memref_slice %dma_wait3A_250[%dma_wait3A_251, %dma_wait3A_252] : memref<10000x80xf32, #tpu.memory_space<hbm>> -> memref<10000x80xf32, #tpu.memory_space<hbm>>
      tpu.wait_indirect_dma semaphore(%arg34 : memref<!tpu.dma_semaphore, #tpu.memory_space<semaphore_mem>>) src(%dma_wait3A_253 : memref<10000x80xf32, #tpu.memory_space<hbm>>) dst(%arg16 : memref<40x80xf32, #tpu.memory_space<vmem>>)
      %dma_wait3A_254 = arith.constant 3 : i32
      %dma_wait3A_255 = arith.constant 0 : i32
      %dma_wait3A_256 = tpu.memref_slice %arg12[%dma_wait3A_254, %dma_wait3A_255] : memref<5x40xi32, #tpu.memory_space<vmem>> -> memref<1x40xi32, #tpu.memory_space<vmem>>
      %dma_wait3A_257 = tpu.memref_squeeze %dma_wait3A_256 : memref<1x40xi32, #tpu.memory_space<vmem>> -> memref<40xi32, #tpu.memory_space<vmem>>
      %dma_wait3A_258 = arith.constant 0 : i32
      %dma_wait3A_259 = arith.constant 0 : i32
      %dma_wait3A_260 = tpu.memref_slice %arg3[%arg0, %dma_wait3A_258, %dma_wait3A_259] : memref<2x10000x80xf32, #tpu.memory_space<hbm>> -> memref<1x10000x80xf32, #tpu.memory_space<hbm>>
      %dma_wait3A_261 = tpu.memref_squeeze %dma_wait3A_260 : memref<1x10000x80xf32, #tpu.memory_space<hbm>> -> memref<10000x80xf32, #tpu.memory_space<hbm>>
      %dma_wait3A_262 = arith.constant 0 : i32
      %dma_wait3A_263 = arith.constant 0 : i32
      %dma_wait3A_264 = tpu.memref_slice %dma_wait3A_261[%dma_wait3A_262, %dma_wait3A_263] : memref<10000x80xf32, #tpu.memory_space<hbm>> -> memref<10000x80xf32, #tpu.memory_space<hbm>>
      tpu.wait_indirect_dma semaphore(%arg34 : memref<!tpu.dma_semaphore, #tpu.memory_space<semaphore_mem>>) src(%dma_wait3A_264 : memref<10000x80xf32, #tpu.memory_space<hbm>>) dst(%arg21 : memref<40x80xf32, #tpu.memory_space<vmem>>)
      %parallel_loop3A_265 = arith.constant 0 : i32
      %parallel_loop3A_266 = arith.constant 40 : i32
      %parallel_loop3A_267 = arith.constant 1 : i32
      scf.for %parallel_loop3A_391 = %parallel_loop3A_265 to %parallel_loop3A_266 step %parallel_loop3A_267  : i32 {
        %parallel_loop3A_392 = tpu.iota {dimensions = array<i32: 0>} : vector<16xi32>
        %parallel_loop3A_393 = arith.index_cast %parallel_loop3A_391 : i32 to index
        %parallel_loop3A_394 = arith.constant 0 : index
        %parallel_loop3A_395 = tpu.vector_load %arg16[%parallel_loop3A_393, %parallel_loop3A_394] {strides = array<i32>} : memref<40x80xf32, #tpu.memory_space<vmem>>, vector<16xf32>,
        %parallel_loop3A_396 = arith.index_cast %parallel_loop3A_391 : i32 to index
        %parallel_loop3A_397 = arith.constant 16 : index
        %parallel_loop3A_398 = tpu.vector_load %arg16[%parallel_loop3A_396, %parallel_loop3A_397] {strides = array<i32>} : memref<40x80xf32, #tpu.memory_space<vmem>>, vector<16xf32>,
        %parallel_loop3A_399 = arith.index_cast %parallel_loop3A_391 : i32 to index
        %parallel_loop3A_400 = arith.constant 32 : index
        %parallel_loop3A_401 = tpu.vector_load %arg16[%parallel_loop3A_399, %parallel_loop3A_400] {strides = array<i32>} : memref<40x80xf32, #tpu.memory_space<vmem>>, vector<16xf32>,
        %parallel_loop3A_402 = arith.index_cast %parallel_loop3A_391 : i32 to index
        %parallel_loop3A_403 = arith.constant 48 : index
        %parallel_loop3A_404 = tpu.vector_load %arg16[%parallel_loop3A_402, %parallel_loop3A_403] {strides = array<i32>} : memref<40x80xf32, #tpu.memory_space<vmem>>, vector<16xf32>,
        %parallel_loop3A_405 = arith.index_cast %parallel_loop3A_391 : i32 to index
        %parallel_loop3A_406 = arith.constant 64 : index
        %parallel_loop3A_407 = tpu.vector_load %arg16[%parallel_loop3A_405, %parallel_loop3A_406] {strides = array<i32>} : memref<40x80xf32, #tpu.memory_space<vmem>>, vector<16xf32>,
        %parallel_loop3A_408 = arith.constant 0.000000e+00 : f32
        %parallel_loop3A_409 = vector.broadcast %parallel_loop3A_408 : f32 to vector<16xf32>
        %parallel_loop3A_410 = arith.index_cast %parallel_loop3A_391 : i32 to index
        %parallel_loop3A_411 = arith.constant 0 : index
        %parallel_loop3A_412 = tpu.vector_load %arg21[%parallel_loop3A_410, %parallel_loop3A_411] {strides = array<i32>} : memref<40x80xf32, #tpu.memory_space<vmem>>, vector<16xf32>,
        %parallel_loop3A_413 = arith.addf %parallel_loop3A_395, %parallel_loop3A_412 : vector<16xf32>
        %parallel_loop3A_414 = arith.constant 2.000000e-01 : f32
        %parallel_loop3A_415 = vector.broadcast %parallel_loop3A_414 : f32 to vector<16xf32>
        %parallel_loop3A_416 = arith.mulf %parallel_loop3A_415, %parallel_loop3A_413 : vector<16xf32>
        %parallel_loop3A_417 = arith.maximumf %parallel_loop3A_413, %parallel_loop3A_416 : vector<16xf32>
        %parallel_loop3A_418 = arith.mulf %parallel_loop3A_417, %get3A_1 : vector<16xf32>
        %parallel_loop3A_419 = arith.constant true
        %parallel_loop3A_420 = vector.broadcast %parallel_loop3A_419 : i1 to vector<16xi1>
        %parallel_loop3A_421 = tpu.scan <sum>, %parallel_loop3A_418 masked %parallel_loop3A_420 : vector<16xf32>, vector<16xi1> -> vector<16xf32>
        %parallel_loop3A_422 = vector.extract %parallel_loop3A_421[15] : f32 from vector<16xf32>
        %parallel_loop3A_423 = arith.constant 0 : i32
        %parallel_loop3A_424 = vector.broadcast %parallel_loop3A_423 : i32 to vector<16xi32>
        %parallel_loop3A_425 = arith.cmpi eq, %parallel_loop3A_392, %parallel_loop3A_424 : vector<16xi32>
        %parallel_loop3A_426 = vector.broadcast %parallel_loop3A_422 : f32 to vector<16xf32>
        %parallel_loop3A_427 = arith.select %parallel_loop3A_425, %parallel_loop3A_426, %parallel_loop3A_409 : vector<16xi1>, vector<16xf32>
        %parallel_loop3A_428 = arith.index_cast %parallel_loop3A_391 : i32 to index
        %parallel_loop3A_429 = arith.constant 16 : index
        %parallel_loop3A_430 = tpu.vector_load %arg21[%parallel_loop3A_428, %parallel_loop3A_429] {strides = array<i32>} : memref<40x80xf32, #tpu.memory_space<vmem>>, vector<16xf32>,
        %parallel_loop3A_431 = arith.addf %parallel_loop3A_398, %parallel_loop3A_430 : vector<16xf32>
        %parallel_loop3A_432 = arith.constant 2.000000e-01 : f32
        %parallel_loop3A_433 = vector.broadcast %parallel_loop3A_432 : f32 to vector<16xf32>
        %parallel_loop3A_434 = arith.mulf %parallel_loop3A_433, %parallel_loop3A_431 : vector<16xf32>
        %parallel_loop3A_435 = arith.maximumf %parallel_loop3A_431, %parallel_loop3A_434 : vector<16xf32>
        %parallel_loop3A_436 = arith.mulf %parallel_loop3A_435, %get3A_3 : vector<16xf32>
        %parallel_loop3A_437 = arith.constant true
        %parallel_loop3A_438 = vector.broadcast %parallel_loop3A_437 : i1 to vector<16xi1>
        %parallel_loop3A_439 = tpu.scan <sum>, %parallel_loop3A_436 masked %parallel_loop3A_438 : vector<16xf32>, vector<16xi1> -> vector<16xf32>
        %parallel_loop3A_440 = vector.extract %parallel_loop3A_439[15] : f32 from vector<16xf32>
        %parallel_loop3A_441 = arith.constant 1 : i32
        %parallel_loop3A_442 = vector.broadcast %parallel_loop3A_441 : i32 to vector<16xi32>
        %parallel_loop3A_443 = arith.cmpi eq, %parallel_loop3A_392, %parallel_loop3A_442 : vector<16xi32>
        %parallel_loop3A_444 = vector.broadcast %parallel_loop3A_440 : f32 to vector<16xf32>
        %parallel_loop3A_445 = arith.select %parallel_loop3A_443, %parallel_loop3A_444, %parallel_loop3A_427 : vector<16xi1>, vector<16xf32>
        %parallel_loop3A_446 = arith.index_cast %parallel_loop3A_391 : i32 to index
        %parallel_loop3A_447 = arith.constant 32 : index
        %parallel_loop3A_448 = tpu.vector_load %arg21[%parallel_loop3A_446, %parallel_loop3A_447] {strides = array<i32>} : memref<40x80xf32, #tpu.memory_space<vmem>>, vector<16xf32>,
        %parallel_loop3A_449 = arith.addf %parallel_loop3A_401, %parallel_loop3A_448 : vector<16xf32>
        %parallel_loop3A_450 = arith.constant 2.000000e-01 : f32
        %parallel_loop3A_451 = vector.broadcast %parallel_loop3A_450 : f32 to vector<16xf32>
        %parallel_loop3A_452 = arith.mulf %parallel_loop3A_451, %parallel_loop3A_449 : vector<16xf32>
        %parallel_loop3A_453 = arith.maximumf %parallel_loop3A_449, %parallel_loop3A_452 : vector<16xf32>
        %parallel_loop3A_454 = arith.mulf %parallel_loop3A_453, %get3A_5 : vector<16xf32>
        %parallel_loop3A_455 = arith.constant true
        %parallel_loop3A_456 = vector.broadcast %parallel_loop3A_455 : i1 to vector<16xi1>
        %parallel_loop3A_457 = tpu.scan <sum>, %parallel_loop3A_454 masked %parallel_loop3A_456 : vector<16xf32>, vector<16xi1> -> vector<16xf32>
        %parallel_loop3A_458 = vector.extract %parallel_loop3A_457[15] : f32 from vector<16xf32>
        %parallel_loop3A_459 = arith.constant 2 : i32
        %parallel_loop3A_460 = vector.broadcast %parallel_loop3A_459 : i32 to vector<16xi32>
        %parallel_loop3A_461 = arith.cmpi eq, %parallel_loop3A_392, %parallel_loop3A_460 : vector<16xi32>
        %parallel_loop3A_462 = vector.broadcast %parallel_loop3A_458 : f32 to vector<16xf32>
        %parallel_loop3A_463 = arith.select %parallel_loop3A_461, %parallel_loop3A_462, %parallel_loop3A_445 : vector<16xi1>, vector<16xf32>
        %parallel_loop3A_464 = arith.index_cast %parallel_loop3A_391 : i32 to index
        %parallel_loop3A_465 = arith.constant 48 : index
        %parallel_loop3A_466 = tpu.vector_load %arg21[%parallel_loop3A_464, %parallel_loop3A_465] {strides = array<i32>} : memref<40x80xf32, #tpu.memory_space<vmem>>, vector<16xf32>,
        %parallel_loop3A_467 = arith.addf %parallel_loop3A_404, %parallel_loop3A_466 : vector<16xf32>
        %parallel_loop3A_468 = arith.constant 2.000000e-01 : f32
        %parallel_loop3A_469 = vector.broadcast %parallel_loop3A_468 : f32 to vector<16xf32>
        %parallel_loop3A_470 = arith.mulf %parallel_loop3A_469, %parallel_loop3A_467 : vector<16xf32>
        %parallel_loop3A_471 = arith.maximumf %parallel_loop3A_467, %parallel_loop3A_470 : vector<16xf32>
        %parallel_loop3A_472 = arith.mulf %parallel_loop3A_471, %get3A_7 : vector<16xf32>
        %parallel_loop3A_473 = arith.constant true
        %parallel_loop3A_474 = vector.broadcast %parallel_loop3A_473 : i1 to vector<16xi1>
        %parallel_loop3A_475 = tpu.scan <sum>, %parallel_loop3A_472 masked %parallel_loop3A_474 : vector<16xf32>, vector<16xi1> -> vector<16xf32>
        %parallel_loop3A_476 = vector.extract %parallel_loop3A_475[15] : f32 from vector<16xf32>
        %parallel_loop3A_477 = arith.constant 3 : i32
        %parallel_loop3A_478 = vector.broadcast %parallel_loop3A_477 : i32 to vector<16xi32>
        %parallel_loop3A_479 = arith.cmpi eq, %parallel_loop3A_392, %parallel_loop3A_478 : vector<16xi32>
        %parallel_loop3A_480 = vector.broadcast %parallel_loop3A_476 : f32 to vector<16xf32>
        %parallel_loop3A_481 = arith.select %parallel_loop3A_479, %parallel_loop3A_480, %parallel_loop3A_463 : vector<16xi1>, vector<16xf32>
        %parallel_loop3A_482 = arith.index_cast %parallel_loop3A_391 : i32 to index
        %parallel_loop3A_483 = arith.constant 64 : index
        %parallel_loop3A_484 = tpu.vector_load %arg21[%parallel_loop3A_482, %parallel_loop3A_483] {strides = array<i32>} : memref<40x80xf32, #tpu.memory_space<vmem>>, vector<16xf32>,
        %parallel_loop3A_485 = arith.addf %parallel_loop3A_407, %parallel_loop3A_484 : vector<16xf32>
        %parallel_loop3A_486 = arith.constant 2.000000e-01 : f32
        %parallel_loop3A_487 = vector.broadcast %parallel_loop3A_486 : f32 to vector<16xf32>
        %parallel_loop3A_488 = arith.mulf %parallel_loop3A_487, %parallel_loop3A_485 : vector<16xf32>
        %parallel_loop3A_489 = arith.maximumf %parallel_loop3A_485, %parallel_loop3A_488 : vector<16xf32>
        %parallel_loop3A_490 = arith.mulf %parallel_loop3A_489, %get3A_9 : vector<16xf32>
        %parallel_loop3A_491 = arith.constant true
        %parallel_loop3A_492 = vector.broadcast %parallel_loop3A_491 : i1 to vector<16xi1>
        %parallel_loop3A_493 = tpu.scan <sum>, %parallel_loop3A_490 masked %parallel_loop3A_492 : vector<16xf32>, vector<16xi1> -> vector<16xf32>
        %parallel_loop3A_494 = vector.extract %parallel_loop3A_493[15] : f32 from vector<16xf32>
        %parallel_loop3A_495 = arith.constant 4 : i32
        %parallel_loop3A_496 = vector.broadcast %parallel_loop3A_495 : i32 to vector<16xi32>
        %parallel_loop3A_497 = arith.cmpi eq, %parallel_loop3A_392, %parallel_loop3A_496 : vector<16xi32>
        %parallel_loop3A_498 = vector.broadcast %parallel_loop3A_494 : f32 to vector<16xf32>
        %parallel_loop3A_499 = arith.select %parallel_loop3A_497, %parallel_loop3A_498, %parallel_loop3A_481 : vector<16xi1>, vector<16xf32>
        %parallel_loop3A_500 = math.exp %parallel_loop3A_499 : vector<16xf32>
        %parallel_loop3A_501 = arith.index_cast %parallel_loop3A_391 : i32 to index
        %parallel_loop3A_502 = arith.constant 0 : index
        %parallel_loop3A_503 = tpu.vector_load %arg26[%parallel_loop3A_501, %parallel_loop3A_502] {strides = array<i32>} : memref<40x16xf32, #tpu.memory_space<vmem>>, vector<16xf32>,
        tpu.vector_store %arg26[%parallel_loop3A_501, %parallel_loop3A_502], %parallel_loop3A_500 {strides = array<i32>} : memref<40x16xf32, #tpu.memory_space<vmem>>, vector<16xf32>,
        %parallel_loop3A_504 = vector.extract_strided_slice %parallel_loop3A_500 {offsets = [0], sizes = [1], strides = [1]} : vector<16xf32> to vector<1xf32>
        %parallel_loop3A_505 = vector.extract %parallel_loop3A_504[0] : f32 from vector<1xf32>
        %parallel_loop3A_506 = vector.broadcast %parallel_loop3A_505 : f32 to vector<16xf32>
        %parallel_loop3A_507 = arith.mulf %parallel_loop3A_395, %parallel_loop3A_506 : vector<16xf32>
        %parallel_loop3A_508 = arith.index_cast %parallel_loop3A_391 : i32 to index
        %parallel_loop3A_509 = arith.constant 0 : index
        %parallel_loop3A_510 = tpu.vector_load %arg16[%parallel_loop3A_508, %parallel_loop3A_509] {strides = array<i32>} : memref<40x80xf32, #tpu.memory_space<vmem>>, vector<16xf32>,
        tpu.vector_store %arg16[%parallel_loop3A_508, %parallel_loop3A_509], %parallel_loop3A_507 {strides = array<i32>} : memref<40x80xf32, #tpu.memory_space<vmem>>, vector<16xf32>,
        %parallel_loop3A_511 = vector.extract_strided_slice %parallel_loop3A_500 {offsets = [1], sizes = [1], strides = [1]} : vector<16xf32> to vector<1xf32>
        %parallel_loop3A_512 = vector.extract %parallel_loop3A_511[0] : f32 from vector<1xf32>
        %parallel_loop3A_513 = vector.broadcast %parallel_loop3A_512 : f32 to vector<16xf32>
        %parallel_loop3A_514 = arith.mulf %parallel_loop3A_398, %parallel_loop3A_513 : vector<16xf32>
        %parallel_loop3A_515 = arith.index_cast %parallel_loop3A_391 : i32 to index
        %parallel_loop3A_516 = arith.constant 16 : index
        %parallel_loop3A_517 = tpu.vector_load %arg16[%parallel_loop3A_515, %parallel_loop3A_516] {strides = array<i32>} : memref<40x80xf32, #tpu.memory_space<vmem>>, vector<16xf32>,
        tpu.vector_store %arg16[%parallel_loop3A_515, %parallel_loop3A_516], %parallel_loop3A_514 {strides = array<i32>} : memref<40x80xf32, #tpu.memory_space<vmem>>, vector<16xf32>,
        %parallel_loop3A_518 = vector.extract_strided_slice %parallel_loop3A_500 {offsets = [2], sizes = [1], strides = [1]} : vector<16xf32> to vector<1xf32>
        %parallel_loop3A_519 = vector.extract %parallel_loop3A_518[0] : f32 from vector<1xf32>
        %parallel_loop3A_520 = vector.broadcast %parallel_loop3A_519 : f32 to vector<16xf32>
        %parallel_loop3A_521 = arith.mulf %parallel_loop3A_401, %parallel_loop3A_520 : vector<16xf32>
        %parallel_loop3A_522 = arith.index_cast %parallel_loop3A_391 : i32 to index
        %parallel_loop3A_523 = arith.constant 32 : index
        %parallel_loop3A_524 = tpu.vector_load %arg16[%parallel_loop3A_522, %parallel_loop3A_523] {strides = array<i32>} : memref<40x80xf32, #tpu.memory_space<vmem>>, vector<16xf32>,
        tpu.vector_store %arg16[%parallel_loop3A_522, %parallel_loop3A_523], %parallel_loop3A_521 {strides = array<i32>} : memref<40x80xf32, #tpu.memory_space<vmem>>, vector<16xf32>,
        %parallel_loop3A_525 = vector.extract_strided_slice %parallel_loop3A_500 {offsets = [3], sizes = [1], strides = [1]} : vector<16xf32> to vector<1xf32>
        %parallel_loop3A_526 = vector.extract %parallel_loop3A_525[0] : f32 from vector<1xf32>
        %parallel_loop3A_527 = vector.broadcast %parallel_loop3A_526 : f32 to vector<16xf32>
        %parallel_loop3A_528 = arith.mulf %parallel_loop3A_404, %parallel_loop3A_527 : vector<16xf32>
        %parallel_loop3A_529 = arith.index_cast %parallel_loop3A_391 : i32 to index
        %parallel_loop3A_530 = arith.constant 48 : index
        %parallel_loop3A_531 = tpu.vector_load %arg16[%parallel_loop3A_529, %parallel_loop3A_530] {strides = array<i32>} : memref<40x80xf32, #tpu.memory_space<vmem>>, vector<16xf32>,
        tpu.vector_store %arg16[%parallel_loop3A_529, %parallel_loop3A_530], %parallel_loop3A_528 {strides = array<i32>} : memref<40x80xf32, #tpu.memory_space<vmem>>, vector<16xf32>,
        %parallel_loop3A_532 = vector.extract_strided_slice %parallel_loop3A_500 {offsets = [4], sizes = [1], strides = [1]} : vector<16xf32> to vector<1xf32>
        %parallel_loop3A_533 = vector.extract %parallel_loop3A_532[0] : f32 from vector<1xf32>
        %parallel_loop3A_534 = vector.broadcast %parallel_loop3A_533 : f32 to vector<16xf32>
        %parallel_loop3A_535 = arith.mulf %parallel_loop3A_407, %parallel_loop3A_534 : vector<16xf32>
        %parallel_loop3A_536 = arith.index_cast %parallel_loop3A_391 : i32 to index
        %parallel_loop3A_537 = arith.constant 64 : index
        %parallel_loop3A_538 = tpu.vector_load %arg16[%parallel_loop3A_536, %parallel_loop3A_537] {strides = array<i32>} : memref<40x80xf32, #tpu.memory_space<vmem>>, vector<16xf32>,
        tpu.vector_store %arg16[%parallel_loop3A_536, %parallel_loop3A_537], %parallel_loop3A_535 {strides = array<i32>} : memref<40x80xf32, #tpu.memory_space<vmem>>, vector<16xf32>,
      } {sc.loop_unroll_factor = 2 : i64, sc.parallel_access}
      %dma_start3A_268 = arith.constant 3 : i32
      %dma_start3A_269 = arith.constant 0 : i32
      %dma_start3A_270 = tpu.memref_slice %arg12[%dma_start3A_268, %dma_start3A_269] : memref<5x40xi32, #tpu.memory_space<vmem>> -> memref<1x40xi32, #tpu.memory_space<vmem>>
      %dma_start3A_271 = tpu.memref_squeeze %dma_start3A_270 : memref<1x40xi32, #tpu.memory_space<vmem>> -> memref<40xi32, #tpu.memory_space<vmem>>
      %dma_start3A_272 = arith.constant 0 : i32
      %dma_start3A_273 = arith.constant 0 : i32
      %dma_start3A_274 = tpu.memref_slice %arg29[%dma_start3A_272, %dma_start3A_273] : memref<10240x80xf32, #tpu.memory_space<vmem_shared>> -> memref<10240x80xf32, #tpu.memory_space<vmem_shared>>
      tpu.enqueue_indirect_dma source(%arg16 : memref<40x80xf32, #tpu.memory_space<vmem>>) target(%dma_start3A_274 : memref<10240x80xf32, #tpu.memory_space<vmem_shared>>) offsets(%dma_start3A_271 : memref<40xi32, #tpu.memory_space<vmem>>) semaphore(%arg34 : memref<!tpu.dma_semaphore, #tpu.memory_space<semaphore_mem>>) {add = true}
      %dma_start3A_275 = arith.constant 3 : i32
      %dma_start3A_276 = arith.constant 0 : i32
      %dma_start3A_277 = tpu.memref_slice %arg12[%dma_start3A_275, %dma_start3A_276] : memref<5x40xi32, #tpu.memory_space<vmem>> -> memref<1x40xi32, #tpu.memory_space<vmem>>
      %dma_start3A_278 = tpu.memref_squeeze %dma_start3A_277 : memref<1x40xi32, #tpu.memory_space<vmem>> -> memref<40xi32, #tpu.memory_space<vmem>>
      %dma_start3A_279 = arith.constant 0 : i32
      %dma_start3A_280 = arith.constant 0 : i32
      %dma_start3A_281 = tpu.memref_slice %arg30[%dma_start3A_279, %dma_start3A_280] : memref<10240x16xf32, #tpu.memory_space<vmem_shared>> -> memref<10240x16xf32, #tpu.memory_space<vmem_shared>>
      tpu.enqueue_indirect_dma source(%arg26 : memref<40x16xf32, #tpu.memory_space<vmem>>) target(%dma_start3A_281 : memref<10240x16xf32, #tpu.memory_space<vmem_shared>>) offsets(%dma_start3A_278 : memref<40xi32, #tpu.memory_space<vmem>>) semaphore(%arg39 : memref<!tpu.dma_semaphore, #tpu.memory_space<semaphore_mem>>) {add = true}
      %dma_wait3A_282 = arith.constant 4 : i32
      %dma_wait3A_283 = arith.constant 0 : i32
      %dma_wait3A_284 = tpu.memref_slice %arg11[%dma_wait3A_282, %dma_wait3A_283] : memref<5x40xi32, #tpu.memory_space<vmem>> -> memref<1x40xi32, #tpu.memory_space<vmem>>
      %dma_wait3A_285 = tpu.memref_squeeze %dma_wait3A_284 : memref<1x40xi32, #tpu.memory_space<vmem>> -> memref<40xi32, #tpu.memory_space<vmem>>
      %dma_wait3A_286 = arith.constant 0 : i32
      %dma_wait3A_287 = arith.constant 0 : i32
      %dma_wait3A_288 = tpu.memref_slice %arg2[%arg0, %dma_wait3A_286, %dma_wait3A_287] : memref<2x10000x80xf32, #tpu.memory_space<hbm>> -> memref<1x10000x80xf32, #tpu.memory_space<hbm>>
      %dma_wait3A_289 = tpu.memref_squeeze %dma_wait3A_288 : memref<1x10000x80xf32, #tpu.memory_space<hbm>> -> memref<10000x80xf32, #tpu.memory_space<hbm>>
      %dma_wait3A_290 = arith.constant 0 : i32
      %dma_wait3A_291 = arith.constant 0 : i32
      %dma_wait3A_292 = tpu.memref_slice %dma_wait3A_289[%dma_wait3A_290, %dma_wait3A_291] : memref<10000x80xf32, #tpu.memory_space<hbm>> -> memref<10000x80xf32, #tpu.memory_space<hbm>>
      tpu.wait_indirect_dma semaphore(%arg35 : memref<!tpu.dma_semaphore, #tpu.memory_space<semaphore_mem>>) src(%dma_wait3A_292 : memref<10000x80xf32, #tpu.memory_space<hbm>>) dst(%arg17 : memref<40x80xf32, #tpu.memory_space<vmem>>)
      %dma_wait3A_293 = arith.constant 4 : i32
      %dma_wait3A_294 = arith.constant 0 : i32
      %dma_wait3A_295 = tpu.memref_slice %arg12[%dma_wait3A_293, %dma_wait3A_294] : memref<5x40xi32, #tpu.memory_space<vmem>> -> memref<1x40xi32, #tpu.memory_space<vmem>>
      %dma_wait3A_296 = tpu.memref_squeeze %dma_wait3A_295 : memref<1x40xi32, #tpu.memory_space<vmem>> -> memref<40xi32, #tpu.memory_space<vmem>>
      %dma_wait3A_297 = arith.constant 0 : i32
      %dma_wait3A_298 = arith.constant 0 : i32
      %dma_wait3A_299 = tpu.memref_slice %arg3[%arg0, %dma_wait3A_297, %dma_wait3A_298] : memref<2x10000x80xf32, #tpu.memory_space<hbm>> -> memref<1x10000x80xf32, #tpu.memory_space<hbm>>
      %dma_wait3A_300 = tpu.memref_squeeze %dma_wait3A_299 : memref<1x10000x80xf32, #tpu.memory_space<hbm>> -> memref<10000x80xf32, #tpu.memory_space<hbm>>
      %dma_wait3A_301 = arith.constant 0 : i32
      %dma_wait3A_302 = arith.constant 0 : i32
      %dma_wait3A_303 = tpu.memref_slice %dma_wait3A_300[%dma_wait3A_301, %dma_wait3A_302] : memref<10000x80xf32, #tpu.memory_space<hbm>> -> memref<10000x80xf32, #tpu.memory_space<hbm>>
      tpu.wait_indirect_dma semaphore(%arg35 : memref<!tpu.dma_semaphore, #tpu.memory_space<semaphore_mem>>) src(%dma_wait3A_303 : memref<10000x80xf32, #tpu.memory_space<hbm>>) dst(%arg22 : memref<40x80xf32, #tpu.memory_space<vmem>>)
      %parallel_loop3A_304 = arith.constant 0 : i32
      %parallel_loop3A_305 = arith.constant 40 : i32
      %parallel_loop3A_306 = arith.constant 1 : i32
      scf.for %parallel_loop3A_391 = %parallel_loop3A_304 to %parallel_loop3A_305 step %parallel_loop3A_306  : i32 {
        %parallel_loop3A_392 = tpu.iota {dimensions = array<i32: 0>} : vector<16xi32>
        %parallel_loop3A_393 = arith.index_cast %parallel_loop3A_391 : i32 to index
        %parallel_loop3A_394 = arith.constant 0 : index
        %parallel_loop3A_395 = tpu.vector_load %arg17[%parallel_loop3A_393, %parallel_loop3A_394] {strides = array<i32>} : memref<40x80xf32, #tpu.memory_space<vmem>>, vector<16xf32>,
        %parallel_loop3A_396 = arith.index_cast %parallel_loop3A_391 : i32 to index
        %parallel_loop3A_397 = arith.constant 16 : index
        %parallel_loop3A_398 = tpu.vector_load %arg17[%parallel_loop3A_396, %parallel_loop3A_397] {strides = array<i32>} : memref<40x80xf32, #tpu.memory_space<vmem>>, vector<16xf32>,
        %parallel_loop3A_399 = arith.index_cast %parallel_loop3A_391 : i32 to index
        %parallel_loop3A_400 = arith.constant 32 : index
        %parallel_loop3A_401 = tpu.vector_load %arg17[%parallel_loop3A_399, %parallel_loop3A_400] {strides = array<i32>} : memref<40x80xf32, #tpu.memory_space<vmem>>, vector<16xf32>,
        %parallel_loop3A_402 = arith.index_cast %parallel_loop3A_391 : i32 to index
        %parallel_loop3A_403 = arith.constant 48 : index
        %parallel_loop3A_404 = tpu.vector_load %arg17[%parallel_loop3A_402, %parallel_loop3A_403] {strides = array<i32>} : memref<40x80xf32, #tpu.memory_space<vmem>>, vector<16xf32>,
        %parallel_loop3A_405 = arith.index_cast %parallel_loop3A_391 : i32 to index
        %parallel_loop3A_406 = arith.constant 64 : index
        %parallel_loop3A_407 = tpu.vector_load %arg17[%parallel_loop3A_405, %parallel_loop3A_406] {strides = array<i32>} : memref<40x80xf32, #tpu.memory_space<vmem>>, vector<16xf32>,
        %parallel_loop3A_408 = arith.constant 0.000000e+00 : f32
        %parallel_loop3A_409 = vector.broadcast %parallel_loop3A_408 : f32 to vector<16xf32>
        %parallel_loop3A_410 = arith.index_cast %parallel_loop3A_391 : i32 to index
        %parallel_loop3A_411 = arith.constant 0 : index
        %parallel_loop3A_412 = tpu.vector_load %arg22[%parallel_loop3A_410, %parallel_loop3A_411] {strides = array<i32>} : memref<40x80xf32, #tpu.memory_space<vmem>>, vector<16xf32>,
        %parallel_loop3A_413 = arith.addf %parallel_loop3A_395, %parallel_loop3A_412 : vector<16xf32>
        %parallel_loop3A_414 = arith.constant 2.000000e-01 : f32
        %parallel_loop3A_415 = vector.broadcast %parallel_loop3A_414 : f32 to vector<16xf32>
        %parallel_loop3A_416 = arith.mulf %parallel_loop3A_415, %parallel_loop3A_413 : vector<16xf32>
        %parallel_loop3A_417 = arith.maximumf %parallel_loop3A_413, %parallel_loop3A_416 : vector<16xf32>
        %parallel_loop3A_418 = arith.mulf %parallel_loop3A_417, %get3A_1 : vector<16xf32>
        %parallel_loop3A_419 = arith.constant true
        %parallel_loop3A_420 = vector.broadcast %parallel_loop3A_419 : i1 to vector<16xi1>
        %parallel_loop3A_421 = tpu.scan <sum>, %parallel_loop3A_418 masked %parallel_loop3A_420 : vector<16xf32>, vector<16xi1> -> vector<16xf32>
        %parallel_loop3A_422 = vector.extract %parallel_loop3A_421[15] : f32 from vector<16xf32>
        %parallel_loop3A_423 = arith.constant 0 : i32
        %parallel_loop3A_424 = vector.broadcast %parallel_loop3A_423 : i32 to vector<16xi32>
        %parallel_loop3A_425 = arith.cmpi eq, %parallel_loop3A_392, %parallel_loop3A_424 : vector<16xi32>
        %parallel_loop3A_426 = vector.broadcast %parallel_loop3A_422 : f32 to vector<16xf32>
        %parallel_loop3A_427 = arith.select %parallel_loop3A_425, %parallel_loop3A_426, %parallel_loop3A_409 : vector<16xi1>, vector<16xf32>
        %parallel_loop3A_428 = arith.index_cast %parallel_loop3A_391 : i32 to index
        %parallel_loop3A_429 = arith.constant 16 : index
        %parallel_loop3A_430 = tpu.vector_load %arg22[%parallel_loop3A_428, %parallel_loop3A_429] {strides = array<i32>} : memref<40x80xf32, #tpu.memory_space<vmem>>, vector<16xf32>,
        %parallel_loop3A_431 = arith.addf %parallel_loop3A_398, %parallel_loop3A_430 : vector<16xf32>
        %parallel_loop3A_432 = arith.constant 2.000000e-01 : f32
        %parallel_loop3A_433 = vector.broadcast %parallel_loop3A_432 : f32 to vector<16xf32>
        %parallel_loop3A_434 = arith.mulf %parallel_loop3A_433, %parallel_loop3A_431 : vector<16xf32>
        %parallel_loop3A_435 = arith.maximumf %parallel_loop3A_431, %parallel_loop3A_434 : vector<16xf32>
        %parallel_loop3A_436 = arith.mulf %parallel_loop3A_435, %get3A_3 : vector<16xf32>
        %parallel_loop3A_437 = arith.constant true
        %parallel_loop3A_438 = vector.broadcast %parallel_loop3A_437 : i1 to vector<16xi1>
        %parallel_loop3A_439 = tpu.scan <sum>, %parallel_loop3A_436 masked %parallel_loop3A_438 : vector<16xf32>, vector<16xi1> -> vector<16xf32>
        %parallel_loop3A_440 = vector.extract %parallel_loop3A_439[15] : f32 from vector<16xf32>
        %parallel_loop3A_441 = arith.constant 1 : i32
        %parallel_loop3A_442 = vector.broadcast %parallel_loop3A_441 : i32 to vector<16xi32>
        %parallel_loop3A_443 = arith.cmpi eq, %parallel_loop3A_392, %parallel_loop3A_442 : vector<16xi32>
        %parallel_loop3A_444 = vector.broadcast %parallel_loop3A_440 : f32 to vector<16xf32>
        %parallel_loop3A_445 = arith.select %parallel_loop3A_443, %parallel_loop3A_444, %parallel_loop3A_427 : vector<16xi1>, vector<16xf32>
        %parallel_loop3A_446 = arith.index_cast %parallel_loop3A_391 : i32 to index
        %parallel_loop3A_447 = arith.constant 32 : index
        %parallel_loop3A_448 = tpu.vector_load %arg22[%parallel_loop3A_446, %parallel_loop3A_447] {strides = array<i32>} : memref<40x80xf32, #tpu.memory_space<vmem>>, vector<16xf32>,
        %parallel_loop3A_449 = arith.addf %parallel_loop3A_401, %parallel_loop3A_448 : vector<16xf32>
        %parallel_loop3A_450 = arith.constant 2.000000e-01 : f32
        %parallel_loop3A_451 = vector.broadcast %parallel_loop3A_450 : f32 to vector<16xf32>
        %parallel_loop3A_452 = arith.mulf %parallel_loop3A_451, %parallel_loop3A_449 : vector<16xf32>
        %parallel_loop3A_453 = arith.maximumf %parallel_loop3A_449, %parallel_loop3A_452 : vector<16xf32>
        %parallel_loop3A_454 = arith.mulf %parallel_loop3A_453, %get3A_5 : vector<16xf32>
        %parallel_loop3A_455 = arith.constant true
        %parallel_loop3A_456 = vector.broadcast %parallel_loop3A_455 : i1 to vector<16xi1>
        %parallel_loop3A_457 = tpu.scan <sum>, %parallel_loop3A_454 masked %parallel_loop3A_456 : vector<16xf32>, vector<16xi1> -> vector<16xf32>
        %parallel_loop3A_458 = vector.extract %parallel_loop3A_457[15] : f32 from vector<16xf32>
        %parallel_loop3A_459 = arith.constant 2 : i32
        %parallel_loop3A_460 = vector.broadcast %parallel_loop3A_459 : i32 to vector<16xi32>
        %parallel_loop3A_461 = arith.cmpi eq, %parallel_loop3A_392, %parallel_loop3A_460 : vector<16xi32>
        %parallel_loop3A_462 = vector.broadcast %parallel_loop3A_458 : f32 to vector<16xf32>
        %parallel_loop3A_463 = arith.select %parallel_loop3A_461, %parallel_loop3A_462, %parallel_loop3A_445 : vector<16xi1>, vector<16xf32>
        %parallel_loop3A_464 = arith.index_cast %parallel_loop3A_391 : i32 to index
        %parallel_loop3A_465 = arith.constant 48 : index
        %parallel_loop3A_466 = tpu.vector_load %arg22[%parallel_loop3A_464, %parallel_loop3A_465] {strides = array<i32>} : memref<40x80xf32, #tpu.memory_space<vmem>>, vector<16xf32>,
        %parallel_loop3A_467 = arith.addf %parallel_loop3A_404, %parallel_loop3A_466 : vector<16xf32>
        %parallel_loop3A_468 = arith.constant 2.000000e-01 : f32
        %parallel_loop3A_469 = vector.broadcast %parallel_loop3A_468 : f32 to vector<16xf32>
        %parallel_loop3A_470 = arith.mulf %parallel_loop3A_469, %parallel_loop3A_467 : vector<16xf32>
        %parallel_loop3A_471 = arith.maximumf %parallel_loop3A_467, %parallel_loop3A_470 : vector<16xf32>
        %parallel_loop3A_472 = arith.mulf %parallel_loop3A_471, %get3A_7 : vector<16xf32>
        %parallel_loop3A_473 = arith.constant true
        %parallel_loop3A_474 = vector.broadcast %parallel_loop3A_473 : i1 to vector<16xi1>
        %parallel_loop3A_475 = tpu.scan <sum>, %parallel_loop3A_472 masked %parallel_loop3A_474 : vector<16xf32>, vector<16xi1> -> vector<16xf32>
        %parallel_loop3A_476 = vector.extract %parallel_loop3A_475[15] : f32 from vector<16xf32>
        %parallel_loop3A_477 = arith.constant 3 : i32
        %parallel_loop3A_478 = vector.broadcast %parallel_loop3A_477 : i32 to vector<16xi32>
        %parallel_loop3A_479 = arith.cmpi eq, %parallel_loop3A_392, %parallel_loop3A_478 : vector<16xi32>
        %parallel_loop3A_480 = vector.broadcast %parallel_loop3A_476 : f32 to vector<16xf32>
        %parallel_loop3A_481 = arith.select %parallel_loop3A_479, %parallel_loop3A_480, %parallel_loop3A_463 : vector<16xi1>, vector<16xf32>
        %parallel_loop3A_482 = arith.index_cast %parallel_loop3A_391 : i32 to index
        %parallel_loop3A_483 = arith.constant 64 : index
        %parallel_loop3A_484 = tpu.vector_load %arg22[%parallel_loop3A_482, %parallel_loop3A_483] {strides = array<i32>} : memref<40x80xf32, #tpu.memory_space<vmem>>, vector<16xf32>,
        %parallel_loop3A_485 = arith.addf %parallel_loop3A_407, %parallel_loop3A_484 : vector<16xf32>
        %parallel_loop3A_486 = arith.constant 2.000000e-01 : f32
        %parallel_loop3A_487 = vector.broadcast %parallel_loop3A_486 : f32 to vector<16xf32>
        %parallel_loop3A_488 = arith.mulf %parallel_loop3A_487, %parallel_loop3A_485 : vector<16xf32>
        %parallel_loop3A_489 = arith.maximumf %parallel_loop3A_485, %parallel_loop3A_488 : vector<16xf32>
        %parallel_loop3A_490 = arith.mulf %parallel_loop3A_489, %get3A_9 : vector<16xf32>
        %parallel_loop3A_491 = arith.constant true
        %parallel_loop3A_492 = vector.broadcast %parallel_loop3A_491 : i1 to vector<16xi1>
        %parallel_loop3A_493 = tpu.scan <sum>, %parallel_loop3A_490 masked %parallel_loop3A_492 : vector<16xf32>, vector<16xi1> -> vector<16xf32>
        %parallel_loop3A_494 = vector.extract %parallel_loop3A_493[15] : f32 from vector<16xf32>
        %parallel_loop3A_495 = arith.constant 4 : i32
        %parallel_loop3A_496 = vector.broadcast %parallel_loop3A_495 : i32 to vector<16xi32>
        %parallel_loop3A_497 = arith.cmpi eq, %parallel_loop3A_392, %parallel_loop3A_496 : vector<16xi32>
        %parallel_loop3A_498 = vector.broadcast %parallel_loop3A_494 : f32 to vector<16xf32>
        %parallel_loop3A_499 = arith.select %parallel_loop3A_497, %parallel_loop3A_498, %parallel_loop3A_481 : vector<16xi1>, vector<16xf32>
        %parallel_loop3A_500 = math.exp %parallel_loop3A_499 : vector<16xf32>
        %parallel_loop3A_501 = arith.index_cast %parallel_loop3A_391 : i32 to index
        %parallel_loop3A_502 = arith.constant 0 : index
        %parallel_loop3A_503 = tpu.vector_load %arg27[%parallel_loop3A_501, %parallel_loop3A_502] {strides = array<i32>} : memref<40x16xf32, #tpu.memory_space<vmem>>, vector<16xf32>,
        tpu.vector_store %arg27[%parallel_loop3A_501, %parallel_loop3A_502], %parallel_loop3A_500 {strides = array<i32>} : memref<40x16xf32, #tpu.memory_space<vmem>>, vector<16xf32>,
        %parallel_loop3A_504 = vector.extract_strided_slice %parallel_loop3A_500 {offsets = [0], sizes = [1], strides = [1]} : vector<16xf32> to vector<1xf32>
        %parallel_loop3A_505 = vector.extract %parallel_loop3A_504[0] : f32 from vector<1xf32>
        %parallel_loop3A_506 = vector.broadcast %parallel_loop3A_505 : f32 to vector<16xf32>
        %parallel_loop3A_507 = arith.mulf %parallel_loop3A_395, %parallel_loop3A_506 : vector<16xf32>
        %parallel_loop3A_508 = arith.index_cast %parallel_loop3A_391 : i32 to index
        %parallel_loop3A_509 = arith.constant 0 : index
        %parallel_loop3A_510 = tpu.vector_load %arg17[%parallel_loop3A_508, %parallel_loop3A_509] {strides = array<i32>} : memref<40x80xf32, #tpu.memory_space<vmem>>, vector<16xf32>,
        tpu.vector_store %arg17[%parallel_loop3A_508, %parallel_loop3A_509], %parallel_loop3A_507 {strides = array<i32>} : memref<40x80xf32, #tpu.memory_space<vmem>>, vector<16xf32>,
        %parallel_loop3A_511 = vector.extract_strided_slice %parallel_loop3A_500 {offsets = [1], sizes = [1], strides = [1]} : vector<16xf32> to vector<1xf32>
        %parallel_loop3A_512 = vector.extract %parallel_loop3A_511[0] : f32 from vector<1xf32>
        %parallel_loop3A_513 = vector.broadcast %parallel_loop3A_512 : f32 to vector<16xf32>
        %parallel_loop3A_514 = arith.mulf %parallel_loop3A_398, %parallel_loop3A_513 : vector<16xf32>
        %parallel_loop3A_515 = arith.index_cast %parallel_loop3A_391 : i32 to index
        %parallel_loop3A_516 = arith.constant 16 : index
        %parallel_loop3A_517 = tpu.vector_load %arg17[%parallel_loop3A_515, %parallel_loop3A_516] {strides = array<i32>} : memref<40x80xf32, #tpu.memory_space<vmem>>, vector<16xf32>,
        tpu.vector_store %arg17[%parallel_loop3A_515, %parallel_loop3A_516], %parallel_loop3A_514 {strides = array<i32>} : memref<40x80xf32, #tpu.memory_space<vmem>>, vector<16xf32>,
        %parallel_loop3A_518 = vector.extract_strided_slice %parallel_loop3A_500 {offsets = [2], sizes = [1], strides = [1]} : vector<16xf32> to vector<1xf32>
        %parallel_loop3A_519 = vector.extract %parallel_loop3A_518[0] : f32 from vector<1xf32>
        %parallel_loop3A_520 = vector.broadcast %parallel_loop3A_519 : f32 to vector<16xf32>
        %parallel_loop3A_521 = arith.mulf %parallel_loop3A_401, %parallel_loop3A_520 : vector<16xf32>
        %parallel_loop3A_522 = arith.index_cast %parallel_loop3A_391 : i32 to index
        %parallel_loop3A_523 = arith.constant 32 : index
        %parallel_loop3A_524 = tpu.vector_load %arg17[%parallel_loop3A_522, %parallel_loop3A_523] {strides = array<i32>} : memref<40x80xf32, #tpu.memory_space<vmem>>, vector<16xf32>,
        tpu.vector_store %arg17[%parallel_loop3A_522, %parallel_loop3A_523], %parallel_loop3A_521 {strides = array<i32>} : memref<40x80xf32, #tpu.memory_space<vmem>>, vector<16xf32>,
        %parallel_loop3A_525 = vector.extract_strided_slice %parallel_loop3A_500 {offsets = [3], sizes = [1], strides = [1]} : vector<16xf32> to vector<1xf32>
        %parallel_loop3A_526 = vector.extract %parallel_loop3A_525[0] : f32 from vector<1xf32>
        %parallel_loop3A_527 = vector.broadcast %parallel_loop3A_526 : f32 to vector<16xf32>
        %parallel_loop3A_528 = arith.mulf %parallel_loop3A_404, %parallel_loop3A_527 : vector<16xf32>
        %parallel_loop3A_529 = arith.index_cast %parallel_loop3A_391 : i32 to index
        %parallel_loop3A_530 = arith.constant 48 : index
        %parallel_loop3A_531 = tpu.vector_load %arg17[%parallel_loop3A_529, %parallel_loop3A_530] {strides = array<i32>} : memref<40x80xf32, #tpu.memory_space<vmem>>, vector<16xf32>,
        tpu.vector_store %arg17[%parallel_loop3A_529, %parallel_loop3A_530], %parallel_loop3A_528 {strides = array<i32>} : memref<40x80xf32, #tpu.memory_space<vmem>>, vector<16xf32>,
        %parallel_loop3A_532 = vector.extract_strided_slice %parallel_loop3A_500 {offsets = [4], sizes = [1], strides = [1]} : vector<16xf32> to vector<1xf32>
        %parallel_loop3A_533 = vector.extract %parallel_loop3A_532[0] : f32 from vector<1xf32>
        %parallel_loop3A_534 = vector.broadcast %parallel_loop3A_533 : f32 to vector<16xf32>
        %parallel_loop3A_535 = arith.mulf %parallel_loop3A_407, %parallel_loop3A_534 : vector<16xf32>
        %parallel_loop3A_536 = arith.index_cast %parallel_loop3A_391 : i32 to index
        %parallel_loop3A_537 = arith.constant 64 : index
        %parallel_loop3A_538 = tpu.vector_load %arg17[%parallel_loop3A_536, %parallel_loop3A_537] {strides = array<i32>} : memref<40x80xf32, #tpu.memory_space<vmem>>, vector<16xf32>,
        tpu.vector_store %arg17[%parallel_loop3A_536, %parallel_loop3A_537], %parallel_loop3A_535 {strides = array<i32>} : memref<40x80xf32, #tpu.memory_space<vmem>>, vector<16xf32>,
      } {sc.loop_unroll_factor = 2 : i64, sc.parallel_access}
      %dma_start3A_307 = arith.constant 4 : i32
      %dma_start3A_308 = arith.constant 0 : i32
      %dma_start3A_309 = tpu.memref_slice %arg12[%dma_start3A_307, %dma_start3A_308] : memref<5x40xi32, #tpu.memory_space<vmem>> -> memref<1x40xi32, #tpu.memory_space<vmem>>
      %dma_start3A_310 = tpu.memref_squeeze %dma_start3A_309 : memref<1x40xi32, #tpu.memory_space<vmem>> -> memref<40xi32, #tpu.memory_space<vmem>>
      %dma_start3A_311 = arith.constant 0 : i32
      %dma_start3A_312 = arith.constant 0 : i32
      %dma_start3A_313 = tpu.memref_slice %arg29[%dma_start3A_311, %dma_start3A_312] : memref<10240x80xf32, #tpu.memory_space<vmem_shared>> -> memref<10240x80xf32, #tpu.memory_space<vmem_shared>>
      tpu.enqueue_indirect_dma source(%arg17 : memref<40x80xf32, #tpu.memory_space<vmem>>) target(%dma_start3A_313 : memref<10240x80xf32, #tpu.memory_space<vmem_shared>>) offsets(%dma_start3A_310 : memref<40xi32, #tpu.memory_space<vmem>>) semaphore(%arg35 : memref<!tpu.dma_semaphore, #tpu.memory_space<semaphore_mem>>) {add = true}
      %dma_start3A_314 = arith.constant 4 : i32
      %dma_start3A_315 = arith.constant 0 : i32
      %dma_start3A_316 = tpu.memref_slice %arg12[%dma_start3A_314, %dma_start3A_315] : memref<5x40xi32, #tpu.memory_space<vmem>> -> memref<1x40xi32, #tpu.memory_space<vmem>>
      %dma_start3A_317 = tpu.memref_squeeze %dma_start3A_316 : memref<1x40xi32, #tpu.memory_space<vmem>> -> memref<40xi32, #tpu.memory_space<vmem>>
      %dma_start3A_318 = arith.constant 0 : i32
      %dma_start3A_319 = arith.constant 0 : i32
      %dma_start3A_320 = tpu.memref_slice %arg30[%dma_start3A_318, %dma_start3A_319] : memref<10240x16xf32, #tpu.memory_space<vmem_shared>> -> memref<10240x16xf32, #tpu.memory_space<vmem_shared>>
      tpu.enqueue_indirect_dma source(%arg27 : memref<40x16xf32, #tpu.memory_space<vmem>>) target(%dma_start3A_320 : memref<10240x16xf32, #tpu.memory_space<vmem_shared>>) offsets(%dma_start3A_317 : memref<40xi32, #tpu.memory_space<vmem>>) semaphore(%arg40 : memref<!tpu.dma_semaphore, #tpu.memory_space<semaphore_mem>>) {add = true}
      %dma_wait3A_321 = arith.constant 0 : i32
      %dma_wait3A_322 = arith.constant 0 : i32
      %dma_wait3A_323 = tpu.memref_slice %arg12[%dma_wait3A_321, %dma_wait3A_322] : memref<5x40xi32, #tpu.memory_space<vmem>> -> memref<1x40xi32, #tpu.memory_space<vmem>>
      %dma_wait3A_324 = tpu.memref_squeeze %dma_wait3A_323 : memref<1x40xi32, #tpu.memory_space<vmem>> -> memref<40xi32, #tpu.memory_space<vmem>>
      %dma_wait3A_325 = arith.constant 0 : i32
      %dma_wait3A_326 = arith.constant 0 : i32
      %dma_wait3A_327 = tpu.memref_slice %arg29[%dma_wait3A_325, %dma_wait3A_326] : memref<10240x80xf32, #tpu.memory_space<vmem_shared>> -> memref<10240x80xf32, #tpu.memory_space<vmem_shared>>
      tpu.wait_indirect_dma semaphore(%arg31 : memref<!tpu.dma_semaphore, #tpu.memory_space<semaphore_mem>>) src(%arg13 : memref<40x80xf32, #tpu.memory_space<vmem>>) dst(%dma_wait3A_327 : memref<10240x80xf32, #tpu.memory_space<vmem_shared>>)
      %dma_wait3A_328 = arith.constant 0 : i32
      %dma_wait3A_329 = arith.constant 0 : i32
      %dma_wait3A_330 = tpu.memref_slice %arg12[%dma_wait3A_328, %dma_wait3A_329] : memref<5x40xi32, #tpu.memory_space<vmem>> -> memref<1x40xi32, #tpu.memory_space<vmem>>
      %dma_wait3A_331 = tpu.memref_squeeze %dma_wait3A_330 : memref<1x40xi32, #tpu.memory_space<vmem>> -> memref<40xi32, #tpu.memory_space<vmem>>
      %dma_wait3A_332 = arith.constant 0 : i32
      %dma_wait3A_333 = arith.constant 0 : i32
      %dma_wait3A_334 = tpu.memref_slice %arg30[%dma_wait3A_332, %dma_wait3A_333] : memref<10240x16xf32, #tpu.memory_space<vmem_shared>> -> memref<10240x16xf32, #tpu.memory_space<vmem_shared>>
      tpu.wait_indirect_dma semaphore(%arg36 : memref<!tpu.dma_semaphore, #tpu.memory_space<semaphore_mem>>) src(%arg23 : memref<40x16xf32, #tpu.memory_space<vmem>>) dst(%dma_wait3A_334 : memref<10240x16xf32, #tpu.memory_space<vmem_shared>>)
      %dma_wait3A_335 = arith.constant 1 : i32
      %dma_wait3A_336 = arith.constant 0 : i32
      %dma_wait3A_337 = tpu.memref_slice %arg12[%dma_wait3A_335, %dma_wait3A_336] : memref<5x40xi32, #tpu.memory_space<vmem>> -> memref<1x40xi32, #tpu.memory_space<vmem>>
      %dma_wait3A_338 = tpu.memref_squeeze %dma_wait3A_337 : memref<1x40xi32, #tpu.memory_space<vmem>> -> memref<40xi32, #tpu.memory_space<vmem>>
      %dma_wait3A_339 = arith.constant 0 : i32
      %dma_wait3A_340 = arith.constant 0 : i32
      %dma_wait3A_341 = tpu.memref_slice %arg29[%dma_wait3A_339, %dma_wait3A_340] : memref<10240x80xf32, #tpu.memory_space<vmem_shared>> -> memref<10240x80xf32, #tpu.memory_space<vmem_shared>>
      tpu.wait_indirect_dma semaphore(%arg32 : memref<!tpu.dma_semaphore, #tpu.memory_space<semaphore_mem>>) src(%arg14 : memref<40x80xf32, #tpu.memory_space<vmem>>) dst(%dma_wait3A_341 : memref<10240x80xf32, #tpu.memory_space<vmem_shared>>)
      %dma_wait3A_342 = arith.constant 1 : i32
      %dma_wait3A_343 = arith.constant 0 : i32
      %dma_wait3A_344 = tpu.memref_slice %arg12[%dma_wait3A_342, %dma_wait3A_343] : memref<5x40xi32, #tpu.memory_space<vmem>> -> memref<1x40xi32, #tpu.memory_space<vmem>>
      %dma_wait3A_345 = tpu.memref_squeeze %dma_wait3A_344 : memref<1x40xi32, #tpu.memory_space<vmem>> -> memref<40xi32, #tpu.memory_space<vmem>>
      %dma_wait3A_346 = arith.constant 0 : i32
      %dma_wait3A_347 = arith.constant 0 : i32
      %dma_wait3A_348 = tpu.memref_slice %arg30[%dma_wait3A_346, %dma_wait3A_347] : memref<10240x16xf32, #tpu.memory_space<vmem_shared>> -> memref<10240x16xf32, #tpu.memory_space<vmem_shared>>
      tpu.wait_indirect_dma semaphore(%arg37 : memref<!tpu.dma_semaphore, #tpu.memory_space<semaphore_mem>>) src(%arg24 : memref<40x16xf32, #tpu.memory_space<vmem>>) dst(%dma_wait3A_348 : memref<10240x16xf32, #tpu.memory_space<vmem_shared>>)
      %dma_wait3A_349 = arith.constant 2 : i32
      %dma_wait3A_350 = arith.constant 0 : i32
      %dma_wait3A_351 = tpu.memref_slice %arg12[%dma_wait3A_349, %dma_wait3A_350] : memref<5x40xi32, #tpu.memory_space<vmem>> -> memref<1x40xi32, #tpu.memory_space<vmem>>
      %dma_wait3A_352 = tpu.memref_squeeze %dma_wait3A_351 : memref<1x40xi32, #tpu.memory_space<vmem>> -> memref<40xi32, #tpu.memory_space<vmem>>
      %dma_wait3A_353 = arith.constant 0 : i32
      %dma_wait3A_354 = arith.constant 0 : i32
      %dma_wait3A_355 = tpu.memref_slice %arg29[%dma_wait3A_353, %dma_wait3A_354] : memref<10240x80xf32, #tpu.memory_space<vmem_shared>> -> memref<10240x80xf32, #tpu.memory_space<vmem_shared>>
      tpu.wait_indirect_dma semaphore(%arg33 : memref<!tpu.dma_semaphore, #tpu.memory_space<semaphore_mem>>) src(%arg15 : memref<40x80xf32, #tpu.memory_space<vmem>>) dst(%dma_wait3A_355 : memref<10240x80xf32, #tpu.memory_space<vmem_shared>>)
      %dma_wait3A_356 = arith.constant 2 : i32
      %dma_wait3A_357 = arith.constant 0 : i32
      %dma_wait3A_358 = tpu.memref_slice %arg12[%dma_wait3A_356, %dma_wait3A_357] : memref<5x40xi32, #tpu.memory_space<vmem>> -> memref<1x40xi32, #tpu.memory_space<vmem>>
      %dma_wait3A_359 = tpu.memref_squeeze %dma_wait3A_358 : memref<1x40xi32, #tpu.memory_space<vmem>> -> memref<40xi32, #tpu.memory_space<vmem>>
      %dma_wait3A_360 = arith.constant 0 : i32
      %dma_wait3A_361 = arith.constant 0 : i32
      %dma_wait3A_362 = tpu.memref_slice %arg30[%dma_wait3A_360, %dma_wait3A_361] : memref<10240x16xf32, #tpu.memory_space<vmem_shared>> -> memref<10240x16xf32, #tpu.memory_space<vmem_shared>>
      tpu.wait_indirect_dma semaphore(%arg38 : memref<!tpu.dma_semaphore, #tpu.memory_space<semaphore_mem>>) src(%arg25 : memref<40x16xf32, #tpu.memory_space<vmem>>) dst(%dma_wait3A_362 : memref<10240x16xf32, #tpu.memory_space<vmem_shared>>)
      %dma_wait3A_363 = arith.constant 3 : i32
      %dma_wait3A_364 = arith.constant 0 : i32
      %dma_wait3A_365 = tpu.memref_slice %arg12[%dma_wait3A_363, %dma_wait3A_364] : memref<5x40xi32, #tpu.memory_space<vmem>> -> memref<1x40xi32, #tpu.memory_space<vmem>>
      %dma_wait3A_366 = tpu.memref_squeeze %dma_wait3A_365 : memref<1x40xi32, #tpu.memory_space<vmem>> -> memref<40xi32, #tpu.memory_space<vmem>>
      %dma_wait3A_367 = arith.constant 0 : i32
      %dma_wait3A_368 = arith.constant 0 : i32
      %dma_wait3A_369 = tpu.memref_slice %arg29[%dma_wait3A_367, %dma_wait3A_368] : memref<10240x80xf32, #tpu.memory_space<vmem_shared>> -> memref<10240x80xf32, #tpu.memory_space<vmem_shared>>
      tpu.wait_indirect_dma semaphore(%arg34 : memref<!tpu.dma_semaphore, #tpu.memory_space<semaphore_mem>>) src(%arg16 : memref<40x80xf32, #tpu.memory_space<vmem>>) dst(%dma_wait3A_369 : memref<10240x80xf32, #tpu.memory_space<vmem_shared>>)
      %dma_wait3A_370 = arith.constant 3 : i32
      %dma_wait3A_371 = arith.constant 0 : i32
      %dma_wait3A_372 = tpu.memref_slice %arg12[%dma_wait3A_370, %dma_wait3A_371] : memref<5x40xi32, #tpu.memory_space<vmem>> -> memref<1x40xi32, #tpu.memory_space<vmem>>
      %dma_wait3A_373 = tpu.memref_squeeze %dma_wait3A_372 : memref<1x40xi32, #tpu.memory_space<vmem>> -> memref<40xi32, #tpu.memory_space<vmem>>
      %dma_wait3A_374 = arith.constant 0 : i32
      %dma_wait3A_375 = arith.constant 0 : i32
      %dma_wait3A_376 = tpu.memref_slice %arg30[%dma_wait3A_374, %dma_wait3A_375] : memref<10240x16xf32, #tpu.memory_space<vmem_shared>> -> memref<10240x16xf32, #tpu.memory_space<vmem_shared>>
      tpu.wait_indirect_dma semaphore(%arg39 : memref<!tpu.dma_semaphore, #tpu.memory_space<semaphore_mem>>) src(%arg26 : memref<40x16xf32, #tpu.memory_space<vmem>>) dst(%dma_wait3A_376 : memref<10240x16xf32, #tpu.memory_space<vmem_shared>>)
      %dma_wait3A_377 = arith.constant 4 : i32
      %dma_wait3A_378 = arith.constant 0 : i32
      %dma_wait3A_379 = tpu.memref_slice %arg12[%dma_wait3A_377, %dma_wait3A_378] : memref<5x40xi32, #tpu.memory_space<vmem>> -> memref<1x40xi32, #tpu.memory_space<vmem>>
      %dma_wait3A_380 = tpu.memref_squeeze %dma_wait3A_379 : memref<1x40xi32, #tpu.memory_space<vmem>> -> memref<40xi32, #tpu.memory_space<vmem>>
      %dma_wait3A_381 = arith.constant 0 : i32
      %dma_wait3A_382 = arith.constant 0 : i32
      %dma_wait3A_383 = tpu.memref_slice %arg29[%dma_wait3A_381, %dma_wait3A_382] : memref<10240x80xf32, #tpu.memory_space<vmem_shared>> -> memref<10240x80xf32, #tpu.memory_space<vmem_shared>>
      tpu.wait_indirect_dma semaphore(%arg35 : memref<!tpu.dma_semaphore, #tpu.memory_space<semaphore_mem>>) src(%arg17 : memref<40x80xf32, #tpu.memory_space<vmem>>) dst(%dma_wait3A_383 : memref<10240x80xf32, #tpu.memory_space<vmem_shared>>)
      %dma_wait3A_384 = arith.constant 4 : i32
      %dma_wait3A_385 = arith.constant 0 : i32
      %dma_wait3A_386 = tpu.memref_slice %arg12[%dma_wait3A_384, %dma_wait3A_385] : memref<5x40xi32, #tpu.memory_space<vmem>> -> memref<1x40xi32, #tpu.memory_space<vmem>>
      %dma_wait3A_387 = tpu.memref_squeeze %dma_wait3A_386 : memref<1x40xi32, #tpu.memory_space<vmem>> -> memref<40xi32, #tpu.memory_space<vmem>>
      %dma_wait3A_388 = arith.constant 0 : i32
      %dma_wait3A_389 = arith.constant 0 : i32
      %dma_wait3A_390 = tpu.memref_slice %arg30[%dma_wait3A_388, %dma_wait3A_389] : memref<10240x16xf32, #tpu.memory_space<vmem_shared>> -> memref<10240x16xf32, #tpu.memory_space<vmem_shared>>
      tpu.wait_indirect_dma semaphore(%arg40 : memref<!tpu.dma_semaphore, #tpu.memory_space<semaphore_mem>>) src(%arg27 : memref<40x16xf32, #tpu.memory_space<vmem>>) dst(%dma_wait3A_390 : memref<10240x16xf32, #tpu.memory_space<vmem_shared>>)
    }
    %scan3A_14 = arith.constant 100 : i32
    %barrier3A_15 = arith.constant 0 : index
    tpu.barrier barrier_id(%barrier3A_15)
    "tpu.region"() ({
      %run_scoped3A = tpu.sem_alloc : memref<!tpu.dma_semaphore, #tpu.memory_space<semaphore_mem>>
      %dma_start3A = arith.constant 0 : i32
      %dma_start3A_16 = tpu.memref_slice %arg9[%arg0, %mul3A_0, %dma_start3A] : memref<2x10240x80xf32, #tpu.memory_space<hbm>> -> memref<1x640x80xf32, #tpu.memory_space<hbm>>
      %dma_start3A_17 = tpu.memref_squeeze %dma_start3A_16 : memref<1x640x80xf32, #tpu.memory_space<hbm>> -> memref<640x80xf32, #tpu.memory_space<hbm>>
      %dma_start3A_18 = arith.constant 0 : i32
      %dma_start3A_19 = tpu.memref_slice %arg29[%mul3A_0, %dma_start3A_18] : memref<10240x80xf32, #tpu.memory_space<vmem_shared>> -> memref<640x80xf32, #tpu.memory_space<vmem_shared>>
      tpu.enqueue_dma source(%dma_start3A_19 : memref<640x80xf32, #tpu.memory_space<vmem_shared>>) target(%dma_start3A_17 : memref<640x80xf32, #tpu.memory_space<hbm>>) target_semaphore(%run_scoped3A : memref<!tpu.dma_semaphore, #tpu.memory_space<semaphore_mem>>)
      %dma_wait3A = arith.constant 0 : i32
      %dma_wait3A_20 = tpu.memref_slice %arg9[%arg0, %mul3A_0, %dma_wait3A] : memref<2x10240x80xf32, #tpu.memory_space<hbm>> -> memref<1x640x80xf32, #tpu.memory_space<hbm>>
      %dma_wait3A_21 = tpu.memref_squeeze %dma_wait3A_20 : memref<1x640x80xf32, #tpu.memory_space<hbm>> -> memref<640x80xf32, #tpu.memory_space<hbm>>
      %dma_wait3A_22 = arith.constant 0 : i32
      %dma_wait3A_23 = tpu.memref_slice %arg29[%mul3A_0, %dma_wait3A_22] : memref<10240x80xf32, #tpu.memory_space<vmem_shared>> -> memref<640x80xf32, #tpu.memory_space<vmem_shared>>
      tpu.wait_dma2 semaphore(%run_scoped3A : memref<!tpu.dma_semaphore, #tpu.memory_space<semaphore_mem>>) src(%dma_wait3A_23 : memref<640x80xf32, #tpu.memory_space<vmem_shared>>) dst(%dma_wait3A_21 : memref<640x80xf32, #tpu.memory_space<hbm>>)
      tpu.yield
    }) : () -> ()
    "tpu.region"() ({
      %run_scoped3A = tpu.sem_alloc : memref<!tpu.dma_semaphore, #tpu.memory_space<semaphore_mem>>
      %dma_start3A = arith.constant 0 : i32
      %dma_start3A_16 = tpu.memref_slice %arg10[%arg0, %mul3A_0, %dma_start3A] : memref<2x10240x16xf32, #tpu.memory_space<hbm>> -> memref<1x640x16xf32, #tpu.memory_space<hbm>>
      %dma_start3A_17 = tpu.memref_squeeze %dma_start3A_16 : memref<1x640x16xf32, #tpu.memory_space<hbm>> -> memref<640x16xf32, #tpu.memory_space<hbm>>
      %dma_start3A_18 = arith.constant 0 : i32
      %dma_start3A_19 = tpu.memref_slice %arg30[%mul3A_0, %dma_start3A_18] : memref<10240x16xf32, #tpu.memory_space<vmem_shared>> -> memref<640x16xf32, #tpu.memory_space<vmem_shared>>
      tpu.enqueue_dma source(%dma_start3A_19 : memref<640x16xf32, #tpu.memory_space<vmem_shared>>) target(%dma_start3A_17 : memref<640x16xf32, #tpu.memory_space<hbm>>) target_semaphore(%run_scoped3A : memref<!tpu.dma_semaphore, #tpu.memory_space<semaphore_mem>>)
      %dma_wait3A = arith.constant 0 : i32
      %dma_wait3A_20 = tpu.memref_slice %arg10[%arg0, %mul3A_0, %dma_wait3A] : memref<2x10240x16xf32, #tpu.memory_space<hbm>> -> memref<1x640x16xf32, #tpu.memory_space<hbm>>
      %dma_wait3A_21 = tpu.memref_squeeze %dma_wait3A_20 : memref<1x640x16xf32, #tpu.memory_space<hbm>> -> memref<640x16xf32, #tpu.memory_space<hbm>>
      %dma_wait3A_22 = arith.constant 0 : i32
      %dma_wait3A_23 = tpu.memref_slice %arg30[%mul3A_0, %dma_wait3A_22] : memref<10240x16xf32, #tpu.memory_space<vmem_shared>> -> memref<640x16xf32, #tpu.memory_space<vmem_shared>>
      tpu.wait_dma2 semaphore(%run_scoped3A : memref<!tpu.dma_semaphore, #tpu.memory_space<semaphore_mem>>) src(%dma_wait3A_23 : memref<640x16xf32, #tpu.memory_space<vmem_shared>>) dst(%dma_wait3A_21 : memref<640x16xf32, #tpu.memory_space<hbm>>)
      tpu.yield
    }) : () -> ()
    return
  }
}

#map = affine_map<(d0, d1) -> (0, 0, 0)>
#map1 = affine_map<(d0, d1) -> (0, 0)>
module attributes {stable_mosaic.version = 14 : i64} {
  func.func @_pass2_body(%arg0: i32, %arg1: i32, %arg2: memref<2x10000x80xf32, #tpu.memory_space<hbm>>, %arg3: memref<16x400x50xi32, #tpu.memory_space<hbm>>, %arg4: memref<16x400x50xi32, #tpu.memory_space<hbm>>, %arg5: memref<640x80xf32, #tpu.memory_space<hbm>>, %arg6: memref<2x10240x80xf32, #tpu.memory_space<hbm>>, %arg7: memref<8x50xi32, #tpu.memory_space<vmem>>, %arg8: memref<8x50xi32, #tpu.memory_space<vmem>>, %arg9: memref<50x80xf32, #tpu.memory_space<vmem>>, %arg10: memref<50x80xf32, #tpu.memory_space<vmem>>, %arg11: memref<50x80xf32, #tpu.memory_space<vmem>>, %arg12: memref<50x80xf32, #tpu.memory_space<vmem>>, %arg13: memref<50x80xf32, #tpu.memory_space<vmem>>, %arg14: memref<50x80xf32, #tpu.memory_space<vmem>>, %arg15: memref<50x80xf32, #tpu.memory_space<vmem>>, %arg16: memref<50x80xf32, #tpu.memory_space<vmem>>, %arg17: memref<10240x80xf32, #tpu.memory_space<vmem_shared>>, %arg18: memref<!tpu.dma_semaphore, #tpu.memory_space<semaphore_mem>>, %arg19: memref<!tpu.dma_semaphore, #tpu.memory_space<semaphore_mem>>, %arg20: memref<!tpu.dma_semaphore, #tpu.memory_space<semaphore_mem>>, %arg21: memref<!tpu.dma_semaphore, #tpu.memory_space<semaphore_mem>>, %arg22: memref<!tpu.dma_semaphore, #tpu.memory_space<semaphore_mem>>, %arg23: memref<!tpu.dma_semaphore, #tpu.memory_space<semaphore_mem>>, %arg24: memref<!tpu.dma_semaphore, #tpu.memory_space<semaphore_mem>>, %arg25: memref<!tpu.dma_semaphore, #tpu.memory_space<semaphore_mem>>, %arg26: memref<!tpu.dma_semaphore, #tpu.memory_space<semaphore_mem>>, %arg27: memref<!tpu.dma_semaphore, #tpu.memory_space<semaphore_mem>>, %arg28: memref<!tpu.dma_semaphore, #tpu.memory_space<semaphore_mem>>, %arg29: memref<!tpu.dma_semaphore, #tpu.memory_space<semaphore_mem>>, %arg30: memref<!tpu.dma_semaphore, #tpu.memory_space<semaphore_mem>>, %arg31: memref<!tpu.dma_semaphore, #tpu.memory_space<semaphore_mem>>, %arg32: memref<!tpu.dma_semaphore, #tpu.memory_space<semaphore_mem>>, %arg33: memref<!tpu.dma_semaphore, #tpu.memory_space<semaphore_mem>>) attributes {dimension_semantics = [#tpu.dimension_semantics<core_parallel>, #tpu.dimension_semantics<subcore_parallel>], iteration_bounds = array<i64: 2, 16>, scalar_prefetch = 0 : i64, scratch_operands = 27 : i64, tpu.core_type = #tpu.core_type<sc_vector_subcore>, window_params = [{transform_indices = #map}, {transform_indices = #map}, {transform_indices = #map}, {transform_indices = #map1}, {transform_indices = #map}]} {
    %mul3A = arith.constant 640 : i32
    %mul3A_0 = arith.muli %arg1, %mul3A : i32
    "tpu.region"() ({
      %run_scoped3A = tpu.sem_alloc : memref<!tpu.dma_semaphore, #tpu.memory_space<semaphore_mem>>
      %dma_start3A = arith.constant 0 : i32
      %dma_start3A_7 = tpu.memref_slice %arg17[%mul3A_0, %dma_start3A] : memref<10240x80xf32, #tpu.memory_space<vmem_shared>> -> memref<640x80xf32, #tpu.memory_space<vmem_shared>>
      tpu.enqueue_dma source(%arg5 : memref<640x80xf32, #tpu.memory_space<hbm>>) target(%dma_start3A_7 : memref<640x80xf32, #tpu.memory_space<vmem_shared>>) target_semaphore(%run_scoped3A : memref<!tpu.dma_semaphore, #tpu.memory_space<semaphore_mem>>)
      %dma_wait3A = arith.constant 0 : i32
      %dma_wait3A_8 = tpu.memref_slice %arg17[%mul3A_0, %dma_wait3A] : memref<10240x80xf32, #tpu.memory_space<vmem_shared>> -> memref<640x80xf32, #tpu.memory_space<vmem_shared>>
      tpu.wait_dma2 semaphore(%run_scoped3A : memref<!tpu.dma_semaphore, #tpu.memory_space<semaphore_mem>>) src(%arg5 : memref<640x80xf32, #tpu.memory_space<hbm>>) dst(%dma_wait3A_8 : memref<640x80xf32, #tpu.memory_space<vmem_shared>>)
      tpu.yield
    }) : () -> ()
    %barrier3A = arith.constant 0 : index
    tpu.barrier barrier_id(%barrier3A)
    %scan3A = arith.constant 0 : i32
    %scan3A_1 = arith.constant 0 : i32
    %scan3A_2 = arith.constant 50 : i32
    %scan3A_3 = arith.addi %scan3A_1, %scan3A_2 : i32
    %scan3A_4 = arith.constant 1 : i32
    scf.for %scan3A_7 = %scan3A_1 to %scan3A_3 step %scan3A_4  : i32 {
      %mul3A_8 = arith.constant 8 : i32
      %mul3A_9 = arith.muli %scan3A_7, %mul3A_8 : i32
      "tpu.region"() ({
        %run_scoped3A = tpu.sem_alloc : memref<!tpu.dma_semaphore, #tpu.memory_space<semaphore_mem>>
        %dma_start3A_296 = arith.constant 0 : i32
        %dma_start3A_297 = tpu.memref_slice %arg3[%arg1, %mul3A_9, %dma_start3A_296] : memref<16x400x50xi32, #tpu.memory_space<hbm>> -> memref<1x8x50xi32, #tpu.memory_space<hbm>>
        %dma_start3A_298 = tpu.memref_squeeze %dma_start3A_297 : memref<1x8x50xi32, #tpu.memory_space<hbm>> -> memref<8x50xi32, #tpu.memory_space<hbm>>
        %dma_start3A_299 = arith.constant 0 : i32
        %dma_start3A_300 = tpu.memref_slice %arg3[%arg1, %mul3A_9, %dma_start3A_299] : memref<16x400x50xi32, #tpu.memory_space<hbm>> -> memref<1x8x50xi32, #tpu.memory_space<hbm>>
        %dma_start3A_301 = tpu.memref_squeeze %dma_start3A_300 : memref<1x8x50xi32, #tpu.memory_space<hbm>> -> memref<8x50xi32, #tpu.memory_space<hbm>>
        tpu.enqueue_dma source(%dma_start3A_301 : memref<8x50xi32, #tpu.memory_space<hbm>>) target(%arg7 : memref<8x50xi32, #tpu.memory_space<vmem>>) target_semaphore(%run_scoped3A : memref<!tpu.dma_semaphore, #tpu.memory_space<semaphore_mem>>)
        %dma_wait3A_302 = arith.constant 0 : i32
        %dma_wait3A_303 = tpu.memref_slice %arg3[%arg1, %mul3A_9, %dma_wait3A_302] : memref<16x400x50xi32, #tpu.memory_space<hbm>> -> memref<1x8x50xi32, #tpu.memory_space<hbm>>
        %dma_wait3A_304 = tpu.memref_squeeze %dma_wait3A_303 : memref<1x8x50xi32, #tpu.memory_space<hbm>> -> memref<8x50xi32, #tpu.memory_space<hbm>>
        %dma_wait3A_305 = arith.constant 0 : i32
        %dma_wait3A_306 = tpu.memref_slice %arg3[%arg1, %mul3A_9, %dma_wait3A_305] : memref<16x400x50xi32, #tpu.memory_space<hbm>> -> memref<1x8x50xi32, #tpu.memory_space<hbm>>
        %dma_wait3A_307 = tpu.memref_squeeze %dma_wait3A_306 : memref<1x8x50xi32, #tpu.memory_space<hbm>> -> memref<8x50xi32, #tpu.memory_space<hbm>>
        tpu.wait_dma2 semaphore(%run_scoped3A : memref<!tpu.dma_semaphore, #tpu.memory_space<semaphore_mem>>) src(%dma_wait3A_307 : memref<8x50xi32, #tpu.memory_space<hbm>>) dst(%arg7 : memref<8x50xi32, #tpu.memory_space<vmem>>)
        tpu.yield
      }) : () -> ()
      "tpu.region"() ({
        %run_scoped3A = tpu.sem_alloc : memref<!tpu.dma_semaphore, #tpu.memory_space<semaphore_mem>>
        %dma_start3A_296 = arith.constant 0 : i32
        %dma_start3A_297 = tpu.memref_slice %arg4[%arg1, %mul3A_9, %dma_start3A_296] : memref<16x400x50xi32, #tpu.memory_space<hbm>> -> memref<1x8x50xi32, #tpu.memory_space<hbm>>
        %dma_start3A_298 = tpu.memref_squeeze %dma_start3A_297 : memref<1x8x50xi32, #tpu.memory_space<hbm>> -> memref<8x50xi32, #tpu.memory_space<hbm>>
        %dma_start3A_299 = arith.constant 0 : i32
        %dma_start3A_300 = tpu.memref_slice %arg4[%arg1, %mul3A_9, %dma_start3A_299] : memref<16x400x50xi32, #tpu.memory_space<hbm>> -> memref<1x8x50xi32, #tpu.memory_space<hbm>>
        %dma_start3A_301 = tpu.memref_squeeze %dma_start3A_300 : memref<1x8x50xi32, #tpu.memory_space<hbm>> -> memref<8x50xi32, #tpu.memory_space<hbm>>
        tpu.enqueue_dma source(%dma_start3A_301 : memref<8x50xi32, #tpu.memory_space<hbm>>) target(%arg8 : memref<8x50xi32, #tpu.memory_space<vmem>>) target_semaphore(%run_scoped3A : memref<!tpu.dma_semaphore, #tpu.memory_space<semaphore_mem>>)
        %dma_wait3A_302 = arith.constant 0 : i32
        %dma_wait3A_303 = tpu.memref_slice %arg4[%arg1, %mul3A_9, %dma_wait3A_302] : memref<16x400x50xi32, #tpu.memory_space<hbm>> -> memref<1x8x50xi32, #tpu.memory_space<hbm>>
        %dma_wait3A_304 = tpu.memref_squeeze %dma_wait3A_303 : memref<1x8x50xi32, #tpu.memory_space<hbm>> -> memref<8x50xi32, #tpu.memory_space<hbm>>
        %dma_wait3A_305 = arith.constant 0 : i32
        %dma_wait3A_306 = tpu.memref_slice %arg4[%arg1, %mul3A_9, %dma_wait3A_305] : memref<16x400x50xi32, #tpu.memory_space<hbm>> -> memref<1x8x50xi32, #tpu.memory_space<hbm>>
        %dma_wait3A_307 = tpu.memref_squeeze %dma_wait3A_306 : memref<1x8x50xi32, #tpu.memory_space<hbm>> -> memref<8x50xi32, #tpu.memory_space<hbm>>
        tpu.wait_dma2 semaphore(%run_scoped3A : memref<!tpu.dma_semaphore, #tpu.memory_space<semaphore_mem>>) src(%dma_wait3A_307 : memref<8x50xi32, #tpu.memory_space<hbm>>) dst(%arg8 : memref<8x50xi32, #tpu.memory_space<vmem>>)
        tpu.yield
      }) : () -> ()
      %dma_start3A = arith.constant 0 : i32
      %dma_start3A_10 = arith.constant 0 : i32
      %dma_start3A_11 = tpu.memref_slice %arg7[%dma_start3A, %dma_start3A_10] : memref<8x50xi32, #tpu.memory_space<vmem>> -> memref<1x50xi32, #tpu.memory_space<vmem>>
      %dma_start3A_12 = tpu.memref_squeeze %dma_start3A_11 : memref<1x50xi32, #tpu.memory_space<vmem>> -> memref<50xi32, #tpu.memory_space<vmem>>
      %dma_start3A_13 = arith.constant 0 : i32
      %dma_start3A_14 = arith.constant 0 : i32
      %dma_start3A_15 = tpu.memref_slice %arg2[%arg0, %dma_start3A_13, %dma_start3A_14] : memref<2x10000x80xf32, #tpu.memory_space<hbm>> -> memref<1x10000x80xf32, #tpu.memory_space<hbm>>
      %dma_start3A_16 = tpu.memref_squeeze %dma_start3A_15 : memref<1x10000x80xf32, #tpu.memory_space<hbm>> -> memref<10000x80xf32, #tpu.memory_space<hbm>>
      %dma_start3A_17 = arith.constant 0 : i32
      %dma_start3A_18 = arith.constant 0 : i32
      %dma_start3A_19 = tpu.memref_slice %dma_start3A_16[%dma_start3A_17, %dma_start3A_18] : memref<10000x80xf32, #tpu.memory_space<hbm>> -> memref<10000x80xf32, #tpu.memory_space<hbm>>
      tpu.enqueue_indirect_dma source(%dma_start3A_19 : memref<10000x80xf32, #tpu.memory_space<hbm>>) target(%arg9 : memref<50x80xf32, #tpu.memory_space<vmem>>) offsets(%dma_start3A_12 : memref<50xi32, #tpu.memory_space<vmem>>) semaphore(%arg18 : memref<!tpu.dma_semaphore, #tpu.memory_space<semaphore_mem>>)
      %dma_start3A_20 = arith.constant 1 : i32
      %dma_start3A_21 = arith.constant 0 : i32
      %dma_start3A_22 = tpu.memref_slice %arg7[%dma_start3A_20, %dma_start3A_21] : memref<8x50xi32, #tpu.memory_space<vmem>> -> memref<1x50xi32, #tpu.memory_space<vmem>>
      %dma_start3A_23 = tpu.memref_squeeze %dma_start3A_22 : memref<1x50xi32, #tpu.memory_space<vmem>> -> memref<50xi32, #tpu.memory_space<vmem>>
      %dma_start3A_24 = arith.constant 0 : i32
      %dma_start3A_25 = arith.constant 0 : i32
      %dma_start3A_26 = tpu.memref_slice %arg2[%arg0, %dma_start3A_24, %dma_start3A_25] : memref<2x10000x80xf32, #tpu.memory_space<hbm>> -> memref<1x10000x80xf32, #tpu.memory_space<hbm>>
      %dma_start3A_27 = tpu.memref_squeeze %dma_start3A_26 : memref<1x10000x80xf32, #tpu.memory_space<hbm>> -> memref<10000x80xf32, #tpu.memory_space<hbm>>
      %dma_start3A_28 = arith.constant 0 : i32
      %dma_start3A_29 = arith.constant 0 : i32
      %dma_start3A_30 = tpu.memref_slice %dma_start3A_27[%dma_start3A_28, %dma_start3A_29] : memref<10000x80xf32, #tpu.memory_space<hbm>> -> memref<10000x80xf32, #tpu.memory_space<hbm>>
      tpu.enqueue_indirect_dma source(%dma_start3A_30 : memref<10000x80xf32, #tpu.memory_space<hbm>>) target(%arg10 : memref<50x80xf32, #tpu.memory_space<vmem>>) offsets(%dma_start3A_23 : memref<50xi32, #tpu.memory_space<vmem>>) semaphore(%arg19 : memref<!tpu.dma_semaphore, #tpu.memory_space<semaphore_mem>>)
      %dma_start3A_31 = arith.constant 2 : i32
      %dma_start3A_32 = arith.constant 0 : i32
      %dma_start3A_33 = tpu.memref_slice %arg7[%dma_start3A_31, %dma_start3A_32] : memref<8x50xi32, #tpu.memory_space<vmem>> -> memref<1x50xi32, #tpu.memory_space<vmem>>
      %dma_start3A_34 = tpu.memref_squeeze %dma_start3A_33 : memref<1x50xi32, #tpu.memory_space<vmem>> -> memref<50xi32, #tpu.memory_space<vmem>>
      %dma_start3A_35 = arith.constant 0 : i32
      %dma_start3A_36 = arith.constant 0 : i32
      %dma_start3A_37 = tpu.memref_slice %arg2[%arg0, %dma_start3A_35, %dma_start3A_36] : memref<2x10000x80xf32, #tpu.memory_space<hbm>> -> memref<1x10000x80xf32, #tpu.memory_space<hbm>>
      %dma_start3A_38 = tpu.memref_squeeze %dma_start3A_37 : memref<1x10000x80xf32, #tpu.memory_space<hbm>> -> memref<10000x80xf32, #tpu.memory_space<hbm>>
      %dma_start3A_39 = arith.constant 0 : i32
      %dma_start3A_40 = arith.constant 0 : i32
      %dma_start3A_41 = tpu.memref_slice %dma_start3A_38[%dma_start3A_39, %dma_start3A_40] : memref<10000x80xf32, #tpu.memory_space<hbm>> -> memref<10000x80xf32, #tpu.memory_space<hbm>>
      tpu.enqueue_indirect_dma source(%dma_start3A_41 : memref<10000x80xf32, #tpu.memory_space<hbm>>) target(%arg11 : memref<50x80xf32, #tpu.memory_space<vmem>>) offsets(%dma_start3A_34 : memref<50xi32, #tpu.memory_space<vmem>>) semaphore(%arg20 : memref<!tpu.dma_semaphore, #tpu.memory_space<semaphore_mem>>)
      %dma_start3A_42 = arith.constant 3 : i32
      %dma_start3A_43 = arith.constant 0 : i32
      %dma_start3A_44 = tpu.memref_slice %arg7[%dma_start3A_42, %dma_start3A_43] : memref<8x50xi32, #tpu.memory_space<vmem>> -> memref<1x50xi32, #tpu.memory_space<vmem>>
      %dma_start3A_45 = tpu.memref_squeeze %dma_start3A_44 : memref<1x50xi32, #tpu.memory_space<vmem>> -> memref<50xi32, #tpu.memory_space<vmem>>
      %dma_start3A_46 = arith.constant 0 : i32
      %dma_start3A_47 = arith.constant 0 : i32
      %dma_start3A_48 = tpu.memref_slice %arg2[%arg0, %dma_start3A_46, %dma_start3A_47] : memref<2x10000x80xf32, #tpu.memory_space<hbm>> -> memref<1x10000x80xf32, #tpu.memory_space<hbm>>
      %dma_start3A_49 = tpu.memref_squeeze %dma_start3A_48 : memref<1x10000x80xf32, #tpu.memory_space<hbm>> -> memref<10000x80xf32, #tpu.memory_space<hbm>>
      %dma_start3A_50 = arith.constant 0 : i32
      %dma_start3A_51 = arith.constant 0 : i32
      %dma_start3A_52 = tpu.memref_slice %dma_start3A_49[%dma_start3A_50, %dma_start3A_51] : memref<10000x80xf32, #tpu.memory_space<hbm>> -> memref<10000x80xf32, #tpu.memory_space<hbm>>
      tpu.enqueue_indirect_dma source(%dma_start3A_52 : memref<10000x80xf32, #tpu.memory_space<hbm>>) target(%arg12 : memref<50x80xf32, #tpu.memory_space<vmem>>) offsets(%dma_start3A_45 : memref<50xi32, #tpu.memory_space<vmem>>) semaphore(%arg21 : memref<!tpu.dma_semaphore, #tpu.memory_space<semaphore_mem>>)
      %dma_start3A_53 = arith.constant 4 : i32
      %dma_start3A_54 = arith.constant 0 : i32
      %dma_start3A_55 = tpu.memref_slice %arg7[%dma_start3A_53, %dma_start3A_54] : memref<8x50xi32, #tpu.memory_space<vmem>> -> memref<1x50xi32, #tpu.memory_space<vmem>>
      %dma_start3A_56 = tpu.memref_squeeze %dma_start3A_55 : memref<1x50xi32, #tpu.memory_space<vmem>> -> memref<50xi32, #tpu.memory_space<vmem>>
      %dma_start3A_57 = arith.constant 0 : i32
      %dma_start3A_58 = arith.constant 0 : i32
      %dma_start3A_59 = tpu.memref_slice %arg2[%arg0, %dma_start3A_57, %dma_start3A_58] : memref<2x10000x80xf32, #tpu.memory_space<hbm>> -> memref<1x10000x80xf32, #tpu.memory_space<hbm>>
      %dma_start3A_60 = tpu.memref_squeeze %dma_start3A_59 : memref<1x10000x80xf32, #tpu.memory_space<hbm>> -> memref<10000x80xf32, #tpu.memory_space<hbm>>
      %dma_start3A_61 = arith.constant 0 : i32
      %dma_start3A_62 = arith.constant 0 : i32
      %dma_start3A_63 = tpu.memref_slice %dma_start3A_60[%dma_start3A_61, %dma_start3A_62] : memref<10000x80xf32, #tpu.memory_space<hbm>> -> memref<10000x80xf32, #tpu.memory_space<hbm>>
      tpu.enqueue_indirect_dma source(%dma_start3A_63 : memref<10000x80xf32, #tpu.memory_space<hbm>>) target(%arg13 : memref<50x80xf32, #tpu.memory_space<vmem>>) offsets(%dma_start3A_56 : memref<50xi32, #tpu.memory_space<vmem>>) semaphore(%arg22 : memref<!tpu.dma_semaphore, #tpu.memory_space<semaphore_mem>>)
      %dma_start3A_64 = arith.constant 5 : i32
      %dma_start3A_65 = arith.constant 0 : i32
      %dma_start3A_66 = tpu.memref_slice %arg7[%dma_start3A_64, %dma_start3A_65] : memref<8x50xi32, #tpu.memory_space<vmem>> -> memref<1x50xi32, #tpu.memory_space<vmem>>
      %dma_start3A_67 = tpu.memref_squeeze %dma_start3A_66 : memref<1x50xi32, #tpu.memory_space<vmem>> -> memref<50xi32, #tpu.memory_space<vmem>>
      %dma_start3A_68 = arith.constant 0 : i32
      %dma_start3A_69 = arith.constant 0 : i32
      %dma_start3A_70 = tpu.memref_slice %arg2[%arg0, %dma_start3A_68, %dma_start3A_69] : memref<2x10000x80xf32, #tpu.memory_space<hbm>> -> memref<1x10000x80xf32, #tpu.memory_space<hbm>>
      %dma_start3A_71 = tpu.memref_squeeze %dma_start3A_70 : memref<1x10000x80xf32, #tpu.memory_space<hbm>> -> memref<10000x80xf32, #tpu.memory_space<hbm>>
      %dma_start3A_72 = arith.constant 0 : i32
      %dma_start3A_73 = arith.constant 0 : i32
      %dma_start3A_74 = tpu.memref_slice %dma_start3A_71[%dma_start3A_72, %dma_start3A_73] : memref<10000x80xf32, #tpu.memory_space<hbm>> -> memref<10000x80xf32, #tpu.memory_space<hbm>>
      tpu.enqueue_indirect_dma source(%dma_start3A_74 : memref<10000x80xf32, #tpu.memory_space<hbm>>) target(%arg14 : memref<50x80xf32, #tpu.memory_space<vmem>>) offsets(%dma_start3A_67 : memref<50xi32, #tpu.memory_space<vmem>>) semaphore(%arg23 : memref<!tpu.dma_semaphore, #tpu.memory_space<semaphore_mem>>)
      %dma_start3A_75 = arith.constant 6 : i32
      %dma_start3A_76 = arith.constant 0 : i32
      %dma_start3A_77 = tpu.memref_slice %arg7[%dma_start3A_75, %dma_start3A_76] : memref<8x50xi32, #tpu.memory_space<vmem>> -> memref<1x50xi32, #tpu.memory_space<vmem>>
      %dma_start3A_78 = tpu.memref_squeeze %dma_start3A_77 : memref<1x50xi32, #tpu.memory_space<vmem>> -> memref<50xi32, #tpu.memory_space<vmem>>
      %dma_start3A_79 = arith.constant 0 : i32
      %dma_start3A_80 = arith.constant 0 : i32
      %dma_start3A_81 = tpu.memref_slice %arg2[%arg0, %dma_start3A_79, %dma_start3A_80] : memref<2x10000x80xf32, #tpu.memory_space<hbm>> -> memref<1x10000x80xf32, #tpu.memory_space<hbm>>
      %dma_start3A_82 = tpu.memref_squeeze %dma_start3A_81 : memref<1x10000x80xf32, #tpu.memory_space<hbm>> -> memref<10000x80xf32, #tpu.memory_space<hbm>>
      %dma_start3A_83 = arith.constant 0 : i32
      %dma_start3A_84 = arith.constant 0 : i32
      %dma_start3A_85 = tpu.memref_slice %dma_start3A_82[%dma_start3A_83, %dma_start3A_84] : memref<10000x80xf32, #tpu.memory_space<hbm>> -> memref<10000x80xf32, #tpu.memory_space<hbm>>
      tpu.enqueue_indirect_dma source(%dma_start3A_85 : memref<10000x80xf32, #tpu.memory_space<hbm>>) target(%arg15 : memref<50x80xf32, #tpu.memory_space<vmem>>) offsets(%dma_start3A_78 : memref<50xi32, #tpu.memory_space<vmem>>) semaphore(%arg24 : memref<!tpu.dma_semaphore, #tpu.memory_space<semaphore_mem>>)
      %dma_start3A_86 = arith.constant 7 : i32
      %dma_start3A_87 = arith.constant 0 : i32
      %dma_start3A_88 = tpu.memref_slice %arg7[%dma_start3A_86, %dma_start3A_87] : memref<8x50xi32, #tpu.memory_space<vmem>> -> memref<1x50xi32, #tpu.memory_space<vmem>>
      %dma_start3A_89 = tpu.memref_squeeze %dma_start3A_88 : memref<1x50xi32, #tpu.memory_space<vmem>> -> memref<50xi32, #tpu.memory_space<vmem>>
      %dma_start3A_90 = arith.constant 0 : i32
      %dma_start3A_91 = arith.constant 0 : i32
      %dma_start3A_92 = tpu.memref_slice %arg2[%arg0, %dma_start3A_90, %dma_start3A_91] : memref<2x10000x80xf32, #tpu.memory_space<hbm>> -> memref<1x10000x80xf32, #tpu.memory_space<hbm>>
      %dma_start3A_93 = tpu.memref_squeeze %dma_start3A_92 : memref<1x10000x80xf32, #tpu.memory_space<hbm>> -> memref<10000x80xf32, #tpu.memory_space<hbm>>
      %dma_start3A_94 = arith.constant 0 : i32
      %dma_start3A_95 = arith.constant 0 : i32
      %dma_start3A_96 = tpu.memref_slice %dma_start3A_93[%dma_start3A_94, %dma_start3A_95] : memref<10000x80xf32, #tpu.memory_space<hbm>> -> memref<10000x80xf32, #tpu.memory_space<hbm>>
      tpu.enqueue_indirect_dma source(%dma_start3A_96 : memref<10000x80xf32, #tpu.memory_space<hbm>>) target(%arg16 : memref<50x80xf32, #tpu.memory_space<vmem>>) offsets(%dma_start3A_89 : memref<50xi32, #tpu.memory_space<vmem>>) semaphore(%arg25 : memref<!tpu.dma_semaphore, #tpu.memory_space<semaphore_mem>>)
      %dma_wait3A = arith.constant 0 : i32
      %dma_wait3A_97 = arith.constant 0 : i32
      %dma_wait3A_98 = tpu.memref_slice %arg7[%dma_wait3A, %dma_wait3A_97] : memref<8x50xi32, #tpu.memory_space<vmem>> -> memref<1x50xi32, #tpu.memory_space<vmem>>
      %dma_wait3A_99 = tpu.memref_squeeze %dma_wait3A_98 : memref<1x50xi32, #tpu.memory_space<vmem>> -> memref<50xi32, #tpu.memory_space<vmem>>
      %dma_wait3A_100 = arith.constant 0 : i32
      %dma_wait3A_101 = arith.constant 0 : i32
      %dma_wait3A_102 = tpu.memref_slice %arg2[%arg0, %dma_wait3A_100, %dma_wait3A_101] : memref<2x10000x80xf32, #tpu.memory_space<hbm>> -> memref<1x10000x80xf32, #tpu.memory_space<hbm>>
      %dma_wait3A_103 = tpu.memref_squeeze %dma_wait3A_102 : memref<1x10000x80xf32, #tpu.memory_space<hbm>> -> memref<10000x80xf32, #tpu.memory_space<hbm>>
      %dma_wait3A_104 = arith.constant 0 : i32
      %dma_wait3A_105 = arith.constant 0 : i32
      %dma_wait3A_106 = tpu.memref_slice %dma_wait3A_103[%dma_wait3A_104, %dma_wait3A_105] : memref<10000x80xf32, #tpu.memory_space<hbm>> -> memref<10000x80xf32, #tpu.memory_space<hbm>>
      tpu.wait_indirect_dma semaphore(%arg18 : memref<!tpu.dma_semaphore, #tpu.memory_space<semaphore_mem>>) src(%dma_wait3A_106 : memref<10000x80xf32, #tpu.memory_space<hbm>>) dst(%arg9 : memref<50x80xf32, #tpu.memory_space<vmem>>)
      %dma_start3A_107 = arith.constant 0 : i32
      %dma_start3A_108 = arith.constant 0 : i32
      %dma_start3A_109 = tpu.memref_slice %arg8[%dma_start3A_107, %dma_start3A_108] : memref<8x50xi32, #tpu.memory_space<vmem>> -> memref<1x50xi32, #tpu.memory_space<vmem>>
      %dma_start3A_110 = tpu.memref_squeeze %dma_start3A_109 : memref<1x50xi32, #tpu.memory_space<vmem>> -> memref<50xi32, #tpu.memory_space<vmem>>
      %dma_start3A_111 = arith.constant 0 : i32
      %dma_start3A_112 = arith.constant 0 : i32
      %dma_start3A_113 = tpu.memref_slice %arg17[%dma_start3A_111, %dma_start3A_112] : memref<10240x80xf32, #tpu.memory_space<vmem_shared>> -> memref<10240x80xf32, #tpu.memory_space<vmem_shared>>
      tpu.enqueue_indirect_dma source(%arg9 : memref<50x80xf32, #tpu.memory_space<vmem>>) target(%dma_start3A_113 : memref<10240x80xf32, #tpu.memory_space<vmem_shared>>) offsets(%dma_start3A_110 : memref<50xi32, #tpu.memory_space<vmem>>) semaphore(%arg26 : memref<!tpu.dma_semaphore, #tpu.memory_space<semaphore_mem>>) {add = true}
      %dma_wait3A_114 = arith.constant 1 : i32
      %dma_wait3A_115 = arith.constant 0 : i32
      %dma_wait3A_116 = tpu.memref_slice %arg7[%dma_wait3A_114, %dma_wait3A_115] : memref<8x50xi32, #tpu.memory_space<vmem>> -> memref<1x50xi32, #tpu.memory_space<vmem>>
      %dma_wait3A_117 = tpu.memref_squeeze %dma_wait3A_116 : memref<1x50xi32, #tpu.memory_space<vmem>> -> memref<50xi32, #tpu.memory_space<vmem>>
      %dma_wait3A_118 = arith.constant 0 : i32
      %dma_wait3A_119 = arith.constant 0 : i32
      %dma_wait3A_120 = tpu.memref_slice %arg2[%arg0, %dma_wait3A_118, %dma_wait3A_119] : memref<2x10000x80xf32, #tpu.memory_space<hbm>> -> memref<1x10000x80xf32, #tpu.memory_space<hbm>>
      %dma_wait3A_121 = tpu.memref_squeeze %dma_wait3A_120 : memref<1x10000x80xf32, #tpu.memory_space<hbm>> -> memref<10000x80xf32, #tpu.memory_space<hbm>>
      %dma_wait3A_122 = arith.constant 0 : i32
      %dma_wait3A_123 = arith.constant 0 : i32
      %dma_wait3A_124 = tpu.memref_slice %dma_wait3A_121[%dma_wait3A_122, %dma_wait3A_123] : memref<10000x80xf32, #tpu.memory_space<hbm>> -> memref<10000x80xf32, #tpu.memory_space<hbm>>
      tpu.wait_indirect_dma semaphore(%arg19 : memref<!tpu.dma_semaphore, #tpu.memory_space<semaphore_mem>>) src(%dma_wait3A_124 : memref<10000x80xf32, #tpu.memory_space<hbm>>) dst(%arg10 : memref<50x80xf32, #tpu.memory_space<vmem>>)
      %dma_start3A_125 = arith.constant 1 : i32
      %dma_start3A_126 = arith.constant 0 : i32
      %dma_start3A_127 = tpu.memref_slice %arg8[%dma_start3A_125, %dma_start3A_126] : memref<8x50xi32, #tpu.memory_space<vmem>> -> memref<1x50xi32, #tpu.memory_space<vmem>>
      %dma_start3A_128 = tpu.memref_squeeze %dma_start3A_127 : memref<1x50xi32, #tpu.memory_space<vmem>> -> memref<50xi32, #tpu.memory_space<vmem>>
      %dma_start3A_129 = arith.constant 0 : i32
      %dma_start3A_130 = arith.constant 0 : i32
      %dma_start3A_131 = tpu.memref_slice %arg17[%dma_start3A_129, %dma_start3A_130] : memref<10240x80xf32, #tpu.memory_space<vmem_shared>> -> memref<10240x80xf32, #tpu.memory_space<vmem_shared>>
      tpu.enqueue_indirect_dma source(%arg10 : memref<50x80xf32, #tpu.memory_space<vmem>>) target(%dma_start3A_131 : memref<10240x80xf32, #tpu.memory_space<vmem_shared>>) offsets(%dma_start3A_128 : memref<50xi32, #tpu.memory_space<vmem>>) semaphore(%arg27 : memref<!tpu.dma_semaphore, #tpu.memory_space<semaphore_mem>>) {add = true}
      %dma_wait3A_132 = arith.constant 2 : i32
      %dma_wait3A_133 = arith.constant 0 : i32
      %dma_wait3A_134 = tpu.memref_slice %arg7[%dma_wait3A_132, %dma_wait3A_133] : memref<8x50xi32, #tpu.memory_space<vmem>> -> memref<1x50xi32, #tpu.memory_space<vmem>>
      %dma_wait3A_135 = tpu.memref_squeeze %dma_wait3A_134 : memref<1x50xi32, #tpu.memory_space<vmem>> -> memref<50xi32, #tpu.memory_space<vmem>>
      %dma_wait3A_136 = arith.constant 0 : i32
      %dma_wait3A_137 = arith.constant 0 : i32
      %dma_wait3A_138 = tpu.memref_slice %arg2[%arg0, %dma_wait3A_136, %dma_wait3A_137] : memref<2x10000x80xf32, #tpu.memory_space<hbm>> -> memref<1x10000x80xf32, #tpu.memory_space<hbm>>
      %dma_wait3A_139 = tpu.memref_squeeze %dma_wait3A_138 : memref<1x10000x80xf32, #tpu.memory_space<hbm>> -> memref<10000x80xf32, #tpu.memory_space<hbm>>
      %dma_wait3A_140 = arith.constant 0 : i32
      %dma_wait3A_141 = arith.constant 0 : i32
      %dma_wait3A_142 = tpu.memref_slice %dma_wait3A_139[%dma_wait3A_140, %dma_wait3A_141] : memref<10000x80xf32, #tpu.memory_space<hbm>> -> memref<10000x80xf32, #tpu.memory_space<hbm>>
      tpu.wait_indirect_dma semaphore(%arg20 : memref<!tpu.dma_semaphore, #tpu.memory_space<semaphore_mem>>) src(%dma_wait3A_142 : memref<10000x80xf32, #tpu.memory_space<hbm>>) dst(%arg11 : memref<50x80xf32, #tpu.memory_space<vmem>>)
      %dma_start3A_143 = arith.constant 2 : i32
      %dma_start3A_144 = arith.constant 0 : i32
      %dma_start3A_145 = tpu.memref_slice %arg8[%dma_start3A_143, %dma_start3A_144] : memref<8x50xi32, #tpu.memory_space<vmem>> -> memref<1x50xi32, #tpu.memory_space<vmem>>
      %dma_start3A_146 = tpu.memref_squeeze %dma_start3A_145 : memref<1x50xi32, #tpu.memory_space<vmem>> -> memref<50xi32, #tpu.memory_space<vmem>>
      %dma_start3A_147 = arith.constant 0 : i32
      %dma_start3A_148 = arith.constant 0 : i32
      %dma_start3A_149 = tpu.memref_slice %arg17[%dma_start3A_147, %dma_start3A_148] : memref<10240x80xf32, #tpu.memory_space<vmem_shared>> -> memref<10240x80xf32, #tpu.memory_space<vmem_shared>>
      tpu.enqueue_indirect_dma source(%arg11 : memref<50x80xf32, #tpu.memory_space<vmem>>) target(%dma_start3A_149 : memref<10240x80xf32, #tpu.memory_space<vmem_shared>>) offsets(%dma_start3A_146 : memref<50xi32, #tpu.memory_space<vmem>>) semaphore(%arg28 : memref<!tpu.dma_semaphore, #tpu.memory_space<semaphore_mem>>) {add = true}
      %dma_wait3A_150 = arith.constant 3 : i32
      %dma_wait3A_151 = arith.constant 0 : i32
      %dma_wait3A_152 = tpu.memref_slice %arg7[%dma_wait3A_150, %dma_wait3A_151] : memref<8x50xi32, #tpu.memory_space<vmem>> -> memref<1x50xi32, #tpu.memory_space<vmem>>
      %dma_wait3A_153 = tpu.memref_squeeze %dma_wait3A_152 : memref<1x50xi32, #tpu.memory_space<vmem>> -> memref<50xi32, #tpu.memory_space<vmem>>
      %dma_wait3A_154 = arith.constant 0 : i32
      %dma_wait3A_155 = arith.constant 0 : i32
      %dma_wait3A_156 = tpu.memref_slice %arg2[%arg0, %dma_wait3A_154, %dma_wait3A_155] : memref<2x10000x80xf32, #tpu.memory_space<hbm>> -> memref<1x10000x80xf32, #tpu.memory_space<hbm>>
      %dma_wait3A_157 = tpu.memref_squeeze %dma_wait3A_156 : memref<1x10000x80xf32, #tpu.memory_space<hbm>> -> memref<10000x80xf32, #tpu.memory_space<hbm>>
      %dma_wait3A_158 = arith.constant 0 : i32
      %dma_wait3A_159 = arith.constant 0 : i32
      %dma_wait3A_160 = tpu.memref_slice %dma_wait3A_157[%dma_wait3A_158, %dma_wait3A_159] : memref<10000x80xf32, #tpu.memory_space<hbm>> -> memref<10000x80xf32, #tpu.memory_space<hbm>>
      tpu.wait_indirect_dma semaphore(%arg21 : memref<!tpu.dma_semaphore, #tpu.memory_space<semaphore_mem>>) src(%dma_wait3A_160 : memref<10000x80xf32, #tpu.memory_space<hbm>>) dst(%arg12 : memref<50x80xf32, #tpu.memory_space<vmem>>)
      %dma_start3A_161 = arith.constant 3 : i32
      %dma_start3A_162 = arith.constant 0 : i32
      %dma_start3A_163 = tpu.memref_slice %arg8[%dma_start3A_161, %dma_start3A_162] : memref<8x50xi32, #tpu.memory_space<vmem>> -> memref<1x50xi32, #tpu.memory_space<vmem>>
      %dma_start3A_164 = tpu.memref_squeeze %dma_start3A_163 : memref<1x50xi32, #tpu.memory_space<vmem>> -> memref<50xi32, #tpu.memory_space<vmem>>
      %dma_start3A_165 = arith.constant 0 : i32
      %dma_start3A_166 = arith.constant 0 : i32
      %dma_start3A_167 = tpu.memref_slice %arg17[%dma_start3A_165, %dma_start3A_166] : memref<10240x80xf32, #tpu.memory_space<vmem_shared>> -> memref<10240x80xf32, #tpu.memory_space<vmem_shared>>
      tpu.enqueue_indirect_dma source(%arg12 : memref<50x80xf32, #tpu.memory_space<vmem>>) target(%dma_start3A_167 : memref<10240x80xf32, #tpu.memory_space<vmem_shared>>) offsets(%dma_start3A_164 : memref<50xi32, #tpu.memory_space<vmem>>) semaphore(%arg29 : memref<!tpu.dma_semaphore, #tpu.memory_space<semaphore_mem>>) {add = true}
      %dma_wait3A_168 = arith.constant 4 : i32
      %dma_wait3A_169 = arith.constant 0 : i32
      %dma_wait3A_170 = tpu.memref_slice %arg7[%dma_wait3A_168, %dma_wait3A_169] : memref<8x50xi32, #tpu.memory_space<vmem>> -> memref<1x50xi32, #tpu.memory_space<vmem>>
      %dma_wait3A_171 = tpu.memref_squeeze %dma_wait3A_170 : memref<1x50xi32, #tpu.memory_space<vmem>> -> memref<50xi32, #tpu.memory_space<vmem>>
      %dma_wait3A_172 = arith.constant 0 : i32
      %dma_wait3A_173 = arith.constant 0 : i32
      %dma_wait3A_174 = tpu.memref_slice %arg2[%arg0, %dma_wait3A_172, %dma_wait3A_173] : memref<2x10000x80xf32, #tpu.memory_space<hbm>> -> memref<1x10000x80xf32, #tpu.memory_space<hbm>>
      %dma_wait3A_175 = tpu.memref_squeeze %dma_wait3A_174 : memref<1x10000x80xf32, #tpu.memory_space<hbm>> -> memref<10000x80xf32, #tpu.memory_space<hbm>>
      %dma_wait3A_176 = arith.constant 0 : i32
      %dma_wait3A_177 = arith.constant 0 : i32
      %dma_wait3A_178 = tpu.memref_slice %dma_wait3A_175[%dma_wait3A_176, %dma_wait3A_177] : memref<10000x80xf32, #tpu.memory_space<hbm>> -> memref<10000x80xf32, #tpu.memory_space<hbm>>
      tpu.wait_indirect_dma semaphore(%arg22 : memref<!tpu.dma_semaphore, #tpu.memory_space<semaphore_mem>>) src(%dma_wait3A_178 : memref<10000x80xf32, #tpu.memory_space<hbm>>) dst(%arg13 : memref<50x80xf32, #tpu.memory_space<vmem>>)
      %dma_start3A_179 = arith.constant 4 : i32
      %dma_start3A_180 = arith.constant 0 : i32
      %dma_start3A_181 = tpu.memref_slice %arg8[%dma_start3A_179, %dma_start3A_180] : memref<8x50xi32, #tpu.memory_space<vmem>> -> memref<1x50xi32, #tpu.memory_space<vmem>>
      %dma_start3A_182 = tpu.memref_squeeze %dma_start3A_181 : memref<1x50xi32, #tpu.memory_space<vmem>> -> memref<50xi32, #tpu.memory_space<vmem>>
      %dma_start3A_183 = arith.constant 0 : i32
      %dma_start3A_184 = arith.constant 0 : i32
      %dma_start3A_185 = tpu.memref_slice %arg17[%dma_start3A_183, %dma_start3A_184] : memref<10240x80xf32, #tpu.memory_space<vmem_shared>> -> memref<10240x80xf32, #tpu.memory_space<vmem_shared>>
      tpu.enqueue_indirect_dma source(%arg13 : memref<50x80xf32, #tpu.memory_space<vmem>>) target(%dma_start3A_185 : memref<10240x80xf32, #tpu.memory_space<vmem_shared>>) offsets(%dma_start3A_182 : memref<50xi32, #tpu.memory_space<vmem>>) semaphore(%arg30 : memref<!tpu.dma_semaphore, #tpu.memory_space<semaphore_mem>>) {add = true}
      %dma_wait3A_186 = arith.constant 5 : i32
      %dma_wait3A_187 = arith.constant 0 : i32
      %dma_wait3A_188 = tpu.memref_slice %arg7[%dma_wait3A_186, %dma_wait3A_187] : memref<8x50xi32, #tpu.memory_space<vmem>> -> memref<1x50xi32, #tpu.memory_space<vmem>>
      %dma_wait3A_189 = tpu.memref_squeeze %dma_wait3A_188 : memref<1x50xi32, #tpu.memory_space<vmem>> -> memref<50xi32, #tpu.memory_space<vmem>>
      %dma_wait3A_190 = arith.constant 0 : i32
      %dma_wait3A_191 = arith.constant 0 : i32
      %dma_wait3A_192 = tpu.memref_slice %arg2[%arg0, %dma_wait3A_190, %dma_wait3A_191] : memref<2x10000x80xf32, #tpu.memory_space<hbm>> -> memref<1x10000x80xf32, #tpu.memory_space<hbm>>
      %dma_wait3A_193 = tpu.memref_squeeze %dma_wait3A_192 : memref<1x10000x80xf32, #tpu.memory_space<hbm>> -> memref<10000x80xf32, #tpu.memory_space<hbm>>
      %dma_wait3A_194 = arith.constant 0 : i32
      %dma_wait3A_195 = arith.constant 0 : i32
      %dma_wait3A_196 = tpu.memref_slice %dma_wait3A_193[%dma_wait3A_194, %dma_wait3A_195] : memref<10000x80xf32, #tpu.memory_space<hbm>> -> memref<10000x80xf32, #tpu.memory_space<hbm>>
      tpu.wait_indirect_dma semaphore(%arg23 : memref<!tpu.dma_semaphore, #tpu.memory_space<semaphore_mem>>) src(%dma_wait3A_196 : memref<10000x80xf32, #tpu.memory_space<hbm>>) dst(%arg14 : memref<50x80xf32, #tpu.memory_space<vmem>>)
      %dma_start3A_197 = arith.constant 5 : i32
      %dma_start3A_198 = arith.constant 0 : i32
      %dma_start3A_199 = tpu.memref_slice %arg8[%dma_start3A_197, %dma_start3A_198] : memref<8x50xi32, #tpu.memory_space<vmem>> -> memref<1x50xi32, #tpu.memory_space<vmem>>
      %dma_start3A_200 = tpu.memref_squeeze %dma_start3A_199 : memref<1x50xi32, #tpu.memory_space<vmem>> -> memref<50xi32, #tpu.memory_space<vmem>>
      %dma_start3A_201 = arith.constant 0 : i32
      %dma_start3A_202 = arith.constant 0 : i32
      %dma_start3A_203 = tpu.memref_slice %arg17[%dma_start3A_201, %dma_start3A_202] : memref<10240x80xf32, #tpu.memory_space<vmem_shared>> -> memref<10240x80xf32, #tpu.memory_space<vmem_shared>>
      tpu.enqueue_indirect_dma source(%arg14 : memref<50x80xf32, #tpu.memory_space<vmem>>) target(%dma_start3A_203 : memref<10240x80xf32, #tpu.memory_space<vmem_shared>>) offsets(%dma_start3A_200 : memref<50xi32, #tpu.memory_space<vmem>>) semaphore(%arg31 : memref<!tpu.dma_semaphore, #tpu.memory_space<semaphore_mem>>) {add = true}
      %dma_wait3A_204 = arith.constant 6 : i32
      %dma_wait3A_205 = arith.constant 0 : i32
      %dma_wait3A_206 = tpu.memref_slice %arg7[%dma_wait3A_204, %dma_wait3A_205] : memref<8x50xi32, #tpu.memory_space<vmem>> -> memref<1x50xi32, #tpu.memory_space<vmem>>
      %dma_wait3A_207 = tpu.memref_squeeze %dma_wait3A_206 : memref<1x50xi32, #tpu.memory_space<vmem>> -> memref<50xi32, #tpu.memory_space<vmem>>
      %dma_wait3A_208 = arith.constant 0 : i32
      %dma_wait3A_209 = arith.constant 0 : i32
      %dma_wait3A_210 = tpu.memref_slice %arg2[%arg0, %dma_wait3A_208, %dma_wait3A_209] : memref<2x10000x80xf32, #tpu.memory_space<hbm>> -> memref<1x10000x80xf32, #tpu.memory_space<hbm>>
      %dma_wait3A_211 = tpu.memref_squeeze %dma_wait3A_210 : memref<1x10000x80xf32, #tpu.memory_space<hbm>> -> memref<10000x80xf32, #tpu.memory_space<hbm>>
      %dma_wait3A_212 = arith.constant 0 : i32
      %dma_wait3A_213 = arith.constant 0 : i32
      %dma_wait3A_214 = tpu.memref_slice %dma_wait3A_211[%dma_wait3A_212, %dma_wait3A_213] : memref<10000x80xf32, #tpu.memory_space<hbm>> -> memref<10000x80xf32, #tpu.memory_space<hbm>>
      tpu.wait_indirect_dma semaphore(%arg24 : memref<!tpu.dma_semaphore, #tpu.memory_space<semaphore_mem>>) src(%dma_wait3A_214 : memref<10000x80xf32, #tpu.memory_space<hbm>>) dst(%arg15 : memref<50x80xf32, #tpu.memory_space<vmem>>)
      %dma_start3A_215 = arith.constant 6 : i32
      %dma_start3A_216 = arith.constant 0 : i32
      %dma_start3A_217 = tpu.memref_slice %arg8[%dma_start3A_215, %dma_start3A_216] : memref<8x50xi32, #tpu.memory_space<vmem>> -> memref<1x50xi32, #tpu.memory_space<vmem>>
      %dma_start3A_218 = tpu.memref_squeeze %dma_start3A_217 : memref<1x50xi32, #tpu.memory_space<vmem>> -> memref<50xi32, #tpu.memory_space<vmem>>
      %dma_start3A_219 = arith.constant 0 : i32
      %dma_start3A_220 = arith.constant 0 : i32
      %dma_start3A_221 = tpu.memref_slice %arg17[%dma_start3A_219, %dma_start3A_220] : memref<10240x80xf32, #tpu.memory_space<vmem_shared>> -> memref<10240x80xf32, #tpu.memory_space<vmem_shared>>
      tpu.enqueue_indirect_dma source(%arg15 : memref<50x80xf32, #tpu.memory_space<vmem>>) target(%dma_start3A_221 : memref<10240x80xf32, #tpu.memory_space<vmem_shared>>) offsets(%dma_start3A_218 : memref<50xi32, #tpu.memory_space<vmem>>) semaphore(%arg32 : memref<!tpu.dma_semaphore, #tpu.memory_space<semaphore_mem>>) {add = true}
      %dma_wait3A_222 = arith.constant 7 : i32
      %dma_wait3A_223 = arith.constant 0 : i32
      %dma_wait3A_224 = tpu.memref_slice %arg7[%dma_wait3A_222, %dma_wait3A_223] : memref<8x50xi32, #tpu.memory_space<vmem>> -> memref<1x50xi32, #tpu.memory_space<vmem>>
      %dma_wait3A_225 = tpu.memref_squeeze %dma_wait3A_224 : memref<1x50xi32, #tpu.memory_space<vmem>> -> memref<50xi32, #tpu.memory_space<vmem>>
      %dma_wait3A_226 = arith.constant 0 : i32
      %dma_wait3A_227 = arith.constant 0 : i32
      %dma_wait3A_228 = tpu.memref_slice %arg2[%arg0, %dma_wait3A_226, %dma_wait3A_227] : memref<2x10000x80xf32, #tpu.memory_space<hbm>> -> memref<1x10000x80xf32, #tpu.memory_space<hbm>>
      %dma_wait3A_229 = tpu.memref_squeeze %dma_wait3A_228 : memref<1x10000x80xf32, #tpu.memory_space<hbm>> -> memref<10000x80xf32, #tpu.memory_space<hbm>>
      %dma_wait3A_230 = arith.constant 0 : i32
      %dma_wait3A_231 = arith.constant 0 : i32
      %dma_wait3A_232 = tpu.memref_slice %dma_wait3A_229[%dma_wait3A_230, %dma_wait3A_231] : memref<10000x80xf32, #tpu.memory_space<hbm>> -> memref<10000x80xf32, #tpu.memory_space<hbm>>
      tpu.wait_indirect_dma semaphore(%arg25 : memref<!tpu.dma_semaphore, #tpu.memory_space<semaphore_mem>>) src(%dma_wait3A_232 : memref<10000x80xf32, #tpu.memory_space<hbm>>) dst(%arg16 : memref<50x80xf32, #tpu.memory_space<vmem>>)
      %dma_start3A_233 = arith.constant 7 : i32
      %dma_start3A_234 = arith.constant 0 : i32
      %dma_start3A_235 = tpu.memref_slice %arg8[%dma_start3A_233, %dma_start3A_234] : memref<8x50xi32, #tpu.memory_space<vmem>> -> memref<1x50xi32, #tpu.memory_space<vmem>>
      %dma_start3A_236 = tpu.memref_squeeze %dma_start3A_235 : memref<1x50xi32, #tpu.memory_space<vmem>> -> memref<50xi32, #tpu.memory_space<vmem>>
      %dma_start3A_237 = arith.constant 0 : i32
      %dma_start3A_238 = arith.constant 0 : i32
      %dma_start3A_239 = tpu.memref_slice %arg17[%dma_start3A_237, %dma_start3A_238] : memref<10240x80xf32, #tpu.memory_space<vmem_shared>> -> memref<10240x80xf32, #tpu.memory_space<vmem_shared>>
      tpu.enqueue_indirect_dma source(%arg16 : memref<50x80xf32, #tpu.memory_space<vmem>>) target(%dma_start3A_239 : memref<10240x80xf32, #tpu.memory_space<vmem_shared>>) offsets(%dma_start3A_236 : memref<50xi32, #tpu.memory_space<vmem>>) semaphore(%arg33 : memref<!tpu.dma_semaphore, #tpu.memory_space<semaphore_mem>>) {add = true}
      %dma_wait3A_240 = arith.constant 0 : i32
      %dma_wait3A_241 = arith.constant 0 : i32
      %dma_wait3A_242 = tpu.memref_slice %arg8[%dma_wait3A_240, %dma_wait3A_241] : memref<8x50xi32, #tpu.memory_space<vmem>> -> memref<1x50xi32, #tpu.memory_space<vmem>>
      %dma_wait3A_243 = tpu.memref_squeeze %dma_wait3A_242 : memref<1x50xi32, #tpu.memory_space<vmem>> -> memref<50xi32, #tpu.memory_space<vmem>>
      %dma_wait3A_244 = arith.constant 0 : i32
      %dma_wait3A_245 = arith.constant 0 : i32
      %dma_wait3A_246 = tpu.memref_slice %arg17[%dma_wait3A_244, %dma_wait3A_245] : memref<10240x80xf32, #tpu.memory_space<vmem_shared>> -> memref<10240x80xf32, #tpu.memory_space<vmem_shared>>
      tpu.wait_indirect_dma semaphore(%arg26 : memref<!tpu.dma_semaphore, #tpu.memory_space<semaphore_mem>>) src(%arg9 : memref<50x80xf32, #tpu.memory_space<vmem>>) dst(%dma_wait3A_246 : memref<10240x80xf32, #tpu.memory_space<vmem_shared>>)
      %dma_wait3A_247 = arith.constant 1 : i32
      %dma_wait3A_248 = arith.constant 0 : i32
      %dma_wait3A_249 = tpu.memref_slice %arg8[%dma_wait3A_247, %dma_wait3A_248] : memref<8x50xi32, #tpu.memory_space<vmem>> -> memref<1x50xi32, #tpu.memory_space<vmem>>
      %dma_wait3A_250 = tpu.memref_squeeze %dma_wait3A_249 : memref<1x50xi32, #tpu.memory_space<vmem>> -> memref<50xi32, #tpu.memory_space<vmem>>
      %dma_wait3A_251 = arith.constant 0 : i32
      %dma_wait3A_252 = arith.constant 0 : i32
      %dma_wait3A_253 = tpu.memref_slice %arg17[%dma_wait3A_251, %dma_wait3A_252] : memref<10240x80xf32, #tpu.memory_space<vmem_shared>> -> memref<10240x80xf32, #tpu.memory_space<vmem_shared>>
      tpu.wait_indirect_dma semaphore(%arg27 : memref<!tpu.dma_semaphore, #tpu.memory_space<semaphore_mem>>) src(%arg10 : memref<50x80xf32, #tpu.memory_space<vmem>>) dst(%dma_wait3A_253 : memref<10240x80xf32, #tpu.memory_space<vmem_shared>>)
      %dma_wait3A_254 = arith.constant 2 : i32
      %dma_wait3A_255 = arith.constant 0 : i32
      %dma_wait3A_256 = tpu.memref_slice %arg8[%dma_wait3A_254, %dma_wait3A_255] : memref<8x50xi32, #tpu.memory_space<vmem>> -> memref<1x50xi32, #tpu.memory_space<vmem>>
      %dma_wait3A_257 = tpu.memref_squeeze %dma_wait3A_256 : memref<1x50xi32, #tpu.memory_space<vmem>> -> memref<50xi32, #tpu.memory_space<vmem>>
      %dma_wait3A_258 = arith.constant 0 : i32
      %dma_wait3A_259 = arith.constant 0 : i32
      %dma_wait3A_260 = tpu.memref_slice %arg17[%dma_wait3A_258, %dma_wait3A_259] : memref<10240x80xf32, #tpu.memory_space<vmem_shared>> -> memref<10240x80xf32, #tpu.memory_space<vmem_shared>>
      tpu.wait_indirect_dma semaphore(%arg28 : memref<!tpu.dma_semaphore, #tpu.memory_space<semaphore_mem>>) src(%arg11 : memref<50x80xf32, #tpu.memory_space<vmem>>) dst(%dma_wait3A_260 : memref<10240x80xf32, #tpu.memory_space<vmem_shared>>)
      %dma_wait3A_261 = arith.constant 3 : i32
      %dma_wait3A_262 = arith.constant 0 : i32
      %dma_wait3A_263 = tpu.memref_slice %arg8[%dma_wait3A_261, %dma_wait3A_262] : memref<8x50xi32, #tpu.memory_space<vmem>> -> memref<1x50xi32, #tpu.memory_space<vmem>>
      %dma_wait3A_264 = tpu.memref_squeeze %dma_wait3A_263 : memref<1x50xi32, #tpu.memory_space<vmem>> -> memref<50xi32, #tpu.memory_space<vmem>>
      %dma_wait3A_265 = arith.constant 0 : i32
      %dma_wait3A_266 = arith.constant 0 : i32
      %dma_wait3A_267 = tpu.memref_slice %arg17[%dma_wait3A_265, %dma_wait3A_266] : memref<10240x80xf32, #tpu.memory_space<vmem_shared>> -> memref<10240x80xf32, #tpu.memory_space<vmem_shared>>
      tpu.wait_indirect_dma semaphore(%arg29 : memref<!tpu.dma_semaphore, #tpu.memory_space<semaphore_mem>>) src(%arg12 : memref<50x80xf32, #tpu.memory_space<vmem>>) dst(%dma_wait3A_267 : memref<10240x80xf32, #tpu.memory_space<vmem_shared>>)
      %dma_wait3A_268 = arith.constant 4 : i32
      %dma_wait3A_269 = arith.constant 0 : i32
      %dma_wait3A_270 = tpu.memref_slice %arg8[%dma_wait3A_268, %dma_wait3A_269] : memref<8x50xi32, #tpu.memory_space<vmem>> -> memref<1x50xi32, #tpu.memory_space<vmem>>
      %dma_wait3A_271 = tpu.memref_squeeze %dma_wait3A_270 : memref<1x50xi32, #tpu.memory_space<vmem>> -> memref<50xi32, #tpu.memory_space<vmem>>
      %dma_wait3A_272 = arith.constant 0 : i32
      %dma_wait3A_273 = arith.constant 0 : i32
      %dma_wait3A_274 = tpu.memref_slice %arg17[%dma_wait3A_272, %dma_wait3A_273] : memref<10240x80xf32, #tpu.memory_space<vmem_shared>> -> memref<10240x80xf32, #tpu.memory_space<vmem_shared>>
      tpu.wait_indirect_dma semaphore(%arg30 : memref<!tpu.dma_semaphore, #tpu.memory_space<semaphore_mem>>) src(%arg13 : memref<50x80xf32, #tpu.memory_space<vmem>>) dst(%dma_wait3A_274 : memref<10240x80xf32, #tpu.memory_space<vmem_shared>>)
      %dma_wait3A_275 = arith.constant 5 : i32
      %dma_wait3A_276 = arith.constant 0 : i32
      %dma_wait3A_277 = tpu.memref_slice %arg8[%dma_wait3A_275, %dma_wait3A_276] : memref<8x50xi32, #tpu.memory_space<vmem>> -> memref<1x50xi32, #tpu.memory_space<vmem>>
      %dma_wait3A_278 = tpu.memref_squeeze %dma_wait3A_277 : memref<1x50xi32, #tpu.memory_space<vmem>> -> memref<50xi32, #tpu.memory_space<vmem>>
      %dma_wait3A_279 = arith.constant 0 : i32
      %dma_wait3A_280 = arith.constant 0 : i32
      %dma_wait3A_281 = tpu.memref_slice %arg17[%dma_wait3A_279, %dma_wait3A_280] : memref<10240x80xf32, #tpu.memory_space<vmem_shared>> -> memref<10240x80xf32, #tpu.memory_space<vmem_shared>>
      tpu.wait_indirect_dma semaphore(%arg31 : memref<!tpu.dma_semaphore, #tpu.memory_space<semaphore_mem>>) src(%arg14 : memref<50x80xf32, #tpu.memory_space<vmem>>) dst(%dma_wait3A_281 : memref<10240x80xf32, #tpu.memory_space<vmem_shared>>)
      %dma_wait3A_282 = arith.constant 6 : i32
      %dma_wait3A_283 = arith.constant 0 : i32
      %dma_wait3A_284 = tpu.memref_slice %arg8[%dma_wait3A_282, %dma_wait3A_283] : memref<8x50xi32, #tpu.memory_space<vmem>> -> memref<1x50xi32, #tpu.memory_space<vmem>>
      %dma_wait3A_285 = tpu.memref_squeeze %dma_wait3A_284 : memref<1x50xi32, #tpu.memory_space<vmem>> -> memref<50xi32, #tpu.memory_space<vmem>>
      %dma_wait3A_286 = arith.constant 0 : i32
      %dma_wait3A_287 = arith.constant 0 : i32
      %dma_wait3A_288 = tpu.memref_slice %arg17[%dma_wait3A_286, %dma_wait3A_287] : memref<10240x80xf32, #tpu.memory_space<vmem_shared>> -> memref<10240x80xf32, #tpu.memory_space<vmem_shared>>
      tpu.wait_indirect_dma semaphore(%arg32 : memref<!tpu.dma_semaphore, #tpu.memory_space<semaphore_mem>>) src(%arg15 : memref<50x80xf32, #tpu.memory_space<vmem>>) dst(%dma_wait3A_288 : memref<10240x80xf32, #tpu.memory_space<vmem_shared>>)
      %dma_wait3A_289 = arith.constant 7 : i32
      %dma_wait3A_290 = arith.constant 0 : i32
      %dma_wait3A_291 = tpu.memref_slice %arg8[%dma_wait3A_289, %dma_wait3A_290] : memref<8x50xi32, #tpu.memory_space<vmem>> -> memref<1x50xi32, #tpu.memory_space<vmem>>
      %dma_wait3A_292 = tpu.memref_squeeze %dma_wait3A_291 : memref<1x50xi32, #tpu.memory_space<vmem>> -> memref<50xi32, #tpu.memory_space<vmem>>
      %dma_wait3A_293 = arith.constant 0 : i32
      %dma_wait3A_294 = arith.constant 0 : i32
      %dma_wait3A_295 = tpu.memref_slice %arg17[%dma_wait3A_293, %dma_wait3A_294] : memref<10240x80xf32, #tpu.memory_space<vmem_shared>> -> memref<10240x80xf32, #tpu.memory_space<vmem_shared>>
      tpu.wait_indirect_dma semaphore(%arg33 : memref<!tpu.dma_semaphore, #tpu.memory_space<semaphore_mem>>) src(%arg16 : memref<50x80xf32, #tpu.memory_space<vmem>>) dst(%dma_wait3A_295 : memref<10240x80xf32, #tpu.memory_space<vmem_shared>>)
    }
    %scan3A_5 = arith.constant 50 : i32
    %barrier3A_6 = arith.constant 0 : index
    tpu.barrier barrier_id(%barrier3A_6)
    "tpu.region"() ({
      %run_scoped3A = tpu.sem_alloc : memref<!tpu.dma_semaphore, #tpu.memory_space<semaphore_mem>>
      %dma_start3A = arith.constant 0 : i32
      %dma_start3A_7 = tpu.memref_slice %arg6[%arg0, %mul3A_0, %dma_start3A] : memref<2x10240x80xf32, #tpu.memory_space<hbm>> -> memref<1x640x80xf32, #tpu.memory_space<hbm>>
      %dma_start3A_8 = tpu.memref_squeeze %dma_start3A_7 : memref<1x640x80xf32, #tpu.memory_space<hbm>> -> memref<640x80xf32, #tpu.memory_space<hbm>>
      %dma_start3A_9 = arith.constant 0 : i32
      %dma_start3A_10 = tpu.memref_slice %arg17[%mul3A_0, %dma_start3A_9] : memref<10240x80xf32, #tpu.memory_space<vmem_shared>> -> memref<640x80xf32, #tpu.memory_space<vmem_shared>>
      tpu.enqueue_dma source(%dma_start3A_10 : memref<640x80xf32, #tpu.memory_space<vmem_shared>>) target(%dma_start3A_8 : memref<640x80xf32, #tpu.memory_space<hbm>>) target_semaphore(%run_scoped3A : memref<!tpu.dma_semaphore, #tpu.memory_space<semaphore_mem>>)
      %dma_wait3A = arith.constant 0 : i32
      %dma_wait3A_11 = tpu.memref_slice %arg6[%arg0, %mul3A_0, %dma_wait3A] : memref<2x10240x80xf32, #tpu.memory_space<hbm>> -> memref<1x640x80xf32, #tpu.memory_space<hbm>>
      %dma_wait3A_12 = tpu.memref_squeeze %dma_wait3A_11 : memref<1x640x80xf32, #tpu.memory_space<hbm>> -> memref<640x80xf32, #tpu.memory_space<hbm>>
      %dma_wait3A_13 = arith.constant 0 : i32
      %dma_wait3A_14 = tpu.memref_slice %arg17[%mul3A_0, %dma_wait3A_13] : memref<10240x80xf32, #tpu.memory_space<vmem_shared>> -> memref<640x80xf32, #tpu.memory_space<vmem_shared>>
      tpu.wait_dma2 semaphore(%run_scoped3A : memref<!tpu.dma_semaphore, #tpu.memory_space<semaphore_mem>>) src(%dma_wait3A_14 : memref<640x80xf32, #tpu.memory_space<vmem_shared>>) dst(%dma_wait3A_12 : memref<640x80xf32, #tpu.memory_space<hbm>>)
      tpu.yield
    }) : () -> ()
    return
  }
}

module attributes {stable_mosaic.version = 14 : i64} {
  func.func @_mm2_body(%arg0: i32, %arg1: memref<1000x128xf32, #tpu.memory_space<vmem>>, %arg2: memref<128x80xf32, #tpu.memory_space<vmem>>, %arg3: memref<128x80xf32, #tpu.memory_space<vmem>>, %arg4: memref<128x80xf32, #tpu.memory_space<vmem>>, %arg5: memref<128x80xf32, #tpu.memory_space<vmem>>, %arg6: memref<2x1000x80xf32, #tpu.memory_space<vmem>>, %arg7: memref<2x1000x80xf32, #tpu.memory_space<vmem>>) attributes {dimension_semantics = [#tpu.dimension_semantics<arbitrary>], iteration_bounds = array<i64: 10>, scalar_prefetch = 0 : i64, scratch_operands = 0 : i64, tpu.core_type = #tpu.core_type<tc>, window_params = [{transform_indices = @transform_0, window_bounds = array<i64: 1000, 128>}, {pipeline_mode = #tpu.pipeline_mode<synchronous>, transform_indices = @transform_1, window_bounds = array<i64: 128, 80>}, {pipeline_mode = #tpu.pipeline_mode<synchronous>, transform_indices = @transform_2, window_bounds = array<i64: 128, 80>}, {pipeline_mode = #tpu.pipeline_mode<synchronous>, transform_indices = @transform_3, window_bounds = array<i64: 128, 80>}, {pipeline_mode = #tpu.pipeline_mode<synchronous>, transform_indices = @transform_4, window_bounds = array<i64: 128, 80>}, {transform_indices = @transform_5, window_bounds = array<i64: 2, 1000, 80>}, {transform_indices = @transform_6, window_bounds = array<i64: 2, 1000, 80>}]} {
    %get3A = arith.constant 0 : index
    %get3A_0 = arith.constant 0 : index
    %get3A_1 = vector.load %arg1[%get3A, %get3A_0] : memref<1000x128xf32, #tpu.memory_space<vmem>>, vector<1000x128xf32>
    %get3A_2 = arith.constant 0 : index
    %get3A_3 = arith.constant 0 : index
    %get3A_4 = vector.load %arg2[%get3A_2, %get3A_3] : memref<128x80xf32, #tpu.memory_space<vmem>>, vector<128x80xf32>
    %dot_general3A = arith.constant dense<0.000000e+00> : vector<1000x80xf32>
    %dot_general3A_5 = tpu.matmul %get3A_1, %get3A_4, %dot_general3A {dimension_numbers = #tpu.dot_dimension_numbers<[1], [0], [0], [1], [0, 0, 1, 1], [], []>, transpose_lhs_hint = false} : vector<1000x128xf32>, vector<128x80xf32>, vector<1000x80xf32> -> vector<1000x80xf32>
    %swap3A = arith.constant 0 : index
    %swap3A_6 = arith.constant 0 : index
    %swap3A_7 = arith.constant 0 : index
    %swap3A_8 = vector.load %arg6[%swap3A, %swap3A_6, %swap3A_7] : memref<2x1000x80xf32, #tpu.memory_space<vmem>>, vector<1x1000x80xf32>
    %swap3A_9 = vector.shape_cast %swap3A_8 : vector<1x1000x80xf32> to vector<1000x80xf32>
    %swap3A_10 = vector.shape_cast %dot_general3A_5 : vector<1000x80xf32> to vector<1x1000x80xf32>
    tpu.vector_store %arg6[%swap3A, %swap3A_6, %swap3A_7], %swap3A_10 {strides = array<i32>} : memref<2x1000x80xf32, #tpu.memory_space<vmem>>, vector<1x1000x80xf32>,
    %get3A_11 = arith.constant 0 : index
    %get3A_12 = arith.constant 0 : index
    %get3A_13 = vector.load %arg3[%get3A_11, %get3A_12] : memref<128x80xf32, #tpu.memory_space<vmem>>, vector<128x80xf32>
    %dot_general3A_14 = arith.constant dense<0.000000e+00> : vector<1000x80xf32>
    %dot_general3A_15 = tpu.matmul %get3A_1, %get3A_13, %dot_general3A_14 {dimension_numbers = #tpu.dot_dimension_numbers<[1], [0], [0], [1], [0, 0, 1, 1], [], []>, transpose_lhs_hint = false} : vector<1000x128xf32>, vector<128x80xf32>, vector<1000x80xf32> -> vector<1000x80xf32>
    %swap3A_16 = arith.constant 1 : index
    %swap3A_17 = arith.constant 0 : index
    %swap3A_18 = arith.constant 0 : index
    %swap3A_19 = vector.load %arg6[%swap3A_16, %swap3A_17, %swap3A_18] : memref<2x1000x80xf32, #tpu.memory_space<vmem>>, vector<1x1000x80xf32>
    %swap3A_20 = vector.shape_cast %swap3A_19 : vector<1x1000x80xf32> to vector<1000x80xf32>
    %swap3A_21 = vector.shape_cast %dot_general3A_15 : vector<1000x80xf32> to vector<1x1000x80xf32>
    tpu.vector_store %arg6[%swap3A_16, %swap3A_17, %swap3A_18], %swap3A_21 {strides = array<i32>} : memref<2x1000x80xf32, #tpu.memory_space<vmem>>, vector<1x1000x80xf32>,
    %get3A_22 = arith.constant 0 : index
    %get3A_23 = arith.constant 0 : index
    %get3A_24 = vector.load %arg4[%get3A_22, %get3A_23] : memref<128x80xf32, #tpu.memory_space<vmem>>, vector<128x80xf32>
    %dot_general3A_25 = arith.constant dense<0.000000e+00> : vector<1000x80xf32>
    %dot_general3A_26 = tpu.matmul %get3A_1, %get3A_24, %dot_general3A_25 {dimension_numbers = #tpu.dot_dimension_numbers<[1], [0], [0], [1], [0, 0, 1, 1], [], []>, transpose_lhs_hint = false} : vector<1000x128xf32>, vector<128x80xf32>, vector<1000x80xf32> -> vector<1000x80xf32>
    %swap3A_27 = arith.constant 0 : index
    %swap3A_28 = arith.constant 0 : index
    %swap3A_29 = arith.constant 0 : index
    %swap3A_30 = vector.load %arg7[%swap3A_27, %swap3A_28, %swap3A_29] : memref<2x1000x80xf32, #tpu.memory_space<vmem>>, vector<1x1000x80xf32>
    %swap3A_31 = vector.shape_cast %swap3A_30 : vector<1x1000x80xf32> to vector<1000x80xf32>
    %swap3A_32 = vector.shape_cast %dot_general3A_26 : vector<1000x80xf32> to vector<1x1000x80xf32>
    tpu.vector_store %arg7[%swap3A_27, %swap3A_28, %swap3A_29], %swap3A_32 {strides = array<i32>} : memref<2x1000x80xf32, #tpu.memory_space<vmem>>, vector<1x1000x80xf32>,
    %get3A_33 = arith.constant 0 : index
    %get3A_34 = arith.constant 0 : index
    %get3A_35 = vector.load %arg5[%get3A_33, %get3A_34] : memref<128x80xf32, #tpu.memory_space<vmem>>, vector<128x80xf32>
    %dot_general3A_36 = arith.constant dense<0.000000e+00> : vector<1000x80xf32>
    %dot_general3A_37 = tpu.matmul %get3A_1, %get3A_35, %dot_general3A_36 {dimension_numbers = #tpu.dot_dimension_numbers<[1], [0], [0], [1], [0, 0, 1, 1], [], []>, transpose_lhs_hint = false} : vector<1000x128xf32>, vector<128x80xf32>, vector<1000x80xf32> -> vector<1000x80xf32>
    %swap3A_38 = arith.constant 1 : index
    %swap3A_39 = arith.constant 0 : index
    %swap3A_40 = arith.constant 0 : index
    %swap3A_41 = vector.load %arg7[%swap3A_38, %swap3A_39, %swap3A_40] : memref<2x1000x80xf32, #tpu.memory_space<vmem>>, vector<1x1000x80xf32>
    %swap3A_42 = vector.shape_cast %swap3A_41 : vector<1x1000x80xf32> to vector<1000x80xf32>
    %swap3A_43 = vector.shape_cast %dot_general3A_37 : vector<1000x80xf32> to vector<1x1000x80xf32>
    tpu.vector_store %arg7[%swap3A_38, %swap3A_39, %swap3A_40], %swap3A_43 {strides = array<i32>} : memref<2x1000x80xf32, #tpu.memory_space<vmem>>, vector<1x1000x80xf32>,
    return
  }
  func.func @transform_0(%arg0: i32) -> (i32, i32) {
    %c0_i32 = arith.constant 0 : i32
    %c0_i32_0 = arith.constant 0 : i32
    return %arg0, %c0_i32 : i32, i32
  }
  func.func @transform_1(%arg0: i32) -> (i32, i32) {
    %c0_i32 = arith.constant 0 : i32
    %c0_i32_0 = arith.constant 0 : i32
    %c0_i32_1 = arith.constant 0 : i32
    return %c0_i32, %c0_i32_0 : i32, i32
  }
  func.func @transform_2(%arg0: i32) -> (i32, i32) {
    %c0_i32 = arith.constant 0 : i32
    %c0_i32_0 = arith.constant 0 : i32
    %c0_i32_1 = arith.constant 0 : i32
    return %c0_i32, %c0_i32_0 : i32, i32
  }
  func.func @transform_3(%arg0: i32) -> (i32, i32) {
    %c0_i32 = arith.constant 0 : i32
    %c0_i32_0 = arith.constant 0 : i32
    %c0_i32_1 = arith.constant 0 : i32
    return %c0_i32, %c0_i32_0 : i32, i32
  }
  func.func @transform_4(%arg0: i32) -> (i32, i32) {
    %c0_i32 = arith.constant 0 : i32
    %c0_i32_0 = arith.constant 0 : i32
    %c0_i32_1 = arith.constant 0 : i32
    return %c0_i32, %c0_i32_0 : i32, i32
  }
  func.func @transform_5(%arg0: i32) -> (i32, i32, i32) {
    %c0_i32 = arith.constant 0 : i32
    %c0_i32_0 = arith.constant 0 : i32
    %c0_i32_1 = arith.constant 0 : i32
    return %c0_i32, %arg0, %c0_i32_0 : i32, i32, i32
  }
  func.func @transform_6(%arg0: i32) -> (i32, i32, i32) {
    %c0_i32 = arith.constant 0 : i32
    %c0_i32_0 = arith.constant 0 : i32
    %c0_i32_1 = arith.constant 0 : i32
    return %c0_i32, %arg0, %c0_i32_0 : i32, i32, i32
  }
}

module attributes {stable_mosaic.version = 14 : i64} {
  func.func @_stage_c_body(%arg0: i32, %arg1: memref<1x1000x80xf32, #tpu.memory_space<vmem>>, %arg2: memref<1x1000x80xf32, #tpu.memory_space<vmem>>, %arg3: memref<1x1000x16xf32, #tpu.memory_space<vmem>>, %arg4: memref<1x1000x16xf32, #tpu.memory_space<vmem>>, %arg5: memref<1x160xf32, #tpu.memory_space<vmem>>, %arg6: memref<160x160xf32, #tpu.memory_space<vmem>>, %arg7: memref<1x160xf32, #tpu.memory_space<vmem>>, %arg8: memref<2x1000x80xf32, #tpu.memory_space<vmem>>, %arg9: memref<1000x160xf32, #tpu.memory_space<vmem>>) attributes {dimension_semantics = [#tpu.dimension_semantics<arbitrary>], iteration_bounds = array<i64: 10>, scalar_prefetch = 0 : i64, scratch_operands = 0 : i64, tpu.core_type = #tpu.core_type<tc>, window_params = [{transform_indices = @transform_0, window_bounds = array<i64: 1, 1000, 80>}, {transform_indices = @transform_1, window_bounds = array<i64: 1, 1000, 80>}, {transform_indices = @transform_2, window_bounds = array<i64: 1, 1000, 16>}, {transform_indices = @transform_3, window_bounds = array<i64: 1, 1000, 16>}, {pipeline_mode = #tpu.pipeline_mode<synchronous>, transform_indices = @transform_4, window_bounds = array<i64: 1, 160>}, {pipeline_mode = #tpu.pipeline_mode<synchronous>, transform_indices = @transform_5, window_bounds = array<i64: 160, 160>}, {pipeline_mode = #tpu.pipeline_mode<synchronous>, transform_indices = @transform_6, window_bounds = array<i64: 1, 160>}, {transform_indices = @transform_7, window_bounds = array<i64: 2, 1000, 80>}, {transform_indices = @transform_8, window_bounds = array<i64: 1000, 160>}]} {
    %iota3A = tpu.iota {dimensions = array<i32: 1>} : vector<16x80xi32>
    %jit3A = arith.constant 16 : i32
    %div3A = vector.broadcast %jit3A : i32 to vector<16x80xi32>
    %div3A_0 = arith.divsi %iota3A, %div3A : vector<16x80xi32>
    %sign3A = arith.constant 0 : i32
    %sign3A_1 = vector.broadcast %sign3A : i32 to vector<16x80xi32>
    %sign3A_2 = arith.cmpi sgt, %iota3A, %sign3A_1 : vector<16x80xi32>
    %sign3A_3 = arith.extui %sign3A_2 : vector<16x80xi1> to vector<16x80xi32>
    %sign3A_4 = arith.constant 0 : i32
    %sign3A_5 = vector.broadcast %sign3A_4 : i32 to vector<16x80xi32>
    %sign3A_6 = arith.cmpi slt, %iota3A, %sign3A_5 : vector<16x80xi32>
    %sign3A_7 = arith.extui %sign3A_6 : vector<16x80xi1> to vector<16x80xi32>
    %sign3A_8 = arith.subi %sign3A_3, %sign3A_7 : vector<16x80xi32>
    %sign3A_9 = arith.constant 0 : i32
    %sign3A_10 = arith.cmpi sgt, %jit3A, %sign3A_9 : i32
    %sign3A_11 = arith.extui %sign3A_10 : i1 to i32
    %sign3A_12 = arith.constant 0 : i32
    %sign3A_13 = arith.cmpi slt, %jit3A, %sign3A_12 : i32
    %sign3A_14 = arith.extui %sign3A_13 : i1 to i32
    %sign3A_15 = arith.subi %sign3A_11, %sign3A_14 : i32
    %ne3A = vector.broadcast %sign3A_15 : i32 to vector<16x80xi32>
    %ne3A_16 = arith.cmpi ne, %sign3A_8, %ne3A : vector<16x80xi32>
    %rem3A = vector.broadcast %jit3A : i32 to vector<16x80xi32>
    %rem3A_17 = arith.remsi %iota3A, %rem3A : vector<16x80xi32>
    %ne3A_18 = arith.constant 0 : i32
    %ne3A_19 = vector.broadcast %ne3A_18 : i32 to vector<16x80xi32>
    %ne3A_20 = arith.cmpi ne, %rem3A_17, %ne3A_19 : vector<16x80xi32>
    %and3A = arith.andi %ne3A_16, %ne3A_20 : vector<16x80xi1>
    %sub3A = arith.constant 1 : i32
    %sub3A_21 = vector.broadcast %sub3A : i32 to vector<16x80xi32>
    %sub3A_22 = arith.subi %div3A_0, %sub3A_21 : vector<16x80xi32>
    %select_n3A = arith.select %and3A, %sub3A_22, %div3A_0 : vector<16x80xi1>, vector<16x80xi32>
    %iota3A_23 = tpu.iota {dimensions = array<i32: 0>} : vector<16x80xi32>
    %eq3A = arith.cmpi eq, %select_n3A, %iota3A_23 : vector<16x80xi32>
    %convert_element_type3A = arith.extui %eq3A : vector<16x80xi1> to vector<16x80xi32>
    %convert_element_type3A_24 = arith.sitofp %convert_element_type3A : vector<16x80xi32> to vector<16x80xf32>
    %get3A = arith.constant 0 : index
    %get3A_25 = arith.constant 0 : index
    %get3A_26 = arith.constant 0 : index
    %get3A_27 = vector.load %arg3[%get3A, %get3A_25, %get3A_26] : memref<1x1000x16xf32, #tpu.memory_space<vmem>>, vector<1x1000x16xf32>
    %get3A_28 = vector.shape_cast %get3A_27 : vector<1x1000x16xf32> to vector<1000x16xf32>
    %dot_general3A = arith.constant dense<0.000000e+00> : vector<1000x80xf32>
    %dot_general3A_29 = tpu.matmul %get3A_28, %convert_element_type3A_24, %dot_general3A {dimension_numbers = #tpu.dot_dimension_numbers<[1], [0], [0], [1], [0, 0, 1, 1], [], []>, transpose_lhs_hint = false} : vector<1000x16xf32>, vector<16x80xf32>, vector<1000x80xf32> -> vector<1000x80xf32>
    %get3A_30 = arith.constant 0 : index
    %get3A_31 = arith.constant 0 : index
    %get3A_32 = arith.constant 0 : index
    %get3A_33 = vector.load %arg4[%get3A_30, %get3A_31, %get3A_32] : memref<1x1000x16xf32, #tpu.memory_space<vmem>>, vector<1x1000x16xf32>
    %get3A_34 = vector.shape_cast %get3A_33 : vector<1x1000x16xf32> to vector<1000x16xf32>
    %dot_general3A_35 = arith.constant dense<0.000000e+00> : vector<1000x80xf32>
    %dot_general3A_36 = tpu.matmul %get3A_34, %convert_element_type3A_24, %dot_general3A_35 {dimension_numbers = #tpu.dot_dimension_numbers<[1], [0], [0], [1], [0, 0, 1, 1], [], []>, transpose_lhs_hint = false} : vector<1000x16xf32>, vector<16x80xf32>, vector<1000x80xf32> -> vector<1000x80xf32>
    %get3A_37 = arith.constant 0 : index
    %get3A_38 = arith.constant 0 : index
    %get3A_39 = arith.constant 0 : index
    %get3A_40 = vector.load %arg1[%get3A_37, %get3A_38, %get3A_39] : memref<1x1000x80xf32, #tpu.memory_space<vmem>>, vector<1x1000x80xf32>
    %get3A_41 = vector.shape_cast %get3A_40 : vector<1x1000x80xf32> to vector<1000x80xf32>
    %add3A = arith.constant 1.000000e-16 : f32
    %add3A_42 = vector.broadcast %add3A : f32 to vector<1000x80xf32>
    %add3A_43 = arith.addf %dot_general3A_29, %add3A_42 : vector<1000x80xf32>
    %div3A_44 = arith.divf %get3A_41, %add3A_43 : vector<1000x80xf32>
    %get3A_45 = arith.constant 0 : index
    %get3A_46 = arith.constant 0 : index
    %get3A_47 = arith.constant 0 : index
    %get3A_48 = vector.load %arg2[%get3A_45, %get3A_46, %get3A_47] : memref<1x1000x80xf32, #tpu.memory_space<vmem>>, vector<1x1000x80xf32>
    %get3A_49 = vector.shape_cast %get3A_48 : vector<1x1000x80xf32> to vector<1000x80xf32>
    %add3A_50 = arith.constant 1.000000e-16 : f32
    %add3A_51 = vector.broadcast %add3A_50 : f32 to vector<1000x80xf32>
    %add3A_52 = arith.addf %dot_general3A_36, %add3A_51 : vector<1000x80xf32>
    %div3A_53 = arith.divf %get3A_49, %add3A_52 : vector<1000x80xf32>
    %iota3A_54 = tpu.iota {dimensions = array<i32: 0>} : vector<80x160xi32>
    %iota3A_55 = tpu.iota {dimensions = array<i32: 1>} : vector<80x160xi32>
    %eq3A_56 = arith.cmpi eq, %iota3A_55, %iota3A_54 : vector<80x160xi32>
    %convert_element_type3A_57 = arith.extui %eq3A_56 : vector<80x160xi1> to vector<80x160xi32>
    %convert_element_type3A_58 = arith.sitofp %convert_element_type3A_57 : vector<80x160xi32> to vector<80x160xf32>
    %add3A_59 = arith.constant 80 : i32
    %add3A_60 = vector.broadcast %add3A_59 : i32 to vector<80x160xi32>
    %add3A_61 = arith.addi %iota3A_54, %add3A_60 : vector<80x160xi32>
    %eq3A_62 = arith.cmpi eq, %iota3A_55, %add3A_61 : vector<80x160xi32>
    %convert_element_type3A_63 = arith.extui %eq3A_62 : vector<80x160xi1> to vector<80x160xi32>
    %convert_element_type3A_64 = arith.sitofp %convert_element_type3A_63 : vector<80x160xi32> to vector<80x160xf32>
    %dot_general3A_65 = arith.constant dense<0.000000e+00> : vector<1000x160xf32>
    %dot_general3A_66 = tpu.matmul %div3A_44, %convert_element_type3A_58, %dot_general3A_65 {dimension_numbers = #tpu.dot_dimension_numbers<[1], [0], [0], [1], [0, 0, 1, 1], [], []>, transpose_lhs_hint = false} : vector<1000x80xf32>, vector<80x160xf32>, vector<1000x160xf32> -> vector<1000x160xf32>
    %dot_general3A_67 = arith.constant dense<0.000000e+00> : vector<1000x160xf32>
    %dot_general3A_68 = tpu.matmul %div3A_53, %convert_element_type3A_64, %dot_general3A_67 {dimension_numbers = #tpu.dot_dimension_numbers<[1], [0], [0], [1], [0, 0, 1, 1], [], []>, transpose_lhs_hint = false} : vector<1000x80xf32>, vector<80x160xf32>, vector<1000x160xf32> -> vector<1000x160xf32>
    %add3A_69 = arith.addf %dot_general3A_66, %dot_general3A_68 : vector<1000x160xf32>
    %get3A_70 = arith.constant 0 : index
    %get3A_71 = arith.constant 0 : index
    %get3A_72 = arith.constant 0 : index
    %get3A_73 = vector.load %arg3[%get3A_70, %get3A_71, %get3A_72] : memref<1x1000x16xf32, #tpu.memory_space<vmem>>, vector<1x1000x16xf32>
    %get3A_74 = vector.shape_cast %get3A_73 : vector<1x1000x16xf32> to vector<1000x16xf32>
    %iota3A_75 = tpu.iota {dimensions = array<i32: 0>} : vector<16x160xi32>
    %eq3A_76 = arith.constant 15 : i32
    %eq3A_77 = vector.broadcast %eq3A_76 : i32 to vector<16x160xi32>
    %eq3A_78 = arith.cmpi eq, %iota3A_75, %eq3A_77 : vector<16x160xi32>
    %convert_element_type3A_79 = arith.extui %eq3A_78 : vector<16x160xi1> to vector<16x160xi32>
    %convert_element_type3A_80 = arith.sitofp %convert_element_type3A_79 : vector<16x160xi32> to vector<16x160xf32>
    %dot_general3A_81 = arith.constant dense<0.000000e+00> : vector<1000x160xf32>
    %dot_general3A_82 = tpu.matmul %get3A_74, %convert_element_type3A_80, %dot_general3A_81 {dimension_numbers = #tpu.dot_dimension_numbers<[1], [0], [0], [1], [0, 0, 1, 1], [], []>, transpose_lhs_hint = false} : vector<1000x16xf32>, vector<16x160xf32>, vector<1000x160xf32> -> vector<1000x160xf32>
    %add3A_83 = arith.constant 1.000000e+00 : f32
    %add3A_84 = vector.broadcast %add3A_83 : f32 to vector<1000x160xf32>
    %add3A_85 = arith.addf %dot_general3A_82, %add3A_84 : vector<1000x160xf32>
    %get3A_86 = arith.constant 0 : index
    %get3A_87 = arith.constant 0 : index
    %get3A_88 = vector.load %arg5[%get3A_86, %get3A_87] : memref<1x160xf32, #tpu.memory_space<vmem>>, vector<1x160xf32>
    %add3A_89 = vector.broadcast %get3A_88 : vector<1x160xf32> to vector<1000x160xf32>
    %add3A_90 = arith.addf %add3A_69, %add3A_89 : vector<1000x160xf32>
    %gt3A = arith.constant 0.000000e+00 : f32
    %gt3A_91 = vector.broadcast %gt3A : f32 to vector<1000x160xf32>
    %gt3A_92 = arith.cmpf ogt, %add3A_90, %gt3A_91 : vector<1000x160xf32>
    %exp3A = math.exp %add3A_90 : vector<1000x160xf32>
    %sub3A_93 = arith.constant 1.000000e+00 : f32
    %sub3A_94 = vector.broadcast %sub3A_93 : f32 to vector<1000x160xf32>
    %sub3A_95 = arith.subf %exp3A, %sub3A_94 : vector<1000x160xf32>
    %select_n3A_96 = arith.select %gt3A_92, %add3A_90, %sub3A_95 : vector<1000x160xi1>, vector<1000x160xf32>
    %max3A = arith.constant 1.000000e+00 : f32
    %max3A_97 = vector.broadcast %max3A : f32 to vector<1000x160xf32>
    %max3A_98 = arith.maximumf %add3A_85, %max3A_97 : vector<1000x160xf32>
    %rsqrt3A = math.rsqrt %max3A_98 : vector<1000x160xf32>
    %get3A_99 = arith.constant 0 : index
    %get3A_100 = arith.constant 0 : index
    %get3A_101 = vector.load %arg6[%get3A_99, %get3A_100] : memref<160x160xf32, #tpu.memory_space<vmem>>, vector<160x160xf32>
    %dot_general3A_102 = arith.constant dense<0.000000e+00> : vector<1000x160xf32>
    %dot_general3A_103 = tpu.matmul %select_n3A_96, %get3A_101, %dot_general3A_102 {dimension_numbers = #tpu.dot_dimension_numbers<[1], [0], [0], [1], [0, 0, 1, 1], [], []>, transpose_lhs_hint = false} : vector<1000x160xf32>, vector<160x160xf32>, vector<1000x160xf32> -> vector<1000x160xf32>
    %mul3A = arith.mulf %rsqrt3A, %dot_general3A_103 : vector<1000x160xf32>
    %iota3A_104 = tpu.iota {dimensions = array<i32: 0>} : vector<160x80xi32>
    %iota3A_105 = tpu.iota {dimensions = array<i32: 1>} : vector<160x80xi32>
    %eq3A_106 = arith.cmpi eq, %iota3A_104, %iota3A_105 : vector<160x80xi32>
    %convert_element_type3A_107 = arith.extui %eq3A_106 : vector<160x80xi1> to vector<160x80xi32>
    %convert_element_type3A_108 = arith.sitofp %convert_element_type3A_107 : vector<160x80xi32> to vector<160x80xf32>
    %add3A_109 = arith.constant 80 : i32
    %add3A_110 = vector.broadcast %add3A_109 : i32 to vector<160x80xi32>
    %add3A_111 = arith.addi %iota3A_105, %add3A_110 : vector<160x80xi32>
    %eq3A_112 = arith.cmpi eq, %iota3A_104, %add3A_111 : vector<160x80xi32>
    %convert_element_type3A_113 = arith.extui %eq3A_112 : vector<160x80xi1> to vector<160x80xi32>
    %convert_element_type3A_114 = arith.sitofp %convert_element_type3A_113 : vector<160x80xi32> to vector<160x80xf32>
    %dot_general3A_115 = arith.constant dense<0.000000e+00> : vector<1000x80xf32>
    %dot_general3A_116 = tpu.matmul %mul3A, %convert_element_type3A_108, %dot_general3A_115 {dimension_numbers = #tpu.dot_dimension_numbers<[1], [0], [0], [1], [0, 0, 1, 1], [], []>, transpose_lhs_hint = false} : vector<1000x160xf32>, vector<160x80xf32>, vector<1000x80xf32> -> vector<1000x80xf32>
    %swap3A = arith.constant 0 : index
    %swap3A_117 = arith.constant 0 : index
    %swap3A_118 = arith.constant 0 : index
    %swap3A_119 = vector.load %arg8[%swap3A, %swap3A_117, %swap3A_118] : memref<2x1000x80xf32, #tpu.memory_space<vmem>>, vector<1x1000x80xf32>
    %swap3A_120 = vector.shape_cast %swap3A_119 : vector<1x1000x80xf32> to vector<1000x80xf32>
    %swap3A_121 = vector.shape_cast %dot_general3A_116 : vector<1000x80xf32> to vector<1x1000x80xf32>
    tpu.vector_store %arg8[%swap3A, %swap3A_117, %swap3A_118], %swap3A_121 {strides = array<i32>} : memref<2x1000x80xf32, #tpu.memory_space<vmem>>, vector<1x1000x80xf32>,
    %dot_general3A_122 = arith.constant dense<0.000000e+00> : vector<1000x80xf32>
    %dot_general3A_123 = tpu.matmul %mul3A, %convert_element_type3A_114, %dot_general3A_122 {dimension_numbers = #tpu.dot_dimension_numbers<[1], [0], [0], [1], [0, 0, 1, 1], [], []>, transpose_lhs_hint = false} : vector<1000x160xf32>, vector<160x80xf32>, vector<1000x80xf32> -> vector<1000x80xf32>
    %swap3A_124 = arith.constant 1 : index
    %swap3A_125 = arith.constant 0 : index
    %swap3A_126 = arith.constant 0 : index
    %swap3A_127 = vector.load %arg8[%swap3A_124, %swap3A_125, %swap3A_126] : memref<2x1000x80xf32, #tpu.memory_space<vmem>>, vector<1x1000x80xf32>
    %swap3A_128 = vector.shape_cast %swap3A_127 : vector<1x1000x80xf32> to vector<1000x80xf32>
    %swap3A_129 = vector.shape_cast %dot_general3A_123 : vector<1000x80xf32> to vector<1x1000x80xf32>
    tpu.vector_store %arg8[%swap3A_124, %swap3A_125, %swap3A_126], %swap3A_129 {strides = array<i32>} : memref<2x1000x80xf32, #tpu.memory_space<vmem>>, vector<1x1000x80xf32>,
    %mul3A_130 = arith.mulf %rsqrt3A, %rsqrt3A : vector<1000x160xf32>
    %mul3A_131 = arith.mulf %mul3A_130, %dot_general3A_103 : vector<1000x160xf32>
    %get3A_132 = arith.constant 0 : index
    %get3A_133 = arith.constant 0 : index
    %get3A_134 = vector.load %arg7[%get3A_132, %get3A_133] : memref<1x160xf32, #tpu.memory_space<vmem>>, vector<1x160xf32>
    %add3A_135 = vector.broadcast %get3A_134 : vector<1x160xf32> to vector<1000x160xf32>
    %add3A_136 = arith.addf %mul3A_131, %add3A_135 : vector<1000x160xf32>
    %swap3A_137 = arith.constant 0 : index
    %swap3A_138 = arith.constant 0 : index
    %swap3A_139 = vector.load %arg9[%swap3A_137, %swap3A_138] : memref<1000x160xf32, #tpu.memory_space<vmem>>, vector<1000x160xf32>
    tpu.vector_store %arg9[%swap3A_137, %swap3A_138], %add3A_136 {strides = array<i32>} : memref<1000x160xf32, #tpu.memory_space<vmem>>, vector<1000x160xf32>,
    return
  }
  func.func @transform_0(%arg0: i32) -> (i32, i32, i32) {
    %c0_i32 = arith.constant 0 : i32
    %c0_i32_0 = arith.constant 0 : i32
    %c0_i32_1 = arith.constant 0 : i32
    return %c0_i32, %arg0, %c0_i32_0 : i32, i32, i32
  }
  func.func @transform_1(%arg0: i32) -> (i32, i32, i32) {
    %c1_i32 = arith.constant 1 : i32
    %c0_i32 = arith.constant 0 : i32
    %c0_i32_0 = arith.constant 0 : i32
    return %c1_i32, %arg0, %c0_i32 : i32, i32, i32
  }
  func.func @transform_2(%arg0: i32) -> (i32, i32, i32) {
    %c0_i32 = arith.constant 0 : i32
    %c0_i32_0 = arith.constant 0 : i32
    %c0_i32_1 = arith.constant 0 : i32
    return %c0_i32, %arg0, %c0_i32_0 : i32, i32, i32
  }
  func.func @transform_3(%arg0: i32) -> (i32, i32, i32) {
    %c1_i32 = arith.constant 1 : i32
    %c0_i32 = arith.constant 0 : i32
    %c0_i32_0 = arith.constant 0 : i32
    return %c1_i32, %arg0, %c0_i32 : i32, i32, i32
  }
  func.func @transform_4(%arg0: i32) -> (i32, i32) {
    %c0_i32 = arith.constant 0 : i32
    %c0_i32_0 = arith.constant 0 : i32
    %c0_i32_1 = arith.constant 0 : i32
    return %c0_i32, %c0_i32_0 : i32, i32
  }
  func.func @transform_5(%arg0: i32) -> (i32, i32) {
    %c0_i32 = arith.constant 0 : i32
    %c0_i32_0 = arith.constant 0 : i32
    %c0_i32_1 = arith.constant 0 : i32
    return %c0_i32, %c0_i32_0 : i32, i32
  }
  func.func @transform_6(%arg0: i32) -> (i32, i32) {
    %c0_i32 = arith.constant 0 : i32
    %c0_i32_0 = arith.constant 0 : i32
    %c0_i32_1 = arith.constant 0 : i32
    return %c0_i32, %c0_i32_0 : i32, i32
  }
  func.func @transform_7(%arg0: i32) -> (i32, i32, i32) {
    %c0_i32 = arith.constant 0 : i32
    %c0_i32_0 = arith.constant 0 : i32
    %c0_i32_1 = arith.constant 0 : i32
    return %c0_i32, %arg0, %c0_i32_0 : i32, i32, i32
  }
  func.func @transform_8(%arg0: i32) -> (i32, i32) {
    %c0_i32 = arith.constant 0 : i32
    %c0_i32_0 = arith.constant 0 : i32
    return %arg0, %c0_i32 : i32, i32
  }
}

module attributes {stable_mosaic.version = 14 : i64} {
  func.func @_stage_e_body(%arg0: i32, %arg1: memref<1x1000x80xf32, #tpu.memory_space<vmem>>, %arg2: memref<1x1000x80xf32, #tpu.memory_space<vmem>>, %arg3: memref<1x1000x16xf32, #tpu.memory_space<vmem>>, %arg4: memref<1000x160xf32, #tpu.memory_space<vmem>>, %arg5: memref<1000x1xi32, #tpu.memory_space<vmem>>, %arg6: memref<64x320xf32, #tpu.memory_space<vmem>>, %arg7: memref<64x160xf32, #tpu.memory_space<vmem>>, %arg8: memref<64x160xf32, #tpu.memory_space<vmem>>, %arg9: memref<64x128xf32, #tpu.memory_space<vmem>>) attributes {dimension_semantics = [#tpu.dimension_semantics<arbitrary>], iteration_bounds = array<i64: 10>, scalar_prefetch = 0 : i64, scratch_operands = 3 : i64, tpu.core_type = #tpu.core_type<tc>, window_params = [{transform_indices = @transform_0, window_bounds = array<i64: 1, 1000, 80>}, {transform_indices = @transform_1, window_bounds = array<i64: 1, 1000, 80>}, {transform_indices = @transform_2, window_bounds = array<i64: 1, 1000, 16>}, {transform_indices = @transform_3, window_bounds = array<i64: 1000, 160>}, {transform_indices = @transform_4, window_bounds = array<i64: 1000, 1>}, {pipeline_mode = #tpu.pipeline_mode<synchronous>, transform_indices = @transform_5, window_bounds = array<i64: 64, 320>}]} {
    %eq3A = arith.constant 0 : i32
    %eq3A_0 = arith.cmpi eq, %arg0, %eq3A : i32
    %convert_element_type3A = arith.extui %eq3A_0 : i1 to i32
    %cond3A = arith.constant 0 : i32
    %cond3A_1 = arith.cmpi ne, %convert_element_type3A, %cond3A : i32
    scf.if %cond3A_1 {
      %broadcast_in_dim3A_243 = arith.constant 0.000000e+00 : f32
      %broadcast_in_dim3A_244 = vector.broadcast %broadcast_in_dim3A_243 : f32 to vector<64x160xf32>
      %swap3A_245 = arith.constant 0 : index
      %swap3A_246 = arith.constant 0 : index
      %swap3A_247 = vector.load %arg7[%swap3A_245, %swap3A_246] : memref<64x160xf32, #tpu.memory_space<vmem>>, vector<64x160xf32>
      tpu.vector_store %arg7[%swap3A_245, %swap3A_246], %broadcast_in_dim3A_244 {strides = array<i32>} : memref<64x160xf32, #tpu.memory_space<vmem>>, vector<64x160xf32>,
      %broadcast_in_dim3A_248 = arith.constant 0.000000e+00 : f32
      %broadcast_in_dim3A_249 = vector.broadcast %broadcast_in_dim3A_248 : f32 to vector<64x160xf32>
      %swap3A_250 = arith.constant 0 : index
      %swap3A_251 = arith.constant 0 : index
      %swap3A_252 = vector.load %arg8[%swap3A_250, %swap3A_251] : memref<64x160xf32, #tpu.memory_space<vmem>>, vector<64x160xf32>
      tpu.vector_store %arg8[%swap3A_250, %swap3A_251], %broadcast_in_dim3A_249 {strides = array<i32>} : memref<64x160xf32, #tpu.memory_space<vmem>>, vector<64x160xf32>,
      %broadcast_in_dim3A_253 = arith.constant 0.000000e+00 : f32
      %broadcast_in_dim3A_254 = vector.broadcast %broadcast_in_dim3A_253 : f32 to vector<64x128xf32>
      %swap3A_255 = arith.constant 0 : index
      %swap3A_256 = arith.constant 0 : index
      %swap3A_257 = vector.load %arg9[%swap3A_255, %swap3A_256] : memref<64x128xf32, #tpu.memory_space<vmem>>, vector<64x128xf32>
      tpu.vector_store %arg9[%swap3A_255, %swap3A_256], %broadcast_in_dim3A_254 {strides = array<i32>} : memref<64x128xf32, #tpu.memory_space<vmem>>, vector<64x128xf32>,
    } else {
    }
    %get3A = arith.constant 0 : index
    %get3A_2 = arith.constant 0 : index
    %get3A_3 = arith.constant 0 : index
    %get3A_4 = vector.load %arg3[%get3A, %get3A_2, %get3A_3] : memref<1x1000x16xf32, #tpu.memory_space<vmem>>, vector<1x1000x16xf32>
    %get3A_5 = vector.shape_cast %get3A_4 : vector<1x1000x16xf32> to vector<1000x16xf32>
    %iota3A = tpu.iota {dimensions = array<i32: 0>} : vector<16x160xi32>
    %eq3A_6 = arith.constant 15 : i32
    %eq3A_7 = vector.broadcast %eq3A_6 : i32 to vector<16x160xi32>
    %eq3A_8 = arith.cmpi eq, %iota3A, %eq3A_7 : vector<16x160xi32>
    %convert_element_type3A_9 = arith.extui %eq3A_8 : vector<16x160xi1> to vector<16x160xi32>
    %convert_element_type3A_10 = arith.sitofp %convert_element_type3A_9 : vector<16x160xi32> to vector<16x160xf32>
    %dot_general3A = arith.constant dense<0.000000e+00> : vector<1000x160xf32>
    %dot_general3A_11 = tpu.matmul %get3A_5, %convert_element_type3A_10, %dot_general3A {dimension_numbers = #tpu.dot_dimension_numbers<[1], [0], [0], [1], [0, 0, 1, 1], [], []>, transpose_lhs_hint = false} : vector<1000x16xf32>, vector<16x160xf32>, vector<1000x160xf32> -> vector<1000x160xf32>
    %add3A = arith.constant 1.000000e+00 : f32
    %add3A_12 = vector.broadcast %add3A : f32 to vector<1000x160xf32>
    %add3A_13 = arith.addf %dot_general3A_11, %add3A_12 : vector<1000x160xf32>
    %max3A = arith.constant 1.000000e+00 : f32
    %max3A_14 = vector.broadcast %max3A : f32 to vector<1000x160xf32>
    %max3A_15 = arith.maximumf %add3A_13, %max3A_14 : vector<1000x160xf32>
    %rsqrt3A = math.rsqrt %max3A_15 : vector<1000x160xf32>
    %iota3A_16 = tpu.iota {dimensions = array<i32: 0>} : vector<80x160xi32>
    %iota3A_17 = tpu.iota {dimensions = array<i32: 1>} : vector<80x160xi32>
    %eq3A_18 = arith.cmpi eq, %iota3A_17, %iota3A_16 : vector<80x160xi32>
    %convert_element_type3A_19 = arith.extui %eq3A_18 : vector<80x160xi1> to vector<80x160xi32>
    %convert_element_type3A_20 = arith.sitofp %convert_element_type3A_19 : vector<80x160xi32> to vector<80x160xf32>
    %add3A_21 = arith.constant 80 : i32
    %add3A_22 = vector.broadcast %add3A_21 : i32 to vector<80x160xi32>
    %add3A_23 = arith.addi %iota3A_16, %add3A_22 : vector<80x160xi32>
    %eq3A_24 = arith.cmpi eq, %iota3A_17, %add3A_23 : vector<80x160xi32>
    %convert_element_type3A_25 = arith.extui %eq3A_24 : vector<80x160xi1> to vector<80x160xi32>
    %convert_element_type3A_26 = arith.sitofp %convert_element_type3A_25 : vector<80x160xi32> to vector<80x160xf32>
    %get3A_27 = arith.constant 0 : index
    %get3A_28 = arith.constant 0 : index
    %get3A_29 = arith.constant 0 : index
    %get3A_30 = vector.load %arg1[%get3A_27, %get3A_28, %get3A_29] : memref<1x1000x80xf32, #tpu.memory_space<vmem>>, vector<1x1000x80xf32>
    %get3A_31 = vector.shape_cast %get3A_30 : vector<1x1000x80xf32> to vector<1000x80xf32>
    %dot_general3A_32 = arith.constant dense<0.000000e+00> : vector<1000x160xf32>
    %dot_general3A_33 = tpu.matmul %get3A_31, %convert_element_type3A_20, %dot_general3A_32 {dimension_numbers = #tpu.dot_dimension_numbers<[1], [0], [0], [1], [0, 0, 1, 1], [], []>, transpose_lhs_hint = false} : vector<1000x80xf32>, vector<80x160xf32>, vector<1000x160xf32> -> vector<1000x160xf32>
    %get3A_34 = arith.constant 0 : index
    %get3A_35 = arith.constant 0 : index
    %get3A_36 = arith.constant 0 : index
    %get3A_37 = vector.load %arg2[%get3A_34, %get3A_35, %get3A_36] : memref<1x1000x80xf32, #tpu.memory_space<vmem>>, vector<1x1000x80xf32>
    %get3A_38 = vector.shape_cast %get3A_37 : vector<1x1000x80xf32> to vector<1000x80xf32>
    %dot_general3A_39 = arith.constant dense<0.000000e+00> : vector<1000x160xf32>
    %dot_general3A_40 = tpu.matmul %get3A_38, %convert_element_type3A_26, %dot_general3A_39 {dimension_numbers = #tpu.dot_dimension_numbers<[1], [0], [0], [1], [0, 0, 1, 1], [], []>, transpose_lhs_hint = false} : vector<1000x80xf32>, vector<80x160xf32>, vector<1000x160xf32> -> vector<1000x160xf32>
    %add3A_41 = arith.addf %dot_general3A_33, %dot_general3A_40 : vector<1000x160xf32>
    %mul3A = arith.mulf %rsqrt3A, %add3A_41 : vector<1000x160xf32>
    %get3A_42 = arith.constant 0 : index
    %get3A_43 = arith.constant 0 : index
    %get3A_44 = vector.load %arg4[%get3A_42, %get3A_43] : memref<1000x160xf32, #tpu.memory_space<vmem>>, vector<1000x160xf32>
    %add3A_45 = arith.addf %mul3A, %get3A_44 : vector<1000x160xf32>
    %max3A_46 = arith.constant 0.000000e+00 : f32
    %max3A_47 = vector.broadcast %max3A_46 : f32 to vector<1000x160xf32>
    %max3A_48 = arith.maximumf %add3A_45, %max3A_47 : vector<1000x160xf32>
    %get3A_49 = arith.constant 0 : index
    %get3A_50 = arith.constant 0 : index
    %get3A_51 = vector.load %arg5[%get3A_49, %get3A_50] : memref<1000x1xi32, #tpu.memory_space<vmem>>, vector<1000x1xi32>
    %iota3A_52 = tpu.iota {dimensions = array<i32: 1>} : vector<1000x64xi32>
    %eq3A_53 = vector.broadcast %get3A_51 : vector<1000x1xi32> to vector<1000x64xi32>
    %eq3A_54 = arith.cmpi eq, %eq3A_53, %iota3A_52 : vector<1000x64xi32>
    %convert_element_type3A_55 = arith.extui %eq3A_54 : vector<1000x64xi1> to vector<1000x64xi32>
    %convert_element_type3A_56 = arith.sitofp %convert_element_type3A_55 : vector<1000x64xi32> to vector<1000x64xf32>
    %broadcast_in_dim3A = arith.constant 0.000000e+00 : f32
    %broadcast_in_dim3A_57 = vector.broadcast %broadcast_in_dim3A : f32 to vector<1x160xf32>
    %slice3A = vector.extract_strided_slice %max3A_48 {offsets = [0, 0], sizes = [999, 160], strides = [1, 1]} : vector<1000x160xf32> to vector<999x160xf32>
    %concatenate3A = tpu.concatenate %broadcast_in_dim3A_57, %slice3A in 0 : vector<1x160xf32>, vector<999x160xf32> -> vector<1000x160xf32>
    %broadcast_in_dim3A_58 = arith.constant -1 : i32
    %broadcast_in_dim3A_59 = vector.broadcast %broadcast_in_dim3A_58 : i32 to vector<1x1xi32>
    %slice3A_60 = vector.extract_strided_slice %get3A_51 {offsets = [0, 0], sizes = [999, 1], strides = [1, 1]} : vector<1000x1xi32> to vector<999x1xi32>
    %concatenate3A_61 = tpu.concatenate %broadcast_in_dim3A_59, %slice3A_60 in 0 : vector<1x1xi32>, vector<999x1xi32> -> vector<1000x1xi32>
    %eq3A_62 = arith.cmpi eq, %get3A_51, %concatenate3A_61 : vector<1000x1xi32>
    %jit3A = arith.constant 0.000000e+00 : f32
    %broadcast_in_dim3A_63 = vector.shape_cast %eq3A_62 : vector<1000x1xi1> to vector<1000x1xi1>
    %broadcast_in_dim3A_64 = vector.broadcast %broadcast_in_dim3A_63 : vector<1000x1xi1> to vector<1000x160xi1>
    %broadcast_in_dim3A_65 = vector.broadcast %jit3A : f32 to vector<1000x160xf32>
    %select_n3A = arith.select %broadcast_in_dim3A_64, %concatenate3A, %broadcast_in_dim3A_65 : vector<1000x160xi1>, vector<1000x160xf32>
    %max3A_66 = arith.maximumf %max3A_48, %select_n3A : vector<1000x160xf32>
    %broadcast_in_dim3A_67 = arith.constant 0.000000e+00 : f32
    %broadcast_in_dim3A_68 = vector.broadcast %broadcast_in_dim3A_67 : f32 to vector<2x160xf32>
    %slice3A_69 = vector.extract_strided_slice %max3A_66 {offsets = [0, 0], sizes = [998, 160], strides = [1, 1]} : vector<1000x160xf32> to vector<998x160xf32>
    %concatenate3A_70 = tpu.concatenate %broadcast_in_dim3A_68, %slice3A_69 in 0 : vector<2x160xf32>, vector<998x160xf32> -> vector<1000x160xf32>
    %broadcast_in_dim3A_71 = arith.constant -1 : i32
    %broadcast_in_dim3A_72 = vector.broadcast %broadcast_in_dim3A_71 : i32 to vector<2x1xi32>
    %slice3A_73 = vector.extract_strided_slice %get3A_51 {offsets = [0, 0], sizes = [998, 1], strides = [1, 1]} : vector<1000x1xi32> to vector<998x1xi32>
    %concatenate3A_74 = tpu.concatenate %broadcast_in_dim3A_72, %slice3A_73 in 0 : vector<2x1xi32>, vector<998x1xi32> -> vector<1000x1xi32>
    %eq3A_75 = arith.cmpi eq, %get3A_51, %concatenate3A_74 : vector<1000x1xi32>
    %jit3A_76 = arith.constant 0.000000e+00 : f32
    %broadcast_in_dim3A_77 = vector.shape_cast %eq3A_75 : vector<1000x1xi1> to vector<1000x1xi1>
    %broadcast_in_dim3A_78 = vector.broadcast %broadcast_in_dim3A_77 : vector<1000x1xi1> to vector<1000x160xi1>
    %broadcast_in_dim3A_79 = vector.broadcast %jit3A_76 : f32 to vector<1000x160xf32>
    %select_n3A_80 = arith.select %broadcast_in_dim3A_78, %concatenate3A_70, %broadcast_in_dim3A_79 : vector<1000x160xi1>, vector<1000x160xf32>
    %max3A_81 = arith.maximumf %max3A_66, %select_n3A_80 : vector<1000x160xf32>
    %broadcast_in_dim3A_82 = arith.constant 0.000000e+00 : f32
    %broadcast_in_dim3A_83 = vector.broadcast %broadcast_in_dim3A_82 : f32 to vector<4x160xf32>
    %slice3A_84 = vector.extract_strided_slice %max3A_81 {offsets = [0, 0], sizes = [996, 160], strides = [1, 1]} : vector<1000x160xf32> to vector<996x160xf32>
    %concatenate3A_85 = tpu.concatenate %broadcast_in_dim3A_83, %slice3A_84 in 0 : vector<4x160xf32>, vector<996x160xf32> -> vector<1000x160xf32>
    %broadcast_in_dim3A_86 = arith.constant -1 : i32
    %broadcast_in_dim3A_87 = vector.broadcast %broadcast_in_dim3A_86 : i32 to vector<4x1xi32>
    %slice3A_88 = vector.extract_strided_slice %get3A_51 {offsets = [0, 0], sizes = [996, 1], strides = [1, 1]} : vector<1000x1xi32> to vector<996x1xi32>
    %concatenate3A_89 = tpu.concatenate %broadcast_in_dim3A_87, %slice3A_88 in 0 : vector<4x1xi32>, vector<996x1xi32> -> vector<1000x1xi32>
    %eq3A_90 = arith.cmpi eq, %get3A_51, %concatenate3A_89 : vector<1000x1xi32>
    %jit3A_91 = arith.constant 0.000000e+00 : f32
    %broadcast_in_dim3A_92 = vector.shape_cast %eq3A_90 : vector<1000x1xi1> to vector<1000x1xi1>
    %broadcast_in_dim3A_93 = vector.broadcast %broadcast_in_dim3A_92 : vector<1000x1xi1> to vector<1000x160xi1>
    %broadcast_in_dim3A_94 = vector.broadcast %jit3A_91 : f32 to vector<1000x160xf32>
    %select_n3A_95 = arith.select %broadcast_in_dim3A_93, %concatenate3A_85, %broadcast_in_dim3A_94 : vector<1000x160xi1>, vector<1000x160xf32>
    %max3A_96 = arith.maximumf %max3A_81, %select_n3A_95 : vector<1000x160xf32>
    %broadcast_in_dim3A_97 = arith.constant 0.000000e+00 : f32
    %broadcast_in_dim3A_98 = vector.broadcast %broadcast_in_dim3A_97 : f32 to vector<8x160xf32>
    %slice3A_99 = vector.extract_strided_slice %max3A_96 {offsets = [0, 0], sizes = [992, 160], strides = [1, 1]} : vector<1000x160xf32> to vector<992x160xf32>
    %concatenate3A_100 = tpu.concatenate %broadcast_in_dim3A_98, %slice3A_99 in 0 : vector<8x160xf32>, vector<992x160xf32> -> vector<1000x160xf32>
    %broadcast_in_dim3A_101 = arith.constant -1 : i32
    %broadcast_in_dim3A_102 = vector.broadcast %broadcast_in_dim3A_101 : i32 to vector<8x1xi32>
    %slice3A_103 = vector.extract_strided_slice %get3A_51 {offsets = [0, 0], sizes = [992, 1], strides = [1, 1]} : vector<1000x1xi32> to vector<992x1xi32>
    %concatenate3A_104 = tpu.concatenate %broadcast_in_dim3A_102, %slice3A_103 in 0 : vector<8x1xi32>, vector<992x1xi32> -> vector<1000x1xi32>
    %eq3A_105 = arith.cmpi eq, %get3A_51, %concatenate3A_104 : vector<1000x1xi32>
    %jit3A_106 = arith.constant 0.000000e+00 : f32
    %broadcast_in_dim3A_107 = vector.shape_cast %eq3A_105 : vector<1000x1xi1> to vector<1000x1xi1>
    %broadcast_in_dim3A_108 = vector.broadcast %broadcast_in_dim3A_107 : vector<1000x1xi1> to vector<1000x160xi1>
    %broadcast_in_dim3A_109 = vector.broadcast %jit3A_106 : f32 to vector<1000x160xf32>
    %select_n3A_110 = arith.select %broadcast_in_dim3A_108, %concatenate3A_100, %broadcast_in_dim3A_109 : vector<1000x160xi1>, vector<1000x160xf32>
    %max3A_111 = arith.maximumf %max3A_96, %select_n3A_110 : vector<1000x160xf32>
    %broadcast_in_dim3A_112 = arith.constant 0.000000e+00 : f32
    %broadcast_in_dim3A_113 = vector.broadcast %broadcast_in_dim3A_112 : f32 to vector<16x160xf32>
    %slice3A_114 = vector.extract_strided_slice %max3A_111 {offsets = [0, 0], sizes = [984, 160], strides = [1, 1]} : vector<1000x160xf32> to vector<984x160xf32>
    %concatenate3A_115 = tpu.concatenate %broadcast_in_dim3A_113, %slice3A_114 in 0 : vector<16x160xf32>, vector<984x160xf32> -> vector<1000x160xf32>
    %broadcast_in_dim3A_116 = arith.constant -1 : i32
    %broadcast_in_dim3A_117 = vector.broadcast %broadcast_in_dim3A_116 : i32 to vector<16x1xi32>
    %slice3A_118 = vector.extract_strided_slice %get3A_51 {offsets = [0, 0], sizes = [984, 1], strides = [1, 1]} : vector<1000x1xi32> to vector<984x1xi32>
    %concatenate3A_119 = tpu.concatenate %broadcast_in_dim3A_117, %slice3A_118 in 0 : vector<16x1xi32>, vector<984x1xi32> -> vector<1000x1xi32>
    %eq3A_120 = arith.cmpi eq, %get3A_51, %concatenate3A_119 : vector<1000x1xi32>
    %jit3A_121 = arith.constant 0.000000e+00 : f32
    %broadcast_in_dim3A_122 = vector.shape_cast %eq3A_120 : vector<1000x1xi1> to vector<1000x1xi1>
    %broadcast_in_dim3A_123 = vector.broadcast %broadcast_in_dim3A_122 : vector<1000x1xi1> to vector<1000x160xi1>
    %broadcast_in_dim3A_124 = vector.broadcast %jit3A_121 : f32 to vector<1000x160xf32>
    %select_n3A_125 = arith.select %broadcast_in_dim3A_123, %concatenate3A_115, %broadcast_in_dim3A_124 : vector<1000x160xi1>, vector<1000x160xf32>
    %max3A_126 = arith.maximumf %max3A_111, %select_n3A_125 : vector<1000x160xf32>
    %broadcast_in_dim3A_127 = arith.constant 0.000000e+00 : f32
    %broadcast_in_dim3A_128 = vector.broadcast %broadcast_in_dim3A_127 : f32 to vector<32x160xf32>
    %slice3A_129 = vector.extract_strided_slice %max3A_126 {offsets = [0, 0], sizes = [968, 160], strides = [1, 1]} : vector<1000x160xf32> to vector<968x160xf32>
    %concatenate3A_130 = tpu.concatenate %broadcast_in_dim3A_128, %slice3A_129 in 0 : vector<32x160xf32>, vector<968x160xf32> -> vector<1000x160xf32>
    %broadcast_in_dim3A_131 = arith.constant -1 : i32
    %broadcast_in_dim3A_132 = vector.broadcast %broadcast_in_dim3A_131 : i32 to vector<32x1xi32>
    %slice3A_133 = vector.extract_strided_slice %get3A_51 {offsets = [0, 0], sizes = [968, 1], strides = [1, 1]} : vector<1000x1xi32> to vector<968x1xi32>
    %concatenate3A_134 = tpu.concatenate %broadcast_in_dim3A_132, %slice3A_133 in 0 : vector<32x1xi32>, vector<968x1xi32> -> vector<1000x1xi32>
    %eq3A_135 = arith.cmpi eq, %get3A_51, %concatenate3A_134 : vector<1000x1xi32>
    %jit3A_136 = arith.constant 0.000000e+00 : f32
    %broadcast_in_dim3A_137 = vector.shape_cast %eq3A_135 : vector<1000x1xi1> to vector<1000x1xi1>
    %broadcast_in_dim3A_138 = vector.broadcast %broadcast_in_dim3A_137 : vector<1000x1xi1> to vector<1000x160xi1>
    %broadcast_in_dim3A_139 = vector.broadcast %jit3A_136 : f32 to vector<1000x160xf32>
    %select_n3A_140 = arith.select %broadcast_in_dim3A_138, %concatenate3A_130, %broadcast_in_dim3A_139 : vector<1000x160xi1>, vector<1000x160xf32>
    %max3A_141 = arith.maximumf %max3A_126, %select_n3A_140 : vector<1000x160xf32>
    %broadcast_in_dim3A_142 = arith.constant 0.000000e+00 : f32
    %broadcast_in_dim3A_143 = vector.broadcast %broadcast_in_dim3A_142 : f32 to vector<64x160xf32>
    %slice3A_144 = vector.extract_strided_slice %max3A_141 {offsets = [0, 0], sizes = [936, 160], strides = [1, 1]} : vector<1000x160xf32> to vector<936x160xf32>
    %concatenate3A_145 = tpu.concatenate %broadcast_in_dim3A_143, %slice3A_144 in 0 : vector<64x160xf32>, vector<936x160xf32> -> vector<1000x160xf32>
    %broadcast_in_dim3A_146 = arith.constant -1 : i32
    %broadcast_in_dim3A_147 = vector.broadcast %broadcast_in_dim3A_146 : i32 to vector<64x1xi32>
    %slice3A_148 = vector.extract_strided_slice %get3A_51 {offsets = [0, 0], sizes = [936, 1], strides = [1, 1]} : vector<1000x1xi32> to vector<936x1xi32>
    %concatenate3A_149 = tpu.concatenate %broadcast_in_dim3A_147, %slice3A_148 in 0 : vector<64x1xi32>, vector<936x1xi32> -> vector<1000x1xi32>
    %eq3A_150 = arith.cmpi eq, %get3A_51, %concatenate3A_149 : vector<1000x1xi32>
    %jit3A_151 = arith.constant 0.000000e+00 : f32
    %broadcast_in_dim3A_152 = vector.shape_cast %eq3A_150 : vector<1000x1xi1> to vector<1000x1xi1>
    %broadcast_in_dim3A_153 = vector.broadcast %broadcast_in_dim3A_152 : vector<1000x1xi1> to vector<1000x160xi1>
    %broadcast_in_dim3A_154 = vector.broadcast %jit3A_151 : f32 to vector<1000x160xf32>
    %select_n3A_155 = arith.select %broadcast_in_dim3A_153, %concatenate3A_145, %broadcast_in_dim3A_154 : vector<1000x160xi1>, vector<1000x160xf32>
    %max3A_156 = arith.maximumf %max3A_141, %select_n3A_155 : vector<1000x160xf32>
    %broadcast_in_dim3A_157 = arith.constant 0.000000e+00 : f32
    %broadcast_in_dim3A_158 = vector.broadcast %broadcast_in_dim3A_157 : f32 to vector<128x160xf32>
    %slice3A_159 = vector.extract_strided_slice %max3A_156 {offsets = [0, 0], sizes = [872, 160], strides = [1, 1]} : vector<1000x160xf32> to vector<872x160xf32>
    %concatenate3A_160 = tpu.concatenate %broadcast_in_dim3A_158, %slice3A_159 in 0 : vector<128x160xf32>, vector<872x160xf32> -> vector<1000x160xf32>
    %broadcast_in_dim3A_161 = arith.constant -1 : i32
    %broadcast_in_dim3A_162 = vector.broadcast %broadcast_in_dim3A_161 : i32 to vector<128x1xi32>
    %slice3A_163 = vector.extract_strided_slice %get3A_51 {offsets = [0, 0], sizes = [872, 1], strides = [1, 1]} : vector<1000x1xi32> to vector<872x1xi32>
    %concatenate3A_164 = tpu.concatenate %broadcast_in_dim3A_162, %slice3A_163 in 0 : vector<128x1xi32>, vector<872x1xi32> -> vector<1000x1xi32>
    %eq3A_165 = arith.cmpi eq, %get3A_51, %concatenate3A_164 : vector<1000x1xi32>
    %jit3A_166 = arith.constant 0.000000e+00 : f32
    %broadcast_in_dim3A_167 = vector.shape_cast %eq3A_165 : vector<1000x1xi1> to vector<1000x1xi1>
    %broadcast_in_dim3A_168 = vector.broadcast %broadcast_in_dim3A_167 : vector<1000x1xi1> to vector<1000x160xi1>
    %broadcast_in_dim3A_169 = vector.broadcast %jit3A_166 : f32 to vector<1000x160xf32>
    %select_n3A_170 = arith.select %broadcast_in_dim3A_168, %concatenate3A_160, %broadcast_in_dim3A_169 : vector<1000x160xi1>, vector<1000x160xf32>
    %max3A_171 = arith.maximumf %max3A_156, %select_n3A_170 : vector<1000x160xf32>
    %broadcast_in_dim3A_172 = arith.constant 0.000000e+00 : f32
    %broadcast_in_dim3A_173 = vector.broadcast %broadcast_in_dim3A_172 : f32 to vector<256x160xf32>
    %slice3A_174 = vector.extract_strided_slice %max3A_171 {offsets = [0, 0], sizes = [744, 160], strides = [1, 1]} : vector<1000x160xf32> to vector<744x160xf32>
    %concatenate3A_175 = tpu.concatenate %broadcast_in_dim3A_173, %slice3A_174 in 0 : vector<256x160xf32>, vector<744x160xf32> -> vector<1000x160xf32>
    %broadcast_in_dim3A_176 = arith.constant -1 : i32
    %broadcast_in_dim3A_177 = vector.broadcast %broadcast_in_dim3A_176 : i32 to vector<256x1xi32>
    %slice3A_178 = vector.extract_strided_slice %get3A_51 {offsets = [0, 0], sizes = [744, 1], strides = [1, 1]} : vector<1000x1xi32> to vector<744x1xi32>
    %concatenate3A_179 = tpu.concatenate %broadcast_in_dim3A_177, %slice3A_178 in 0 : vector<256x1xi32>, vector<744x1xi32> -> vector<1000x1xi32>
    %eq3A_180 = arith.cmpi eq, %get3A_51, %concatenate3A_179 : vector<1000x1xi32>
    %jit3A_181 = arith.constant 0.000000e+00 : f32
    %broadcast_in_dim3A_182 = vector.shape_cast %eq3A_180 : vector<1000x1xi1> to vector<1000x1xi1>
    %broadcast_in_dim3A_183 = vector.broadcast %broadcast_in_dim3A_182 : vector<1000x1xi1> to vector<1000x160xi1>
    %broadcast_in_dim3A_184 = vector.broadcast %jit3A_181 : f32 to vector<1000x160xf32>
    %select_n3A_185 = arith.select %broadcast_in_dim3A_183, %concatenate3A_175, %broadcast_in_dim3A_184 : vector<1000x160xi1>, vector<1000x160xf32>
    %max3A_186 = arith.maximumf %max3A_171, %select_n3A_185 : vector<1000x160xf32>
    %broadcast_in_dim3A_187 = arith.constant 0.000000e+00 : f32
    %broadcast_in_dim3A_188 = vector.broadcast %broadcast_in_dim3A_187 : f32 to vector<512x160xf32>
    %slice3A_189 = vector.extract_strided_slice %max3A_186 {offsets = [0, 0], sizes = [488, 160], strides = [1, 1]} : vector<1000x160xf32> to vector<488x160xf32>
    %concatenate3A_190 = tpu.concatenate %broadcast_in_dim3A_188, %slice3A_189 in 0 : vector<512x160xf32>, vector<488x160xf32> -> vector<1000x160xf32>
    %broadcast_in_dim3A_191 = arith.constant -1 : i32
    %broadcast_in_dim3A_192 = vector.broadcast %broadcast_in_dim3A_191 : i32 to vector<512x1xi32>
    %slice3A_193 = vector.extract_strided_slice %get3A_51 {offsets = [0, 0], sizes = [488, 1], strides = [1, 1]} : vector<1000x1xi32> to vector<488x1xi32>
    %concatenate3A_194 = tpu.concatenate %broadcast_in_dim3A_192, %slice3A_193 in 0 : vector<512x1xi32>, vector<488x1xi32> -> vector<1000x1xi32>
    %eq3A_195 = arith.cmpi eq, %get3A_51, %concatenate3A_194 : vector<1000x1xi32>
    %jit3A_196 = arith.constant 0.000000e+00 : f32
    %broadcast_in_dim3A_197 = vector.shape_cast %eq3A_195 : vector<1000x1xi1> to vector<1000x1xi1>
    %broadcast_in_dim3A_198 = vector.broadcast %broadcast_in_dim3A_197 : vector<1000x1xi1> to vector<1000x160xi1>
    %broadcast_in_dim3A_199 = vector.broadcast %jit3A_196 : f32 to vector<1000x160xf32>
    %select_n3A_200 = arith.select %broadcast_in_dim3A_198, %concatenate3A_190, %broadcast_in_dim3A_199 : vector<1000x160xi1>, vector<1000x160xf32>
    %max3A_201 = arith.maximumf %max3A_186, %select_n3A_200 : vector<1000x160xf32>
    %slice3A_202 = vector.extract_strided_slice %get3A_51 {offsets = [1, 0], sizes = [999, 1], strides = [1, 1]} : vector<1000x1xi32> to vector<999x1xi32>
    %broadcast_in_dim3A_203 = arith.constant -1 : i32
    %broadcast_in_dim3A_204 = vector.broadcast %broadcast_in_dim3A_203 : i32 to vector<1x1xi32>
    %concatenate3A_205 = tpu.concatenate %slice3A_202, %broadcast_in_dim3A_204 in 0 : vector<999x1xi32>, vector<1x1xi32> -> vector<1000x1xi32>
    %ne3A = arith.cmpi ne, %get3A_51, %concatenate3A_205 : vector<1000x1xi32>
    %convert_element_type3A_206 = arith.extui %ne3A : vector<1000x1xi1> to vector<1000x1xi32>
    %convert_element_type3A_207 = arith.sitofp %convert_element_type3A_206 : vector<1000x1xi32> to vector<1000x1xf32>
    %mul3A_208 = vector.broadcast %convert_element_type3A_207 : vector<1000x1xf32> to vector<1000x160xf32>
    %mul3A_209 = arith.mulf %max3A_201, %mul3A_208 : vector<1000x160xf32>
    %dot_general3A_210 = arith.constant dense<0.000000e+00> : vector<64x160xf32>
    %dot_general3A_211 = tpu.matmul %convert_element_type3A_56, %mul3A_209, %dot_general3A_210 {dimension_numbers = #tpu.dot_dimension_numbers<[0], [0], [1], [1], [0, 1, 1, 1], [], []>, transpose_lhs_hint = false} : vector<1000x64xf32>, vector<1000x160xf32>, vector<64x160xf32> -> vector<64x160xf32>
    %get3A_212 = arith.constant 0 : index
    %get3A_213 = arith.constant 0 : index
    %get3A_214 = vector.load %arg7[%get3A_212, %get3A_213] : memref<64x160xf32, #tpu.memory_space<vmem>>, vector<64x160xf32>
    %max3A_215 = arith.maximumf %get3A_214, %dot_general3A_211 : vector<64x160xf32>
    %swap3A = arith.constant 0 : index
    %swap3A_216 = arith.constant 0 : index
    %swap3A_217 = vector.load %arg7[%swap3A, %swap3A_216] : memref<64x160xf32, #tpu.memory_space<vmem>>, vector<64x160xf32>
    tpu.vector_store %arg7[%swap3A, %swap3A_216], %max3A_215 {strides = array<i32>} : memref<64x160xf32, #tpu.memory_space<vmem>>, vector<64x160xf32>,
    %get3A_218 = arith.constant 0 : index
    %get3A_219 = arith.constant 0 : index
    %get3A_220 = vector.load %arg8[%get3A_218, %get3A_219] : memref<64x160xf32, #tpu.memory_space<vmem>>, vector<64x160xf32>
    %dot_general3A_221 = arith.constant dense<0.000000e+00> : vector<64x160xf32>
    %dot_general3A_222 = tpu.matmul %convert_element_type3A_56, %max3A_48, %dot_general3A_221 {dimension_numbers = #tpu.dot_dimension_numbers<[0], [0], [1], [1], [0, 1, 1, 1], [], []>, transpose_lhs_hint = false} : vector<1000x64xf32>, vector<1000x160xf32>, vector<64x160xf32> -> vector<64x160xf32>
    %add3A_223 = arith.addf %get3A_220, %dot_general3A_222 : vector<64x160xf32>
    %swap3A_224 = arith.constant 0 : index
    %swap3A_225 = arith.constant 0 : index
    %swap3A_226 = vector.load %arg8[%swap3A_224, %swap3A_225] : memref<64x160xf32, #tpu.memory_space<vmem>>, vector<64x160xf32>
    tpu.vector_store %arg8[%swap3A_224, %swap3A_225], %add3A_223 {strides = array<i32>} : memref<64x160xf32, #tpu.memory_space<vmem>>, vector<64x160xf32>,
    %get3A_227 = arith.constant 0 : index
    %get3A_228 = arith.constant 0 : index
    %get3A_229 = vector.load %arg9[%get3A_227, %get3A_228] : memref<64x128xf32, #tpu.memory_space<vmem>>, vector<64x128xf32>
    %broadcast_in_dim3A_230 = arith.constant 1.000000e+00 : f32
    %broadcast_in_dim3A_231 = vector.broadcast %broadcast_in_dim3A_230 : f32 to vector<1000x128xf32>
    %dot_general3A_232 = arith.constant dense<0.000000e+00> : vector<64x128xf32>
    %dot_general3A_233 = tpu.matmul %convert_element_type3A_56, %broadcast_in_dim3A_231, %dot_general3A_232 {dimension_numbers = #tpu.dot_dimension_numbers<[0], [0], [1], [1], [0, 1, 1, 1], [], []>, transpose_lhs_hint = false} : vector<1000x64xf32>, vector<1000x128xf32>, vector<64x128xf32> -> vector<64x128xf32>
    %add3A_234 = arith.addf %get3A_229, %dot_general3A_233 : vector<64x128xf32>
    %swap3A_235 = arith.constant 0 : index
    %swap3A_236 = arith.constant 0 : index
    %swap3A_237 = vector.load %arg9[%swap3A_235, %swap3A_236] : memref<64x128xf32, #tpu.memory_space<vmem>>, vector<64x128xf32>
    tpu.vector_store %arg9[%swap3A_235, %swap3A_236], %add3A_234 {strides = array<i32>} : memref<64x128xf32, #tpu.memory_space<vmem>>, vector<64x128xf32>,
    %eq3A_238 = arith.constant 9 : i32
    %eq3A_239 = arith.cmpi eq, %arg0, %eq3A_238 : i32
    %convert_element_type3A_240 = arith.extui %eq3A_239 : i1 to i32
    %cond3A_241 = arith.constant 0 : i32
    %cond3A_242 = arith.cmpi ne, %convert_element_type3A_240, %cond3A_241 : i32
    scf.if %cond3A_242 {
      %get3A_243 = arith.constant 0 : index
      %get3A_244 = arith.constant 0 : index
      %get3A_245 = vector.load %arg9[%get3A_243, %get3A_244] : memref<64x128xf32, #tpu.memory_space<vmem>>, vector<64x1xf32>
      %max3A_246 = arith.constant 1.000000e+00 : f32
      %max3A_247 = vector.broadcast %max3A_246 : f32 to vector<64x1xf32>
      %max3A_248 = arith.maximumf %get3A_245, %max3A_247 : vector<64x1xf32>
      %get3A_249 = arith.constant 0 : index
      %get3A_250 = arith.constant 0 : index
      %get3A_251 = vector.load %arg7[%get3A_249, %get3A_250] : memref<64x160xf32, #tpu.memory_space<vmem>>, vector<64x160xf32>
      %swap3A_252 = arith.constant 0 : index
      %swap3A_253 = arith.constant 0 : index
      %swap3A_254 = vector.load %arg6[%swap3A_252, %swap3A_253] : memref<64x320xf32, #tpu.memory_space<vmem>>, vector<64x160xf32>
      tpu.vector_store %arg6[%swap3A_252, %swap3A_253], %get3A_251 {strides = array<i32>} : memref<64x320xf32, #tpu.memory_space<vmem>>, vector<64x160xf32>,
      %get3A_255 = arith.constant 0 : index
      %get3A_256 = arith.constant 0 : index
      %get3A_257 = vector.load %arg8[%get3A_255, %get3A_256] : memref<64x160xf32, #tpu.memory_space<vmem>>, vector<64x160xf32>
      %div3A = vector.broadcast %max3A_248 : vector<64x1xf32> to vector<64x160xf32>
      %div3A_258 = arith.divf %get3A_257, %div3A : vector<64x160xf32>
      %swap3A_259 = arith.constant 0 : index
      %swap3A_260 = arith.constant 160 : index
      %swap3A_261 = vector.load %arg6[%swap3A_259, %swap3A_260] : memref<64x320xf32, #tpu.memory_space<vmem>>, vector<64x160xf32>
      tpu.vector_store %arg6[%swap3A_259, %swap3A_260], %div3A_258 {strides = array<i32>} : memref<64x320xf32, #tpu.memory_space<vmem>>, vector<64x160xf32>,
    } else {
    }
    return
  }
  func.func @transform_0(%arg0: i32) -> (i32, i32, i32) {
    %c0_i32 = arith.constant 0 : i32
    %c0_i32_0 = arith.constant 0 : i32
    %c0_i32_1 = arith.constant 0 : i32
    return %c0_i32, %arg0, %c0_i32_0 : i32, i32, i32
  }
  func.func @transform_1(%arg0: i32) -> (i32, i32, i32) {
    %c1_i32 = arith.constant 1 : i32
    %c0_i32 = arith.constant 0 : i32
    %c0_i32_0 = arith.constant 0 : i32
    return %c1_i32, %arg0, %c0_i32 : i32, i32, i32
  }
  func.func @transform_2(%arg0: i32) -> (i32, i32, i32) {
    %c0_i32 = arith.constant 0 : i32
    %c0_i32_0 = arith.constant 0 : i32
    %c0_i32_1 = arith.constant 0 : i32
    return %c0_i32, %arg0, %c0_i32_0 : i32, i32, i32
  }
  func.func @transform_3(%arg0: i32) -> (i32, i32) {
    %c0_i32 = arith.constant 0 : i32
    %c0_i32_0 = arith.constant 0 : i32
    return %arg0, %c0_i32 : i32, i32
  }
  func.func @transform_4(%arg0: i32) -> (i32, i32) {
    %c0_i32 = arith.constant 0 : i32
    %c0_i32_0 = arith.constant 0 : i32
    return %arg0, %c0_i32 : i32, i32
  }
  func.func @transform_5(%arg0: i32) -> (i32, i32) {
    %c0_i32 = arith.constant 0 : i32
    %c0_i32_0 = arith.constant 0 : i32
    %c0_i32_1 = arith.constant 0 : i32
    return %c0_i32, %c0_i32_0 : i32, i32
  }
}

</mosaic_0001>

<sc_bundles>
// kernel: kernel.10.cloned.1.call-start
scs
__scs_entry_jumppad:
0x0: {  	(pc) =	sbr.rel $0x88, $3  }
0x1: {  	(tag) =	ssettag $0x0;
	lr =	simm.s32 $0x1  }
0x2: {  	[smem:$0x3F98] =	sst lr;
	_ =	strace $0xD0000000  }
0x3: {  	_ = 	snop  }
0x4: {  	_ = 	snop  }
0x5: {  	_ = 	snop  }
0x6: {  	_ = 	snop  }
0x7: {  	_ = 	snop  }
__scs_overlays_trampoline_lowered:
0x8: {  	[smem:$0x3FA7] =	sst s0  }
0x9: {  	[smem:$0x3FA8] =	sst s1  }
0xa: {  	[smem:$0x3FA9] =	sst s2  }
0xb: {  	[smem:$0x3FAA] =	sst s3  }
0xc: {  	[smem:$0x3FAB] =	sst s4  }
0xd: {  	[smem:$0x3FAC] =	sst s5  }
0xe: {  	[smem:$0x3FAD] =	sst s6  }
0xf: {  	[smem:$0x3FAE] =	sst s7  }
0x10: {  	[smem:$0x3FAF] =	sst s8  }
0x11: {  	[smem:$0x3FB0] =	sst s9;
	s0 =	simm.s32 @!p0 $0x0  }
0x12: {  	s1 =	sld [smem:$0x3F96];
	s0 =	simm.s32 @p0 $0x1  }
0x13: {  	[smem:$0x3FB1] =	sst s0;
	s0 =	simm.s32 @!p1 $0x0  }
0x14: {  	s2 =	sld [smem:$0x3F95];
	s0 =	simm.s32 @p1 $0x1  }
0x15: {  	[smem:$0x3FB2] =	sst s0;
	s0 =	simm.s32 @!p2 $0x0  }
0x16: {  	s3 =	sld [smem:$0x3FDB];
	s0 =	simm.s32 @p2 $0x1  }
0x17: {  	s4 =	simm.s32 $0x1BF5;
	[smem:$0x3FB4] =	sst s0  }
0x18: {  	s0 =	sld [smem:$0x3F97];
	_ =	swait.ge [sflag:s4], $0x0  }
0x19: {  	s7 =	sld [smem:$0x3F98]  }
0x1a: {  	s8 =	sadd.s32 $0xFFFFE003, lr  }
0x1b: {  	s9 =	sadd.s32 $0xFFFFFEF7, lr;
	s5 =	simm.s32 $0xFFFFFFFF;
	p2 =	slt.u32 s8, $0xFFFFF086  }
0x1c: {  	p1 =	slt.u32 s9, $0xF7A;
	s5 =	simm.s32 @!p2 $0x0  }
0x1d: {  	s5 =	simm.s32 @p1 $0x1;
	p0 =	seq.s32 s7, s2  }
0x1e: {  	s7 =	smul.u32 @!p0 $0xF7A, s2;
	p2 =	seq.s32 @!p0 s5, $0x0  }
0x1f: {  	s9 =	smul.u32 $0xF7A, s1;
	s8 =	simm.s32 @!p0 $0x1BF5;
	p2 =	por !p2, p0  }
0x20: {  	[sflag:s8] =	ssyncset.s32 @!p0 $0xFFFFF086;
	s6 =	sadd.s32 @!p0 s3, s7;
	s7 =	simm.s32 @!p0 $0x108  }
0x21: {  	s3 =	sadd.s32 s3, s9;
	s6 =	sadd.s32 @!p0 $0x88, s6;
	s7 =	simm.s32 @p2 $0x1082  }
0x22: {  	[simem:s7], [sflag:s8] =	dma.local @!p0 [hbm:s6], $0xF7A  }
0x23: {  	s9 =	sor.u32 $0xD0000000, s2;
	s6 =	simm.s32 $0x108;
	_ =	swait.ge @!p0 [sflag:s8], $0x0  }
0x24: {  	s3 =	sadd.s32 $0x88, s3;
	s6 =	simm.s32 @!p1 $0x1082;
	[sflag:s4] =	ssyncset.s32 $0xFFFFF086  }
0x25: {  	[simem:s6], [sflag:s4] =	dma.local [hbm:s3], $0xF7A  }
0x26: {  	[smem:$0x3F98] =	sst s1;
	(tag) =	ssettag s2;
	_ =	strace s9  }
0x27: {  	s1 =	sld [smem:$0x3FA8]  }
0x28: {  	s2 =	sld [smem:$0x3FA9]  }
0x29: {  	s4 =	sld [smem:$0x3FAB]  }
0x2a: {  	p0 =	seq.s32 s5, $0x0;
	s5 =	sld [smem:$0x3FAC]  }
0x2b: {  	s6 =	sld [smem:$0x3FAD]  }
0x2c: {  	s7 =	sld [smem:$0x3FAE]  }
0x2d: {  	s3 =	simm.s32 $0x108;
	s8 =	sld [smem:$0x3FAF]  }
0x2e: {  	s3 =	simm.s32 @!p0 $0x1082;
	s9 =	sld [smem:$0x3FB0]  }
0x2f: {  	lr =	sadd.s32 s0, s3;
	s0 =	sld [smem:$0x3FA7]  }
0x30: {  	s3 =	sld [smem:$0x3FAA]  }
0x31: {  	[smem:$0x3FB3] =	sst s10  }
0x32: {  	s10 =	sld [smem:$0x3FB1];
	_ =	sdelay $0x3  }
0x33: {  	p0 =	seq.s32 s10, $0x1;
	s10 =	sld [smem:$0x3FB3];
	_ =	sdelay $0x3  }
0x34: {  	[smem:$0x3FB3] =	sst s10  }
0x35: {  	s10 =	sld [smem:$0x3FB2];
	_ =	sdelay $0x3  }
0x36: {  	p1 =	seq.s32 s10, $0x1;
	s10 =	sld [smem:$0x3FB3];
	_ =	sdelay $0x3  }
0x37: {  	[smem:$0x3FB3] =	sst s10  }
0x38: {  	s10 =	sld [smem:$0x3FB4]  }
0x39: {  	_ = 	snop;
	(pc) =	sbr.ind lr, $3  }
0x3a: {  	_ = 	snop  }
0x3b: {  	_ = 	snop  }
0x3c: {  	p2 =	seq.s32 s10, $0x1;
	s10 =	sld [smem:$0x3FB3]  }
0x3d: {  	_ =	shalt  }
0x3e: {  	_ =	shalt  }
0x3f: {  	_ =	shalt  }
0x40: {  	_ =	shalt  }
0x41: {  	_ =	shalt  }
0x42: {  	_ =	shalt  }
0x43: {  	_ =	shalt  }
0x44: {  	_ =	shalt  }
0x45: {  	_ =	shalt  }
0x46: {  	_ =	shalt  }
0x47: {  	_ =	shalt  }
0x48: {  	_ =	shalt  }
0x49: {  	_ =	shalt  }
0x4a: {  	_ =	shalt  }
0x4b: {  	_ =	shalt  }
0x4c: {  	_ =	shalt  }
0x4d: {  	_ =	shalt  }
0x4e: {  	_ =	shalt  }
0x4f: {  	_ =	shalt  }
0x50: {  	_ =	shalt  }
0x51: {  	_ =	shalt  }
0x52: {  	_ =	shalt  }
0x53: {  	_ =	shalt  }
0x54: {  	_ =	shalt  }
0x55: {  	_ =	shalt  }
0x56: {  	_ =	shalt  }
0x57: {  	_ =	shalt  }
0x58: {  	_ =	shalt  }
0x59: {  	_ =	shalt  }
0x5a: {  	_ =	shalt  }
0x5b: {  	_ =	shalt  }
0x5c: {  	_ =	shalt  }
0x5d: {  	_ =	shalt  }
0x5e: {  	_ =	shalt  }
0x5f: {  	_ =	shalt  }
0x60: {  	_ =	shalt  }
0x61: {  	_ =	shalt  }
0x62: {  	_ =	shalt  }
0x63: {  	_ =	shalt  }
0x64: {  	_ =	shalt  }
0x65: {  	_ =	shalt  }
0x66: {  	_ =	shalt  }
0x67: {  	_ =	shalt  }
0x68: {  	_ =	shalt  }
0x69: {  	_ =	shalt  }
0x6a: {  	_ =	shalt  }
0x6b: {  	_ =	shalt  }
0x6c: {  	_ =	shalt  }
0x6d: {  	_ =	shalt  }
0x6e: {  	_ =	shalt  }
0x6f: {  	_ =	shalt  }
0x70: {  	_ =	shalt  }
0x71: {  	_ =	shalt  }
0x72: {  	_ =	shalt  }
0x73: {  	_ =	shalt  }
0x74: {  	_ =	shalt  }
0x75: {  	_ =	shalt  }
0x76: {  	_ =	shalt  }
0x77: {  	_ =	shalt  }
0x78: {  	_ =	shalt  }
0x79: {  	_ =	shalt  }
0x7a: {  	_ =	shalt  }
0x7b: {  	_ =	shalt  }
0x7c: {  	_ =	shalt  }
0x7d: {  	_ =	shalt  }
0x7e: {  	_ =	shalt  }
0x7f: {  	_ =	shalt  }
0x80: {  	_ =	shalt  }
0x81: {  	_ =	shalt  }
0x82: {  	_ =	shalt  }
0x83: {  	_ =	shalt  }
0x84: {  	_ =	shalt  }
0x85: {  	_ =	shalt  }
0x86: {  	_ =	shalt  }
0x87: {  	_ =	shalt  }
.Lfunc_end0:
.L_simem_size_0:
called_computation.1_lowered:
.L_overlay_start_0:
0x88: {  	s2 =	sld [smem:$0x3FD9]  }
0x89: {  	s3 =	sld [smem:$0x3FFE];
	_ =	sdelay $0x1  }
0x8a: {  	s1 =	srdreg.scid  }
0x8b: {  	s0 =	sand.u32 $0x1, s1  }
0x8c: {  	s16 =	sshll.u32 s0, $0xA;
	s2 =	sadd.s32 s3, s2  }
0x8d: {  	s2 =	sadd.s32 s2, s16  }
0x8e: {  	[smem:$0x3FBF] =	sst s2  }
0x8f: {  	_ = 	snop  }
0x90: {  	(tm) =	ssettm $0x1  }
0x91: {  	s17 =	sld [smem:$0x3FFB];
	_ =	sdelay $0x3  }
0x92: {  	_ =	strace s17  }
0x93: {  	s2 =	sld [smem:$0x3FFC];
	_ =	sdelay $0x3  }
0x94: {  	_ =	strace s2  }
0x95: {  	s2 =	sld [smem:$0x3FFD];
	_ =	sdelay $0x3  }
0x96: {  	_ =	strace s2  }
0x97: {  	_ =	strace $0x8FFFFFFF  }
0x98: {  	s18 =	sld [smem:$0x3FDB];
	_ =	sdelay $0x1  }
0x99: {  	s19 =	simm.s32 $_scs_section_size  }
0x9a: {  	s4 =	simm.s32 $_size__tile_overlayer_lowered;
	s5 =	simm.s32 $_tile_overlayer_lowered  }
0x9b: {  	s22 =	simm.s32 $0x1BFF;
	s21 =	sshll.u32 s5, $0x1;
	s2 =	sadd.s32 s19, s18  }
0x9c: {  	s6 =	simm.s32 $0x0;
	s20 =	sshll.u32 s4, $0x1;
	s4 =	sadd.s32 s21, s2  }
0x9d: {  	[timem:s6], [sflag:s22] =	dma.local [hbm:s4], s20  }
0x9e: {  	_ =	swait.ge [sflag:s22], s20  }
0x9f: {  	s3 =	ssub.s32 $0x0, s20;
	[sflag:s22] =	ssyncset.done $0x0  }
0xa0: {  	[sflag:s22] =	ssyncadd.s32 s3;
	_ =	sdelay $0x1  }
0xa1: {  	s23 =	simm.s32 $0x1B8B  }
0xa2: {  	_ =	swait.ge [sflag:s23], $0x1  }
0xa3: {  	[sflag:s23] =	ssyncset.done $0x0  }
0xa4: {  	s25 =	simm.s32 $0x1B8E;
	s24 =	sld [smem:$0x3FFE];
	[sflag:s23] =	ssyncadd.s32 $0xFFFFFFFF  }
0xa5: {  	s26 =	simm.s32 $execute0_lowered;
	[smem:$0x3FD2] =	sst s25  }
0xa6: {  	s4 =	sshll.u32 s26, $0x1;
	_ =	strace $0x80000049;
	[dreg:$0x1] =	wrdreg $0xFFFFFFFF  }
0xa7: {  	s28 =	simm.s32 $_size_execute0_lowered;
	s2 =	sadd.s32 s2, s4;
	[dreg:$0x0] =	wrdreg $0x0  }
0xa8: {  	s4 =	sshll.u32 s28, $0x1;
	[dreg:$0x2] =	wrdreg s2  }
0xa9: {  	[dreg:$0x3] =	wrdreg s4  }
0xaa: {  	[dreg:$0x4] =	wrdreg $0xC0  }
0xab: {  	_ =	task [dreg:s6], $0x5FFFF  }
0xac: {  	[dreg:$0x1] =	wrdreg $0xFFFFFFFF  }
0xad: {  	[dreg:$0x0] =	wrdreg $0x60  }
0xae: {  	[dreg:$0x2] =	wrdreg s24  }
0xaf: {  	[dreg:$0x3] =	wrdreg $0x80800  }
0xb0: {  	[dreg:$0x4] =	wrdreg $0x9  }
0xb1: {  	_ =	task.clear_ibuf [dreg:s6], $0x5FFFF;
	_ =	strace $0x90000049  }
0xb2: {  	s29 =	simm.s32 $0x9;
	_ =	strace $0x8000004B  }
0xb3: {  	_ =	swait.ge [sflag:s29], $0x1  }
0xb4: {  	[sflag:s29] =	ssyncadd.s32 $0xFFFFFFFF  }
0xb5: {  	_ =	strace $0x9000004B  }
0xb6: {  	_ =	sfence  }
0xb7: {  	s30 =	sld [smem:$0x0];
	_ =	sdelay $0x2  }
0xb8: {  	s31 =	sshll.u32 s1, $0xD;
	s1 =	sshrl.u32 s1, $0x2  }
0xb9: {  	s3 =	sand.u32 $0x4000, s31;
	s1 =	sadd.s32 s1, s30  }
0xba: {  	s0 =	sor.u32 s3, s0;
	s1 =	sshll.u32 s1, $0x11  }
0xbb: {  	s0 =	sor.u32 s1, s0  }
0xbc: {  	s0 =	sadd.s32 $0x8F2B, s0  }
0xbd: {  	[sflag:s0] =	ssyncadd.remote.s32 $0x1  }
0xbe: {  	_ =	sfence.sel $0xFFFF  }
0xbf: {  	[dreg:$0x0] =	wrdreg $0xFFFFFFFF;
	(pc) =	sbr.abs _section_cstart, $3  }
0xc0: {  	[dreg:$0x1] =	wrdreg $0xFFFFFFFF  }
0xc1: {  	_ =	task.clear_ibuf [dreg:s6], $0x2FFFF;
	_ =	strace $0x9FFFFFFF  }
0xc2: {  	(tm) =	ssettm $0x7FFFFFFF  }
0xc3: {  	_ =	shalt  }
tec
execute0_lowered:
.L_overlay_start_1:
0x0: {  	(tag) =	ssettag $0x1  }
0x1: {  	s0 =	srdreg.scid;
	s1 =	rddreg [dreg:$0x0]  }
0x2: {  	s9 =	stileid.u32;
	s2 =	rddreg [dreg:$0x1]  }
0x3: {  	s3 =	simm.s32 $0x0;
	s12 =	simm.s32 $0x38;
	s14 =	simm.s32 $0x70  }
0x4: {  	s15 =	simm.s32 $0xA8;
	[smem:$0x7FF] =	sst s3;
	s8 =	sadd.s32 $0x46C00, s1  }
0x5: {  	s16 =	simm.s32 $0xE0;
	_ =	strace $0x8000004A;
	[dreg:$0x13] =	wrdreg s8  }
0x6: {  	s17 =	simm.s32 $0x118;
	s18 =	simm.s32 $0x150;
	[dreg:$0x5] =	wrdreg s12  }
0x7: {  	s19 =	simm.s32 $0x188;
	s20 =	simm.s32 $0x1F8;
	[dreg:$0x6] =	wrdreg s14  }
0x8: {  	s21 =	simm.s32 $0x230;
	s22 =	simm.s32 $0x268;
	[dreg:$0x7] =	wrdreg s15  }
0x9: {  	s23 =	simm.s32 $0x2A0;
	s24 =	simm.s32 $0x2D8;
	[dreg:$0x8] =	wrdreg s16  }
0xa: {  	s28 =	simm.s32 $0x7;
	s29 =	simm.s32 $0x8;
	[dreg:$0x9] =	wrdreg s17  }
0xb: {  	s30 =	simm.s32 $0x9;
	s5 =	smul.u32 $0xAF0, s9;
	[dreg:$0xa] =	wrdreg s18  }
0xc: {  	s0 =	sand.u32 $0x1, s0;
	s6 =	smul.u32 $0xC800, s9;
	[dreg:$0xb] =	wrdreg s19  }
0xd: {  	s31 =	simm.s32 $0xA;
	s4 =	smul.u32 $0x186A0, s0;
	[dreg:$0xc] =	wrdreg s20  }
0xe: {  	s26 =	sshll.u32 s9, $0x6;
	s7 =	smul.u32 $0xC8000, s0;
	[dreg:$0xd] =	wrdreg s21  }
0xf: {  	s0 =	ssub.s32 $0x2, s0;
	s11 =	sor.u32 $0x1C11, s26;
	[dreg:$0xe] =	wrdreg s22  }
0x10: {  	s12 =	simm.s32 $0x32;
	[dreg:$0xf] =	wrdreg s23;
	s22 =	simm.s32 $0x2  }
0x11: {  	[dreg:$0x10] =	wrdreg s24;
	s23 =	simm.s32 $0x3;
	s26 =	simm.s32 $0x348  }
0x12: {  	s24 =	simm.s32 $0x4;
	s8 =	simm.s32 $0xF;
	s20 =	simm.s32 $0x4200  }
0x13: {  	s21 =	simm.s32 $0x6140;
	s5 =	sadd.s32 s5, s1;
	s25 =	sshrl.u32 s0, $0x1  }
0x14: {  	s3 =	sadd.s32 s6, s2;
	[dreg:$0x12] =	wrdreg s26;
	s26 =	simm.s32 $0x6  }
0x15: {  	[dreg:$0x14] =	wrdreg s11;
	s4 =	sadd.s32 s4, s1;
	s7 =	sadd.s32 s6, s7  }
0x16: {  	s0 =	ssub.s32 s0, s25;
	s9 =	sadd.s32 $0xBD000, s5;
	s10 =	sadd.s32 $0xC8000, s5  }
0x17: {  	s13 =	sshrl.u32 s3, $0x3;
	s25 =	simm.s32 $0x310;
	s5 =	simm.s32 $0x10  }
0x18: {  	s3 =	simm.s32 $0x0;
	s7 =	sshrl.u32 s7, $0x3;
	[dreg:$0x3] =	wrdreg s9  }
0x19: {  	s6 =	sadd.s32 $0x2000, s4;
	s0 =	smax.u32 s0, $0x1;
	[dreg:$0x4] =	wrdreg s10  }
0x1a: {  	s10 =	simm.s32 $0x11;
	[dreg:$0x11] =	wrdreg s25;
	s25 =	simm.s32 $0x5  }
0x1b: {  	s4 =	simm.s32 $0xD;
	[dreg:$0x17] =	wrdreg s13;
	s1 =	sadd.s32 s7, s1  }
0x1c: {  	[dreg:$0x16] =	wrdreg s0;
	s0 =	simm.s32 $0xC;
	s1 =	sadd.s32 $0x48600, s1  }
0x1d: {  	s7 =	simm.s32 $0xE;
	[dreg:$0x15] =	wrdreg s1;
	s1 =	simm.s32 $0xB  }
.LBB2_1:
0x1e: {  	[dreg:$0x18] =	wrdreg s3  }
0x1f: {  	s9 =	rddreg [dreg:$0x13]  }
0x20: {  	[spmem:s13], [sflag:s11] =	dma.local [hbm:s9], $0x1900  }
0x21: {  	_ =	swait.ge [sflag:s10], $0x1900  }
0x22: {  	[sflag:s10] =	ssyncset.done $0x0  }
0x23: {  	[sflag:s10] =	ssyncadd.s32 $0xFFFFE700  }
0x24: {  	[bflag:$0x0] =	sbarrier.arrive $0xFFFF  }
0x25: {  	s14 =	rddreg [dreg:$0x4]  }
0x26: {  	s15 =	simm.s32 $0x0;
	s9 =	sadd.s32 $0x0, s14  }
0x27: {  	[tilespmem:s15], [sflag:$0x11] =	stream.linear.gather [hbm4b:s9+s15], $0x1C0, $0x38;
	[tilespmem:$0x14880] =	vst v63  }
0x28: {  	_ =	swait.ge [sflag:s10], $0x1C0  }
0x29: {  	s16 =	rddreg [dreg:$0x3];
	[sflag:s10] =	ssyncset.done $0x0  }
0x2a: {  	s13 =	simm.s32 $0x1C0;
	[sflag:s10] =	ssyncadd.s32 $0xFFFFFE40;
	s9 =	sadd.s32 $0x0, s16  }
0x2b: {  	[tilespmem:s13], [sflag:$0x11] =	stream.linear.gather [hbm4b:s9+s15], $0x1C0, $0x38;
	[tilespmem:$0x14880] =	vst v63  }
0x2c: {  	_ =	swait.ge [sflag:s10], $0x1C0  }
0x2d: {  	[sflag:s10] =	ssyncset.done $0x0  }
0x2e: {  	s14 =	simm.s32 $0x380;
	[sflag:s10] =	ssyncadd.s32 $0xFFFFFE40  }
0x2f: {  	[tilespmem:s14], [sflag:$0x1] =	stream.indirect.gather [hbm4b:s6+s12], $0x50, s15, s12, $0xb8;
	[tilespmem:$0x14880] =	vst v63  }
0x30: {  	s17 =	rddreg [dreg:$0x5];
	s15 =	simm.s32 $0x1320  }
0x31: {  	[tilespmem:s15], [sflag:$0x2] =	stream.indirect.gather [hbm4b:s6+s12], $0x50, s17, s12, $0xb8;
	[tilespmem:$0x14880] =	vst v63  }
0x32: {  	s16 =	simm.s32 $0x22C0;
	s18 =	rddreg [dreg:$0x6]  }
0x33: {  	[tilespmem:s16], [sflag:$0x3] =	stream.indirect.gather [hbm4b:s6+s12], $0x50, s18, s12, $0xb8;
	[tilespmem:$0x14880] =	vst v63  }
0x34: {  	s19 =	rddreg [dreg:$0x7];
	s17 =	simm.s32 $0x3260  }
0x35: {  	[tilespmem:s17], [sflag:$0x4] =	stream.indirect.gather [hbm4b:s6+s12], $0x50, s19, s12, $0xb8;
	[tilespmem:$0x14880] =	vst v63  }
0x36: {  	s3 =	rddreg [dreg:$0x8];
	s18 =	simm.s32 $0x4200  }
0x37: {  	[tilespmem:s18], [sflag:$0x5] =	stream.indirect.gather [hbm4b:s6+s12], $0x50, s3, s12, $0xb8;
	[tilespmem:$0x14880] =	vst v63  }
0x38: {  	s19 =	rddreg [dreg:$0x9];
	s3 =	simm.s32 $0x51A0  }
0x39: {  	[tilespmem:s3], [sflag:$0x6] =	stream.indirect.gather [hbm4b:s6+s12], $0x50, s19, s12, $0xb8;
	[tilespmem:$0x14880] =	vst v63  }
0x3a: {  	s11 =	rddreg [dreg:$0xa];
	s19 =	simm.s32 $0x6140  }
0x3b: {  	[tilespmem:s19], [sflag:$0x7] =	stream.indirect.gather [hbm4b:s6+s12], $0x50, s11, s12, $0xb8;
	[tilespmem:$0x14880] =	vst v63  }
0x3c: {  	s9 =	rddreg [dreg:$0xb];
	s11 =	simm.s32 $0x70E0  }
0x3d: {  	[tilespmem:s11], [sflag:$0x8] =	stream.indirect.gather [hbm4b:s6+s12], $0x50, s9, s12, $0xb8;
	[tilespmem:$0x14880] =	vst v63  }
0x3e: {  	s9 =	simm.s32 $0x1  }
0x3f: {  	_ =	swait.ge [sflag:s9], $0xFA0  }
0x40: {  	[sflag:s9] =	ssyncset.done $0x0  }
0x41: {  	[sflag:s9] =	ssyncadd.s32 $0xFFFFF060  }
0x42: {  	[spmem:s2] =	stream.indirect.scatter.add.f32 [tilespmem:s14], [sflag:$0x9], $0x50, s13, s12, $0xb8;
	[tilespmem:$0x14880] =	vst v63  }
0x43: {  	_ =	swait.ge [sflag:s22], $0xFA0  }
0x44: {  	[sflag:s22] =	ssyncset.done $0x0  }
0x45: {  	s13 =	rddreg [dreg:$0xc];
	[sflag:s22] =	ssyncadd.s32 $0xFFFFF060  }
0x46: {  	[spmem:s2] =	stream.indirect.scatter.add.f32 [tilespmem:s15], [sflag:$0xA], $0x50, s13, s12, $0xb8;
	[tilespmem:$0x14880] =	vst v63  }
0x47: {  	_ =	swait.ge [sflag:s23], $0xFA0  }
0x48: {  	[sflag:s23] =	ssyncset.done $0x0  }
0x49: {  	s14 =	rddreg [dreg:$0xd];
	[sflag:s23] =	ssyncadd.s32 $0xFFFFF060  }
0x4a: {  	[spmem:s2] =	stream.indirect.scatter.add.f32 [tilespmem:s16], [sflag:$0xB], $0x50, s14, s12, $0xb8;
	[tilespmem:$0x14880] =	vst v63  }
0x4b: {  	_ =	swait.ge [sflag:s24], $0xFA0  }
0x4c: {  	[sflag:s24] =	ssyncset.done $0x0  }
0x4d: {  	s15 =	rddreg [dreg:$0xe];
	[sflag:s24] =	ssyncadd.s32 $0xFFFFF060  }
0x4e: {  	[spmem:s2] =	stream.indirect.scatter.add.f32 [tilespmem:s17], [sflag:$0xC], $0x50, s15, s12, $0xb8;
	[tilespmem:$0x14880] =	vst v63  }
0x4f: {  	_ =	swait.ge [sflag:s25], $0xFA0  }
0x50: {  	[sflag:s25] =	ssyncset.done $0x0  }
0x51: {  	s16 =	rddreg [dreg:$0xf];
	[sflag:s25] =	ssyncadd.s32 $0xFFFFF060  }
0x52: {  	[spmem:s2] =	stream.indirect.scatter.add.f32 [tilespmem:s18], [sflag:$0xD], $0x50, s16, s12, $0xb8;
	[tilespmem:$0x14880] =	vst v63  }
0x53: {  	_ =	swait.ge [sflag:s26], $0xFA0  }
0x54: {  	[sflag:s26] =	ssyncset.done $0x0  }
0x55: {  	s17 =	rddreg [dreg:$0x10];
	[sflag:s26] =	ssyncadd.s32 $0xFFFFF060  }
0x56: {  	[spmem:s2] =	stream.indirect.scatter.add.f32 [tilespmem:s3], [sflag:$0xE], $0x50, s17, s12, $0xb8;
	[tilespmem:$0x14880] =	vst v63  }
0x57: {  	_ =	swait.ge [sflag:s28], $0xFA0  }
0x58: {  	[sflag:s28] =	ssyncset.done $0x0  }
0x59: {  	s18 =	rddreg [dreg:$0x11];
	[sflag:s28] =	ssyncadd.s32 $0xFFFFF060  }
0x5a: {  	[spmem:s2] =	stream.indirect.scatter.add.f32 [tilespmem:s19], [sflag:$0xF], $0x50, s18, s12, $0xb8;
	[tilespmem:$0x14880] =	vst v63  }
0x5b: {  	_ =	swait.ge [sflag:s29], $0xFA0  }
0x5c: {  	[sflag:s29] =	ssyncset.done $0x0  }
0x5d: {  	s19 =	rddreg [dreg:$0x12];
	[sflag:s29] =	ssyncadd.s32 $0xFFFFF060  }
0x5e: {  	[spmem:s2] =	stream.indirect.scatter.add.f32 [tilespmem:s11], [sflag:$0x10], $0x50, s19, s12, $0xb8;
	[tilespmem:$0x14880] =	vst v63  }
0x5f: {  	_ =	swait.ge [sflag:s30], $0xFA0  }
0x60: {  	[sflag:s30] =	ssyncset.done $0x0  }
0x61: {  	[sflag:s30] =	ssyncadd.s32 $0xFFFFF060  }
0x62: {  	_ =	swait.ge [sflag:s31], $0xFA0  }
0x63: {  	[sflag:s31] =	ssyncset.done $0x0  }
0x64: {  	[sflag:s31] =	ssyncadd.s32 $0xFFFFF060  }
0x65: {  	_ =	swait.ge [sflag:s1], $0xFA0  }
0x66: {  	[sflag:s1] =	ssyncset.done $0x0  }
0x67: {  	[sflag:s1] =	ssyncadd.s32 $0xFFFFF060  }
0x68: {  	_ =	swait.ge [sflag:s0], $0xFA0  }
0x69: {  	[sflag:s0] =	ssyncset.done $0x0  }
0x6a: {  	[sflag:s0] =	ssyncadd.s32 $0xFFFFF060  }
0x6b: {  	_ =	swait.ge [sflag:s4], $0xFA0  }
0x6c: {  	[sflag:s4] =	ssyncset.done $0x0  }
0x6d: {  	[sflag:s4] =	ssyncadd.s32 $0xFFFFF060  }
0x6e: {  	_ =	swait.ge [sflag:s7], $0xFA0  }
0x6f: {  	[sflag:s7] =	ssyncset.done $0x0  }
0x70: {  	[sflag:s7] =	ssyncadd.s32 $0xFFFFF060  }
0x71: {  	_ =	swait.ge [sflag:s8], $0xFA0  }
0x72: {  	[sflag:s8] =	ssyncset.done $0x0  }
0x73: {  	[sflag:s8] =	ssyncadd.s32 $0xFFFFF060  }
0x74: {  	s9 =	simm.s32 $0x38;
	_ =	swait.ge [sflag:s5], $0xFA0  }
0x75: {  	s11 =	simm.s32 $0x70;
	s13 =	rddreg [dreg:$0x4];
	[sflag:s5] =	ssyncset.done $0x0  }
.LBB2_2:
0x76: {  	[sflag:s5] =	ssyncadd.s32 $0xFFFFF060;
	s13 =	sadd.s32 s9, s13;
	s3 =	simm.s32 $0x0  }
0x77: {  	[tilespmem:s3], [sflag:$0x11] =	stream.linear.gather [hbm4b:s13+s3], $0x1C0, $0x38;
	[tilespmem:$0x14880] =	vst v63  }
0x78: {  	_ =	swait.ge [sflag:s10], $0x1C0  }
0x79: {  	s17 =	rddreg [dreg:$0x3];
	[sflag:s10] =	ssyncset.done $0x0  }
0x7a: {  	s15 =	simm.s32 $0x1C0;
	[sflag:s10] =	ssyncadd.s32 $0xFFFFFE40;
	s13 =	sadd.s32 s9, s17  }
0x7b: {  	[tilespmem:s15], [sflag:$0x11] =	stream.linear.gather [hbm4b:s13+s3], $0x1C0, $0x38;
	[tilespmem:$0x14880] =	vst v63  }
0x7c: {  	_ =	swait.ge [sflag:s10], $0x1C0  }
0x7d: {  	[sflag:s10] =	ssyncset.done $0x0  }
0x7e: {  	s16 =	simm.s32 $0x380;
	[sflag:s10] =	ssyncadd.s32 $0xFFFFFE40  }
0x7f: {  	[tilespmem:s16], [sflag:$0x1] =	stream.indirect.gather [hbm4b:s6+s12], $0x50, s3, s12, $0xb8;
	[tilespmem:$0x14880] =	vst v63  }
0x80: {  	s17 =	simm.s32 $0x1320;
	s18 =	rddreg [dreg:$0x5]  }
0x81: {  	[tilespmem:s17], [sflag:$0x2] =	stream.indirect.gather [hbm4b:s6+s12], $0x50, s18, s12, $0xb8;
	[tilespmem:$0x14880] =	vst v63  }
0x82: {  	s19 =	rddreg [dreg:$0x6];
	s18 =	simm.s32 $0x22C0  }
0x83: {  	[tilespmem:s18], [sflag:$0x3] =	stream.indirect.gather [hbm4b:s6+s12], $0x50, s19, s12, $0xb8;
	[tilespmem:$0x14880] =	vst v63  }
0x84: {  	s13 =	rddreg [dreg:$0x7];
	s19 =	simm.s32 $0x3260  }
0x85: {  	[tilespmem:s19], [sflag:$0x4] =	stream.indirect.gather [hbm4b:s6+s12], $0x50, s13, s12, $0xb8;
	[tilespmem:$0x14880] =	vst v63  }
0x86: {  	s3 =	rddreg [dreg:$0x8]  }
0x87: {  	[tilespmem:s20], [sflag:$0x5] =	stream.indirect.gather [hbm4b:s6+s12], $0x50, s3, s12, $0xb8;
	[tilespmem:$0x14880] =	vst v63  }
0x88: {  	s14 =	smov.u32 s11;
	s13 =	rddreg [dreg:$0x9];
	s3 =	simm.s32 $0x51A0  }
0x89: {  	[tilespmem:s3], [sflag:$0x6] =	stream.indirect.gather [hbm4b:s6+s12], $0x50, s13, s12, $0xb8;
	[tilespmem:$0x14880] =	vst v63  }
0x8a: {  	s9 =	smov.u32 s14;
	s14 =	rddreg [dreg:$0xa]  }
0x8b: {  	[tilespmem:s21], [sflag:$0x7] =	stream.indirect.gather [hbm4b:s6+s12], $0x50, s14, s12, $0xb8;
	[tilespmem:$0x14880] =	vst v63  }
0x8c: {  	s13 =	rddreg [dreg:$0xb];
	s14 =	simm.s32 $0x70E0  }
0x8d: {  	[tilespmem:s14], [sflag:$0x8] =	stream.indirect.gather [hbm4b:s6+s12], $0x50, s13, s12, $0xb8;
	[tilespmem:$0x14880] =	vst v63  }
0x8e: {  	s13 =	simm.s32 $0x1  }
0x8f: {  	_ =	swait.ge [sflag:s13], $0xFA0  }
0x90: {  	[sflag:s13] =	ssyncset.done $0x0  }
0x91: {  	[sflag:s13] =	ssyncadd.s32 $0xFFFFF060  }
0x92: {  	[spmem:s2] =	stream.indirect.scatter.add.f32 [tilespmem:s16], [sflag:$0x9], $0x50, s15, s12, $0xb8;
	[tilespmem:$0x14880] =	vst v63  }
0x93: {  	_ =	swait.ge [sflag:s22], $0xFA0  }
0x94: {  	[sflag:s22] =	ssyncset.done $0x0  }
0x95: {  	s16 =	rddreg [dreg:$0xc];
	[sflag:s22] =	ssyncadd.s32 $0xFFFFF060  }
0x96: {  	[spmem:s2] =	stream.indirect.scatter.add.f32 [tilespmem:s17], [sflag:$0xA], $0x50, s16, s12, $0xb8;
	[tilespmem:$0x14880] =	vst v63  }
0x97: {  	_ =	swait.ge [sflag:s23], $0xFA0  }
0x98: {  	[sflag:s23] =	ssyncset.done $0x0  }
0x99: {  	s17 =	rddreg [dreg:$0xd];
	[sflag:s23] =	ssyncadd.s32 $0xFFFFF060  }
0x9a: {  	[spmem:s2] =	stream.indirect.scatter.add.f32 [tilespmem:s18], [sflag:$0xB], $0x50, s17, s12, $0xb8;
	[tilespmem:$0x14880] =	vst v63  }
0x9b: {  	_ =	swait.ge [sflag:s24], $0xFA0  }
0x9c: {  	[sflag:s24] =	ssyncset.done $0x0  }
0x9d: {  	s15 =	rddreg [dreg:$0xe];
	[sflag:s24] =	ssyncadd.s32 $0xFFFFF060  }
0x9e: {  	[spmem:s2] =	stream.indirect.scatter.add.f32 [tilespmem:s19], [sflag:$0xC], $0x50, s15, s12, $0xb8;
	[tilespmem:$0x14880] =	vst v63  }
0x9f: {  	_ =	swait.ge [sflag:s25], $0xFA0  }
0xa0: {  	[sflag:s25] =	ssyncset.done $0x0  }
0xa1: {  	s16 =	rddreg [dreg:$0xf];
	[sflag:s25] =	ssyncadd.s32 $0xFFFFF060  }
0xa2: {  	[spmem:s2] =	stream.indirect.scatter.add.f32 [tilespmem:s20], [sflag:$0xD], $0x50, s16, s12, $0xb8;
	[tilespmem:$0x14880] =	vst v63  }
0xa3: {  	_ =	swait.ge [sflag:s26], $0xFA0  }
0xa4: {  	[sflag:s26] =	ssyncset.done $0x0  }
0xa5: {  	s17 =	rddreg [dreg:$0x10];
	[sflag:s26] =	ssyncadd.s32 $0xFFFFF060  }
0xa6: {  	[spmem:s2] =	stream.indirect.scatter.add.f32 [tilespmem:s3], [sflag:$0xE], $0x50, s17, s12, $0xb8;
	[tilespmem:$0x14880] =	vst v63  }
0xa7: {  	_ =	swait.ge [sflag:s28], $0xFA0  }
0xa8: {  	[sflag:s28] =	ssyncset.done $0x0  }
0xa9: {  	s18 =	rddreg [dreg:$0x11];
	[sflag:s28] =	ssyncadd.s32 $0xFFFFF060  }
0xaa: {  	[spmem:s2] =	stream.indirect.scatter.add.f32 [tilespmem:s21], [sflag:$0xF], $0x50, s18, s12, $0xb8;
	[tilespmem:$0x14880] =	vst v63  }
0xab: {  	_ =	swait.ge [sflag:s29], $0xFA0  }
0xac: {  	[sflag:s29] =	ssyncset.done $0x0  }
0xad: {  	s19 =	rddreg [dreg:$0x12];
	[sflag:s29] =	ssyncadd.s32 $0xFFFFF060  }
0xae: {  	[spmem:s2] =	stream.indirect.scatter.add.f32 [tilespmem:s14], [sflag:$0x10], $0x50, s19, s12, $0xb8;
	[tilespmem:$0x14880] =	vst v63  }
0xaf: {  	_ =	swait.ge [sflag:s30], $0xFA0  }
0xb0: {  	[sflag:s30] =	ssyncset.done $0x0  }
0xb1: {  	[sflag:s30] =	ssyncadd.s32 $0xFFFFF060  }
0xb2: {  	_ =	swait.ge [sflag:s31], $0xFA0  }
0xb3: {  	[sflag:s31] =	ssyncset.done $0x0  }
0xb4: {  	[sflag:s31] =	ssyncadd.s32 $0xFFFFF060  }
0xb5: {  	_ =	swait.ge [sflag:s1], $0xFA0  }
0xb6: {  	[sflag:s1] =	ssyncset.done $0x0  }
0xb7: {  	[sflag:s1] =	ssyncadd.s32 $0xFFFFF060  }
0xb8: {  	_ =	swait.ge [sflag:s0], $0xFA0  }
0xb9: {  	[sflag:s0] =	ssyncset.done $0x0  }
0xba: {  	[sflag:s0] =	ssyncadd.s32 $0xFFFFF060  }
0xbb: {  	_ =	swait.ge [sflag:s4], $0xFA0  }
0xbc: {  	[sflag:s4] =	ssyncset.done $0x0  }
0xbd: {  	[sflag:s4] =	ssyncadd.s32 $0xFFFFF060  }
0xbe: {  	_ =	swait.ge [sflag:s7], $0xFA0  }
0xbf: {  	[sflag:s7] =	ssyncset.done $0x0  }
0xc0: {  	p0 =	sne.s32 s11, $0xAB8;
	[sflag:s7] =	ssyncadd.s32 $0xFFFFF060  }
.Ltmp0:
0xc1: {  	_ =	swait.ge [sflag:s8], $0xFA0;
	(pc) =	sbr.rel @p0 .LBB2_2-.Ltmp0, $4  }
0xc2: {  	[sflag:s8] =	ssyncset.done $0x0  }
0xc3: {  	[sflag:s8] =	ssyncadd.s32 $0xFFFFF060  }
0xc4: {  	_ =	swait.ge [sflag:s5], $0xFA0  }
0xc5: {  	s11 =	sadd.s32 $0x38, s11;
	s13 =	rddreg [dreg:$0x4];
	[sflag:s5] =	ssyncset.done $0x0  }
0xc6: {  	[sflag:s5] =	ssyncadd.s32 $0xFFFFF060;
	s11 =	sadd.s32 s9, s13;
	s3 =	simm.s32 $0x0  }
0xc7: {  	[tilespmem:s3], [sflag:$0x11] =	stream.linear.gather [hbm4b:s11+s3], $0x1C0, $0x38;
	[tilespmem:$0x14880] =	vst v63  }
0xc8: {  	_ =	swait.ge [sflag:s10], $0x1C0  }
0xc9: {  	s15 =	rddreg [dreg:$0x3];
	[sflag:s10] =	ssyncset.done $0x0  }
0xca: {  	s13 =	simm.s32 $0x1C0;
	[sflag:s10] =	ssyncadd.s32 $0xFFFFFE40;
	s16 =	sadd.s32 s9, s15  }
0xcb: {  	[tilespmem:s13], [sflag:$0x11] =	stream.linear.gather [hbm4b:s16+s3], $0x1C0, $0x38;
	[tilespmem:$0x14880] =	vst v63  }
0xcc: {  	_ =	swait.ge [sflag:s10], $0x1C0  }
0xcd: {  	[sflag:s10] =	ssyncset.done $0x0  }
0xce: {  	s14 =	simm.s32 $0x380;
	[sflag:s10] =	ssyncadd.s32 $0xFFFFFE40  }
0xcf: {  	[tilespmem:s14], [sflag:$0x1] =	stream.indirect.gather [hbm4b:s6+s12], $0x50, s3, s12, $0xb8;
	[tilespmem:$0x14880] =	vst v63  }
0xd0: {  	s15 =	simm.s32 $0x1320;
	s17 =	rddreg [dreg:$0x5]  }
0xd1: {  	[tilespmem:s15], [sflag:$0x2] =	stream.indirect.gather [hbm4b:s6+s12], $0x50, s17, s12, $0xb8;
	[tilespmem:$0x14880] =	vst v63  }
0xd2: {  	s16 =	simm.s32 $0x22C0;
	s18 =	rddreg [dreg:$0x6]  }
0xd3: {  	[tilespmem:s16], [sflag:$0x3] =	stream.indirect.gather [hbm4b:s6+s12], $0x50, s18, s12, $0xb8;
	[tilespmem:$0x14880] =	vst v63  }
0xd4: {  	s19 =	rddreg [dreg:$0x7];
	s17 =	simm.s32 $0x3260  }
0xd5: {  	[tilespmem:s17], [sflag:$0x4] =	stream.indirect.gather [hbm4b:s6+s12], $0x50, s19, s12, $0xb8;
	[tilespmem:$0x14880] =	vst v63  }
0xd6: {  	s3 =	rddreg [dreg:$0x8];
	s18 =	simm.s32 $0x4200  }
0xd7: {  	[tilespmem:s18], [sflag:$0x5] =	stream.indirect.gather [hbm4b:s6+s12], $0x50, s3, s12, $0xb8;
	[tilespmem:$0x14880] =	vst v63  }
0xd8: {  	s19 =	rddreg [dreg:$0x9];
	s3 =	simm.s32 $0x51A0  }
0xd9: {  	[tilespmem:s3], [sflag:$0x6] =	stream.indirect.gather [hbm4b:s6+s12], $0x50, s19, s12, $0xb8;
	[tilespmem:$0x14880] =	vst v63  }
0xda: {  	s11 =	rddreg [dreg:$0xa];
	s19 =	simm.s32 $0x6140  }
0xdb: {  	[tilespmem:s19], [sflag:$0x7] =	stream.indirect.gather [hbm4b:s6+s12], $0x50, s11, s12, $0xb8;
	[tilespmem:$0x14880] =	vst v63  }
0xdc: {  	s9 =	rddreg [dreg:$0xb];
	s11 =	simm.s32 $0x70E0  }
0xdd: {  	[tilespmem:s11], [sflag:$0x8] =	stream.indirect.gather [hbm4b:s6+s12], $0x50, s9, s12, $0xb8;
	[tilespmem:$0x14880] =	vst v63  }
0xde: {  	s9 =	simm.s32 $0x1  }
0xdf: {  	_ =	swait.ge [sflag:s9], $0xFA0  }
0xe0: {  	[sflag:s9] =	ssyncset.done $0x0  }
0xe1: {  	[sflag:s9] =	ssyncadd.s32 $0xFFFFF060  }
0xe2: {  	[spmem:s2] =	stream.indirect.scatter.add.f32 [tilespmem:s14], [sflag:$0x9], $0x50, s13, s12, $0xb8;
	[tilespmem:$0x14880] =	vst v63  }
0xe3: {  	_ =	swait.ge [sflag:s22], $0xFA0  }
0xe4: {  	[sflag:s22] =	ssyncset.done $0x0  }
0xe5: {  	s14 =	rddreg [dreg:$0xc];
	[sflag:s22] =	ssyncadd.s32 $0xFFFFF060  }
0xe6: {  	[spmem:s2] =	stream.indirect.scatter.add.f32 [tilespmem:s15], [sflag:$0xA], $0x50, s14, s12, $0xb8;
	[tilespmem:$0x14880] =	vst v63  }
0xe7: {  	_ =	swait.ge [sflag:s23], $0xFA0  }
0xe8: {  	[sflag:s23] =	ssyncset.done $0x0  }
0xe9: {  	s15 =	rddreg [dreg:$0xd];
	[sflag:s23] =	ssyncadd.s32 $0xFFFFF060  }
0xea: {  	[spmem:s2] =	stream.indirect.scatter.add.f32 [tilespmem:s16], [sflag:$0xB], $0x50, s15, s12, $0xb8;
	[tilespmem:$0x14880] =	vst v63  }
0xeb: {  	_ =	swait.ge [sflag:s24], $0xFA0  }
0xec: {  	[sflag:s24] =	ssyncset.done $0x0  }
0xed: {  	s16 =	rddreg [dreg:$0xe];
	[sflag:s24] =	ssyncadd.s32 $0xFFFFF060  }
0xee: {  	[spmem:s2] =	stream.indirect.scatter.add.f32 [tilespmem:s17], [sflag:$0xC], $0x50, s16, s12, $0xb8;
	[tilespmem:$0x14880] =	vst v63  }
0xef: {  	_ =	swait.ge [sflag:s25], $0xFA0  }
0xf0: {  	[sflag:s25] =	ssyncset.done $0x0  }
0xf1: {  	s13 =	rddreg [dreg:$0xf];
	[sflag:s25] =	ssyncadd.s32 $0xFFFFF060  }
0xf2: {  	[spmem:s2] =	stream.indirect.scatter.add.f32 [tilespmem:s18], [sflag:$0xD], $0x50, s13, s12, $0xb8;
	[tilespmem:$0x14880] =	vst v63  }
0xf3: {  	_ =	swait.ge [sflag:s26], $0xFA0  }
0xf4: {  	[sflag:s26] =	ssyncset.done $0x0  }
0xf5: {  	s14 =	rddreg [dreg:$0x10];
	[sflag:s26] =	ssyncadd.s32 $0xFFFFF060  }
0xf6: {  	[spmem:s2] =	stream.indirect.scatter.add.f32 [tilespmem:s3], [sflag:$0xE], $0x50, s14, s12, $0xb8;
	[tilespmem:$0x14880] =	vst v63  }
0xf7: {  	_ =	swait.ge [sflag:s28], $0xFA0  }
0xf8: {  	[sflag:s28] =	ssyncset.done $0x0  }
0xf9: {  	s15 =	rddreg [dreg:$0x11];
	[sflag:s28] =	ssyncadd.s32 $0xFFFFF060  }
0xfa: {  	[spmem:s2] =	stream.indirect.scatter.add.f32 [tilespmem:s19], [sflag:$0xF], $0x50, s15, s12, $0xb8;
	[tilespmem:$0x14880] =	vst v63  }
0xfb: {  	_ =	swait.ge [sflag:s29], $0xFA0  }
0xfc: {  	[sflag:s29] =	ssyncset.done $0x0  }
0xfd: {  	s16 =	rddreg [dreg:$0x12];
	[sflag:s29] =	ssyncadd.s32 $0xFFFFF060  }
0xfe: {  	[spmem:s2] =	stream.indirect.scatter.add.f32 [tilespmem:s11], [sflag:$0x10], $0x50, s16, s12, $0xb8;
	[tilespmem:$0x14880] =	vst v63  }
0xff: {  	_ =	swait.ge [sflag:s30], $0xFA0  }
0x100: {  	[sflag:s30] =	ssyncset.done $0x0  }
0x101: {  	[sflag:s30] =	ssyncadd.s32 $0xFFFFF060  }
0x102: {  	_ =	swait.ge [sflag:s31], $0xFA0  }
0x103: {  	[sflag:s31] =	ssyncset.done $0x0  }
0x104: {  	[sflag:s31] =	ssyncadd.s32 $0xFFFFF060  }
0x105: {  	_ =	swait.ge [sflag:s1], $0xFA0  }
0x106: {  	[sflag:s1] =	ssyncset.done $0x0  }
0x107: {  	[sflag:s1] =	ssyncadd.s32 $0xFFFFF060  }
0x108: {  	_ =	swait.ge [sflag:s0], $0xFA0  }
0x109: {  	[sflag:s0] =	ssyncset.done $0x0  }
0x10a: {  	[sflag:s0] =	ssyncadd.s32 $0xFFFFF060  }
0x10b: {  	_ =	swait.ge [sflag:s4], $0xFA0  }
0x10c: {  	[sflag:s4] =	ssyncset.done $0x0  }
0x10d: {  	[sflag:s4] =	ssyncadd.s32 $0xFFFFF060  }
0x10e: {  	_ =	swait.ge [sflag:s7], $0xFA0  }
0x10f: {  	[sflag:s7] =	ssyncset.done $0x0  }
0x110: {  	[sflag:s7] =	ssyncadd.s32 $0xFFFFF060  }
0x111: {  	_ =	swait.ge [sflag:s8], $0xFA0  }
0x112: {  	[sflag:s8] =	ssyncset.done $0x0  }
0x113: {  	[sflag:s8] =	ssyncadd.s32 $0xFFFFF060  }
0x114: {  	_ =	swait.ge [sflag:s5], $0xFA0  }
0x115: {  	[sflag:s5] =	ssyncset.done $0x0  }
0x116: {  	[sflag:s5] =	ssyncadd.s32 $0xFFFFF060  }
0x117: {  	[bflag:$0x0] =	sbarrier.arrive $0xFFFF  }
0x118: {  	s11 =	rddreg [dreg:$0x14]  }
0x119: {  	s17 =	rddreg [dreg:$0x15]  }
0x11a: {  	s13 =	rddreg [dreg:$0x17]  }
0x11b: {  	[hbm:s17], [sflag:s11] =	dma.local [spmem:s13], $0x1900  }
0x11c: {  	_ =	swait.ge [sflag:s10], $0x1900  }
0x11d: {  	s18 =	rddreg [dreg:$0x18]  }
0x11e: {  	s19 =	rddreg [dreg:$0x16];
	s3 =	sadd.s32 $0x1, s18  }
0x11f: {  	p0 =	sne.s32 s3, s19  }
.Ltmp1:
0x120: {  	_ = 	snop;
	(pc) =	sbr.rel @p0 .LBB2_1-.Ltmp1, $3  }
0x121: {  	_ =	sdelay $0x1  }
0x122: {  	[sflag:s10] =	ssyncset.done $0x0  }
0x123: {  	[sflag:s10] =	ssyncadd.s32 $0xFFFFE700  }
0x124: {  	_ =	sfence.sel $0x180000  }
0x125: {  	[bflag:$0x0] =	sbarrier.arrive $0xFFFF  }
0x126: {  	_ =	strace $0x9000004A  }
0x127: {  	s0 =	stileid.u32;
	[bflag:$0x2] =	sbarrier.arrive $0xFFFF  }
0x128: {  	p0 =	sne.s32 s0, $0x0;
	s0 =	rddreg [dreg:$0x2]  }
0x129: {  	s0 =	sadd.s32 @!p0 $0x100000, s0  }
0x12a: {  	[sflag:s0] =	ssyncadd.tile.s32 @!p0 $0x1;
	_ =	shalt  }
.Lfunc_end2:
_tile_overlayer_lowered:
.L_overlay_start_2:
0x12b: {  	(tag) =	ssettag $0x2  }
0x12c: {  	s0 =	rddreg [dreg:$0x0];
	s2 =	stileid.u32  }
0x12d: {  	s1 =	rddreg [dreg:$0x1];
	p0 =	sne.s32 s2, $0x0  }
0x12e: {  	s3 =	rddreg [dreg:$0x2];
	[bflag:$0x3] =	sbarrier.arrive $0xFFFF;
	s2 =	simm.s32 @!p0 $0x1C11  }
0x12f: {  	[timem:s3], [sflag:s2] =	dma.local @!p0 [hbm:s0], s1  }
0x130: {  	s0 =	simm.s32 @!p0 $0x11  }
0x131: {  	_ =	swait.ge @!p0 [sflag:s0], s1  }
0x132: {  	s1 =	ssub.s32 @!p0 $0x0, s1;
	[sflag:s0] =	ssyncset.done @!p0 $0x0  }
0x133: {  	[sflag:s0] =	ssyncadd.s32 @!p0 s1  }
0x134: {  	[bflag:$0x3] =	sbarrier.arrive $0xFFFF  }
0x135: {  	_ =	shalt  }

// kernel: kernel.7.cloned.1.call-start
scs
__scs_entry_jumppad:
0x0: {  	(pc) =	sbr.rel $0x88, $3  }
0x1: {  	(tag) =	ssettag $0x0;
	lr =	simm.s32 $0x1  }
0x2: {  	[smem:$0x3F98] =	sst lr;
	_ =	strace $0xD0000000  }
0x3: {  	_ = 	snop  }
0x4: {  	_ = 	snop  }
0x5: {  	_ = 	snop  }
0x6: {  	_ = 	snop  }
0x7: {  	_ = 	snop  }
__scs_overlays_trampoline_lowered:
0x8: {  	[smem:$0x3FA7] =	sst s0  }
0x9: {  	[smem:$0x3FA8] =	sst s1  }
0xa: {  	[smem:$0x3FA9] =	sst s2  }
0xb: {  	[smem:$0x3FAA] =	sst s3  }
0xc: {  	[smem:$0x3FAB] =	sst s4  }
0xd: {  	[smem:$0x3FAC] =	sst s5  }
0xe: {  	[smem:$0x3FAD] =	sst s6  }
0xf: {  	[smem:$0x3FAE] =	sst s7  }
0x10: {  	[smem:$0x3FAF] =	sst s8  }
0x11: {  	[smem:$0x3FB0] =	sst s9;
	s0 =	simm.s32 @!p0 $0x0  }
0x12: {  	s1 =	sld [smem:$0x3F96];
	s0 =	simm.s32 @p0 $0x1  }
0x13: {  	[smem:$0x3FB1] =	sst s0;
	s0 =	simm.s32 @!p1 $0x0  }
0x14: {  	s2 =	sld [smem:$0x3F95];
	s0 =	simm.s32 @p1 $0x1  }
0x15: {  	[smem:$0x3FB2] =	sst s0;
	s0 =	simm.s32 @!p2 $0x0  }
0x16: {  	s3 =	sld [smem:$0x3FDB];
	s0 =	simm.s32 @p2 $0x1  }
0x17: {  	s4 =	simm.s32 $0x1BF5;
	[smem:$0x3FB4] =	sst s0  }
0x18: {  	s0 =	sld [smem:$0x3F97];
	_ =	swait.ge [sflag:s4], $0x0  }
0x19: {  	s7 =	sld [smem:$0x3F98]  }
0x1a: {  	s8 =	sadd.s32 $0xFFFFE003, lr  }
0x1b: {  	s9 =	sadd.s32 $0xFFFFFEF7, lr;
	s5 =	simm.s32 $0xFFFFFFFF;
	p2 =	slt.u32 s8, $0xFFFFF086  }
0x1c: {  	p1 =	slt.u32 s9, $0xF7A;
	s5 =	simm.s32 @!p2 $0x0  }
0x1d: {  	s5 =	simm.s32 @p1 $0x1;
	p0 =	seq.s32 s7, s2  }
0x1e: {  	s7 =	smul.u32 @!p0 $0xF7A, s2;
	p2 =	seq.s32 @!p0 s5, $0x0  }
0x1f: {  	s9 =	smul.u32 $0xF7A, s1;
	s8 =	simm.s32 @!p0 $0x1BF5;
	p2 =	por !p2, p0  }
0x20: {  	[sflag:s8] =	ssyncset.s32 @!p0 $0xFFFFF086;
	s6 =	sadd.s32 @!p0 s3, s7;
	s7 =	simm.s32 @!p0 $0x108  }
0x21: {  	s3 =	sadd.s32 s3, s9;
	s6 =	sadd.s32 @!p0 $0x88, s6;
	s7 =	simm.s32 @p2 $0x1082  }
0x22: {  	[simem:s7], [sflag:s8] =	dma.local @!p0 [hbm:s6], $0xF7A  }
0x23: {  	s9 =	sor.u32 $0xD0000000, s2;
	s6 =	simm.s32 $0x108;
	_ =	swait.ge @!p0 [sflag:s8], $0x0  }
0x24: {  	s3 =	sadd.s32 $0x88, s3;
	s6 =	simm.s32 @!p1 $0x1082;
	[sflag:s4] =	ssyncset.s32 $0xFFFFF086  }
0x25: {  	[simem:s6], [sflag:s4] =	dma.local [hbm:s3], $0xF7A  }
0x26: {  	[smem:$0x3F98] =	sst s1;
	(tag) =	ssettag s2;
	_ =	strace s9  }
0x27: {  	s1 =	sld [smem:$0x3FA8]  }
0x28: {  	s2 =	sld [smem:$0x3FA9]  }
0x29: {  	s4 =	sld [smem:$0x3FAB]  }
0x2a: {  	p0 =	seq.s32 s5, $0x0;
	s5 =	sld [smem:$0x3FAC]  }
0x2b: {  	s6 =	sld [smem:$0x3FAD]  }
0x2c: {  	s7 =	sld [smem:$0x3FAE]  }
0x2d: {  	s3 =	simm.s32 $0x108;
	s8 =	sld [smem:$0x3FAF]  }
0x2e: {  	s3 =	simm.s32 @!p0 $0x1082;
	s9 =	sld [smem:$0x3FB0]  }
0x2f: {  	lr =	sadd.s32 s0, s3;
	s0 =	sld [smem:$0x3FA7]  }
0x30: {  	s3 =	sld [smem:$0x3FAA]  }
0x31: {  	[smem:$0x3FB3] =	sst s10  }
0x32: {  	s10 =	sld [smem:$0x3FB1];
	_ =	sdelay $0x3  }
0x33: {  	p0 =	seq.s32 s10, $0x1;
	s10 =	sld [smem:$0x3FB3];
	_ =	sdelay $0x3  }
0x34: {  	[smem:$0x3FB3] =	sst s10  }
0x35: {  	s10 =	sld [smem:$0x3FB2];
	_ =	sdelay $0x3  }
0x36: {  	p1 =	seq.s32 s10, $0x1;
	s10 =	sld [smem:$0x3FB3];
	_ =	sdelay $0x3  }
0x37: {  	[smem:$0x3FB3] =	sst s10  }
0x38: {  	s10 =	sld [smem:$0x3FB4]  }
0x39: {  	_ = 	snop;
	(pc) =	sbr.ind lr, $3  }
0x3a: {  	_ = 	snop  }
0x3b: {  	_ = 	snop  }
0x3c: {  	p2 =	seq.s32 s10, $0x1;
	s10 =	sld [smem:$0x3FB3]  }
0x3d: {  	_ =	shalt  }
0x3e: {  	_ =	shalt  }
0x3f: {  	_ =	shalt  }
0x40: {  	_ =	shalt  }
0x41: {  	_ =	shalt  }
0x42: {  	_ =	shalt  }
0x43: {  	_ =	shalt  }
0x44: {  	_ =	shalt  }
0x45: {  	_ =	shalt  }
0x46: {  	_ =	shalt  }
0x47: {  	_ =	shalt  }
0x48: {  	_ =	shalt  }
0x49: {  	_ =	shalt  }
0x4a: {  	_ =	shalt  }
0x4b: {  	_ =	shalt  }
0x4c: {  	_ =	shalt  }
0x4d: {  	_ =	shalt  }
0x4e: {  	_ =	shalt  }
0x4f: {  	_ =	shalt  }
0x50: {  	_ =	shalt  }
0x51: {  	_ =	shalt  }
0x52: {  	_ =	shalt  }
0x53: {  	_ =	shalt  }
0x54: {  	_ =	shalt  }
0x55: {  	_ =	shalt  }
0x56: {  	_ =	shalt  }
0x57: {  	_ =	shalt  }
0x58: {  	_ =	shalt  }
0x59: {  	_ =	shalt  }
0x5a: {  	_ =	shalt  }
0x5b: {  	_ =	shalt  }
0x5c: {  	_ =	shalt  }
0x5d: {  	_ =	shalt  }
0x5e: {  	_ =	shalt  }
0x5f: {  	_ =	shalt  }
0x60: {  	_ =	shalt  }
0x61: {  	_ =	shalt  }
0x62: {  	_ =	shalt  }
0x63: {  	_ =	shalt  }
0x64: {  	_ =	shalt  }
0x65: {  	_ =	shalt  }
0x66: {  	_ =	shalt  }
0x67: {  	_ =	shalt  }
0x68: {  	_ =	shalt  }
0x69: {  	_ =	shalt  }
0x6a: {  	_ =	shalt  }
0x6b: {  	_ =	shalt  }
0x6c: {  	_ =	shalt  }
0x6d: {  	_ =	shalt  }
0x6e: {  	_ =	shalt  }
0x6f: {  	_ =	shalt  }
0x70: {  	_ =	shalt  }
0x71: {  	_ =	shalt  }
0x72: {  	_ =	shalt  }
0x73: {  	_ =	shalt  }
0x74: {  	_ =	shalt  }
0x75: {  	_ =	shalt  }
0x76: {  	_ =	shalt  }
0x77: {  	_ =	shalt  }
0x78: {  	_ =	shalt  }
0x79: {  	_ =	shalt  }
0x7a: {  	_ =	shalt  }
0x7b: {  	_ =	shalt  }
0x7c: {  	_ =	shalt  }
0x7d: {  	_ =	shalt  }
0x7e: {  	_ =	shalt  }
0x7f: {  	_ =	shalt  }
0x80: {  	_ =	shalt  }
0x81: {  	_ =	shalt  }
0x82: {  	_ =	shalt  }
0x83: {  	_ =	shalt  }
0x84: {  	_ =	shalt  }
0x85: {  	_ =	shalt  }
0x86: {  	_ =	shalt  }
0x87: {  	_ =	shalt  }
.Lfunc_end0:
.L_simem_size_0:
called_computation_lowered:
.L_overlay_start_0:
0x88: {  	s2 =	sld [smem:$0x3FD9]  }
0x89: {  	s3 =	sld [smem:$0x3FFE];
	_ =	sdelay $0x1  }
0x8a: {  	s1 =	srdreg.scid  }
0x8b: {  	s0 =	sand.u32 $0x1, s1  }
0x8c: {  	s17 =	sshll.u32 s0, $0xA;
	s2 =	sadd.s32 s3, s2  }
0x8d: {  	s2 =	sadd.s32 s2, s17  }
0x8e: {  	[smem:$0x3FBF] =	sst s2  }
0x8f: {  	_ = 	snop  }
0x90: {  	s2 =	sld [smem:$0x3FD0];
	(tm) =	ssettm $0x1  }
0x91: {  	s18 =	sld [smem:$0x3FFB];
	_ =	sdelay $0x3  }
0x92: {  	_ =	strace s18  }
0x93: {  	s3 =	sld [smem:$0x3FFC];
	_ =	sdelay $0x3  }
0x94: {  	_ =	strace s3  }
0x95: {  	s3 =	sld [smem:$0x3FFD];
	_ =	sdelay $0x3  }
0x96: {  	_ =	strace s3  }
0x97: {  	_ =	strace $0x8FFFFFFF  }
0x98: {  	s19 =	sld [smem:$0x3FDB];
	_ =	sdelay $0x1  }
0x99: {  	s4 =	simm.s32 $_scs_section_size  }
0x9a: {  	s5 =	simm.s32 $_size__tile_overlayer_lowered;
	s6 =	simm.s32 $_tile_overlayer_lowered  }
0x9b: {  	s22 =	simm.s32 $0x1BFF;
	s21 =	sshll.u32 s6, $0x1;
	s3 =	sadd.s32 s4, s19  }
0x9c: {  	s7 =	simm.s32 $0x0;
	s20 =	sshll.u32 s5, $0x1;
	s5 =	sadd.s32 s21, s3  }
0x9d: {  	[timem:s7], [sflag:s22] =	dma.local [hbm:s5], s20  }
0x9e: {  	_ =	swait.ge [sflag:s22], s20  }
0x9f: {  	s4 =	ssub.s32 $0x0, s20;
	[sflag:s22] =	ssyncset.done $0x0  }
0xa0: {  	[sflag:s22] =	ssyncadd.s32 s4;
	_ =	sdelay $0x1  }
0xa1: {  	s23 =	simm.s32 $0x1B8B  }
0xa2: {  	_ =	swait.ge [sflag:s23], $0x1  }
0xa3: {  	[sflag:s23] =	ssyncset.done $0x0  }
0xa4: {  	s25 =	simm.s32 $0x1B8E;
	s24 =	sld [smem:$0x3FFE];
	[sflag:s23] =	ssyncadd.s32 $0xFFFFFFFF  }
0xa5: {  	s26 =	simm.s32 $execute0_lowered;
	[smem:$0x3FD2] =	sst s25  }
0xa6: {  	s5 =	sshll.u32 s26, $0x1;
	_ =	strace $0x80000046;
	[dreg:$0x1] =	wrdreg $0xFFFFFFFF  }
0xa7: {  	s28 =	simm.s32 $_size_execute0_lowered;
	s3 =	sadd.s32 s3, s5;
	[dreg:$0x0] =	wrdreg $0x0  }
0xa8: {  	s5 =	sshll.u32 s28, $0x1;
	[dreg:$0x2] =	wrdreg s3  }
0xa9: {  	[dreg:$0x3] =	wrdreg s5  }
0xaa: {  	[dreg:$0x4] =	wrdreg $0xC0  }
0xab: {  	_ =	task [dreg:s7], $0x5FFFF  }
0xac: {  	[dreg:$0x1] =	wrdreg $0xFFFFFFFF  }
0xad: {  	[dreg:$0x0] =	wrdreg $0x60  }
0xae: {  	[dreg:$0x2] =	wrdreg s24  }
0xaf: {  	[dreg:$0x3] =	wrdreg s2  }
0xb0: {  	[dreg:$0x4] =	wrdreg $0x8B600  }
0xb1: {  	[dreg:$0x5] =	wrdreg $0x153600  }
0xb2: {  	[dreg:$0x6] =	wrdreg $0x9  }
0xb3: {  	_ =	task.clear_ibuf [dreg:s7], $0x7FFFF;
	_ =	strace $0x90000046  }
0xb4: {  	s29 =	simm.s32 $0x9;
	_ =	strace $0x80000048  }
0xb5: {  	_ =	swait.ge [sflag:s29], $0x1  }
0xb6: {  	[sflag:s29] =	ssyncadd.s32 $0xFFFFFFFF  }
0xb7: {  	_ =	strace $0x90000048  }
0xb8: {  	_ =	sfence  }
0xb9: {  	s30 =	sld [smem:$0x0];
	_ =	sdelay $0x2  }
0xba: {  	s31 =	sshll.u32 s1, $0xD;
	s1 =	sshrl.u32 s1, $0x2  }
0xbb: {  	s3 =	sand.u32 $0x4000, s31;
	s1 =	sadd.s32 s1, s30  }
0xbc: {  	s0 =	sor.u32 s3, s0;
	s1 =	sshll.u32 s1, $0x11  }
0xbd: {  	s0 =	sor.u32 s1, s0  }
0xbe: {  	s0 =	sadd.s32 $0x8F2B, s0  }
0xbf: {  	[sflag:s0] =	ssyncadd.remote.s32 $0x1  }
0xc0: {  	_ =	sfence.sel $0xFFFF  }
0xc1: {  	[dreg:$0x0] =	wrdreg $0xFFFFFFFF;
	(pc) =	sbr.abs _section_cstart, $3  }
0xc2: {  	[dreg:$0x1] =	wrdreg $0xFFFFFFFF  }
0xc3: {  	_ =	task.clear_ibuf [dreg:s7], $0x2FFFF;
	_ =	strace $0x9FFFFFFF  }
0xc4: {  	(tm) =	ssettm $0x7FFFFFFF  }
0xc5: {  	_ =	shalt  }
tec
execute0_lowered:
.L_overlay_start_1:
0x0: {  	(tag) =	ssettag $0x1  }
0x1: {  	s0 =	rddreg [dreg:$0x0]  }
0x2: {  	s1 =	srdreg.scid;
	s3 =	rddreg [dreg:$0x2]  }
0x3: {  	s11 =	stileid.u32;
	s4 =	rddreg [dreg:$0x3];
	s5 =	simm.s32 $0x0  }
0x4: {  	s18 =	simm.s32 $0xB;
	s31 =	simm.s32 $0x118;
	s20 =	simm.s32 $0x140  }
0x5: {  	s14 =	simm.s32 $0x3390;
	s15 =	simm.s32 $0x168;
	s17 =	simm.s32 $0x1  }
0x6: {  	s28 =	simm.s32 $0x3;
	s16 =	simm.s32 $0x6;
	s7 =	smul.u32 $0xC800, s11  }
0x7: {  	s19 =	simm.s32 $0x7;
	s29 =	simm.s32 $0x9;
	s9 =	smul.u32 $0x2800, s11  }
0x8: {  	s1 =	sand.u32 $0x1, s1;
	[smem:$0x7FF] =	sst s5;
	s25 =	smul.u32 $0x4E20, s11  }
0x9: {  	s12 =	sadd.s32 $0x3CC00, s0;
	s21 =	sadd.s32 $0x32E00, s0;
	s2 =	smul.u32 $0x186A0, s1  }
0xa: {  	s22 =	sadd.s32 $0x46C00, s0;
	s24 =	sshll.u32 s11, $0x6;
	s6 =	smul.u32 $0xA, s1  }
0xb: {  	s8 =	smul.u32 $0xC8000, s1;
	_ =	strace $0x80000047;
	[dreg:$0x5] =	wrdreg s12  }
0xc: {  	s11 =	simm.s32 $0x0;
	s10 =	smul.u32 $0x28000, s1;
	[dreg:$0x6] =	wrdreg s21  }
0xd: {  	[dreg:$0x7] =	wrdreg s22;
	s1 =	ssub.s32 $0x2, s1;
	s21 =	simm.s32 $0xC8  }
0xe: {  	s22 =	simm.s32 $0x28;
	s23 =	sshrl.u32 s1, $0x1;
	[dreg:$0xa] =	wrdreg s25  }
0xf: {  	s2 =	sadd.s32 s2, s0;
	s6 =	sadd.s32 s6, s0;
	s8 =	sadd.s32 s7, s8  }
0x10: {  	s10 =	sadd.s32 s9, s10;
	s1 =	ssub.s32 s1, s23;
	s7 =	sadd.s32 s7, s3  }
0x11: {  	s9 =	sadd.s32 s9, s4;
	s8 =	sshrl.u32 s8, $0x3;
	s10 =	sshrl.u32 s10, $0x3  }
0x12: {  	s6 =	sadd.s32 $0x46A00, s6;
	s12 =	sadd.s32 $0x2000, s2;
	s13 =	sadd.s32 $0x50200, s2  }
0x13: {  	s30 =	smax.u32 s1, $0x1;
	s8 =	sadd.s32 s8, s0;
	[dreg:$0x9] =	wrdreg s6  }
0x14: {  	s0 =	sadd.s32 s10, s0;
	s10 =	sor.u32 $0x1C0B, s24;
	[dreg:$0xd] =	wrdreg s30  }
0x15: {  	s2 =	simm.s32 $0x4;
	s6 =	sshrl.u32 s7, $0x3;
	[dreg:$0x8] =	wrdreg s10  }
0x16: {  	s1 =	simm.s32 $0xA;
	s7 =	sshrl.u32 s9, $0x3;
	[dreg:$0xe] =	wrdreg s6  }
0x17: {  	s9 =	simm.s32 $0x2;
	s26 =	sadd.s32 $0x8B000, s8;
	[dreg:$0xf] =	wrdreg s7  }
0x18: {  	vm0 =	vmmov $0x1;
	vm1 =	vcmask $0x314;
	s24 =	simm.s32 $0x8;
	s0 =	sadd.s32 $0x81000, s0;
	[dreg:$0xb] =	wrdreg s26  }
0x19: {  	vm2 =	vcmask $0x714;
	vm3 =	vcmask $0xB14;
	vm4 =	vcmask $0xF14;
	s8 =	simm.s32 $0x5;
	[dreg:$0xc] =	wrdreg s0;
	s26 =	simm.s32 $0xF0  }
.LBB2_1:
0x1a: {  	[dreg:$0x10] =	wrdreg s11  }
0x1b: {  	s0 =	rddreg [dreg:$0x7]  }
0x1c: {  	[spmem:s6], [sflag:s10] =	dma.local [hbm:s0], $0x1900  }
0x1d: {  	_ =	swait.ge [sflag:s18], $0x1900  }
0x1e: {  	[sflag:s18] =	ssyncset.done $0x0  }
0x1f: {  	[sflag:s18] =	ssyncadd.s32 $0xFFFFE700  }
0x20: {  	s23 =	rddreg [dreg:$0x1]  }
0x21: {  	[spmem:s7], [sflag:s10] =	dma.local [hbm:s23], $0x500  }
0x22: {  	_ =	swait.ge [sflag:s18], $0x500  }
0x23: {  	[sflag:s18] =	ssyncset.done $0x0  }
0x24: {  	s30 =	simm.s32 $0x8B10;
	s25 =	rddreg [dreg:$0x9];
	[sflag:s18] =	ssyncadd.s32 $0xFFFFFB00  }
0x25: {  	[tilespmem:s30], [sflag:$0xB] =	stream.linear.gather [hbm4b:s25+s5], $0x50, $0x38;
	[tilespmem:$0x17B60] =	vst v63  }
0x26: {  	_ =	swait.ge [sflag:s18], $0x50  }
0x27: {  	[sflag:s18] =	ssyncset.done $0x0  }
0x28: {  	[sflag:s18] =	ssyncadd.s32 $0xFFFFFFB0  }
0x29: {  	[bflag:$0x0] =	sbarrier.arrive $0xFFFF  }
0x2a: {  	v0 =	vld [tilespmem:$0x8B10]  }
0x2b: {  	v1 =	vld [tilespmem:$0x8B20]  }
0x2c: {  	v2 =	vld [tilespmem:$0x8B30]  }
0x2d: {  	v3 =	vld [tilespmem:$0x8B40]  }
0x2e: {  	s10 =	simm.s32 $0x0;
	v4 =	vld [tilespmem:$0x8B50]  }
.LBB2_2:
0x2f: {  	s0 =	smul.u32 $0xC8, s10  }
0x30: {  	s6 =	rddreg [dreg:$0xa]  }
0x31: {  	s0 =	sadd.s32 s6, s0  }
0x32: {  	s11 =	rddreg [dreg:$0x5];
	s0 =	sshrl.u32 s0, $0x3  }
0x33: {  	s6 =	sadd.s32 s11, s0  }
0x34: {  	[tilespmem:s5], [sflag:$0xB] =	stream.linear.gather [hbm4b:s6+s5], $0xC8, $0x38;
	[tilespmem:$0x17B60] =	vst v63  }
0x35: {  	_ =	swait.ge [sflag:s18], $0xC8  }
0x36: {  	[sflag:s18] =	ssyncset.done $0x0;
	s23 =	rddreg [dreg:$0x6]  }
0x37: {  	[sflag:s18] =	ssyncadd.s32 $0xFFFFFF38;
	s0 =	sadd.s32 s23, s0  }
0x38: {  	[tilespmem:s21], [sflag:$0xB] =	stream.linear.gather [hbm4b:s0+s5], $0xC8, $0x38;
	[tilespmem:$0x17B60] =	vst v63  }
0x39: {  	_ =	swait.ge [sflag:s18], $0xC8  }
0x3a: {  	[sflag:s18] =	ssyncset.done $0x0  }
0x3b: {  	s25 =	simm.s32 $0x190;
	[sflag:s18] =	ssyncadd.s32 $0xFFFFFF38  }
0x3c: {  	[tilespmem:s25], [sflag:$0x1] =	stream.indirect.gather [hbm4b:s12+s22], $0x50, s5, s22, $0xb8;
	[tilespmem:$0x17B60] =	vst v63  }
0x3d: {  	s6 =	simm.s32 $0x4010  }
0x3e: {  	[tilespmem:s6], [sflag:$0x1] =	stream.indirect.gather [hbm4b:s13+s22], $0x50, s21, s22, $0xb8;
	[tilespmem:$0x17B60] =	vst v63  }
0x3f: {  	s7 =	simm.s32 $0xE10  }
0x40: {  	[tilespmem:s7], [sflag:$0x2] =	stream.indirect.gather [hbm4b:s12+s22], $0x50, s22, s22, $0xb8;
	[tilespmem:$0x17B60] =	vst v63  }
0x41: {  	s11 =	simm.s32 $0x4C90  }
0x42: {  	[tilespmem:s11], [sflag:$0x2] =	stream.indirect.gather [hbm4b:s13+s22], $0x50, s26, s22, $0xb8;
	[tilespmem:$0x17B60] =	vst v63  }
0x43: {  	s23 =	simm.s32 $0x50;
	s25 =	simm.s32 $0x1A90  }
0x44: {  	[tilespmem:s25], [sflag:$0x3] =	stream.indirect.gather [hbm4b:s12+s22], $0x50, s23, s22, $0xb8;
	[tilespmem:$0x17B60] =	vst v63  }
0x45: {  	s7 =	simm.s32 $0x5910  }
0x46: {  	[tilespmem:s7], [sflag:$0x3] =	stream.indirect.gather [hbm4b:s13+s22], $0x50, s31, s22, $0xb8;
	[tilespmem:$0x17B60] =	vst v63  }
0x47: {  	s11 =	simm.s32 $0x78;
	s23 =	simm.s32 $0x2710  }
0x48: {  	[tilespmem:s23], [sflag:$0x4] =	stream.indirect.gather [hbm4b:s12+s22], $0x50, s11, s22, $0xb8;
	[tilespmem:$0x17B60] =	vst v63  }
0x49: {  	s25 =	simm.s32 $0x6590  }
0x4a: {  	[tilespmem:s25], [sflag:$0x4] =	stream.indirect.gather [hbm4b:s13+s22], $0x50, s20, s22, $0xb8;
	[tilespmem:$0x17B60] =	vst v63  }
0x4b: {  	s6 =	simm.s32 $0xA0  }
0x4c: {  	[tilespmem:s14], [sflag:$0x5] =	stream.indirect.gather [hbm4b:s12+s22], $0x50, s6, s22, $0xb8;
	[tilespmem:$0x17B60] =	vst v63  }
0x4d: {  	s7 =	simm.s32 $0x7210  }
0x4e: {  	[tilespmem:s7], [sflag:$0x5] =	stream.indirect.gather [hbm4b:s13+s22], $0x50, s15, s22, $0xb8;
	[tilespmem:$0x17B60] =	vst v63  }
0x4f: {  	_ =	swait.ge [sflag:s17], $0xC80  }
0x50: {  	[sflag:s17] =	ssyncset.done $0x0  }
0x51: {  	[sflag:s17] =	ssyncadd.s32 $0xFFFFF380  }
0x52: {  	_ =	swait.ge [sflag:s17], $0xC80  }
0x53: {  	[sflag:s17] =	ssyncset.done $0x0  }
0x54: {  	s6 =	simm.s32 $0x1E0;
	[sflag:s17] =	ssyncadd.s32 $0xFFFFF380  }
0x55: {  	s11 =	simm.s32 $0x4060;
	v18 =	vld [tilespmem:s6+$0x40]  }
0x56: {  	v5 =	vld [tilespmem:s11+$0x40]  }
0x57: {  	v23 =	vld [tilespmem:s6+$0x20]  }
0x58: {  	v6 =	vld [tilespmem:s11+$0x20]  }
0x59: {  	v20 =	vld [tilespmem:s6+$0x10]  }
0x5a: {  	v7 =	vld [tilespmem:s11+$0x10]  }
0x5b: {  	v22 =	vld [tilespmem:s6+$0x0]  }
0x5c: {  	v8 =	vld [tilespmem:s11+$0x0];
	_ =	sdelay $0x1  }
0x5d: {  	v24 =	vld [tilespmem:s6+$0x30];
	v5 =	vadd.f32 v5, v18  }
0x5e: {  	v9 =	vld [tilespmem:s11+$0x30];
	v6 =	vadd.f32 v6, v23  }
0x5f: {  	v7 =	vadd.f32 v7, v20;
	v10 =	vmul.f32 $2.000000030e-01, v5  }
0x60: {  	v8 =	vadd.f32 v8, v22;
	v11 =	vmul.f32 $2.000000030e-01, v6  }
0x61: {  	v5 =	vmax.f32 v5, v10;
	v10 =	vmul.f32 $2.000000030e-01, v7  }
0x62: {  	v12 =	vld [tilespmem:s11+$0xFFFFFFB0];
	v6 =	vmax.f32 v6, v11;
	v11 =	vmul.f32 $2.000000030e-01, v8;
	v13 =	vmul.f32 v5, v4  }
0x63: {  	v9 =	vadd.f32 v9, v24;
	v5 =	vld [tilespmem:s6+$0xFFFFFFB0];
	v6 =	vmul.f32 v6, v2;
	v7 =	vmax.f32 v7, v10  }
0x64: {  	v8 =	vmax.f32 v8, v11;
	(xrf2) =	vadd.scan.msk.f32 $0xffff, v13;
	v7 =	vmul.f32 v7, v1  }
0x65: {  	v10 =	vmul.f32 $2.000000030e-01, v9;
	v11 =	vld [tilespmem:s11+$0xFFFFFFC0];
	v8 =	vmul.f32 v8, v0;
	(xrf2) =	vadd.scan.msk.f32 $0xffff, v6  }
0x66: {  	v6 =	vld [tilespmem:s6+$0xFFFFFFC0];
	(xrf2) =	vadd.scan.msk.f32 $0xffff, v7  }
0x67: {  	v9 =	vmax.f32 v9, v10;
	v7 =	vld [tilespmem:s6+$0xFFFFFFD0];
	(xrf2) =	vadd.scan.msk.f32 $0xffff, v8  }
0x68: {  	v9 =	vmul.f32 v9, v3;
	v10 =	vadd.f32 v12, v5;
	v12 =	vld [tilespmem:s11+$0xFFFFFFD0]  }
0x69: {  	v8 =	vld [tilespmem:s6+$0xFFFFFFE0]  }
0x6a: {  	(xrf2) =	vadd.scan.msk.f32 $0xffff, v9;
	v9 =	vld [tilespmem:s11+$0xFFFFFFE0];
	v13 =	vmul.f32 $2.000000030e-01, v10  }
0x6b: {  	s7 =	simm.s32 $0x280;
	v17 =	vld [tilespmem:s6+$0xFFFFFFF0];
	v11 =	vadd.f32 v11, v6  }
0x6c: {  	v29 =	vld [tilespmem:s7+$0x40];
	v10 =	vmax.f32 v10, v13  }
0x6d: {  	s23 =	simm.s32 $0x4100;
	v13 =	vld [tilespmem:s11+$0xFFFFFFF0];
	v10 =	vmul.f32 v10, v0;
	v14 =	vmul.f32 $2.000000030e-01, v11;
	v12 =	vadd.f32 v12, v7  }
0x6e: {  	v19 =	vld [tilespmem:s23+$0x40];
	v15, _, _ =	vpop (xrf2)  }
0x6f: {  	v26 =	vld [tilespmem:s23+$0x20];
	v21 =	vadd.f32 v9, v8;
	(xrf2) =	vadd.scan.msk.f32 $0xffff, v10;
	v10 =	vmax.f32 v11, v14;
	v14 =	vmul.f32 $2.000000030e-01, v12;
	v16, _, _ =	vpop (xrf2)  }
0x70: {  	v28 =	vld [tilespmem:s23+$0x10];
	v25, _, _ =	vpop (xrf2)  }
0x71: {  	v32 =	vld [tilespmem:s23+$0xFFFFFFB0];
	v10 =	vmul.f32 v10, v1;
	v27 =	vmul.f32 $2.000000030e-01, v21;
	v12 =	vmax.f32 v12, v14;
	v9, _, _ =	vpop (xrf2)  }
0x72: {  	v11 =	vld [tilespmem:s7+$0x20];
	v13 =	vadd.f32 v13, v17;
	v16 =	vbroadcast v16, $0xF;
	v14 =	vbroadcast v9, $0xF  }
0x73: {  	v19 =	vadd.f32 v19, v29;
	v12 =	vmul.f32 v12, v2;
	v25 =	vbroadcast v25, $0xF;
	v9 =	vld [tilespmem:s7+$0x10]  }
0x74: {  	v21 =	vmax.f32 v21, v27;
	v30, _, _ =	vpop (xrf2);
	v31 =	vmul.f32 $2.000000030e-01, v13;
	v27 =	vnsel vm0, $0x0, v14;
	v14 =	vld [tilespmem:s7+$0x0]  }
0x75: {  	(xrf2) =	vadd.scan.msk.f32 $0xffff, v10;
	v21 =	vmul.f32 v21, v3;
	v25 =	vsel vm1, v27, v25;
	v27 =	vbroadcast v30, $0xF;
	v30 =	vld [tilespmem:s23+$0x0]  }
0x76: {  	v15 =	vbroadcast v15, $0xF;
	v10 =	vld [tilespmem:s7+$0xFFFFFFB0];
	(xrf2) =	vadd.scan.msk.f32 $0xffff, v12;
	v13 =	vmax.f32 v13, v31;
	v16 =	vsel vm2, v25, v16  }
0x77: {  	(xrf2) =	vadd.scan.msk.f32 $0xffff, v21;
	v21 =	vmul.f32 $2.000000030e-01, v19;
	v13 =	vmul.f32 v13, v4;
	v12 =	vsel vm3, v16, v27;
	v16 =	vld [tilespmem:s7+$0x30]  }
0x78: {  	v25 =	vadd.f32 v26, v11;
	v27 =	vadd.f32 v28, v9;
	v28 =	vld [tilespmem:s23+$0x30];
	v12 =	vsel vm4, v12, v15  }
0x79: {  	(xrf2) =	vadd.scan.msk.f32 $0xffff, v13;
	v13 =	vmax.f32 v19, v21;
	v21 =	vld [tilespmem:s23+$0xFFFFFFC0];
	v26 =	vmul.f32 $1.442695020e+00, v12  }
0x7a: {  	v31 =	vmul.f32 $2.000000030e-01, v25;
	v12 =	vld [tilespmem:s7+$0xFFFFFFC0];
	v30 =	vadd.f32 v30, v14  }
0x7b: {  	v19 =	vmul.f32 $2.000000030e-01, v27;
	(erf) = vpow2.f32 v26  }
0x7c: {  	v25 =	vmax.f32 v25, v31;
	v26 =	vmul.f32 v13, v4;
	v31 =	vmul.f32 $2.000000030e-01, v30  }
0x7d: {  	v33 =	vld [tilespmem:s23+$0xFFFFFFD0];
	v32 =	vadd.f32 v32, v10;
	v15, _, _ =	vpop (xrf2);
	v25 =	vmul.f32 v25, v2;
	v27 =	vmax.f32 v27, v19  }
0x7e: {  	v42 =	vld [tilespmem:s23+$0xFFFFFFF0];
	v15 =	vbroadcast v15, $0xF;
	(xrf2) =	vadd.scan.msk.f32 $0xffff, v26;
	v26 =	vmul.f32 v27, v1;
	v27 =	vadd.f32 v28, v16  }
0x7f: {  	v13 =	vld [tilespmem:s7+$0xFFFFFFD0];
	v28 =	vmax.f32 v30, v31;
	v30 =	vmul.f32 $2.000000030e-01, v32;
	(xrf2) =	vadd.scan.msk.f32 $0xffff, v25;
	v21 =	vadd.f32 v21, v12  }
0x80: {  	v19 =	vld [tilespmem:s7+$0xFFFFFFE0];
	v34 =	vnsel vm0, $0x0, v15;
	v28 =	vmul.f32 v28, v0;
	v31, _, _ =	vpop (xrf2);
	(xrf2) =	vadd.scan.msk.f32 $0xffff, v26;
	v26 =	vmul.f32 $2.000000030e-01, v27  }
0x81: {  	v15 =	vld [tilespmem:s7+$0xFFFFFFF0];
	v30 =	vmax.f32 v32, v30;
	v43 =	vmul.f32 $2.000000030e-01, v21;
	v31 =	vbroadcast v31, $0xF;
	v35, _, _ =	vpop (xrf2)  }
0x82: {  	v25 =	vld [tilespmem:s23+$0xFFFFFFE0];
	(xrf2) =	vadd.scan.msk.f32 $0xffff, v28;
	v28 =	vmul.f32 v30, v0;
	v30 =	vbroadcast v35, $0xF  }
0x83: {  	v26 =	vmax.f32 v27, v26;
	v21 =	vmax.f32 v21, v43;
	v31 =	vsel vm1, v34, v31  }
0x84: {  	v27, _, _ =	vpop (xrf2);
	v26 =	vmul.f32 v26, v3;
	v30 =	vsel vm2, v31, v30;
	v31 =	vadd.f32 v33, v13  }
0x85: {  	v27 =	vbroadcast v27, $0xF;
	v47 =	vmul.f32 v21, v1;
	v35 =	vpop (erf)  }
0x86: {  	v32 =	vadd.f32 v42, v15;
	v44, _, _ =	vpop (xrf2);
	v45 =	vbroadcast v35, $0x4;
	(xrf2) =	vadd.scan.msk.f32 $0xffff, v26;
	v46 =	vmul.f32 $2.000000030e-01, v31  }
0x87: {  	s23 =	simm.s32 $0x41A0;
	v25 =	vadd.f32 v25, v19;
	v26 =	vbroadcast v44, $0xF;
	v48 =	vbroadcast v35, $0x0  }
0x88: {  	v49 =	vld [tilespmem:s23+$0x40];
	v40 =	vbroadcast v35, $0x3;
	v21 =	vmax.f32 v31, v46;
	v31 =	vmul.f32 $2.000000030e-01, v32  }
0x89: {  	v38 =	vld [tilespmem:s23+$0x20];
	v27 =	vsel vm3, v30, v27;
	v36 =	vmul.f32 v45, v18;
	v18 =	vmul.f32 $2.000000030e-01, v25  }
0x8a: {  	v54 =	vld [tilespmem:s23+$0x0];
	v51 =	vbroadcast v35, $0x1;
	v39 =	vbroadcast v35, $0x2;
	v30, _, _ =	vpop (xrf2);
	v26 =	vsel vm4, v27, v26  }
0x8b: {  	s11 =	simm.s32 $0x320;
	v55 =	vld [tilespmem:s23+$0xFFFFFFC0];
	(xrf2) =	vadd.scan.msk.f32 $0xffff, v28;
	v40 =	vmul.f32 v40, v24;
	v28, _, _ =	vpop (xrf2);
	v27 =	vmul.f32 v21, v2;
	v18 =	vmax.f32 v25, v18  }
0x8c: {  	v24 =	vld [tilespmem:s11+$0xFFFFFFC0];
	v25 =	vmul.f32 v18, v3;
	v18 =	vmul.f32 $1.442695020e+00, v26;
	v26 =	vmax.f32 v32, v31;
	v31, _, _ =	vpop (xrf2)  }
0x8d: {  	v42 =	vmul.f32 v48, v22;
	v39 =	vmul.f32 v39, v23;
	v21 =	vld [tilespmem:s11+$0x40];
	(xrf2) =	vadd.scan.msk.f32 $0xffff, v47;
	v37, _, _ =	vpop (xrf2)  }
0x8e: {  	(erf) = vpow2.f32 v18;
	v18 =	vld [tilespmem:s11+$0x20];
	(xrf2) =	vadd.scan.msk.f32 $0xffff, v27;
	v50 =	vbroadcast v37, $0xF  }
0x8f: {  	v30 =	vbroadcast v30, $0xF;
	v31 =	vbroadcast v31, $0xF;
	(xrf2) =	vadd.scan.msk.f32 $0xffff, v25;
	v25 =	vld [tilespmem:s11+$0x0]  }
0x90: {  	v41 =	vld [tilespmem:s23+$0xFFFFFFB0];
	v26 =	vmul.f32 v26, v4;
	v27 =	vbroadcast v28, $0xF;
	v28, _, _ =	vpop (xrf2);
	v34 =	vnsel vm0, $0x0, v50  }
0x91: {  	v22 =	vld [tilespmem:s11+$0xFFFFFFB0];
	v28 =	vbroadcast v28, $0xF;
	v50 =	vadd.f32 v55, v24;
	v31 =	vsel vm1, v34, v31  }
0x92: {  	v37 =	vmul.f32 v51, v20;
	v20 =	vld [tilespmem:s11+$0x10];
	v52 =	vadd.f32 v49, v21;
	v27 =	vsel vm2, v31, v27  }
0x93: {  	v53 =	vadd.f32 v38, v18;
	v31 =	vld [tilespmem:s23+$0x10];
	v62 =	vmul.f32 $2.000000030e-01, v50;
	v23 =	vsel vm3, v27, v28  }
0x94: {  	v28 =	vmul.f32 $2.000000030e-01, v52;
	v34 =	vadd.f32 v54, v25;
	v23 =	vsel vm4, v23, v30  }
0x95: {  	v30 =	vmul.f32 $2.000000030e-01, v53;
	v23 =	vmul.f32 $1.442695020e+00, v23  }
0x96: {  	v27, _, _ =	vpop (xrf2);
	(xrf2) =	vadd.scan.msk.f32 $0xffff, v26;
	v26 =	vadd.f32 v41, v22;
	v28 =	vmax.f32 v52, v28;
	v60 =	vmul.f32 $2.000000030e-01, v34  }
0x97: {  	v46 =	vld [tilespmem:s23+$0x30];
	v38 =	vpop (erf);
	v27 =	vbroadcast v27, $0xF;
	v56 =	vmul.f32 v28, v4;
	v33 =	vmax.f32 v53, v30  }
0x98: {  	v30 =	vbroadcast v38, $0x1;
	(erf) = vpow2.f32 v23;
	v23 =	vld [tilespmem:s11+$0x30];
	v44 =	vadd.f32 v31, v20  }
0x99: {  	v59 =	vld [tilespmem:s23+$0xFFFFFFE0];
	v43 =	vmul.f32 $2.000000030e-01, v26;
	v31 =	vbroadcast v38, $0x0  }
0x9a: {  	v49 =	vld [tilespmem:s23+$0xFFFFFFD0];
	v33 =	vmul.f32 v33, v2;
	v34 =	vmax.f32 v34, v60;
	v28, _, _ =	vpop (xrf2);
	(xrf2) =	vadd.scan.msk.f32 $0xffff, v56;
	v57 =	vmul.f32 $2.000000030e-01, v44  }
0x9b: {  	s25 =	simm.s32 $0x7EA0;
	v27 =	vnsel vm0, $0x0, v27;
	v45 =	vbroadcast v28, $0xF;
	v28 =	vld [tilespmem:s11+$0xFFFFFFD0];
	v26 =	vmax.f32 v26, v43  }
0x9c: {  	[tilespmem:s25+$0x0] =	vst v35;
	v54 =	vmul.f32 v34, v0;
	v47, _, _ =	vpop (xrf2);
	v48 =	vmul.f32 v26, v0;
	v26 =	vld [tilespmem:s11+$0xFFFFFFE0];
	v58 =	vmax.f32 v44, v57  }
0x9d: {  	(xrf2) =	vadd.scan.msk.f32 $0xffff, v33;
	v47 =	vbroadcast v47, $0xF;
	v61, _, _ =	vpop (xrf2);
	v32 =	vmul.f32 v58, v1;
	v46 =	vadd.f32 v46, v23  }
0x9e: {  	[tilespmem:s6+$0x40] =	vst v36;
	v51 =	vld [tilespmem:s23+$0xFFFFFFF0];
	v33 =	vbroadcast v38, $0x2;
	v27 =	vsel vm1, v27, v45;
	v41 =	vbroadcast v61, $0xF  }
0x9f: {  	v45 =	vsel vm2, v27, v47;
	v27 =	vld [tilespmem:s11+$0xFFFFFFF0];
	v47 =	vmax.f32 v50, v62;
	(xrf2) =	vadd.scan.msk.f32 $0xffff, v32;
	v52 =	vmul.f32 $2.000000030e-01, v46  }
0xa0: {  	[tilespmem:s6+$0x0] =	vst v42;
	v44 =	vmul.f32 v47, v1;
	v32 =	vbroadcast v38, $0x3;
	v49 =	vadd.f32 v49, v28;
	v63, _, _ =	vpop (xrf2)  }
0xa1: {  	v43 =	vadd.f32 v59, v26;
	(xrf2) =	vadd.scan.msk.f32 $0xffff, v54;
	v55 =	vbroadcast v63, $0xF;
	v56 =	vmax.f32 v46, v52  }
0xa2: {  	[tilespmem:s6+$0x20] =	vst v39;
	v34 =	vpop (erf);
	v58 =	vmul.f32 $2.000000030e-01, v49;
	v36 =	vmul.f32 v56, v3  }
0xa3: {  	[tilespmem:s6+$0x30] =	vst v40;
	v41 =	vsel vm3, v45, v41;
	v57 =	vbroadcast v34, $0x4;
	v59 =	vmul.f32 $2.000000030e-01, v43  }
0xa4: {  	v60 =	vadd.f32 v51, v27;
	v39 =	vbroadcast v34, $0x0;
	v42 =	vmax.f32 v49, v58;
	v35, _, _ =	vpop (xrf2);
	(xrf2) =	vadd.scan.msk.f32 $0xffff, v36  }
0xa5: {  	[tilespmem:s6+$0x10] =	vst v37;
	v41 =	vsel vm4, v41, v55;
	v29 =	vmul.f32 v57, v29;
	v42 =	vmul.f32 v42, v2  }
0xa6: {  	[tilespmem:s25+$0xFFFFFFF0] =	vst v38;
	v61 =	vmul.f32 $2.000000030e-01, v60;
	v62 =	vmul.f32 $1.442695020e+00, v41  }
0xa7: {  	s25 =	simm.s32 $0x7EC0;
	v37 =	vmax.f32 v43, v59;
	v41 =	vbroadcast v38, $0x4;
	v43, _, _ =	vpop (xrf2);
	v38 =	vbroadcast v34, $0x1;
	(xrf2) =	vadd.scan.msk.f32 $0xffff, v48  }
0xa8: {  	[tilespmem:s25+$0x0] =	vst v34;
	v36 =	vbroadcast v34, $0x2;
	v40 =	vmul.f32 v37, v3;
	v63 =	vmax.f32 v60, v61  }
0xa9: {  	s30 =	simm.s32 $0x4;
	s0 =	simm.s32 $0x3C0;
	[tilespmem:s7+$0x40] =	vst v29;
	(erf) = vpow2.f32 v62;
	v37 =	vmul.f32 v63, v4;
	v45, _, _ =	vpop (xrf2)  }
.LBB2_3:
0xaa: {  	v29 =	vld [tilespmem:s0+$0x40];
	s23 =	sadd.s32 $0xA0, s23;
	(xrf2) =	vadd.scan.msk.f32 $0xffff, v44;
	v34 =	vbroadcast v34, $0x3;
	v31 =	vmul.f32 v31, v5;
	v5 =	vmovc v10;
	v10 =	vmov v22  }
0xab: {  	v30 =	vmul.f32 v30, v6;
	v33 =	vmul.f32 v33, v7;
	v6 =	vmov v12;
	v44 =	vld [tilespmem:s23+$0x40];
	v22, _, _ =	vpop (xrf2)  }
0xac: {  	v12 =	vmovc v24;
	v7 =	vmovc v13;
	v13 =	vmov v28;
	v46 =	vld [tilespmem:s0+$0x20];
	v22 =	vbroadcast v22, $0xF;
	[tilespmem:s6+$0xFFFFFFB0] =	vst v31;
	v31 =	vmul.f32 v32, v8  }
0xad: {  	v24 =	vbroadcast v45, $0xF;
	v17 =	vmul.f32 v41, v17;
	v8 =	vmovc v19;
	v28 =	vld [tilespmem:s23+$0x20];
	(xrf2) =	vadd.scan.msk.f32 $0xffff, v42;
	[tilespmem:s6+$0xFFFFFFC0] =	vst v30  }
0xae: {  	v43 =	vbroadcast v43, $0xF;
	v39 =	vmul.f32 v39, v14;
	v19 =	vld [tilespmem:s23+$0xFFFFFFB0];
	v30 =	vnsel vm0, $0x0, v22;
	v41, _, _ =	vpop (xrf2);
	[tilespmem:s6+$0xFFFFFFD0] =	vst v33  }
0xaf: {  	v22 =	vld [tilespmem:s0+$0xFFFFFFB0];
	v42 =	vsel vm1, v30, v24;
	v24 =	vbroadcast v41, $0xF;
	v30 =	vmul.f32 v38, v9;
	[tilespmem:s6+$0xFFFFFFE0] =	vst v31;
	v9 =	vmovc v20  }
0xb0: {  	v14 =	vmovc v25;
	v33 =	vbroadcast v35, $0xF;
	v20 =	vld [tilespmem:s0+$0x10];
	v31 =	vadd.f32 v44, v29;
	v41 =	vsel vm2, v42, v43;
	(xrf2) =	vadd.scan.msk.f32 $0xffff, v40  }
0xb1: {  	v36 =	vmul.f32 v36, v11;
	v34 =	vmul.f32 v34, v16;
	v35 =	vld [tilespmem:s23+$0x10];
	v25 =	vsel vm3, v41, v24;
	v32, _, _ =	vpop (xrf2);
	[tilespmem:s6+$0xFFFFFFF0] =	vst v17;
	s6 =	smov.u32 s7;
	s7 =	smov.u32 s11;
	s11 =	smov.u32 s0  }
0xb2: {  	v24 =	vld [tilespmem:s0+$0xFFFFFFC0];
	v28 =	vadd.f32 v28, v46;
	v17 =	vmul.f32 $2.000000030e-01, v31;
	v33 =	vsel vm4, v25, v33;
	[tilespmem:s6+$0x0] =	vst v39;
	v38 =	vpop (erf)  }
0xb3: {  	v11 =	vmovc v18;
	v42 =	vbroadcast v32, $0xF;
	v25 =	vld [tilespmem:s0+$0x0];
	v32 =	vmul.f32 $1.442695020e+00, v33;
	(xrf2) =	vadd.scan.msk.f32 $0xffff, v37;
	[tilespmem:s25+$0xFFFFFFF0] =	vst v38  }
0xb4: {  	s30 =	sadd.s32 $0x2, s30;
	v33 =	vadd.f32 v19, v22;
	v37 =	vld [tilespmem:s23+$0x0];
	v39 =	vmul.f32 $2.000000030e-01, v28;
	v31 =	vmax.f32 v31, v17;
	v19, _, _ =	vpop (xrf2);
	[tilespmem:s6+$0x10] =	vst v30  }
0xb5: {  	p0 =	slt.u32 s30, $0x26;
	v16 =	vmovc v23;
	v18 =	vmovc v46;
	v41 =	vnsel vm0, $0x0, v42;
	v40 =	vld [tilespmem:s23+$0xFFFFFFC0];
	v30 =	vmul.f32 v31, v4;
	(erf) = vpow2.f32 v32;
	[tilespmem:s6+$0x20] =	vst v36  }
0xb6: {  	v36 =	vbroadcast v19, $0xF;
	v19 =	vmovc v26;
	v32 =	vmul.f32 $2.000000030e-01, v33;
	v23 =	vld [tilespmem:s0+$0x30];
	v35 =	vadd.f32 v35, v20;
	[tilespmem:s6+$0x30] =	vst v34;
	v17 =	vmovc v15  }
0xb7: {  	v31 =	vbroadcast v38, $0x0;
	v42 =	vmax.f32 v28, v39;
	v34 =	vld [tilespmem:s23+$0x30];
	(xrf2) =	vadd.scan.msk.f32 $0xffff, v30;
	v26, _, _ =	vpop (xrf2);
	v30 =	vbroadcast v38, $0x1  }
0xb8: {  	v15 =	vmovc v27;
	v39 =	vmul.f32 v42, v2;
	v28 =	vld [tilespmem:s0+$0xFFFFFFD0];
	v32 =	vmax.f32 v33, v32;
	v33 =	vmul.f32 $2.000000030e-01, v35  }
0xb9: {  	v27 =	vbroadcast v26, $0xF;
	v45 =	vmul.f32 v32, v0;
	v42 =	vld [tilespmem:s23+$0xFFFFFFD0];
	v32 =	vadd.f32 v37, v25  }
0xba: {  	v26 =	vld [tilespmem:s0+$0xFFFFFFE0];
	v37 =	vadd.f32 v40, v24;
	v33 =	vmax.f32 v35, v33;
	(xrf2) =	vadd.scan.msk.f32 $0xffff, v39;
	v35 =	vsel vm1, v41, v36;
	v36, _, _ =	vpop (xrf2)  }
0xbb: {  	v39 =	vld [tilespmem:s23+$0xFFFFFFE0];
	v44 =	vmul.f32 $2.000000030e-01, v32;
	v33 =	vmul.f32 v33, v1;
	v41 =	vsel vm2, v35, v27  }
0xbc: {  	v36 =	vbroadcast v36, $0xF;
	v27 =	vld [tilespmem:s0+$0xFFFFFFF0];
	v35 =	vmul.f32 $2.000000030e-01, v37;
	v43 =	vadd.f32 v34, v23  }
0xbd: {  	v46 =	vld [tilespmem:s23+$0xFFFFFFF0];
	v48 =	vmax.f32 v32, v44;
	(xrf2) =	vadd.scan.msk.f32 $0xffff, v33;
	v40, _, _ =	vpop (xrf2);
	v33 =	vbroadcast v38, $0x2;
	v32 =	vbroadcast v38, $0x3  }
0xbe: {  	v42 =	vadd.f32 v42, v28;
	v44 =	vmul.f32 v48, v0;
	v47 =	vmul.f32 $2.000000030e-01, v43;
	v34 =	vpop (erf)  }
0xbf: {  	v37 =	vmax.f32 v37, v35;
	v40 =	vbroadcast v40, $0xF;
	v48 =	vbroadcast v34, $0x4  }
0xc0: {  	v49 =	vmul.f32 $2.000000030e-01, v42;
	v39 =	vadd.f32 v39, v26;
	v47 =	vmax.f32 v43, v47;
	(xrf2) =	vadd.scan.msk.f32 $0xffff, v44  }
0xc1: {  	s25 =	sadd.s32 $0x20, s25;
	v36 =	vsel vm3, v41, v36;
	v47 =	vmul.f32 v47, v3;
	v35, _, _ =	vpop (xrf2);
	v41 =	vmul.f32 v48, v21  }
0xc2: {  	v44 =	vmul.f32 v37, v1;
	v21 =	vmovc v29;
	v37 =	vmul.f32 $2.000000030e-01, v39;
	v46 =	vadd.f32 v46, v27;
	[tilespmem:s25+$0x0] =	vst v34  }
0xc3: {  	v36 =	vsel vm4, v36, v40;
	v29 =	vmax.f32 v42, v49;
	(xrf2) =	vadd.scan.msk.f32 $0xffff, v47;
	[tilespmem:s7+$0x40] =	vst v41  }
.Ltmp0:
0xc4: {  	v42 =	vmul.f32 v29, v2;
	v29 =	vmax.f32 v39, v37;
	v37 =	vmul.f32 $2.000000030e-01, v46;
	v43, _, _ =	vpop (xrf2);
	(pc) =	sbr.rel @p0 .LBB2_3-.Ltmp0, $4  }
0xc5: {  	v40 =	vmul.f32 v29, v3;
	v29 =	vmul.f32 $1.442695020e+00, v36  }
0xc6: {  	v41 =	vbroadcast v38, $0x4;
	v39 =	vbroadcast v34, $0x0;
	v36 =	vmax.f32 v46, v37;
	(xrf2) =	vadd.scan.msk.f32 $0xffff, v45  }
0xc7: {  	v38 =	vbroadcast v34, $0x1;
	v37 =	vmul.f32 v36, v4;
	v45, _, _ =	vpop (xrf2)  }
0xc8: {  	s0 =	sadd.s32 $0xA0, s0;
	v36 =	vbroadcast v34, $0x2;
	(erf) = vpow2.f32 v29  }
0xc9: {  	_ = 	snop  }
0xca: {  	v29, _, _ =	vpop (xrf2)  }
0xcb: {  	v29 =	vbroadcast v29, $0xF  }
0xcc: {  	v61 =	vbroadcast v45, $0xF  }
0xcd: {  	v62 =	vbroadcast v43, $0xF;
	(xrf2) =	vadd.scan.msk.f32 $0xffff, v44;
	v29 =	vnsel vm0, $0x0, v29;
	v63, _, _ =	vpop (xrf2)  }
0xce: {  	(xrf2) =	vadd.scan.msk.f32 $0xffff, v42;
	v29 =	vsel vm1, v29, v61;
	v43 =	vbroadcast v63, $0xF  }
0xcf: {  	v35 =	vbroadcast v35, $0xF;
	(xrf2) =	vadd.scan.msk.f32 $0xffff, v40;
	v29 =	vsel vm2, v29, v62  }
0xd0: {  	v29 =	vsel vm3, v29, v43  }
0xd1: {  	(xrf2) =	vadd.scan.msk.f32 $0xffff, v37;
	v29 =	vsel vm4, v29, v35  }
0xd2: {  	v29 =	vmul.f32 $1.442695020e+00, v29;
	_ =	sdelay $0x2  }
0xd3: {  	v5 =	vmul.f32 v31, v5  }
0xd4: {  	v6 =	vmul.f32 v30, v6;
	(erf) = vpow2.f32 v29;
	v29, _, _ =	vpop (xrf2)  }
0xd5: {  	v7 =	vmul.f32 v33, v7;
	v29 =	vbroadcast v29, $0xF;
	v30, _, _ =	vpop (xrf2)  }
0xd6: {  	[tilespmem:s6+$0xFFFFFFB0] =	vst v5;
	v5 =	vbroadcast v30, $0xF;
	v30, _, _ =	vpop (xrf2)  }
0xd7: {  	[tilespmem:s6+$0xFFFFFFC0] =	vst v6;
	v6 =	vnsel vm0, $0x0, v29;
	v29 =	vbroadcast v30, $0xF;
	v30, _, _ =	vpop (xrf2)  }
0xd8: {  	v8 =	vmul.f32 v32, v8;
	v5 =	vsel vm1, v6, v5;
	v6 =	vbroadcast v30, $0xF  }
0xd9: {  	v17 =	vmul.f32 v41, v17;
	[tilespmem:s6+$0xFFFFFFD0] =	vst v7;
	v7, _, _ =	vpop (xrf2)  }
0xda: {  	v14 =	vmul.f32 v39, v14;
	[tilespmem:s6+$0xFFFFFFE0] =	vst v8;
	v5 =	vsel vm2, v5, v29;
	v7 =	vbroadcast v7, $0xF  }
0xdb: {  	v9 =	vmul.f32 v38, v9;
	[tilespmem:s6+$0xFFFFFFF0] =	vst v17;
	v8 =	vbroadcast v34, $0x3;
	v5 =	vsel vm3, v5, v6  }
0xdc: {  	[tilespmem:s7+$0x0] =	vst v14;
	v5 =	vsel vm4, v5, v7;
	v7 =	vmul.f32 v36, v11;
	v6 =	vpop (erf)  }
0xdd: {  	[tilespmem:s7+$0x10] =	vst v9;
	v8 =	vmul.f32 v8, v16;
	v5 =	vmul.f32 $1.442695020e+00, v5;
	v11 =	vpop (erf)  }
0xde: {  	[tilespmem:s7+$0x20] =	vst v7;
	v7 =	vbroadcast v6, $0x0;
	v9 =	vbroadcast v11, $0x4  }
0xdf: {  	[tilespmem:s7+$0x30] =	vst v8;
	(erf) = vpow2.f32 v5;
	v5 =	vbroadcast v6, $0x1  }
0xe0: {  	s0 =	sadd.s32 $0x20, s25;
	[tilespmem:s25+$0xFFFFFFF0] =	vst v6;
	v7 =	vmul.f32 v7, v10;
	v10 =	vbroadcast v6, $0x3  }
0xe1: {  	[tilespmem:s0+$0x0] =	vst v11;
	v8 =	vmul.f32 v9, v21;
	v9 =	vbroadcast v6, $0x2  }
0xe2: {  	v5 =	vmul.f32 v5, v12;
	[tilespmem:s7+$0xFFFFFFB0] =	vst v7;
	v7 =	vbroadcast v11, $0x0  }
0xe3: {  	v6 =	vbroadcast v6, $0x4;
	[tilespmem:s11+$0x40] =	vst v8;
	v8 =	vmul.f32 v9, v13  }
0xe4: {  	v9 =	vmul.f32 v10, v19;
	[tilespmem:s7+$0xFFFFFFC0] =	vst v5;
	v7 =	vmul.f32 v7, v25  }
0xe5: {  	v5 =	vmul.f32 v6, v15;
	v6 =	vbroadcast v11, $0x1;
	[tilespmem:s7+$0xFFFFFFD0] =	vst v8  }
0xe6: {  	[tilespmem:s7+$0xFFFFFFE0] =	vst v9  }
0xe7: {  	v8 =	vbroadcast v11, $0x2;
	[tilespmem:s7+$0xFFFFFFF0] =	vst v5;
	v6 =	vmul.f32 v6, v20  }
0xe8: {  	v5 =	vbroadcast v11, $0x3;
	[tilespmem:s11+$0x0] =	vst v7;
	v7 =	vpop (erf)  }
0xe9: {  	v8 =	vmul.f32 v8, v18;
	[tilespmem:s11+$0x10] =	vst v6;
	v9 =	vbroadcast v7, $0x0  }
0xea: {  	v5 =	vmul.f32 v5, v23;
	[tilespmem:s0+$0xFFFFFFF0] =	vst v7;
	v6 =	vbroadcast v7, $0x1  }
0xeb: {  	[tilespmem:s11+$0x20] =	vst v8;
	v8 =	vbroadcast v7, $0x2;
	v9 =	vmul.f32 v9, v22  }
0xec: {  	[tilespmem:s11+$0x30] =	vst v5;
	v5 =	vbroadcast v7, $0x3;
	v6 =	vmul.f32 v6, v24  }
0xed: {  	v7 =	vbroadcast v7, $0x4;
	v8 =	vmul.f32 v8, v28;
	[tilespmem:s11+$0xFFFFFFB0] =	vst v9  }
0xee: {  	v5 =	vmul.f32 v5, v26;
	[tilespmem:s11+$0xFFFFFFC0] =	vst v6  }
0xef: {  	v6 =	vmul.f32 v7, v27;
	[tilespmem:s11+$0xFFFFFFD0] =	vst v8  }
0xf0: {  	[tilespmem:s11+$0xFFFFFFE0] =	vst v5  }
0xf1: {  	s6 =	simm.s32 $0x190;
	[tilespmem:s11+$0xFFFFFFF0] =	vst v6  }
0xf2: {  	[spmem:s3] =	stream.indirect.scatter.add.f32 [tilespmem:s6], [sflag:$0x1], $0x50, s21, s22, $0xb8;
	[tilespmem:$0x17B60] =	vst v63  }
0xf3: {  	s7 =	simm.s32 $0x7E90  }
0xf4: {  	[spmem:s4] =	stream.indirect.scatter.add.f32 [tilespmem:s7], [sflag:$0x6], $0x10, s21, s22, $0xb8;
	[tilespmem:$0x17B60] =	vst v63  }
0xf5: {  	_ =	swait.ge [sflag:s9], $0xC80  }
0xf6: {  	[sflag:s9] =	ssyncset.done $0x0  }
0xf7: {  	[sflag:s9] =	ssyncadd.s32 $0xFFFFF380  }
0xf8: {  	_ =	swait.ge [sflag:s9], $0xC80  }
0xf9: {  	[sflag:s9] =	ssyncset.done $0x0  }
0xfa: {  	s6 =	simm.s32 $0xE60;
	[sflag:s9] =	ssyncadd.s32 $0xFFFFF380  }
0xfb: {  	s11 =	simm.s32 $0x4CE0;
	v18 =	vld [tilespmem:s6+$0x40]  }
0xfc: {  	v5 =	vld [tilespmem:s11+$0x40]  }
0xfd: {  	v23 =	vld [tilespmem:s6+$0x20]  }
0xfe: {  	v6 =	vld [tilespmem:s11+$0x20]  }
0xff: {  	v20 =	vld [tilespmem:s6+$0x10]  }
0x100: {  	v7 =	vld [tilespmem:s11+$0x10]  }
0x101: {  	v22 =	vld [tilespmem:s6+$0x0]  }
0x102: {  	v8 =	vld [tilespmem:s11+$0x0];
	_ =	sdelay $0x1  }
0x103: {  	v24 =	vld [tilespmem:s6+$0x30];
	v5 =	vadd.f32 v5, v18  }
0x104: {  	v9 =	vld [tilespmem:s11+$0x30];
	v6 =	vadd.f32 v6, v23  }
0x105: {  	v7 =	vadd.f32 v7, v20;
	v10 =	vmul.f32 $2.000000030e-01, v5  }
0x106: {  	v8 =	vadd.f32 v8, v22;
	v11 =	vmul.f32 $2.000000030e-01, v6  }
0x107: {  	v5 =	vmax.f32 v5, v10;
	v10 =	vmul.f32 $2.000000030e-01, v7  }
0x108: {  	v12 =	vld [tilespmem:s11+$0xFFFFFFB0];
	v6 =	vmax.f32 v6, v11;
	v11 =	vmul.f32 $2.000000030e-01, v8;
	v13 =	vmul.f32 v5, v4  }
0x109: {  	v9 =	vadd.f32 v9, v24;
	v5 =	vld [tilespmem:s6+$0xFFFFFFB0];
	v6 =	vmul.f32 v6, v2;
	v7 =	vmax.f32 v7, v10  }
0x10a: {  	v17 =	vld [tilespmem:s6+$0xFFFFFFF0];
	v8 =	vmax.f32 v8, v11;
	(xrf2) =	vadd.scan.msk.f32 $0xffff, v13;
	v7 =	vmul.f32 v7, v1  }
0x10b: {  	v10 =	vmul.f32 $2.000000030e-01, v9;
	v11 =	vld [tilespmem:s11+$0xFFFFFFC0];
	v8 =	vmul.f32 v8, v0;
	(xrf2) =	vadd.scan.msk.f32 $0xffff, v6  }
0x10c: {  	v6 =	vld [tilespmem:s6+$0xFFFFFFC0];
	(xrf2) =	vadd.scan.msk.f32 $0xffff, v7  }
0x10d: {  	v9 =	vmax.f32 v9, v10;
	v7 =	vld [tilespmem:s6+$0xFFFFFFD0];
	(xrf2) =	vadd.scan.msk.f32 $0xffff, v8  }
0x10e: {  	v9 =	vmul.f32 v9, v3;
	v10 =	vadd.f32 v12, v5;
	v12 =	vld [tilespmem:s11+$0xFFFFFFD0]  }
0x10f: {  	v8 =	vld [tilespmem:s6+$0xFFFFFFE0]  }
0x110: {  	s7 =	simm.s32 $0xF00;
	(xrf2) =	vadd.scan.msk.f32 $0xffff, v9;
	v9 =	vld [tilespmem:s11+$0xFFFFFFE0]  }
0x111: {  	s23 =	simm.s32 $0x4D80;
	v29 =	vld [tilespmem:s7+$0x40];
	v13 =	vmul.f32 $2.000000030e-01, v10  }
0x112: {  	v19 =	vld [tilespmem:s23+$0x40];
	v11 =	vadd.f32 v11, v6  }
0x113: {  	v10 =	vmax.f32 v10, v13;
	v13 =	vld [tilespmem:s11+$0xFFFFFFF0]  }
0x114: {  	v10 =	vmul.f32 v10, v0;
	v14 =	vmul.f32 $2.000000030e-01, v11;
	v12 =	vadd.f32 v12, v7;
	v15, _, _ =	vpop (xrf2)  }
0x115: {  	v26 =	vld [tilespmem:s23+$0x20];
	v21 =	vadd.f32 v9, v8;
	v16, _, _ =	vpop (xrf2)  }
0x116: {  	v28 =	vld [tilespmem:s23+$0x10];
	(xrf2) =	vadd.scan.msk.f32 $0xffff, v10;
	v10 =	vmax.f32 v11, v14;
	v14 =	vmul.f32 $2.000000030e-01, v12;
	v25, _, _ =	vpop (xrf2)  }
0x117: {  	v42 =	vld [tilespmem:s23+$0xFFFFFFB0];
	v19 =	vadd.f32 v19, v29;
	v27 =	vmul.f32 $2.000000030e-01, v21;
	v10 =	vmul.f32 v10, v1;
	v9, _, _ =	vpop (xrf2)  }
0x118: {  	v11 =	vld [tilespmem:s7+$0x20];
	v13 =	vadd.f32 v13, v17;
	v12 =	vmax.f32 v12, v14;
	v14 =	vbroadcast v9, $0xF  }
0x119: {  	v16 =	vbroadcast v16, $0xF;
	v25 =	vbroadcast v25, $0xF;
	v21 =	vmax.f32 v21, v27;
	v9 =	vld [tilespmem:s7+$0x10]  }
0x11a: {  	v12 =	vmul.f32 v12, v2;
	v30, _, _ =	vpop (xrf2);
	v31 =	vmul.f32 $2.000000030e-01, v13;
	v27 =	vnsel vm0, $0x0, v14;
	v14 =	vld [tilespmem:s7+$0x0]  }
0x11b: {  	v21 =	vmul.f32 v21, v3;
	(xrf2) =	vadd.scan.msk.f32 $0xffff, v10;
	v25 =	vsel vm1, v27, v25;
	v27 =	vbroadcast v30, $0xF;
	v30 =	vld [tilespmem:s23+$0x0]  }
0x11c: {  	v15 =	vbroadcast v15, $0xF;
	v10 =	vld [tilespmem:s7+$0xFFFFFFB0];
	v13 =	vmax.f32 v13, v31;
	(xrf2) =	vadd.scan.msk.f32 $0xffff, v12;
	v16 =	vsel vm2, v25, v16  }
0x11d: {  	v13 =	vmul.f32 v13, v4;
	(xrf2) =	vadd.scan.msk.f32 $0xffff, v21;
	v21 =	vmul.f32 $2.000000030e-01, v19;
	v12 =	vsel vm3, v16, v27;
	v16 =	vld [tilespmem:s7+$0x30]  }
0x11e: {  	v25 =	vadd.f32 v26, v11;
	v27 =	vadd.f32 v28, v9;
	v28 =	vld [tilespmem:s23+$0x30];
	v12 =	vsel vm4, v12, v15  }
0x11f: {  	(xrf2) =	vadd.scan.msk.f32 $0xffff, v13;
	v13 =	vmax.f32 v19, v21;
	v21 =	vld [tilespmem:s23+$0xFFFFFFC0];
	v26 =	vmul.f32 $1.442695020e+00, v12  }
0x120: {  	v31 =	vmul.f32 $2.000000030e-01, v25;
	v12 =	vld [tilespmem:s7+$0xFFFFFFC0];
	v30 =	vadd.f32 v30, v14  }
0x121: {  	v19 =	vmul.f32 $2.000000030e-01, v27;
	(erf) = vpow2.f32 v26  }
0x122: {  	v43 =	vld [tilespmem:s23+$0xFFFFFFD0];
	v25 =	vmax.f32 v25, v31;
	v26 =	vmul.f32 v13, v4;
	v31 =	vmul.f32 $2.000000030e-01, v30  }
0x123: {  	v46 =	vld [tilespmem:s23+$0xFFFFFFF0];
	v32 =	vadd.f32 v42, v10;
	v15, _, _ =	vpop (xrf2);
	v25 =	vmul.f32 v25, v2;
	v27 =	vmax.f32 v27, v19  }
0x124: {  	v15 =	vbroadcast v15, $0xF;
	v13 =	vld [tilespmem:s7+$0xFFFFFFD0];
	(xrf2) =	vadd.scan.msk.f32 $0xffff, v26;
	v26 =	vmul.f32 v27, v1;
	v27 =	vadd.f32 v28, v16  }
0x125: {  	v19 =	vld [tilespmem:s7+$0xFFFFFFE0];
	v28 =	vmax.f32 v30, v31;
	v30 =	vmul.f32 $2.000000030e-01, v32;
	(xrf2) =	vadd.scan.msk.f32 $0xffff, v25;
	v21 =	vadd.f32 v21, v12  }
0x126: {  	v44 =	vnsel vm0, $0x0, v15;
	v15 =	vld [tilespmem:s7+$0xFFFFFFF0];
	v28 =	vmul.f32 v28, v0;
	v31, _, _ =	vpop (xrf2);
	(xrf2) =	vadd.scan.msk.f32 $0xffff, v26;
	v26 =	vmul.f32 $2.000000030e-01, v27  }
0x127: {  	v25 =	vld [tilespmem:s23+$0xFFFFFFE0];
	v30 =	vmax.f32 v32, v30;
	v47 =	vmul.f32 $2.000000030e-01, v21;
	v31 =	vbroadcast v31, $0xF;
	v45, _, _ =	vpop (xrf2)  }
0x128: {  	(xrf2) =	vadd.scan.msk.f32 $0xffff, v28;
	v28 =	vmul.f32 v30, v0;
	v30 =	vbroadcast v45, $0xF;
	v26 =	vmax.f32 v27, v26  }
0x129: {  	v27, _, _ =	vpop (xrf2);
	v21 =	vmax.f32 v21, v47;
	v31 =	vsel vm1, v44, v31;
	v26 =	vmul.f32 v26, v3  }
0x12a: {  	v27 =	vbroadcast v27, $0xF;
	v30 =	vsel vm2, v31, v30;
	v31 =	vadd.f32 v43, v13;
	v35 =	vpop (erf)  }
0x12b: {  	v32 =	vadd.f32 v46, v15;
	v48, _, _ =	vpop (xrf2);
	v51 =	vmul.f32 v21, v1;
	v49 =	vbroadcast v35, $0x4  }
0x12c: {  	s23 =	simm.s32 $0x4E20;
	v25 =	vadd.f32 v25, v19;
	(xrf2) =	vadd.scan.msk.f32 $0xffff, v26;
	v26 =	vbroadcast v48, $0xF;
	v50 =	vmul.f32 $2.000000030e-01, v31  }
0x12d: {  	v53 =	vld [tilespmem:s23+$0x40];
	v59 =	vbroadcast v35, $0x3;
	v36 =	vmul.f32 v49, v18  }
0x12e: {  	v57 =	vld [tilespmem:s23+$0x20];
	v18 =	vmul.f32 $2.000000030e-01, v25;
	v21 =	vmax.f32 v31, v50;
	v31 =	vmul.f32 $2.000000030e-01, v32  }
0x12f: {  	v60 =	vld [tilespmem:s23+$0xFFFFFFB0];
	v27 =	vsel vm3, v30, v27;
	v52 =	vbroadcast v35, $0x0  }
0x130: {  	s11 =	simm.s32 $0xFA0;
	v63 =	vld [tilespmem:s23+$0x0];
	v30, _, _ =	vpop (xrf2);
	v26 =	vsel vm4, v27, v26;
	v40 =	vmul.f32 v59, v24;
	v18 =	vmax.f32 v25, v18  }
0x131: {  	(xrf2) =	vadd.scan.msk.f32 $0xffff, v28;
	v24 =	vld [tilespmem:s11+$0xFFFFFFC0];
	v28, _, _ =	vpop (xrf2);
	v25 =	vmul.f32 v18, v3;
	v18 =	vmul.f32 $1.442695020e+00, v26  }
0x132: {  	v42 =	vmul.f32 v52, v22;
	v52 =	vld [tilespmem:s23+$0xFFFFFFC0];
	v27 =	vmul.f32 v21, v2;
	v26 =	vmax.f32 v32, v31;
	v31, _, _ =	vpop (xrf2)  }
0x133: {  	v56 =	vbroadcast v35, $0x1;
	v21 =	vld [tilespmem:s11+$0x40];
	(erf) = vpow2.f32 v18;
	(xrf2) =	vadd.scan.msk.f32 $0xffff, v51;
	v54, _, _ =	vpop (xrf2)  }
0x134: {  	v58 =	vbroadcast v35, $0x2;
	v18 =	vld [tilespmem:s11+$0x20];
	(xrf2) =	vadd.scan.msk.f32 $0xffff, v27;
	v55 =	vbroadcast v54, $0xF  }
0x135: {  	v37 =	vmul.f32 v56, v20;
	v31 =	vbroadcast v31, $0xF;
	(xrf2) =	vadd.scan.msk.f32 $0xffff, v25;
	v25 =	vld [tilespmem:s11+$0x0]  }
0x136: {  	v22 =	vld [tilespmem:s11+$0xFFFFFFB0];
	v39 =	vmul.f32 v58, v23;
	v27 =	vbroadcast v28, $0xF;
	v28, _, _ =	vpop (xrf2);
	v34 =	vnsel vm0, $0x0, v55  }
0x137: {  	v30 =	vbroadcast v30, $0xF;
	v28 =	vbroadcast v28, $0xF;
	v31 =	vsel vm1, v34, v31  }
0x138: {  	v20 =	vld [tilespmem:s11+$0x10];
	v26 =	vmul.f32 v26, v4;
	v61 =	vadd.f32 v53, v21;
	v27 =	vsel vm2, v31, v27  }
0x139: {  	v50 =	vadd.f32 v52, v24;
	v62 =	vadd.f32 v57, v18;
	v31 =	vld [tilespmem:s23+$0x10];
	v23 =	vsel vm3, v27, v28  }
0x13a: {  	v28 =	vmul.f32 $2.000000030e-01, v61;
	v34 =	vadd.f32 v63, v25;
	v23 =	vsel vm4, v23, v30  }
0x13b: {  	v30 =	vmul.f32 $2.000000030e-01, v62;
	v27, _, _ =	vpop (xrf2);
	v23 =	vmul.f32 $1.442695020e+00, v23;
	(xrf2) =	vadd.scan.msk.f32 $0xffff, v26;
	v26 =	vadd.f32 v60, v22  }
0x13c: {  	v28 =	vmax.f32 v61, v28;
	v38 =	vpop (erf);
	v60 =	vmul.f32 $2.000000030e-01, v34;
	v27 =	vbroadcast v27, $0xF  }
0x13d: {  	v46 =	vld [tilespmem:s23+$0x30];
	v53 =	vmul.f32 v28, v4;
	v33 =	vmax.f32 v62, v30;
	v30 =	vbroadcast v38, $0x1  }
0x13e: {  	v62 =	vmul.f32 $2.000000030e-01, v50;
	(erf) = vpow2.f32 v23;
	v23 =	vld [tilespmem:s11+$0x30];
	v55 =	vadd.f32 v31, v20  }
0x13f: {  	v49 =	vld [tilespmem:s23+$0xFFFFFFD0];
	v54 =	vmul.f32 $2.000000030e-01, v26;
	v31 =	vbroadcast v38, $0x0  }
0x140: {  	v59 =	vld [tilespmem:s23+$0xFFFFFFE0];
	v33 =	vmul.f32 v33, v2;
	v34 =	vmax.f32 v34, v60;
	v28, _, _ =	vpop (xrf2);
	(xrf2) =	vadd.scan.msk.f32 $0xffff, v53;
	v57 =	vmul.f32 $2.000000030e-01, v55  }
0x141: {  	v27 =	vnsel vm0, $0x0, v27;
	v56 =	vbroadcast v28, $0xF;
	v28 =	vld [tilespmem:s11+$0xFFFFFFD0];
	v26 =	vmax.f32 v26, v54  }
0x142: {  	s25 =	simm.s32 $0x8120;
	v47, _, _ =	vpop (xrf2);
	(xrf2) =	vadd.scan.msk.f32 $0xffff, v33;
	v33 =	vbroadcast v38, $0x2;
	v48 =	vmul.f32 v26, v0;
	v26 =	vld [tilespmem:s11+$0xFFFFFFE0];
	v58 =	vmax.f32 v55, v57  }
0x143: {  	[tilespmem:s25+$0x0] =	vst v35;
	v47 =	vbroadcast v47, $0xF;
	v61, _, _ =	vpop (xrf2);
	v32 =	vmul.f32 v58, v1;
	v46 =	vadd.f32 v46, v23  }
0x144: {  	[tilespmem:s6+$0x40] =	vst v36;
	v51 =	vld [tilespmem:s23+$0xFFFFFFF0];
	v54 =	vmul.f32 v34, v0;
	v27 =	vsel vm1, v27, v56;
	v41 =	vbroadcast v61, $0xF  }
0x145: {  	v45 =	vsel vm2, v27, v47;
	v27 =	vld [tilespmem:s11+$0xFFFFFFF0];
	v47 =	vmax.f32 v50, v62;
	(xrf2) =	vadd.scan.msk.f32 $0xffff, v32;
	v52 =	vmul.f32 $2.000000030e-01, v46  }
0x146: {  	[tilespmem:s6+$0x0] =	vst v42;
	v44 =	vmul.f32 v47, v1;
	v32 =	vbroadcast v38, $0x3;
	v49 =	vadd.f32 v49, v28;
	v63, _, _ =	vpop (xrf2)  }
0x147: {  	v43 =	vadd.f32 v59, v26;
	(xrf2) =	vadd.scan.msk.f32 $0xffff, v54;
	v55 =	vbroadcast v63, $0xF;
	v56 =	vmax.f32 v46, v52  }
0x148: {  	[tilespmem:s6+$0x10] =	vst v37;
	v34 =	vpop (erf);
	v58 =	vmul.f32 $2.000000030e-01, v49;
	v36 =	vmul.f32 v56, v3  }
0x149: {  	[tilespmem:s6+$0x20] =	vst v39;
	v41 =	vsel vm3, v45, v41;
	v57 =	vbroadcast v34, $0x4;
	v59 =	vmul.f32 $2.000000030e-01, v43  }
0x14a: {  	v60 =	vadd.f32 v51, v27;
	v39 =	vbroadcast v34, $0x0;
	v42 =	vmax.f32 v49, v58;
	v35, _, _ =	vpop (xrf2);
	(xrf2) =	vadd.scan.msk.f32 $0xffff, v36  }
0x14b: {  	[tilespmem:s6+$0x30] =	vst v40;
	v41 =	vsel vm4, v41, v55;
	v29 =	vmul.f32 v57, v29;
	v42 =	vmul.f32 v42, v2  }
0x14c: {  	[tilespmem:s25+$0xFFFFFFF0] =	vst v38;
	v61 =	vmul.f32 $2.000000030e-01, v60;
	v62 =	vmul.f32 $1.442695020e+00, v41  }
0x14d: {  	s25 =	simm.s32 $0x8140;
	v37 =	vmax.f32 v43, v59;
	v41 =	vbroadcast v38, $0x4;
	v43, _, _ =	vpop (xrf2);
	v38 =	vbroadcast v34, $0x1;
	(xrf2) =	vadd.scan.msk.f32 $0xffff, v48  }
0x14e: {  	[tilespmem:s25+$0x0] =	vst v34;
	v36 =	vbroadcast v34, $0x2;
	v40 =	vmul.f32 v37, v3;
	v63 =	vmax.f32 v60, v61  }
0x14f: {  	s30 =	simm.s32 $0x4;
	s0 =	simm.s32 $0x1040;
	[tilespmem:s7+$0x40] =	vst v29;
	(erf) = vpow2.f32 v62;
	v37 =	vmul.f32 v63, v4;
	v45, _, _ =	vpop (xrf2)  }
.LBB2_5:
0x150: {  	v29 =	vld [tilespmem:s0+$0x40];
	s23 =	sadd.s32 $0xA0, s23;
	(xrf2) =	vadd.scan.msk.f32 $0xffff, v44;
	v34 =	vbroadcast v34, $0x3;
	v31 =	vmul.f32 v31, v5;
	v5 =	vmovc v10;
	v10 =	vmov v22  }
0x151: {  	v30 =	vmul.f32 v30, v6;
	v33 =	vmul.f32 v33, v7;
	v6 =	vmov v12;
	v44 =	vld [tilespmem:s23+$0x40];
	v22, _, _ =	vpop (xrf2)  }
0x152: {  	v12 =	vmovc v24;
	v7 =	vmovc v13;
	v13 =	vmov v28;
	v46 =	vld [tilespmem:s0+$0x20];
	v22 =	vbroadcast v22, $0xF;
	[tilespmem:s6+$0xFFFFFFB0] =	vst v31;
	v31 =	vmul.f32 v32, v8  }
0x153: {  	v24 =	vbroadcast v45, $0xF;
	v17 =	vmul.f32 v41, v17;
	v8 =	vmovc v19;
	v28 =	vld [tilespmem:s23+$0x20];
	(xrf2) =	vadd.scan.msk.f32 $0xffff, v42;
	[tilespmem:s6+$0xFFFFFFC0] =	vst v30  }
0x154: {  	v43 =	vbroadcast v43, $0xF;
	v39 =	vmul.f32 v39, v14;
	v19 =	vld [tilespmem:s23+$0xFFFFFFB0];
	v30 =	vnsel vm0, $0x0, v22;
	v41, _, _ =	vpop (xrf2);
	[tilespmem:s6+$0xFFFFFFD0] =	vst v33  }
0x155: {  	v22 =	vld [tilespmem:s0+$0xFFFFFFB0];
	v42 =	vsel vm1, v30, v24;
	v24 =	vbroadcast v41, $0xF;
	v30 =	vmul.f32 v38, v9;
	[tilespmem:s6+$0xFFFFFFE0] =	vst v31;
	v9 =	vmovc v20  }
0x156: {  	v14 =	vmovc v25;
	v33 =	vbroadcast v35, $0xF;
	v20 =	vld [tilespmem:s0+$0x10];
	v31 =	vadd.f32 v44, v29;
	v41 =	vsel vm2, v42, v43;
	(xrf2) =	vadd.scan.msk.f32 $0xffff, v40  }
0x157: {  	v36 =	vmul.f32 v36, v11;
	v34 =	vmul.f32 v34, v16;
	v35 =	vld [tilespmem:s23+$0x10];
	v25 =	vsel vm3, v41, v24;
	v32, _, _ =	vpop (xrf2);
	[tilespmem:s6+$0xFFFFFFF0] =	vst v17;
	s6 =	smov.u32 s7;
	s7 =	smov.u32 s11;
	s11 =	smov.u32 s0  }
0x158: {  	v24 =	vld [tilespmem:s0+$0xFFFFFFC0];
	v28 =	vadd.f32 v28, v46;
	v17 =	vmul.f32 $2.000000030e-01, v31;
	v33 =	vsel vm4, v25, v33;
	[tilespmem:s6+$0x0] =	vst v39;
	v38 =	vpop (erf)  }
0x159: {  	v11 =	vmovc v18;
	v42 =	vbroadcast v32, $0xF;
	v25 =	vld [tilespmem:s0+$0x0];
	v32 =	vmul.f32 $1.442695020e+00, v33;
	(xrf2) =	vadd.scan.msk.f32 $0xffff, v37;
	[tilespmem:s25+$0xFFFFFFF0] =	vst v38  }
0x15a: {  	s30 =	sadd.s32 $0x2, s30;
	v33 =	vadd.f32 v19, v22;
	v37 =	vld [tilespmem:s23+$0x0];
	v39 =	vmul.f32 $2.000000030e-01, v28;
	v31 =	vmax.f32 v31, v17;
	v19, _, _ =	vpop (xrf2);
	[tilespmem:s6+$0x10] =	vst v30  }
0x15b: {  	p0 =	slt.u32 s30, $0x26;
	v16 =	vmovc v23;
	v18 =	vmovc v46;
	v41 =	vnsel vm0, $0x0, v42;
	v40 =	vld [tilespmem:s23+$0xFFFFFFC0];
	v30 =	vmul.f32 v31, v4;
	(erf) = vpow2.f32 v32;
	[tilespmem:s6+$0x20] =	vst v36  }
0x15c: {  	v36 =	vbroadcast v19, $0xF;
	v19 =	vmovc v26;
	v32 =	vmul.f32 $2.000000030e-01, v33;
	v23 =	vld [tilespmem:s0+$0x30];
	v35 =	vadd.f32 v35, v20;
	[tilespmem:s6+$0x30] =	vst v34;
	v17 =	vmovc v15  }
0x15d: {  	v31 =	vbroadcast v38, $0x0;
	v42 =	vmax.f32 v28, v39;
	v34 =	vld [tilespmem:s23+$0x30];
	(xrf2) =	vadd.scan.msk.f32 $0xffff, v30;
	v26, _, _ =	vpop (xrf2);
	v30 =	vbroadcast v38, $0x1  }
0x15e: {  	v15 =	vmovc v27;
	v39 =	vmul.f32 v42, v2;
	v28 =	vld [tilespmem:s0+$0xFFFFFFD0];
	v32 =	vmax.f32 v33, v32;
	v33 =	vmul.f32 $2.000000030e-01, v35  }
0x15f: {  	v27 =	vbroadcast v26, $0xF;
	v45 =	vmul.f32 v32, v0;
	v42 =	vld [tilespmem:s23+$0xFFFFFFD0];
	v32 =	vadd.f32 v37, v25  }
0x160: {  	v26 =	vld [tilespmem:s0+$0xFFFFFFE0];
	v37 =	vadd.f32 v40, v24;
	v33 =	vmax.f32 v35, v33;
	(xrf2) =	vadd.scan.msk.f32 $0xffff, v39;
	v35 =	vsel vm1, v41, v36;
	v36, _, _ =	vpop (xrf2)  }
0x161: {  	v39 =	vld [tilespmem:s23+$0xFFFFFFE0];
	v44 =	vmul.f32 $2.000000030e-01, v32;
	v33 =	vmul.f32 v33, v1;
	v41 =	vsel vm2, v35, v27  }
0x162: {  	v36 =	vbroadcast v36, $0xF;
	v27 =	vld [tilespmem:s0+$0xFFFFFFF0];
	v35 =	vmul.f32 $2.000000030e-01, v37;
	v43 =	vadd.f32 v34, v23  }
0x163: {  	v46 =	vld [tilespmem:s23+$0xFFFFFFF0];
	v48 =	vmax.f32 v32, v44;
	(xrf2) =	vadd.scan.msk.f32 $0xffff, v33;
	v40, _, _ =	vpop (xrf2);
	v33 =	vbroadcast v38, $0x2;
	v32 =	vbroadcast v38, $0x3  }
0x164: {  	v42 =	vadd.f32 v42, v28;
	v44 =	vmul.f32 v48, v0;
	v47 =	vmul.f32 $2.000000030e-01, v43;
	v34 =	vpop (erf)  }
0x165: {  	v37 =	vmax.f32 v37, v35;
	v40 =	vbroadcast v40, $0xF;
	v48 =	vbroadcast v34, $0x4  }
0x166: {  	v49 =	vmul.f32 $2.000000030e-01, v42;
	v39 =	vadd.f32 v39, v26;
	v47 =	vmax.f32 v43, v47;
	(xrf2) =	vadd.scan.msk.f32 $0xffff, v44  }
0x167: {  	s25 =	sadd.s32 $0x20, s25;
	v36 =	vsel vm3, v41, v36;
	v47 =	vmul.f32 v47, v3;
	v35, _, _ =	vpop (xrf2);
	v41 =	vmul.f32 v48, v21  }
0x168: {  	v44 =	vmul.f32 v37, v1;
	v21 =	vmovc v29;
	v37 =	vmul.f32 $2.000000030e-01, v39;
	v46 =	vadd.f32 v46, v27;
	[tilespmem:s25+$0x0] =	vst v34  }
0x169: {  	v36 =	vsel vm4, v36, v40;
	v29 =	vmax.f32 v42, v49;
	(xrf2) =	vadd.scan.msk.f32 $0xffff, v47;
	[tilespmem:s7+$0x40] =	vst v41  }
.Ltmp1:
0x16a: {  	v42 =	vmul.f32 v29, v2;
	v29 =	vmax.f32 v39, v37;
	v37 =	vmul.f32 $2.000000030e-01, v46;
	v43, _, _ =	vpop (xrf2);
	(pc) =	sbr.rel @p0 .LBB2_5-.Ltmp1, $4  }
0x16b: {  	v40 =	vmul.f32 v29, v3;
	v29 =	vmul.f32 $1.442695020e+00, v36  }
0x16c: {  	v41 =	vbroadcast v38, $0x4;
	v39 =	vbroadcast v34, $0x0;
	v36 =	vmax.f32 v46, v37;
	(xrf2) =	vadd.scan.msk.f32 $0xffff, v45  }
0x16d: {  	v38 =	vbroadcast v34, $0x1;
	v37 =	vmul.f32 v36, v4;
	v45, _, _ =	vpop (xrf2)  }
0x16e: {  	s0 =	sadd.s32 $0xA0, s0;
	v36 =	vbroadcast v34, $0x2;
	(erf) = vpow2.f32 v29  }
0x16f: {  	_ = 	snop  }
0x170: {  	v29, _, _ =	vpop (xrf2)  }
0x171: {  	v29 =	vbroadcast v29, $0xF  }
0x172: {  	v61 =	vbroadcast v45, $0xF  }
0x173: {  	v62 =	vbroadcast v43, $0xF;
	(xrf2) =	vadd.scan.msk.f32 $0xffff, v44;
	v29 =	vnsel vm0, $0x0, v29;
	v63, _, _ =	vpop (xrf2)  }
0x174: {  	(xrf2) =	vadd.scan.msk.f32 $0xffff, v42;
	v29 =	vsel vm1, v29, v61;
	v43 =	vbroadcast v63, $0xF  }
0x175: {  	v35 =	vbroadcast v35, $0xF;
	(xrf2) =	vadd.scan.msk.f32 $0xffff, v40;
	v29 =	vsel vm2, v29, v62  }
0x176: {  	v29 =	vsel vm3, v29, v43  }
0x177: {  	(xrf2) =	vadd.scan.msk.f32 $0xffff, v37;
	v29 =	vsel vm4, v29, v35  }
0x178: {  	v29 =	vmul.f32 $1.442695020e+00, v29;
	_ =	sdelay $0x2  }
0x179: {  	v5 =	vmul.f32 v31, v5  }
0x17a: {  	v6 =	vmul.f32 v30, v6;
	(erf) = vpow2.f32 v29;
	v29, _, _ =	vpop (xrf2)  }
0x17b: {  	v7 =	vmul.f32 v33, v7;
	v29 =	vbroadcast v29, $0xF;
	v30, _, _ =	vpop (xrf2)  }
0x17c: {  	[tilespmem:s6+$0xFFFFFFB0] =	vst v5;
	v5 =	vbroadcast v30, $0xF;
	v30, _, _ =	vpop (xrf2)  }
0x17d: {  	[tilespmem:s6+$0xFFFFFFC0] =	vst v6;
	v6 =	vnsel vm0, $0x0, v29;
	v29 =	vbroadcast v30, $0xF;
	v30, _, _ =	vpop (xrf2)  }
0x17e: {  	v8 =	vmul.f32 v32, v8;
	v5 =	vsel vm1, v6, v5;
	v6 =	vbroadcast v30, $0xF  }
0x17f: {  	v17 =	vmul.f32 v41, v17;
	[tilespmem:s6+$0xFFFFFFD0] =	vst v7;
	v7, _, _ =	vpop (xrf2)  }
0x180: {  	v14 =	vmul.f32 v39, v14;
	[tilespmem:s6+$0xFFFFFFE0] =	vst v8;
	v5 =	vsel vm2, v5, v29;
	v7 =	vbroadcast v7, $0xF  }
0x181: {  	v9 =	vmul.f32 v38, v9;
	[tilespmem:s6+$0xFFFFFFF0] =	vst v17;
	v8 =	vbroadcast v34, $0x3;
	v5 =	vsel vm3, v5, v6  }
0x182: {  	[tilespmem:s7+$0x0] =	vst v14;
	v5 =	vsel vm4, v5, v7;
	v7 =	vmul.f32 v36, v11;
	v6 =	vpop (erf)  }
0x183: {  	[tilespmem:s7+$0x10] =	vst v9;
	v8 =	vmul.f32 v8, v16;
	v5 =	vmul.f32 $1.442695020e+00, v5;
	v11 =	vpop (erf)  }
0x184: {  	[tilespmem:s7+$0x20] =	vst v7;
	v7 =	vbroadcast v6, $0x0;
	v9 =	vbroadcast v11, $0x4  }
0x185: {  	[tilespmem:s7+$0x30] =	vst v8;
	(erf) = vpow2.f32 v5;
	v5 =	vbroadcast v6, $0x1  }
0x186: {  	s0 =	sadd.s32 $0x20, s25;
	[tilespmem:s25+$0xFFFFFFF0] =	vst v6;
	v7 =	vmul.f32 v7, v10;
	v10 =	vbroadcast v6, $0x3  }
0x187: {  	[tilespmem:s0+$0x0] =	vst v11;
	v8 =	vmul.f32 v9, v21;
	v9 =	vbroadcast v6, $0x2  }
0x188: {  	v5 =	vmul.f32 v5, v12;
	[tilespmem:s7+$0xFFFFFFB0] =	vst v7;
	v7 =	vbroadcast v11, $0x0  }
0x189: {  	v6 =	vbroadcast v6, $0x4;
	[tilespmem:s11+$0x40] =	vst v8;
	v8 =	vmul.f32 v9, v13  }
0x18a: {  	v9 =	vmul.f32 v10, v19;
	[tilespmem:s7+$0xFFFFFFC0] =	vst v5;
	v7 =	vmul.f32 v7, v25  }
0x18b: {  	v5 =	vmul.f32 v6, v15;
	v6 =	vbroadcast v11, $0x1;
	[tilespmem:s7+$0xFFFFFFD0] =	vst v8  }
0x18c: {  	[tilespmem:s7+$0xFFFFFFE0] =	vst v9  }
0x18d: {  	v8 =	vbroadcast v11, $0x2;
	[tilespmem:s7+$0xFFFFFFF0] =	vst v5;
	v6 =	vmul.f32 v6, v20  }
0x18e: {  	v5 =	vbroadcast v11, $0x3;
	[tilespmem:s11+$0x0] =	vst v7;
	v7 =	vpop (erf)  }
0x18f: {  	v8 =	vmul.f32 v8, v18;
	[tilespmem:s11+$0x10] =	vst v6;
	v9 =	vbroadcast v7, $0x0  }
0x190: {  	v5 =	vmul.f32 v5, v23;
	[tilespmem:s0+$0xFFFFFFF0] =	vst v7;
	v6 =	vbroadcast v7, $0x1  }
0x191: {  	[tilespmem:s11+$0x20] =	vst v8;
	v8 =	vbroadcast v7, $0x2;
	v9 =	vmul.f32 v9, v22  }
0x192: {  	[tilespmem:s11+$0x30] =	vst v5;
	v5 =	vbroadcast v7, $0x3;
	v6 =	vmul.f32 v6, v24  }
0x193: {  	v7 =	vbroadcast v7, $0x4;
	v8 =	vmul.f32 v8, v28;
	[tilespmem:s11+$0xFFFFFFB0] =	vst v9  }
0x194: {  	v5 =	vmul.f32 v5, v26;
	[tilespmem:s11+$0xFFFFFFC0] =	vst v6  }
0x195: {  	v6 =	vmul.f32 v7, v27;
	[tilespmem:s11+$0xFFFFFFD0] =	vst v8  }
0x196: {  	[tilespmem:s11+$0xFFFFFFE0] =	vst v5  }
0x197: {  	s6 =	simm.s32 $0xE10;
	[tilespmem:s11+$0xFFFFFFF0] =	vst v6  }
0x198: {  	[spmem:s3] =	stream.indirect.scatter.add.f32 [tilespmem:s6], [sflag:$0x2], $0x50, s26, s22, $0xb8;
	[tilespmem:$0x17B60] =	vst v63  }
0x199: {  	s7 =	simm.s32 $0x8110  }
0x19a: {  	[spmem:s4] =	stream.indirect.scatter.add.f32 [tilespmem:s7], [sflag:$0x7], $0x10, s26, s22, $0xb8;
	[tilespmem:$0x17B60] =	vst v63  }
0x19b: {  	_ =	swait.ge [sflag:s28], $0xC80  }
0x19c: {  	[sflag:s28] =	ssyncset.done $0x0  }
0x19d: {  	[sflag:s28] =	ssyncadd.s32 $0xFFFFF380  }
0x19e: {  	_ =	swait.ge [sflag:s28], $0xC80  }
0x19f: {  	[sflag:s28] =	ssyncset.done $0x0  }
0x1a0: {  	s6 =	simm.s32 $0x1AE0;
	[sflag:s28] =	ssyncadd.s32 $0xFFFFF380  }
0x1a1: {  	s11 =	simm.s32 $0x5960;
	v18 =	vld [tilespmem:s6+$0x40]  }
0x1a2: {  	v5 =	vld [tilespmem:s11+$0x40]  }
0x1a3: {  	v23 =	vld [tilespmem:s6+$0x20]  }
0x1a4: {  	v6 =	vld [tilespmem:s11+$0x20]  }
0x1a5: {  	v20 =	vld [tilespmem:s6+$0x10]  }
0x1a6: {  	v7 =	vld [tilespmem:s11+$0x10]  }
0x1a7: {  	v22 =	vld [tilespmem:s6+$0x0]  }
0x1a8: {  	v8 =	vld [tilespmem:s11+$0x0];
	_ =	sdelay $0x1  }
0x1a9: {  	v24 =	vld [tilespmem:s6+$0x30];
	v5 =	vadd.f32 v5, v18  }
0x1aa: {  	v9 =	vld [tilespmem:s11+$0x30];
	v6 =	vadd.f32 v6, v23  }
0x1ab: {  	v7 =	vadd.f32 v7, v20;
	v10 =	vmul.f32 $2.000000030e-01, v5  }
0x1ac: {  	v8 =	vadd.f32 v8, v22;
	v11 =	vmul.f32 $2.000000030e-01, v6  }
0x1ad: {  	v5 =	vmax.f32 v5, v10;
	v10 =	vmul.f32 $2.000000030e-01, v7  }
0x1ae: {  	v12 =	vld [tilespmem:s11+$0xFFFFFFB0];
	v6 =	vmax.f32 v6, v11;
	v11 =	vmul.f32 $2.000000030e-01, v8;
	v13 =	vmul.f32 v5, v4  }
0x1af: {  	v9 =	vadd.f32 v9, v24;
	v5 =	vld [tilespmem:s6+$0xFFFFFFB0];
	v6 =	vmul.f32 v6, v2;
	v7 =	vmax.f32 v7, v10  }
0x1b0: {  	v17 =	vld [tilespmem:s6+$0xFFFFFFF0];
	v8 =	vmax.f32 v8, v11;
	(xrf2) =	vadd.scan.msk.f32 $0xffff, v13;
	v7 =	vmul.f32 v7, v1  }
0x1b1: {  	v10 =	vmul.f32 $2.000000030e-01, v9;
	v11 =	vld [tilespmem:s11+$0xFFFFFFC0];
	v8 =	vmul.f32 v8, v0;
	(xrf2) =	vadd.scan.msk.f32 $0xffff, v6  }
0x1b2: {  	v6 =	vld [tilespmem:s6+$0xFFFFFFC0];
	(xrf2) =	vadd.scan.msk.f32 $0xffff, v7  }
0x1b3: {  	v9 =	vmax.f32 v9, v10;
	v7 =	vld [tilespmem:s6+$0xFFFFFFD0];
	(xrf2) =	vadd.scan.msk.f32 $0xffff, v8  }
0x1b4: {  	v9 =	vmul.f32 v9, v3;
	v10 =	vadd.f32 v12, v5;
	v12 =	vld [tilespmem:s11+$0xFFFFFFD0]  }
0x1b5: {  	v8 =	vld [tilespmem:s6+$0xFFFFFFE0]  }
0x1b6: {  	s7 =	simm.s32 $0x1B80;
	(xrf2) =	vadd.scan.msk.f32 $0xffff, v9;
	v9 =	vld [tilespmem:s11+$0xFFFFFFE0]  }
0x1b7: {  	s23 =	simm.s32 $0x5A00;
	v29 =	vld [tilespmem:s7+$0x40];
	v13 =	vmul.f32 $2.000000030e-01, v10  }
0x1b8: {  	v19 =	vld [tilespmem:s23+$0x40];
	v11 =	vadd.f32 v11, v6  }
0x1b9: {  	v10 =	vmax.f32 v10, v13;
	v13 =	vld [tilespmem:s11+$0xFFFFFFF0]  }
0x1ba: {  	v10 =	vmul.f32 v10, v0;
	v14 =	vmul.f32 $2.000000030e-01, v11;
	v12 =	vadd.f32 v12, v7;
	v15, _, _ =	vpop (xrf2)  }
0x1bb: {  	v26 =	vld [tilespmem:s23+$0x20];
	v21 =	vadd.f32 v9, v8;
	v16, _, _ =	vpop (xrf2)  }
0x1bc: {  	v28 =	vld [tilespmem:s23+$0x10];
	(xrf2) =	vadd.scan.msk.f32 $0xffff, v10;
	v10 =	vmax.f32 v11, v14;
	v14 =	vmul.f32 $2.000000030e-01, v12;
	v25, _, _ =	vpop (xrf2)  }
0x1bd: {  	v42 =	vld [tilespmem:s23+$0xFFFFFFB0];
	v19 =	vadd.f32 v19, v29;
	v27 =	vmul.f32 $2.000000030e-01, v21;
	v10 =	vmul.f32 v10, v1;
	v9, _, _ =	vpop (xrf2)  }
0x1be: {  	v11 =	vld [tilespmem:s7+$0x20];
	v13 =	vadd.f32 v13, v17;
	v12 =	vmax.f32 v12, v14;
	v14 =	vbroadcast v9, $0xF  }
0x1bf: {  	v16 =	vbroadcast v16, $0xF;
	v25 =	vbroadcast v25, $0xF;
	v21 =	vmax.f32 v21, v27;
	v9 =	vld [tilespmem:s7+$0x10]  }
0x1c0: {  	v12 =	vmul.f32 v12, v2;
	v30, _, _ =	vpop (xrf2);
	v31 =	vmul.f32 $2.000000030e-01, v13;
	v27 =	vnsel vm0, $0x0, v14;
	v14 =	vld [tilespmem:s7+$0x0]  }
0x1c1: {  	v21 =	vmul.f32 v21, v3;
	(xrf2) =	vadd.scan.msk.f32 $0xffff, v10;
	v25 =	vsel vm1, v27, v25;
	v27 =	vbroadcast v30, $0xF;
	v30 =	vld [tilespmem:s23+$0x0]  }
0x1c2: {  	v15 =	vbroadcast v15, $0xF;
	v10 =	vld [tilespmem:s7+$0xFFFFFFB0];
	v13 =	vmax.f32 v13, v31;
	(xrf2) =	vadd.scan.msk.f32 $0xffff, v12;
	v16 =	vsel vm2, v25, v16  }
0x1c3: {  	v13 =	vmul.f32 v13, v4;
	(xrf2) =	vadd.scan.msk.f32 $0xffff, v21;
	v21 =	vmul.f32 $2.000000030e-01, v19;
	v12 =	vsel vm3, v16, v27;
	v16 =	vld [tilespmem:s7+$0x30]  }
0x1c4: {  	v25 =	vadd.f32 v26, v11;
	v27 =	vadd.f32 v28, v9;
	v28 =	vld [tilespmem:s23+$0x30];
	v12 =	vsel vm4, v12, v15  }
0x1c5: {  	(xrf2) =	vadd.scan.msk.f32 $0xffff, v13;
	v13 =	vmax.f32 v19, v21;
	v21 =	vld [tilespmem:s23+$0xFFFFFFC0];
	v26 =	vmul.f32 $1.442695020e+00, v12  }
0x1c6: {  	v31 =	vmul.f32 $2.000000030e-01, v25;
	v12 =	vld [tilespmem:s7+$0xFFFFFFC0];
	v30 =	vadd.f32 v30, v14  }
0x1c7: {  	v19 =	vmul.f32 $2.000000030e-01, v27;
	(erf) = vpow2.f32 v26  }
0x1c8: {  	v43 =	vld [tilespmem:s23+$0xFFFFFFD0];
	v25 =	vmax.f32 v25, v31;
	v26 =	vmul.f32 v13, v4;
	v31 =	vmul.f32 $2.000000030e-01, v30  }
0x1c9: {  	v46 =	vld [tilespmem:s23+$0xFFFFFFF0];
	v32 =	vadd.f32 v42, v10;
	v15, _, _ =	vpop (xrf2);
	v25 =	vmul.f32 v25, v2;
	v27 =	vmax.f32 v27, v19  }
0x1ca: {  	v15 =	vbroadcast v15, $0xF;
	v13 =	vld [tilespmem:s7+$0xFFFFFFD0];
	(xrf2) =	vadd.scan.msk.f32 $0xffff, v26;
	v26 =	vmul.f32 v27, v1;
	v27 =	vadd.f32 v28, v16  }
0x1cb: {  	v19 =	vld [tilespmem:s7+$0xFFFFFFE0];
	v28 =	vmax.f32 v30, v31;
	v30 =	vmul.f32 $2.000000030e-01, v32;
	(xrf2) =	vadd.scan.msk.f32 $0xffff, v25;
	v21 =	vadd.f32 v21, v12  }
0x1cc: {  	v44 =	vnsel vm0, $0x0, v15;
	v15 =	vld [tilespmem:s7+$0xFFFFFFF0];
	v28 =	vmul.f32 v28, v0;
	v31, _, _ =	vpop (xrf2);
	(xrf2) =	vadd.scan.msk.f32 $0xffff, v26;
	v26 =	vmul.f32 $2.000000030e-01, v27  }
0x1cd: {  	v25 =	vld [tilespmem:s23+$0xFFFFFFE0];
	v30 =	vmax.f32 v32, v30;
	v47 =	vmul.f32 $2.000000030e-01, v21;
	v31 =	vbroadcast v31, $0xF;
	v45, _, _ =	vpop (xrf2)  }
0x1ce: {  	(xrf2) =	vadd.scan.msk.f32 $0xffff, v28;
	v28 =	vmul.f32 v30, v0;
	v30 =	vbroadcast v45, $0xF;
	v26 =	vmax.f32 v27, v26  }
0x1cf: {  	v27, _, _ =	vpop (xrf2);
	v21 =	vmax.f32 v21, v47;
	v31 =	vsel vm1, v44, v31;
	v26 =	vmul.f32 v26, v3  }
0x1d0: {  	v27 =	vbroadcast v27, $0xF;
	v30 =	vsel vm2, v31, v30;
	v31 =	vadd.f32 v43, v13;
	v35 =	vpop (erf)  }
0x1d1: {  	v32 =	vadd.f32 v46, v15;
	v48, _, _ =	vpop (xrf2);
	v51 =	vmul.f32 v21, v1;
	v49 =	vbroadcast v35, $0x4  }
0x1d2: {  	s23 =	simm.s32 $0x5AA0;
	v25 =	vadd.f32 v25, v19;
	(xrf2) =	vadd.scan.msk.f32 $0xffff, v26;
	v26 =	vbroadcast v48, $0xF;
	v50 =	vmul.f32 $2.000000030e-01, v31  }
0x1d3: {  	v53 =	vld [tilespmem:s23+$0x40];
	v59 =	vbroadcast v35, $0x3;
	v36 =	vmul.f32 v49, v18  }
0x1d4: {  	v57 =	vld [tilespmem:s23+$0x20];
	v18 =	vmul.f32 $2.000000030e-01, v25;
	v21 =	vmax.f32 v31, v50;
	v31 =	vmul.f32 $2.000000030e-01, v32  }
0x1d5: {  	v60 =	vld [tilespmem:s23+$0xFFFFFFB0];
	v27 =	vsel vm3, v30, v27;
	v52 =	vbroadcast v35, $0x0  }
0x1d6: {  	s11 =	simm.s32 $0x1C20;
	v63 =	vld [tilespmem:s23+$0x0];
	v30, _, _ =	vpop (xrf2);
	v26 =	vsel vm4, v27, v26;
	v40 =	vmul.f32 v59, v24;
	v18 =	vmax.f32 v25, v18  }
0x1d7: {  	(xrf2) =	vadd.scan.msk.f32 $0xffff, v28;
	v24 =	vld [tilespmem:s11+$0xFFFFFFC0];
	v28, _, _ =	vpop (xrf2);
	v25 =	vmul.f32 v18, v3;
	v18 =	vmul.f32 $1.442695020e+00, v26  }
0x1d8: {  	v42 =	vmul.f32 v52, v22;
	v52 =	vld [tilespmem:s23+$0xFFFFFFC0];
	v27 =	vmul.f32 v21, v2;
	v26 =	vmax.f32 v32, v31;
	v31, _, _ =	vpop (xrf2)  }
0x1d9: {  	v56 =	vbroadcast v35, $0x1;
	v21 =	vld [tilespmem:s11+$0x40];
	(erf) = vpow2.f32 v18;
	(xrf2) =	vadd.scan.msk.f32 $0xffff, v51;
	v54, _, _ =	vpop (xrf2)  }
0x1da: {  	v58 =	vbroadcast v35, $0x2;
	v18 =	vld [tilespmem:s11+$0x20];
	(xrf2) =	vadd.scan.msk.f32 $0xffff, v27;
	v55 =	vbroadcast v54, $0xF  }
0x1db: {  	v37 =	vmul.f32 v56, v20;
	v31 =	vbroadcast v31, $0xF;
	(xrf2) =	vadd.scan.msk.f32 $0xffff, v25;
	v25 =	vld [tilespmem:s11+$0x0]  }
0x1dc: {  	v22 =	vld [tilespmem:s11+$0xFFFFFFB0];
	v39 =	vmul.f32 v58, v23;
	v27 =	vbroadcast v28, $0xF;
	v28, _, _ =	vpop (xrf2);
	v34 =	vnsel vm0, $0x0, v55  }
0x1dd: {  	v30 =	vbroadcast v30, $0xF;
	v28 =	vbroadcast v28, $0xF;
	v31 =	vsel vm1, v34, v31  }
0x1de: {  	v20 =	vld [tilespmem:s11+$0x10];
	v26 =	vmul.f32 v26, v4;
	v61 =	vadd.f32 v53, v21;
	v27 =	vsel vm2, v31, v27  }
0x1df: {  	v50 =	vadd.f32 v52, v24;
	v62 =	vadd.f32 v57, v18;
	v31 =	vld [tilespmem:s23+$0x10];
	v23 =	vsel vm3, v27, v28  }
0x1e0: {  	v28 =	vmul.f32 $2.000000030e-01, v61;
	v34 =	vadd.f32 v63, v25;
	v23 =	vsel vm4, v23, v30  }
0x1e1: {  	v30 =	vmul.f32 $2.000000030e-01, v62;
	v27, _, _ =	vpop (xrf2);
	v23 =	vmul.f32 $1.442695020e+00, v23;
	(xrf2) =	vadd.scan.msk.f32 $0xffff, v26;
	v26 =	vadd.f32 v60, v22  }
0x1e2: {  	v28 =	vmax.f32 v61, v28;
	v38 =	vpop (erf);
	v60 =	vmul.f32 $2.000000030e-01, v34;
	v27 =	vbroadcast v27, $0xF  }
0x1e3: {  	v46 =	vld [tilespmem:s23+$0x30];
	v53 =	vmul.f32 v28, v4;
	v33 =	vmax.f32 v62, v30;
	v30 =	vbroadcast v38, $0x1  }
0x1e4: {  	v62 =	vmul.f32 $2.000000030e-01, v50;
	(erf) = vpow2.f32 v23;
	v23 =	vld [tilespmem:s11+$0x30];
	v55 =	vadd.f32 v31, v20  }
0x1e5: {  	v49 =	vld [tilespmem:s23+$0xFFFFFFD0];
	v54 =	vmul.f32 $2.000000030e-01, v26;
	v31 =	vbroadcast v38, $0x0  }
0x1e6: {  	v59 =	vld [tilespmem:s23+$0xFFFFFFE0];
	v33 =	vmul.f32 v33, v2;
	v34 =	vmax.f32 v34, v60;
	v28, _, _ =	vpop (xrf2);
	(xrf2) =	vadd.scan.msk.f32 $0xffff, v53;
	v57 =	vmul.f32 $2.000000030e-01, v55  }
0x1e7: {  	v27 =	vnsel vm0, $0x0, v27;
	v56 =	vbroadcast v28, $0xF;
	v28 =	vld [tilespmem:s11+$0xFFFFFFD0];
	v26 =	vmax.f32 v26, v54  }
0x1e8: {  	s25 =	simm.s32 $0x83A0;
	v47, _, _ =	vpop (xrf2);
	(xrf2) =	vadd.scan.msk.f32 $0xffff, v33;
	v33 =	vbroadcast v38, $0x2;
	v48 =	vmul.f32 v26, v0;
	v26 =	vld [tilespmem:s11+$0xFFFFFFE0];
	v58 =	vmax.f32 v55, v57  }
0x1e9: {  	[tilespmem:s25+$0x0] =	vst v35;
	v47 =	vbroadcast v47, $0xF;
	v61, _, _ =	vpop (xrf2);
	v32 =	vmul.f32 v58, v1;
	v46 =	vadd.f32 v46, v23  }
0x1ea: {  	[tilespmem:s6+$0x40] =	vst v36;
	v51 =	vld [tilespmem:s23+$0xFFFFFFF0];
	v54 =	vmul.f32 v34, v0;
	v27 =	vsel vm1, v27, v56;
	v41 =	vbroadcast v61, $0xF  }
0x1eb: {  	v45 =	vsel vm2, v27, v47;
	v27 =	vld [tilespmem:s11+$0xFFFFFFF0];
	v47 =	vmax.f32 v50, v62;
	(xrf2) =	vadd.scan.msk.f32 $0xffff, v32;
	v52 =	vmul.f32 $2.000000030e-01, v46  }
0x1ec: {  	[tilespmem:s6+$0x0] =	vst v42;
	v44 =	vmul.f32 v47, v1;
	v32 =	vbroadcast v38, $0x3;
	v49 =	vadd.f32 v49, v28;
	v63, _, _ =	vpop (xrf2)  }
0x1ed: {  	v43 =	vadd.f32 v59, v26;
	(xrf2) =	vadd.scan.msk.f32 $0xffff, v54;
	v55 =	vbroadcast v63, $0xF;
	v56 =	vmax.f32 v46, v52  }
0x1ee: {  	[tilespmem:s6+$0x10] =	vst v37;
	v34 =	vpop (erf);
	v58 =	vmul.f32 $2.000000030e-01, v49;
	v36 =	vmul.f32 v56, v3  }
0x1ef: {  	[tilespmem:s6+$0x20] =	vst v39;
	v41 =	vsel vm3, v45, v41;
	v57 =	vbroadcast v34, $0x4;
	v59 =	vmul.f32 $2.000000030e-01, v43  }
0x1f0: {  	v60 =	vadd.f32 v51, v27;
	v39 =	vbroadcast v34, $0x0;
	v42 =	vmax.f32 v49, v58;
	v35, _, _ =	vpop (xrf2);
	(xrf2) =	vadd.scan.msk.f32 $0xffff, v36  }
0x1f1: {  	[tilespmem:s6+$0x30] =	vst v40;
	v41 =	vsel vm4, v41, v55;
	v29 =	vmul.f32 v57, v29;
	v42 =	vmul.f32 v42, v2  }
0x1f2: {  	[tilespmem:s25+$0xFFFFFFF0] =	vst v38;
	v61 =	vmul.f32 $2.000000030e-01, v60;
	v62 =	vmul.f32 $1.442695020e+00, v41  }
0x1f3: {  	s25 =	simm.s32 $0x83C0;
	v37 =	vmax.f32 v43, v59;
	v41 =	vbroadcast v38, $0x4;
	v43, _, _ =	vpop (xrf2);
	v38 =	vbroadcast v34, $0x1;
	(xrf2) =	vadd.scan.msk.f32 $0xffff, v48  }
0x1f4: {  	[tilespmem:s25+$0x0] =	vst v34;
	v36 =	vbroadcast v34, $0x2;
	v40 =	vmul.f32 v37, v3;
	v63 =	vmax.f32 v60, v61  }
0x1f5: {  	s30 =	simm.s32 $0x4;
	s0 =	simm.s32 $0x1CC0;
	[tilespmem:s7+$0x40] =	vst v29;
	(erf) = vpow2.f32 v62;
	v37 =	vmul.f32 v63, v4;
	v45, _, _ =	vpop (xrf2)  }
.LBB2_7:
0x1f6: {  	v29 =	vld [tilespmem:s0+$0x40];
	s23 =	sadd.s32 $0xA0, s23;
	(xrf2) =	vadd.scan.msk.f32 $0xffff, v44;
	v34 =	vbroadcast v34, $0x3;
	v31 =	vmul.f32 v31, v5;
	v5 =	vmovc v10;
	v10 =	vmov v22  }
0x1f7: {  	v30 =	vmul.f32 v30, v6;
	v33 =	vmul.f32 v33, v7;
	v6 =	vmov v12;
	v44 =	vld [tilespmem:s23+$0x40];
	v22, _, _ =	vpop (xrf2)  }
0x1f8: {  	v12 =	vmovc v24;
	v7 =	vmovc v13;
	v13 =	vmov v28;
	v46 =	vld [tilespmem:s0+$0x20];
	v22 =	vbroadcast v22, $0xF;
	[tilespmem:s6+$0xFFFFFFB0] =	vst v31;
	v31 =	vmul.f32 v32, v8  }
0x1f9: {  	v24 =	vbroadcast v45, $0xF;
	v17 =	vmul.f32 v41, v17;
	v8 =	vmovc v19;
	v28 =	vld [tilespmem:s23+$0x20];
	(xrf2) =	vadd.scan.msk.f32 $0xffff, v42;
	[tilespmem:s6+$0xFFFFFFC0] =	vst v30  }
0x1fa: {  	v43 =	vbroadcast v43, $0xF;
	v39 =	vmul.f32 v39, v14;
	v19 =	vld [tilespmem:s23+$0xFFFFFFB0];
	v30 =	vnsel vm0, $0x0, v22;
	v41, _, _ =	vpop (xrf2);
	[tilespmem:s6+$0xFFFFFFD0] =	vst v33  }
0x1fb: {  	v22 =	vld [tilespmem:s0+$0xFFFFFFB0];
	v42 =	vsel vm1, v30, v24;
	v24 =	vbroadcast v41, $0xF;
	v30 =	vmul.f32 v38, v9;
	[tilespmem:s6+$0xFFFFFFE0] =	vst v31;
	v9 =	vmovc v20  }
0x1fc: {  	v14 =	vmovc v25;
	v33 =	vbroadcast v35, $0xF;
	v20 =	vld [tilespmem:s0+$0x10];
	v31 =	vadd.f32 v44, v29;
	v41 =	vsel vm2, v42, v43;
	(xrf2) =	vadd.scan.msk.f32 $0xffff, v40  }
0x1fd: {  	v36 =	vmul.f32 v36, v11;
	v34 =	vmul.f32 v34, v16;
	v35 =	vld [tilespmem:s23+$0x10];
	v25 =	vsel vm3, v41, v24;
	v32, _, _ =	vpop (xrf2);
	[tilespmem:s6+$0xFFFFFFF0] =	vst v17;
	s6 =	smov.u32 s7;
	s7 =	smov.u32 s11;
	s11 =	smov.u32 s0  }
0x1fe: {  	v24 =	vld [tilespmem:s0+$0xFFFFFFC0];
	v28 =	vadd.f32 v28, v46;
	v17 =	vmul.f32 $2.000000030e-01, v31;
	v33 =	vsel vm4, v25, v33;
	[tilespmem:s6+$0x0] =	vst v39;
	v38 =	vpop (erf)  }
0x1ff: {  	v11 =	vmovc v18;
	v42 =	vbroadcast v32, $0xF;
	v25 =	vld [tilespmem:s0+$0x0];
	v32 =	vmul.f32 $1.442695020e+00, v33;
	(xrf2) =	vadd.scan.msk.f32 $0xffff, v37;
	[tilespmem:s25+$0xFFFFFFF0] =	vst v38  }
0x200: {  	s30 =	sadd.s32 $0x2, s30;
	v33 =	vadd.f32 v19, v22;
	v37 =	vld [tilespmem:s23+$0x0];
	v39 =	vmul.f32 $2.000000030e-01, v28;
	v31 =	vmax.f32 v31, v17;
	v19, _, _ =	vpop (xrf2);
	[tilespmem:s6+$0x10] =	vst v30  }
0x201: {  	p0 =	slt.u32 s30, $0x26;
	v16 =	vmovc v23;
	v18 =	vmovc v46;
	v41 =	vnsel vm0, $0x0, v42;
	v40 =	vld [tilespmem:s23+$0xFFFFFFC0];
	v30 =	vmul.f32 v31, v4;
	(erf) = vpow2.f32 v32;
	[tilespmem:s6+$0x20] =	vst v36  }
0x202: {  	v36 =	vbroadcast v19, $0xF;
	v19 =	vmovc v26;
	v32 =	vmul.f32 $2.000000030e-01, v33;
	v23 =	vld [tilespmem:s0+$0x30];
	v35 =	vadd.f32 v35, v20;
	[tilespmem:s6+$0x30] =	vst v34;
	v17 =	vmovc v15  }
0x203: {  	v31 =	vbroadcast v38, $0x0;
	v42 =	vmax.f32 v28, v39;
	v34 =	vld [tilespmem:s23+$0x30];
	(xrf2) =	vadd.scan.msk.f32 $0xffff, v30;
	v26, _, _ =	vpop (xrf2);
	v30 =	vbroadcast v38, $0x1  }
0x204: {  	v15 =	vmovc v27;
	v39 =	vmul.f32 v42, v2;
	v28 =	vld [tilespmem:s0+$0xFFFFFFD0];
	v32 =	vmax.f32 v33, v32;
	v33 =	vmul.f32 $2.000000030e-01, v35  }
0x205: {  	v27 =	vbroadcast v26, $0xF;
	v45 =	vmul.f32 v32, v0;
	v42 =	vld [tilespmem:s23+$0xFFFFFFD0];
	v32 =	vadd.f32 v37, v25  }
0x206: {  	v26 =	vld [tilespmem:s0+$0xFFFFFFE0];
	v37 =	vadd.f32 v40, v24;
	v33 =	vmax.f32 v35, v33;
	(xrf2) =	vadd.scan.msk.f32 $0xffff, v39;
	v35 =	vsel vm1, v41, v36;
	v36, _, _ =	vpop (xrf2)  }
0x207: {  	v39 =	vld [tilespmem:s23+$0xFFFFFFE0];
	v44 =	vmul.f32 $2.000000030e-01, v32;
	v33 =	vmul.f32 v33, v1;
	v41 =	vsel vm2, v35, v27  }
0x208: {  	v36 =	vbroadcast v36, $0xF;
	v27 =	vld [tilespmem:s0+$0xFFFFFFF0];
	v35 =	vmul.f32 $2.000000030e-01, v37;
	v43 =	vadd.f32 v34, v23  }
0x209: {  	v46 =	vld [tilespmem:s23+$0xFFFFFFF0];
	v48 =	vmax.f32 v32, v44;
	(xrf2) =	vadd.scan.msk.f32 $0xffff, v33;
	v40, _, _ =	vpop (xrf2);
	v33 =	vbroadcast v38, $0x2;
	v32 =	vbroadcast v38, $0x3  }
0x20a: {  	v42 =	vadd.f32 v42, v28;
	v44 =	vmul.f32 v48, v0;
	v47 =	vmul.f32 $2.000000030e-01, v43;
	v34 =	vpop (erf)  }
0x20b: {  	v37 =	vmax.f32 v37, v35;
	v40 =	vbroadcast v40, $0xF;
	v48 =	vbroadcast v34, $0x4  }
0x20c: {  	v49 =	vmul.f32 $2.000000030e-01, v42;
	v39 =	vadd.f32 v39, v26;
	v47 =	vmax.f32 v43, v47;
	(xrf2) =	vadd.scan.msk.f32 $0xffff, v44  }
0x20d: {  	s25 =	sadd.s32 $0x20, s25;
	v36 =	vsel vm3, v41, v36;
	v47 =	vmul.f32 v47, v3;
	v35, _, _ =	vpop (xrf2);
	v41 =	vmul.f32 v48, v21  }
0x20e: {  	v44 =	vmul.f32 v37, v1;
	v21 =	vmovc v29;
	v37 =	vmul.f32 $2.000000030e-01, v39;
	v46 =	vadd.f32 v46, v27;
	[tilespmem:s25+$0x0] =	vst v34  }
0x20f: {  	v36 =	vsel vm4, v36, v40;
	v29 =	vmax.f32 v42, v49;
	(xrf2) =	vadd.scan.msk.f32 $0xffff, v47;
	[tilespmem:s7+$0x40] =	vst v41  }
.Ltmp2:
0x210: {  	v42 =	vmul.f32 v29, v2;
	v29 =	vmax.f32 v39, v37;
	v37 =	vmul.f32 $2.000000030e-01, v46;
	v43, _, _ =	vpop (xrf2);
	(pc) =	sbr.rel @p0 .LBB2_7-.Ltmp2, $4  }
0x211: {  	v40 =	vmul.f32 v29, v3;
	v29 =	vmul.f32 $1.442695020e+00, v36  }
0x212: {  	v41 =	vbroadcast v38, $0x4;
	v39 =	vbroadcast v34, $0x0;
	v36 =	vmax.f32 v46, v37;
	(xrf2) =	vadd.scan.msk.f32 $0xffff, v45  }
0x213: {  	v38 =	vbroadcast v34, $0x1;
	v37 =	vmul.f32 v36, v4;
	v45, _, _ =	vpop (xrf2)  }
0x214: {  	s0 =	sadd.s32 $0xA0, s0;
	v36 =	vbroadcast v34, $0x2;
	(erf) = vpow2.f32 v29  }
0x215: {  	_ = 	snop  }
0x216: {  	v29, _, _ =	vpop (xrf2)  }
0x217: {  	v29 =	vbroadcast v29, $0xF  }
0x218: {  	v61 =	vbroadcast v45, $0xF  }
0x219: {  	v62 =	vbroadcast v43, $0xF;
	(xrf2) =	vadd.scan.msk.f32 $0xffff, v44;
	v29 =	vnsel vm0, $0x0, v29;
	v63, _, _ =	vpop (xrf2)  }
0x21a: {  	(xrf2) =	vadd.scan.msk.f32 $0xffff, v42;
	v29 =	vsel vm1, v29, v61;
	v43 =	vbroadcast v63, $0xF  }
0x21b: {  	v35 =	vbroadcast v35, $0xF;
	(xrf2) =	vadd.scan.msk.f32 $0xffff, v40;
	v29 =	vsel vm2, v29, v62  }
0x21c: {  	v29 =	vsel vm3, v29, v43  }
0x21d: {  	(xrf2) =	vadd.scan.msk.f32 $0xffff, v37;
	v29 =	vsel vm4, v29, v35  }
0x21e: {  	v29 =	vmul.f32 $1.442695020e+00, v29;
	_ =	sdelay $0x2  }
0x21f: {  	v5 =	vmul.f32 v31, v5  }
0x220: {  	v6 =	vmul.f32 v30, v6;
	(erf) = vpow2.f32 v29;
	v29, _, _ =	vpop (xrf2)  }
0x221: {  	v7 =	vmul.f32 v33, v7;
	v29 =	vbroadcast v29, $0xF;
	v30, _, _ =	vpop (xrf2)  }
0x222: {  	[tilespmem:s6+$0xFFFFFFB0] =	vst v5;
	v5 =	vbroadcast v30, $0xF;
	v30, _, _ =	vpop (xrf2)  }
0x223: {  	[tilespmem:s6+$0xFFFFFFC0] =	vst v6;
	v6 =	vnsel vm0, $0x0, v29;
	v29 =	vbroadcast v30, $0xF;
	v30, _, _ =	vpop (xrf2)  }
0x224: {  	v8 =	vmul.f32 v32, v8;
	v5 =	vsel vm1, v6, v5;
	v6 =	vbroadcast v30, $0xF  }
0x225: {  	v17 =	vmul.f32 v41, v17;
	[tilespmem:s6+$0xFFFFFFD0] =	vst v7;
	v7, _, _ =	vpop (xrf2)  }
0x226: {  	v14 =	vmul.f32 v39, v14;
	[tilespmem:s6+$0xFFFFFFE0] =	vst v8;
	v5 =	vsel vm2, v5, v29;
	v7 =	vbroadcast v7, $0xF  }
0x227: {  	v9 =	vmul.f32 v38, v9;
	[tilespmem:s6+$0xFFFFFFF0] =	vst v17;
	v8 =	vbroadcast v34, $0x3;
	v5 =	vsel vm3, v5, v6  }
0x228: {  	[tilespmem:s7+$0x0] =	vst v14;
	v5 =	vsel vm4, v5, v7;
	v7 =	vmul.f32 v36, v11;
	v6 =	vpop (erf)  }
0x229: {  	[tilespmem:s7+$0x10] =	vst v9;
	v8 =	vmul.f32 v8, v16;
	v5 =	vmul.f32 $1.442695020e+00, v5;
	v11 =	vpop (erf)  }
0x22a: {  	[tilespmem:s7+$0x20] =	vst v7;
	v7 =	vbroadcast v6, $0x0;
	v9 =	vbroadcast v11, $0x4  }
0x22b: {  	[tilespmem:s7+$0x30] =	vst v8;
	(erf) = vpow2.f32 v5;
	v5 =	vbroadcast v6, $0x1  }
0x22c: {  	s0 =	sadd.s32 $0x20, s25;
	[tilespmem:s25+$0xFFFFFFF0] =	vst v6;
	v7 =	vmul.f32 v7, v10;
	v10 =	vbroadcast v6, $0x3  }
0x22d: {  	[tilespmem:s0+$0x0] =	vst v11;
	v8 =	vmul.f32 v9, v21;
	v9 =	vbroadcast v6, $0x2  }
0x22e: {  	v5 =	vmul.f32 v5, v12;
	[tilespmem:s7+$0xFFFFFFB0] =	vst v7;
	v7 =	vbroadcast v11, $0x0  }
0x22f: {  	v6 =	vbroadcast v6, $0x4;
	[tilespmem:s11+$0x40] =	vst v8;
	v8 =	vmul.f32 v9, v13  }
0x230: {  	v9 =	vmul.f32 v10, v19;
	[tilespmem:s7+$0xFFFFFFC0] =	vst v5;
	v7 =	vmul.f32 v7, v25  }
0x231: {  	v5 =	vmul.f32 v6, v15;
	v6 =	vbroadcast v11, $0x1;
	[tilespmem:s7+$0xFFFFFFD0] =	vst v8  }
0x232: {  	[tilespmem:s7+$0xFFFFFFE0] =	vst v9  }
0x233: {  	v8 =	vbroadcast v11, $0x2;
	[tilespmem:s7+$0xFFFFFFF0] =	vst v5;
	v6 =	vmul.f32 v6, v20  }
0x234: {  	v5 =	vbroadcast v11, $0x3;
	[tilespmem:s11+$0x0] =	vst v7;
	v7 =	vpop (erf)  }
0x235: {  	v8 =	vmul.f32 v8, v18;
	[tilespmem:s11+$0x10] =	vst v6;
	v9 =	vbroadcast v7, $0x0  }
0x236: {  	v5 =	vmul.f32 v5, v23;
	[tilespmem:s0+$0xFFFFFFF0] =	vst v7;
	v6 =	vbroadcast v7, $0x1  }
0x237: {  	[tilespmem:s11+$0x20] =	vst v8;
	v8 =	vbroadcast v7, $0x2;
	v9 =	vmul.f32 v9, v22  }
0x238: {  	[tilespmem:s11+$0x30] =	vst v5;
	v5 =	vbroadcast v7, $0x3;
	v6 =	vmul.f32 v6, v24  }
0x239: {  	v7 =	vbroadcast v7, $0x4;
	v8 =	vmul.f32 v8, v28;
	[tilespmem:s11+$0xFFFFFFB0] =	vst v9  }
0x23a: {  	v5 =	vmul.f32 v5, v26;
	[tilespmem:s11+$0xFFFFFFC0] =	vst v6  }
0x23b: {  	v6 =	vmul.f32 v7, v27;
	[tilespmem:s11+$0xFFFFFFD0] =	vst v8  }
0x23c: {  	[tilespmem:s11+$0xFFFFFFE0] =	vst v5  }
0x23d: {  	s6 =	simm.s32 $0x1A90;
	[tilespmem:s11+$0xFFFFFFF0] =	vst v6  }
0x23e: {  	[spmem:s3] =	stream.indirect.scatter.add.f32 [tilespmem:s6], [sflag:$0x3], $0x50, s31, s22, $0xb8;
	[tilespmem:$0x17B60] =	vst v63  }
0x23f: {  	s7 =	simm.s32 $0x8390  }
0x240: {  	[spmem:s4] =	stream.indirect.scatter.add.f32 [tilespmem:s7], [sflag:$0x8], $0x10, s31, s22, $0xb8;
	[tilespmem:$0x17B60] =	vst v63  }
0x241: {  	_ =	swait.ge [sflag:s2], $0xC80  }
0x242: {  	[sflag:s2] =	ssyncset.done $0x0  }
0x243: {  	[sflag:s2] =	ssyncadd.s32 $0xFFFFF380  }
0x244: {  	_ =	swait.ge [sflag:s2], $0xC80  }
0x245: {  	[sflag:s2] =	ssyncset.done $0x0  }
0x246: {  	s6 =	simm.s32 $0x2760;
	[sflag:s2] =	ssyncadd.s32 $0xFFFFF380  }
0x247: {  	s11 =	simm.s32 $0x65E0;
	v18 =	vld [tilespmem:s6+$0x40]  }
0x248: {  	v5 =	vld [tilespmem:s11+$0x40]  }
0x249: {  	v23 =	vld [tilespmem:s6+$0x20]  }
0x24a: {  	v6 =	vld [tilespmem:s11+$0x20]  }
0x24b: {  	v20 =	vld [tilespmem:s6+$0x10]  }
0x24c: {  	v7 =	vld [tilespmem:s11+$0x10]  }
0x24d: {  	v22 =	vld [tilespmem:s6+$0x0]  }
0x24e: {  	v8 =	vld [tilespmem:s11+$0x0];
	_ =	sdelay $0x1  }
0x24f: {  	v24 =	vld [tilespmem:s6+$0x30];
	v5 =	vadd.f32 v5, v18  }
0x250: {  	v9 =	vld [tilespmem:s11+$0x30];
	v6 =	vadd.f32 v6, v23  }
0x251: {  	v7 =	vadd.f32 v7, v20;
	v10 =	vmul.f32 $2.000000030e-01, v5  }
0x252: {  	v8 =	vadd.f32 v8, v22;
	v11 =	vmul.f32 $2.000000030e-01, v6  }
0x253: {  	v5 =	vmax.f32 v5, v10;
	v10 =	vmul.f32 $2.000000030e-01, v7  }
0x254: {  	v12 =	vld [tilespmem:s11+$0xFFFFFFB0];
	v6 =	vmax.f32 v6, v11;
	v11 =	vmul.f32 $2.000000030e-01, v8;
	v13 =	vmul.f32 v5, v4  }
0x255: {  	v9 =	vadd.f32 v9, v24;
	v5 =	vld [tilespmem:s6+$0xFFFFFFB0];
	v6 =	vmul.f32 v6, v2;
	v7 =	vmax.f32 v7, v10  }
0x256: {  	v17 =	vld [tilespmem:s6+$0xFFFFFFF0];
	v8 =	vmax.f32 v8, v11;
	(xrf2) =	vadd.scan.msk.f32 $0xffff, v13;
	v7 =	vmul.f32 v7, v1  }
0x257: {  	v10 =	vmul.f32 $2.000000030e-01, v9;
	v11 =	vld [tilespmem:s11+$0xFFFFFFC0];
	v8 =	vmul.f32 v8, v0;
	(xrf2) =	vadd.scan.msk.f32 $0xffff, v6  }
0x258: {  	v6 =	vld [tilespmem:s6+$0xFFFFFFC0];
	(xrf2) =	vadd.scan.msk.f32 $0xffff, v7  }
0x259: {  	v9 =	vmax.f32 v9, v10;
	v7 =	vld [tilespmem:s6+$0xFFFFFFD0];
	(xrf2) =	vadd.scan.msk.f32 $0xffff, v8  }
0x25a: {  	v9 =	vmul.f32 v9, v3;
	v10 =	vadd.f32 v12, v5;
	v12 =	vld [tilespmem:s11+$0xFFFFFFD0]  }
0x25b: {  	v8 =	vld [tilespmem:s6+$0xFFFFFFE0]  }
0x25c: {  	s7 =	simm.s32 $0x2800;
	(xrf2) =	vadd.scan.msk.f32 $0xffff, v9;
	v9 =	vld [tilespmem:s11+$0xFFFFFFE0]  }
0x25d: {  	s23 =	simm.s32 $0x6680;
	v29 =	vld [tilespmem:s7+$0x40];
	v13 =	vmul.f32 $2.000000030e-01, v10  }
0x25e: {  	v19 =	vld [tilespmem:s23+$0x40];
	v11 =	vadd.f32 v11, v6  }
0x25f: {  	v10 =	vmax.f32 v10, v13;
	v13 =	vld [tilespmem:s11+$0xFFFFFFF0]  }
0x260: {  	v10 =	vmul.f32 v10, v0;
	v14 =	vmul.f32 $2.000000030e-01, v11;
	v12 =	vadd.f32 v12, v7;
	v15, _, _ =	vpop (xrf2)  }
0x261: {  	v26 =	vld [tilespmem:s23+$0x20];
	v21 =	vadd.f32 v9, v8;
	v16, _, _ =	vpop (xrf2)  }
0x262: {  	v28 =	vld [tilespmem:s23+$0x10];
	(xrf2) =	vadd.scan.msk.f32 $0xffff, v10;
	v10 =	vmax.f32 v11, v14;
	v14 =	vmul.f32 $2.000000030e-01, v12;
	v25, _, _ =	vpop (xrf2)  }
0x263: {  	v42 =	vld [tilespmem:s23+$0xFFFFFFB0];
	v19 =	vadd.f32 v19, v29;
	v27 =	vmul.f32 $2.000000030e-01, v21;
	v10 =	vmul.f32 v10, v1;
	v9, _, _ =	vpop (xrf2)  }
0x264: {  	v11 =	vld [tilespmem:s7+$0x20];
	v13 =	vadd.f32 v13, v17;
	v12 =	vmax.f32 v12, v14;
	v14 =	vbroadcast v9, $0xF  }
0x265: {  	v16 =	vbroadcast v16, $0xF;
	v25 =	vbroadcast v25, $0xF;
	v21 =	vmax.f32 v21, v27;
	v9 =	vld [tilespmem:s7+$0x10]  }
0x266: {  	v12 =	vmul.f32 v12, v2;
	v30, _, _ =	vpop (xrf2);
	v31 =	vmul.f32 $2.000000030e-01, v13;
	v27 =	vnsel vm0, $0x0, v14;
	v14 =	vld [tilespmem:s7+$0x0]  }
0x267: {  	v21 =	vmul.f32 v21, v3;
	(xrf2) =	vadd.scan.msk.f32 $0xffff, v10;
	v25 =	vsel vm1, v27, v25;
	v27 =	vbroadcast v30, $0xF;
	v30 =	vld [tilespmem:s23+$0x0]  }
0x268: {  	v15 =	vbroadcast v15, $0xF;
	v10 =	vld [tilespmem:s7+$0xFFFFFFB0];
	v13 =	vmax.f32 v13, v31;
	(xrf2) =	vadd.scan.msk.f32 $0xffff, v12;
	v16 =	vsel vm2, v25, v16  }
0x269: {  	v13 =	vmul.f32 v13, v4;
	(xrf2) =	vadd.scan.msk.f32 $0xffff, v21;
	v21 =	vmul.f32 $2.000000030e-01, v19;
	v12 =	vsel vm3, v16, v27;
	v16 =	vld [tilespmem:s7+$0x30]  }
0x26a: {  	v25 =	vadd.f32 v26, v11;
	v27 =	vadd.f32 v28, v9;
	v28 =	vld [tilespmem:s23+$0x30];
	v12 =	vsel vm4, v12, v15  }
0x26b: {  	(xrf2) =	vadd.scan.msk.f32 $0xffff, v13;
	v13 =	vmax.f32 v19, v21;
	v21 =	vld [tilespmem:s23+$0xFFFFFFC0];
	v26 =	vmul.f32 $1.442695020e+00, v12  }
0x26c: {  	v31 =	vmul.f32 $2.000000030e-01, v25;
	v12 =	vld [tilespmem:s7+$0xFFFFFFC0];
	v30 =	vadd.f32 v30, v14  }
0x26d: {  	v19 =	vmul.f32 $2.000000030e-01, v27;
	(erf) = vpow2.f32 v26  }
0x26e: {  	v43 =	vld [tilespmem:s23+$0xFFFFFFD0];
	v25 =	vmax.f32 v25, v31;
	v26 =	vmul.f32 v13, v4;
	v31 =	vmul.f32 $2.000000030e-01, v30  }
0x26f: {  	v46 =	vld [tilespmem:s23+$0xFFFFFFF0];
	v32 =	vadd.f32 v42, v10;
	v15, _, _ =	vpop (xrf2);
	v25 =	vmul.f32 v25, v2;
	v27 =	vmax.f32 v27, v19  }
0x270: {  	v15 =	vbroadcast v15, $0xF;
	v13 =	vld [tilespmem:s7+$0xFFFFFFD0];
	(xrf2) =	vadd.scan.msk.f32 $0xffff, v26;
	v26 =	vmul.f32 v27, v1;
	v27 =	vadd.f32 v28, v16  }
0x271: {  	v19 =	vld [tilespmem:s7+$0xFFFFFFE0];
	v28 =	vmax.f32 v30, v31;
	v30 =	vmul.f32 $2.000000030e-01, v32;
	(xrf2) =	vadd.scan.msk.f32 $0xffff, v25;
	v21 =	vadd.f32 v21, v12  }
0x272: {  	v44 =	vnsel vm0, $0x0, v15;
	v15 =	vld [tilespmem:s7+$0xFFFFFFF0];
	v28 =	vmul.f32 v28, v0;
	v31, _, _ =	vpop (xrf2);
	(xrf2) =	vadd.scan.msk.f32 $0xffff, v26;
	v26 =	vmul.f32 $2.000000030e-01, v27  }
0x273: {  	v25 =	vld [tilespmem:s23+$0xFFFFFFE0];
	v30 =	vmax.f32 v32, v30;
	v47 =	vmul.f32 $2.000000030e-01, v21;
	v31 =	vbroadcast v31, $0xF;
	v45, _, _ =	vpop (xrf2)  }
0x274: {  	(xrf2) =	vadd.scan.msk.f32 $0xffff, v28;
	v28 =	vmul.f32 v30, v0;
	v30 =	vbroadcast v45, $0xF;
	v26 =	vmax.f32 v27, v26  }
0x275: {  	v27, _, _ =	vpop (xrf2);
	v21 =	vmax.f32 v21, v47;
	v31 =	vsel vm1, v44, v31;
	v26 =	vmul.f32 v26, v3  }
0x276: {  	v27 =	vbroadcast v27, $0xF;
	v30 =	vsel vm2, v31, v30;
	v31 =	vadd.f32 v43, v13;
	v35 =	vpop (erf)  }
0x277: {  	v32 =	vadd.f32 v46, v15;
	v48, _, _ =	vpop (xrf2);
	v51 =	vmul.f32 v21, v1;
	v49 =	vbroadcast v35, $0x4  }
0x278: {  	s23 =	simm.s32 $0x6720;
	v25 =	vadd.f32 v25, v19;
	(xrf2) =	vadd.scan.msk.f32 $0xffff, v26;
	v26 =	vbroadcast v48, $0xF;
	v50 =	vmul.f32 $2.000000030e-01, v31  }
0x279: {  	v53 =	vld [tilespmem:s23+$0x40];
	v59 =	vbroadcast v35, $0x3;
	v36 =	vmul.f32 v49, v18  }
0x27a: {  	v57 =	vld [tilespmem:s23+$0x20];
	v18 =	vmul.f32 $2.000000030e-01, v25;
	v21 =	vmax.f32 v31, v50;
	v31 =	vmul.f32 $2.000000030e-01, v32  }
0x27b: {  	v60 =	vld [tilespmem:s23+$0xFFFFFFB0];
	v27 =	vsel vm3, v30, v27;
	v52 =	vbroadcast v35, $0x0  }
0x27c: {  	s11 =	simm.s32 $0x28A0;
	v63 =	vld [tilespmem:s23+$0x0];
	v30, _, _ =	vpop (xrf2);
	v26 =	vsel vm4, v27, v26;
	v40 =	vmul.f32 v59, v24;
	v18 =	vmax.f32 v25, v18  }
0x27d: {  	(xrf2) =	vadd.scan.msk.f32 $0xffff, v28;
	v24 =	vld [tilespmem:s11+$0xFFFFFFC0];
	v28, _, _ =	vpop (xrf2);
	v25 =	vmul.f32 v18, v3;
	v18 =	vmul.f32 $1.442695020e+00, v26  }
0x27e: {  	v42 =	vmul.f32 v52, v22;
	v52 =	vld [tilespmem:s23+$0xFFFFFFC0];
	v27 =	vmul.f32 v21, v2;
	v26 =	vmax.f32 v32, v31;
	v31, _, _ =	vpop (xrf2)  }
0x27f: {  	v56 =	vbroadcast v35, $0x1;
	v21 =	vld [tilespmem:s11+$0x40];
	(erf) = vpow2.f32 v18;
	(xrf2) =	vadd.scan.msk.f32 $0xffff, v51;
	v54, _, _ =	vpop (xrf2)  }
0x280: {  	v58 =	vbroadcast v35, $0x2;
	v18 =	vld [tilespmem:s11+$0x20];
	(xrf2) =	vadd.scan.msk.f32 $0xffff, v27;
	v55 =	vbroadcast v54, $0xF  }
0x281: {  	v37 =	vmul.f32 v56, v20;
	v31 =	vbroadcast v31, $0xF;
	(xrf2) =	vadd.scan.msk.f32 $0xffff, v25;
	v25 =	vld [tilespmem:s11+$0x0]  }
0x282: {  	v22 =	vld [tilespmem:s11+$0xFFFFFFB0];
	v39 =	vmul.f32 v58, v23;
	v27 =	vbroadcast v28, $0xF;
	v28, _, _ =	vpop (xrf2);
	v34 =	vnsel vm0, $0x0, v55  }
0x283: {  	v30 =	vbroadcast v30, $0xF;
	v28 =	vbroadcast v28, $0xF;
	v31 =	vsel vm1, v34, v31  }
0x284: {  	v20 =	vld [tilespmem:s11+$0x10];
	v26 =	vmul.f32 v26, v4;
	v61 =	vadd.f32 v53, v21;
	v27 =	vsel vm2, v31, v27  }
0x285: {  	v50 =	vadd.f32 v52, v24;
	v62 =	vadd.f32 v57, v18;
	v31 =	vld [tilespmem:s23+$0x10];
	v23 =	vsel vm3, v27, v28  }
0x286: {  	v28 =	vmul.f32 $2.000000030e-01, v61;
	v34 =	vadd.f32 v63, v25;
	v23 =	vsel vm4, v23, v30  }
0x287: {  	v30 =	vmul.f32 $2.000000030e-01, v62;
	v27, _, _ =	vpop (xrf2);
	v23 =	vmul.f32 $1.442695020e+00, v23;
	(xrf2) =	vadd.scan.msk.f32 $0xffff, v26;
	v26 =	vadd.f32 v60, v22  }
0x288: {  	v28 =	vmax.f32 v61, v28;
	v38 =	vpop (erf);
	v60 =	vmul.f32 $2.000000030e-01, v34;
	v27 =	vbroadcast v27, $0xF  }
0x289: {  	v46 =	vld [tilespmem:s23+$0x30];
	v53 =	vmul.f32 v28, v4;
	v33 =	vmax.f32 v62, v30;
	v30 =	vbroadcast v38, $0x1  }
0x28a: {  	v62 =	vmul.f32 $2.000000030e-01, v50;
	(erf) = vpow2.f32 v23;
	v23 =	vld [tilespmem:s11+$0x30];
	v55 =	vadd.f32 v31, v20  }
0x28b: {  	v49 =	vld [tilespmem:s23+$0xFFFFFFD0];
	v54 =	vmul.f32 $2.000000030e-01, v26;
	v31 =	vbroadcast v38, $0x0  }
0x28c: {  	v59 =	vld [tilespmem:s23+$0xFFFFFFE0];
	v33 =	vmul.f32 v33, v2;
	v34 =	vmax.f32 v34, v60;
	v28, _, _ =	vpop (xrf2);
	(xrf2) =	vadd.scan.msk.f32 $0xffff, v53;
	v57 =	vmul.f32 $2.000000030e-01, v55  }
0x28d: {  	v27 =	vnsel vm0, $0x0, v27;
	v56 =	vbroadcast v28, $0xF;
	v28 =	vld [tilespmem:s11+$0xFFFFFFD0];
	v26 =	vmax.f32 v26, v54  }
0x28e: {  	s25 =	simm.s32 $0x8620;
	v47, _, _ =	vpop (xrf2);
	(xrf2) =	vadd.scan.msk.f32 $0xffff, v33;
	v33 =	vbroadcast v38, $0x2;
	v48 =	vmul.f32 v26, v0;
	v26 =	vld [tilespmem:s11+$0xFFFFFFE0];
	v58 =	vmax.f32 v55, v57  }
0x28f: {  	[tilespmem:s25+$0x0] =	vst v35;
	v47 =	vbroadcast v47, $0xF;
	v61, _, _ =	vpop (xrf2);
	v32 =	vmul.f32 v58, v1;
	v46 =	vadd.f32 v46, v23  }
0x290: {  	[tilespmem:s6+$0x40] =	vst v36;
	v51 =	vld [tilespmem:s23+$0xFFFFFFF0];
	v54 =	vmul.f32 v34, v0;
	v27 =	vsel vm1, v27, v56;
	v41 =	vbroadcast v61, $0xF  }
0x291: {  	v45 =	vsel vm2, v27, v47;
	v27 =	vld [tilespmem:s11+$0xFFFFFFF0];
	v47 =	vmax.f32 v50, v62;
	(xrf2) =	vadd.scan.msk.f32 $0xffff, v32;
	v52 =	vmul.f32 $2.000000030e-01, v46  }
0x292: {  	[tilespmem:s6+$0x0] =	vst v42;
	v44 =	vmul.f32 v47, v1;
	v32 =	vbroadcast v38, $0x3;
	v49 =	vadd.f32 v49, v28;
	v63, _, _ =	vpop (xrf2)  }
0x293: {  	v43 =	vadd.f32 v59, v26;
	(xrf2) =	vadd.scan.msk.f32 $0xffff, v54;
	v55 =	vbroadcast v63, $0xF;
	v56 =	vmax.f32 v46, v52  }
0x294: {  	[tilespmem:s6+$0x10] =	vst v37;
	v34 =	vpop (erf);
	v58 =	vmul.f32 $2.000000030e-01, v49;
	v36 =	vmul.f32 v56, v3  }
0x295: {  	[tilespmem:s6+$0x20] =	vst v39;
	v41 =	vsel vm3, v45, v41;
	v57 =	vbroadcast v34, $0x4;
	v59 =	vmul.f32 $2.000000030e-01, v43  }
0x296: {  	v60 =	vadd.f32 v51, v27;
	v39 =	vbroadcast v34, $0x0;
	v42 =	vmax.f32 v49, v58;
	v35, _, _ =	vpop (xrf2);
	(xrf2) =	vadd.scan.msk.f32 $0xffff, v36  }
0x297: {  	[tilespmem:s6+$0x30] =	vst v40;
	v41 =	vsel vm4, v41, v55;
	v29 =	vmul.f32 v57, v29;
	v42 =	vmul.f32 v42, v2  }
0x298: {  	[tilespmem:s25+$0xFFFFFFF0] =	vst v38;
	v61 =	vmul.f32 $2.000000030e-01, v60;
	v62 =	vmul.f32 $1.442695020e+00, v41  }
0x299: {  	s25 =	simm.s32 $0x8640;
	v37 =	vmax.f32 v43, v59;
	v41 =	vbroadcast v38, $0x4;
	v43, _, _ =	vpop (xrf2);
	v38 =	vbroadcast v34, $0x1;
	(xrf2) =	vadd.scan.msk.f32 $0xffff, v48  }
0x29a: {  	[tilespmem:s25+$0x0] =	vst v34;
	v36 =	vbroadcast v34, $0x2;
	v40 =	vmul.f32 v37, v3;
	v63 =	vmax.f32 v60, v61  }
0x29b: {  	s30 =	simm.s32 $0x4;
	s0 =	simm.s32 $0x2940;
	[tilespmem:s7+$0x40] =	vst v29;
	(erf) = vpow2.f32 v62;
	v37 =	vmul.f32 v63, v4;
	v45, _, _ =	vpop (xrf2)  }
.LBB2_9:
0x29c: {  	v29 =	vld [tilespmem:s0+$0x40];
	s23 =	sadd.s32 $0xA0, s23;
	(xrf2) =	vadd.scan.msk.f32 $0xffff, v44;
	v34 =	vbroadcast v34, $0x3;
	v31 =	vmul.f32 v31, v5;
	v5 =	vmovc v10;
	v10 =	vmov v22  }
0x29d: {  	v30 =	vmul.f32 v30, v6;
	v33 =	vmul.f32 v33, v7;
	v6 =	vmov v12;
	v44 =	vld [tilespmem:s23+$0x40];
	v22, _, _ =	vpop (xrf2)  }
0x29e: {  	v12 =	vmovc v24;
	v7 =	vmovc v13;
	v13 =	vmov v28;
	v46 =	vld [tilespmem:s0+$0x20];
	v22 =	vbroadcast v22, $0xF;
	[tilespmem:s6+$0xFFFFFFB0] =	vst v31;
	v31 =	vmul.f32 v32, v8  }
0x29f: {  	v24 =	vbroadcast v45, $0xF;
	v17 =	vmul.f32 v41, v17;
	v8 =	vmovc v19;
	v28 =	vld [tilespmem:s23+$0x20];
	(xrf2) =	vadd.scan.msk.f32 $0xffff, v42;
	[tilespmem:s6+$0xFFFFFFC0] =	vst v30  }
0x2a0: {  	v43 =	vbroadcast v43, $0xF;
	v39 =	vmul.f32 v39, v14;
	v19 =	vld [tilespmem:s23+$0xFFFFFFB0];
	v30 =	vnsel vm0, $0x0, v22;
	v41, _, _ =	vpop (xrf2);
	[tilespmem:s6+$0xFFFFFFD0] =	vst v33  }
0x2a1: {  	v22 =	vld [tilespmem:s0+$0xFFFFFFB0];
	v42 =	vsel vm1, v30, v24;
	v24 =	vbroadcast v41, $0xF;
	v30 =	vmul.f32 v38, v9;
	[tilespmem:s6+$0xFFFFFFE0] =	vst v31;
	v9 =	vmovc v20  }
0x2a2: {  	v14 =	vmovc v25;
	v33 =	vbroadcast v35, $0xF;
	v20 =	vld [tilespmem:s0+$0x10];
	v31 =	vadd.f32 v44, v29;
	v41 =	vsel vm2, v42, v43;
	(xrf2) =	vadd.scan.msk.f32 $0xffff, v40  }
0x2a3: {  	v36 =	vmul.f32 v36, v11;
	v34 =	vmul.f32 v34, v16;
	v35 =	vld [tilespmem:s23+$0x10];
	v25 =	vsel vm3, v41, v24;
	v32, _, _ =	vpop (xrf2);
	[tilespmem:s6+$0xFFFFFFF0] =	vst v17;
	s6 =	smov.u32 s7;
	s7 =	smov.u32 s11;
	s11 =	smov.u32 s0  }
0x2a4: {  	v24 =	vld [tilespmem:s0+$0xFFFFFFC0];
	v28 =	vadd.f32 v28, v46;
	v17 =	vmul.f32 $2.000000030e-01, v31;
	v33 =	vsel vm4, v25, v33;
	[tilespmem:s6+$0x0] =	vst v39;
	v38 =	vpop (erf)  }
0x2a5: {  	v11 =	vmovc v18;
	v42 =	vbroadcast v32, $0xF;
	v25 =	vld [tilespmem:s0+$0x0];
	v32 =	vmul.f32 $1.442695020e+00, v33;
	(xrf2) =	vadd.scan.msk.f32 $0xffff, v37;
	[tilespmem:s25+$0xFFFFFFF0] =	vst v38  }
0x2a6: {  	s30 =	sadd.s32 $0x2, s30;
	v33 =	vadd.f32 v19, v22;
	v37 =	vld [tilespmem:s23+$0x0];
	v39 =	vmul.f32 $2.000000030e-01, v28;
	v31 =	vmax.f32 v31, v17;
	v19, _, _ =	vpop (xrf2);
	[tilespmem:s6+$0x10] =	vst v30  }
0x2a7: {  	p0 =	slt.u32 s30, $0x26;
	v16 =	vmovc v23;
	v18 =	vmovc v46;
	v41 =	vnsel vm0, $0x0, v42;
	v40 =	vld [tilespmem:s23+$0xFFFFFFC0];
	v30 =	vmul.f32 v31, v4;
	(erf) = vpow2.f32 v32;
	[tilespmem:s6+$0x20] =	vst v36  }
0x2a8: {  	v36 =	vbroadcast v19, $0xF;
	v19 =	vmovc v26;
	v32 =	vmul.f32 $2.000000030e-01, v33;
	v23 =	vld [tilespmem:s0+$0x30];
	v35 =	vadd.f32 v35, v20;
	[tilespmem:s6+$0x30] =	vst v34;
	v17 =	vmovc v15  }
0x2a9: {  	v31 =	vbroadcast v38, $0x0;
	v42 =	vmax.f32 v28, v39;
	v34 =	vld [tilespmem:s23+$0x30];
	(xrf2) =	vadd.scan.msk.f32 $0xffff, v30;
	v26, _, _ =	vpop (xrf2);
	v30 =	vbroadcast v38, $0x1  }
0x2aa: {  	v15 =	vmovc v27;
	v39 =	vmul.f32 v42, v2;
	v28 =	vld [tilespmem:s0+$0xFFFFFFD0];
	v32 =	vmax.f32 v33, v32;
	v33 =	vmul.f32 $2.000000030e-01, v35  }
0x2ab: {  	v27 =	vbroadcast v26, $0xF;
	v45 =	vmul.f32 v32, v0;
	v42 =	vld [tilespmem:s23+$0xFFFFFFD0];
	v32 =	vadd.f32 v37, v25  }
0x2ac: {  	v26 =	vld [tilespmem:s0+$0xFFFFFFE0];
	v37 =	vadd.f32 v40, v24;
	v33 =	vmax.f32 v35, v33;
	(xrf2) =	vadd.scan.msk.f32 $0xffff, v39;
	v35 =	vsel vm1, v41, v36;
	v36, _, _ =	vpop (xrf2)  }
0x2ad: {  	v39 =	vld [tilespmem:s23+$0xFFFFFFE0];
	v44 =	vmul.f32 $2.000000030e-01, v32;
	v33 =	vmul.f32 v33, v1;
	v41 =	vsel vm2, v35, v27  }
0x2ae: {  	v36 =	vbroadcast v36, $0xF;
	v27 =	vld [tilespmem:s0+$0xFFFFFFF0];
	v35 =	vmul.f32 $2.000000030e-01, v37;
	v43 =	vadd.f32 v34, v23  }
0x2af: {  	v46 =	vld [tilespmem:s23+$0xFFFFFFF0];
	v48 =	vmax.f32 v32, v44;
	(xrf2) =	vadd.scan.msk.f32 $0xffff, v33;
	v40, _, _ =	vpop (xrf2);
	v33 =	vbroadcast v38, $0x2;
	v32 =	vbroadcast v38, $0x3  }
0x2b0: {  	v42 =	vadd.f32 v42, v28;
	v44 =	vmul.f32 v48, v0;
	v47 =	vmul.f32 $2.000000030e-01, v43;
	v34 =	vpop (erf)  }
0x2b1: {  	v37 =	vmax.f32 v37, v35;
	v40 =	vbroadcast v40, $0xF;
	v48 =	vbroadcast v34, $0x4  }
0x2b2: {  	v49 =	vmul.f32 $2.000000030e-01, v42;
	v39 =	vadd.f32 v39, v26;
	v47 =	vmax.f32 v43, v47;
	(xrf2) =	vadd.scan.msk.f32 $0xffff, v44  }
0x2b3: {  	s25 =	sadd.s32 $0x20, s25;
	v36 =	vsel vm3, v41, v36;
	v47 =	vmul.f32 v47, v3;
	v35, _, _ =	vpop (xrf2);
	v41 =	vmul.f32 v48, v21  }
0x2b4: {  	v44 =	vmul.f32 v37, v1;
	v21 =	vmovc v29;
	v37 =	vmul.f32 $2.000000030e-01, v39;
	v46 =	vadd.f32 v46, v27;
	[tilespmem:s25+$0x0] =	vst v34  }
0x2b5: {  	v36 =	vsel vm4, v36, v40;
	v29 =	vmax.f32 v42, v49;
	(xrf2) =	vadd.scan.msk.f32 $0xffff, v47;
	[tilespmem:s7+$0x40] =	vst v41  }
.Ltmp3:
0x2b6: {  	v42 =	vmul.f32 v29, v2;
	v29 =	vmax.f32 v39, v37;
	v37 =	vmul.f32 $2.000000030e-01, v46;
	v43, _, _ =	vpop (xrf2);
	(pc) =	sbr.rel @p0 .LBB2_9-.Ltmp3, $4  }
0x2b7: {  	v40 =	vmul.f32 v29, v3;
	v29 =	vmul.f32 $1.442695020e+00, v36  }
0x2b8: {  	v41 =	vbroadcast v38, $0x4;
	v39 =	vbroadcast v34, $0x0;
	v36 =	vmax.f32 v46, v37;
	(xrf2) =	vadd.scan.msk.f32 $0xffff, v45  }
0x2b9: {  	v38 =	vbroadcast v34, $0x1;
	v37 =	vmul.f32 v36, v4;
	v45, _, _ =	vpop (xrf2)  }
0x2ba: {  	s0 =	sadd.s32 $0xA0, s0;
	v36 =	vbroadcast v34, $0x2;
	(erf) = vpow2.f32 v29  }
0x2bb: {  	_ = 	snop  }
0x2bc: {  	v29, _, _ =	vpop (xrf2)  }
0x2bd: {  	v29 =	vbroadcast v29, $0xF  }
0x2be: {  	v61 =	vbroadcast v45, $0xF  }
0x2bf: {  	v62 =	vbroadcast v43, $0xF;
	(xrf2) =	vadd.scan.msk.f32 $0xffff, v44;
	v29 =	vnsel vm0, $0x0, v29;
	v63, _, _ =	vpop (xrf2)  }
0x2c0: {  	(xrf2) =	vadd.scan.msk.f32 $0xffff, v42;
	v29 =	vsel vm1, v29, v61;
	v43 =	vbroadcast v63, $0xF  }
0x2c1: {  	v35 =	vbroadcast v35, $0xF;
	(xrf2) =	vadd.scan.msk.f32 $0xffff, v40;
	v29 =	vsel vm2, v29, v62  }
0x2c2: {  	v29 =	vsel vm3, v29, v43  }
0x2c3: {  	(xrf2) =	vadd.scan.msk.f32 $0xffff, v37;
	v29 =	vsel vm4, v29, v35  }
0x2c4: {  	v29 =	vmul.f32 $1.442695020e+00, v29;
	_ =	sdelay $0x2  }
0x2c5: {  	v5 =	vmul.f32 v31, v5  }
0x2c6: {  	v6 =	vmul.f32 v30, v6;
	(erf) = vpow2.f32 v29;
	v29, _, _ =	vpop (xrf2)  }
0x2c7: {  	v7 =	vmul.f32 v33, v7;
	v29 =	vbroadcast v29, $0xF;
	v30, _, _ =	vpop (xrf2)  }
0x2c8: {  	[tilespmem:s6+$0xFFFFFFB0] =	vst v5;
	v5 =	vbroadcast v30, $0xF;
	v30, _, _ =	vpop (xrf2)  }
0x2c9: {  	[tilespmem:s6+$0xFFFFFFC0] =	vst v6;
	v6 =	vnsel vm0, $0x0, v29;
	v29 =	vbroadcast v30, $0xF;
	v30, _, _ =	vpop (xrf2)  }
0x2ca: {  	v8 =	vmul.f32 v32, v8;
	v5 =	vsel vm1, v6, v5;
	v6 =	vbroadcast v30, $0xF  }
0x2cb: {  	v17 =	vmul.f32 v41, v17;
	[tilespmem:s6+$0xFFFFFFD0] =	vst v7;
	v7, _, _ =	vpop (xrf2)  }
0x2cc: {  	v14 =	vmul.f32 v39, v14;
	[tilespmem:s6+$0xFFFFFFE0] =	vst v8;
	v5 =	vsel vm2, v5, v29;
	v7 =	vbroadcast v7, $0xF  }
0x2cd: {  	v9 =	vmul.f32 v38, v9;
	[tilespmem:s6+$0xFFFFFFF0] =	vst v17;
	v8 =	vbroadcast v34, $0x3;
	v5 =	vsel vm3, v5, v6  }
0x2ce: {  	[tilespmem:s7+$0x0] =	vst v14;
	v5 =	vsel vm4, v5, v7;
	v7 =	vmul.f32 v36, v11;
	v6 =	vpop (erf)  }
0x2cf: {  	[tilespmem:s7+$0x10] =	vst v9;
	v8 =	vmul.f32 v8, v16;
	v5 =	vmul.f32 $1.442695020e+00, v5;
	v11 =	vpop (erf)  }
0x2d0: {  	[tilespmem:s7+$0x20] =	vst v7;
	v7 =	vbroadcast v6, $0x0;
	v9 =	vbroadcast v11, $0x4  }
0x2d1: {  	[tilespmem:s7+$0x30] =	vst v8;
	(erf) = vpow2.f32 v5;
	v5 =	vbroadcast v6, $0x1  }
0x2d2: {  	s0 =	sadd.s32 $0x20, s25;
	[tilespmem:s25+$0xFFFFFFF0] =	vst v6;
	v7 =	vmul.f32 v7, v10;
	v10 =	vbroadcast v6, $0x3  }
0x2d3: {  	[tilespmem:s0+$0x0] =	vst v11;
	v8 =	vmul.f32 v9, v21;
	v9 =	vbroadcast v6, $0x2  }
0x2d4: {  	v5 =	vmul.f32 v5, v12;
	[tilespmem:s7+$0xFFFFFFB0] =	vst v7;
	v7 =	vbroadcast v11, $0x0  }
0x2d5: {  	v6 =	vbroadcast v6, $0x4;
	[tilespmem:s11+$0x40] =	vst v8;
	v8 =	vmul.f32 v9, v13  }
0x2d6: {  	v9 =	vmul.f32 v10, v19;
	[tilespmem:s7+$0xFFFFFFC0] =	vst v5;
	v7 =	vmul.f32 v7, v25  }
0x2d7: {  	v5 =	vmul.f32 v6, v15;
	v6 =	vbroadcast v11, $0x1;
	[tilespmem:s7+$0xFFFFFFD0] =	vst v8  }
0x2d8: {  	[tilespmem:s7+$0xFFFFFFE0] =	vst v9  }
0x2d9: {  	v8 =	vbroadcast v11, $0x2;
	[tilespmem:s7+$0xFFFFFFF0] =	vst v5;
	v6 =	vmul.f32 v6, v20  }
0x2da: {  	v5 =	vbroadcast v11, $0x3;
	[tilespmem:s11+$0x0] =	vst v7;
	v7 =	vpop (erf)  }
0x2db: {  	v8 =	vmul.f32 v8, v18;
	[tilespmem:s11+$0x10] =	vst v6;
	v9 =	vbroadcast v7, $0x0  }
0x2dc: {  	v5 =	vmul.f32 v5, v23;
	[tilespmem:s0+$0xFFFFFFF0] =	vst v7;
	v6 =	vbroadcast v7, $0x1  }
0x2dd: {  	[tilespmem:s11+$0x20] =	vst v8;
	v8 =	vbroadcast v7, $0x2;
	v9 =	vmul.f32 v9, v22  }
0x2de: {  	[tilespmem:s11+$0x30] =	vst v5;
	v5 =	vbroadcast v7, $0x3;
	v6 =	vmul.f32 v6, v24  }
0x2df: {  	v7 =	vbroadcast v7, $0x4;
	v8 =	vmul.f32 v8, v28;
	[tilespmem:s11+$0xFFFFFFB0] =	vst v9  }
0x2e0: {  	v5 =	vmul.f32 v5, v26;
	[tilespmem:s11+$0xFFFFFFC0] =	vst v6  }
0x2e1: {  	v6 =	vmul.f32 v7, v27;
	[tilespmem:s11+$0xFFFFFFD0] =	vst v8  }
0x2e2: {  	[tilespmem:s11+$0xFFFFFFE0] =	vst v5  }
0x2e3: {  	s6 =	simm.s32 $0x2710;
	[tilespmem:s11+$0xFFFFFFF0] =	vst v6  }
0x2e4: {  	[spmem:s3] =	stream.indirect.scatter.add.f32 [tilespmem:s6], [sflag:$0x4], $0x50, s20, s22, $0xb8;
	[tilespmem:$0x17B60] =	vst v63  }
0x2e5: {  	s7 =	simm.s32 $0x8610  }
0x2e6: {  	[spmem:s4] =	stream.indirect.scatter.add.f32 [tilespmem:s7], [sflag:$0x9], $0x10, s20, s22, $0xb8;
	[tilespmem:$0x17B60] =	vst v63  }
0x2e7: {  	_ =	swait.ge [sflag:s8], $0xC80  }
0x2e8: {  	[sflag:s8] =	ssyncset.done $0x0  }
0x2e9: {  	[sflag:s8] =	ssyncadd.s32 $0xFFFFF380  }
0x2ea: {  	_ =	swait.ge [sflag:s8], $0xC80  }
0x2eb: {  	[sflag:s8] =	ssyncset.done $0x0  }
0x2ec: {  	s6 =	simm.s32 $0x33E0;
	[sflag:s8] =	ssyncadd.s32 $0xFFFFF380  }
0x2ed: {  	s11 =	simm.s32 $0x7260;
	v18 =	vld [tilespmem:s6+$0x40]  }
0x2ee: {  	v5 =	vld [tilespmem:s11+$0x40]  }
0x2ef: {  	v23 =	vld [tilespmem:s6+$0x20]  }
0x2f0: {  	v6 =	vld [tilespmem:s11+$0x20]  }
0x2f1: {  	v20 =	vld [tilespmem:s6+$0x10]  }
0x2f2: {  	v7 =	vld [tilespmem:s11+$0x10]  }
0x2f3: {  	v22 =	vld [tilespmem:s6+$0x0]  }
0x2f4: {  	v8 =	vld [tilespmem:s11+$0x0];
	_ =	sdelay $0x1  }
0x2f5: {  	v24 =	vld [tilespmem:s6+$0x30];
	v5 =	vadd.f32 v5, v18  }
0x2f6: {  	v9 =	vld [tilespmem:s11+$0x30];
	v6 =	vadd.f32 v6, v23  }
0x2f7: {  	v7 =	vadd.f32 v7, v20;
	v10 =	vmul.f32 $2.000000030e-01, v5  }
0x2f8: {  	v8 =	vadd.f32 v8, v22;
	v11 =	vmul.f32 $2.000000030e-01, v6  }
0x2f9: {  	v5 =	vmax.f32 v5, v10;
	v10 =	vmul.f32 $2.000000030e-01, v7  }
0x2fa: {  	v12 =	vld [tilespmem:s11+$0xFFFFFFB0];
	v6 =	vmax.f32 v6, v11;
	v11 =	vmul.f32 $2.000000030e-01, v8;
	v13 =	vmul.f32 v5, v4  }
0x2fb: {  	v9 =	vadd.f32 v9, v24;
	v5 =	vld [tilespmem:s6+$0xFFFFFFB0];
	v6 =	vmul.f32 v6, v2;
	v7 =	vmax.f32 v7, v10  }
0x2fc: {  	v17 =	vld [tilespmem:s6+$0xFFFFFFF0];
	v8 =	vmax.f32 v8, v11;
	(xrf2) =	vadd.scan.msk.f32 $0xffff, v13;
	v7 =	vmul.f32 v7, v1  }
0x2fd: {  	v10 =	vmul.f32 $2.000000030e-01, v9;
	v11 =	vld [tilespmem:s11+$0xFFFFFFC0];
	v8 =	vmul.f32 v8, v0;
	(xrf2) =	vadd.scan.msk.f32 $0xffff, v6  }
0x2fe: {  	v6 =	vld [tilespmem:s6+$0xFFFFFFC0];
	(xrf2) =	vadd.scan.msk.f32 $0xffff, v7  }
0x2ff: {  	v9 =	vmax.f32 v9, v10;
	v7 =	vld [tilespmem:s6+$0xFFFFFFD0];
	(xrf2) =	vadd.scan.msk.f32 $0xffff, v8  }
0x300: {  	v9 =	vmul.f32 v9, v3;
	v10 =	vadd.f32 v12, v5;
	v12 =	vld [tilespmem:s11+$0xFFFFFFD0]  }
0x301: {  	v8 =	vld [tilespmem:s6+$0xFFFFFFE0]  }
0x302: {  	s7 =	simm.s32 $0x3480;
	(xrf2) =	vadd.scan.msk.f32 $0xffff, v9;
	v9 =	vld [tilespmem:s11+$0xFFFFFFE0]  }
0x303: {  	s23 =	simm.s32 $0x7300;
	v29 =	vld [tilespmem:s7+$0x40];
	v13 =	vmul.f32 $2.000000030e-01, v10  }
0x304: {  	v19 =	vld [tilespmem:s23+$0x40];
	v11 =	vadd.f32 v11, v6  }
0x305: {  	v10 =	vmax.f32 v10, v13;
	v13 =	vld [tilespmem:s11+$0xFFFFFFF0]  }
0x306: {  	v10 =	vmul.f32 v10, v0;
	v14 =	vmul.f32 $2.000000030e-01, v11;
	v12 =	vadd.f32 v12, v7;
	v15, _, _ =	vpop (xrf2)  }
0x307: {  	v26 =	vld [tilespmem:s23+$0x20];
	v21 =	vadd.f32 v9, v8;
	v16, _, _ =	vpop (xrf2)  }
0x308: {  	v28 =	vld [tilespmem:s23+$0x10];
	(xrf2) =	vadd.scan.msk.f32 $0xffff, v10;
	v10 =	vmax.f32 v11, v14;
	v14 =	vmul.f32 $2.000000030e-01, v12;
	v25, _, _ =	vpop (xrf2)  }
0x309: {  	v42 =	vld [tilespmem:s23+$0xFFFFFFB0];
	v19 =	vadd.f32 v19, v29;
	v27 =	vmul.f32 $2.000000030e-01, v21;
	v10 =	vmul.f32 v10, v1;
	v9, _, _ =	vpop (xrf2)  }
0x30a: {  	v11 =	vld [tilespmem:s7+$0x20];
	v13 =	vadd.f32 v13, v17;
	v12 =	vmax.f32 v12, v14;
	v14 =	vbroadcast v9, $0xF  }
0x30b: {  	v16 =	vbroadcast v16, $0xF;
	v25 =	vbroadcast v25, $0xF;
	v21 =	vmax.f32 v21, v27;
	v9 =	vld [tilespmem:s7+$0x10]  }
0x30c: {  	v12 =	vmul.f32 v12, v2;
	v30, _, _ =	vpop (xrf2);
	v31 =	vmul.f32 $2.000000030e-01, v13;
	v27 =	vnsel vm0, $0x0, v14;
	v14 =	vld [tilespmem:s7+$0x0]  }
0x30d: {  	v21 =	vmul.f32 v21, v3;
	(xrf2) =	vadd.scan.msk.f32 $0xffff, v10;
	v25 =	vsel vm1, v27, v25;
	v27 =	vbroadcast v30, $0xF;
	v30 =	vld [tilespmem:s23+$0x0]  }
0x30e: {  	v15 =	vbroadcast v15, $0xF;
	v10 =	vld [tilespmem:s7+$0xFFFFFFB0];
	v13 =	vmax.f32 v13, v31;
	(xrf2) =	vadd.scan.msk.f32 $0xffff, v12;
	v16 =	vsel vm2, v25, v16  }
0x30f: {  	v13 =	vmul.f32 v13, v4;
	(xrf2) =	vadd.scan.msk.f32 $0xffff, v21;
	v21 =	vmul.f32 $2.000000030e-01, v19;
	v12 =	vsel vm3, v16, v27;
	v16 =	vld [tilespmem:s7+$0x30]  }
0x310: {  	v25 =	vadd.f32 v26, v11;
	v27 =	vadd.f32 v28, v9;
	v28 =	vld [tilespmem:s23+$0x30];
	v12 =	vsel vm4, v12, v15  }
0x311: {  	(xrf2) =	vadd.scan.msk.f32 $0xffff, v13;
	v13 =	vmax.f32 v19, v21;
	v21 =	vld [tilespmem:s23+$0xFFFFFFC0];
	v26 =	vmul.f32 $1.442695020e+00, v12  }
0x312: {  	v31 =	vmul.f32 $2.000000030e-01, v25;
	v12 =	vld [tilespmem:s7+$0xFFFFFFC0];
	v30 =	vadd.f32 v30, v14  }
0x313: {  	v19 =	vmul.f32 $2.000000030e-01, v27;
	(erf) = vpow2.f32 v26  }
0x314: {  	v43 =	vld [tilespmem:s23+$0xFFFFFFD0];
	v25 =	vmax.f32 v25, v31;
	v26 =	vmul.f32 v13, v4;
	v31 =	vmul.f32 $2.000000030e-01, v30  }
0x315: {  	v46 =	vld [tilespmem:s23+$0xFFFFFFF0];
	v32 =	vadd.f32 v42, v10;
	v15, _, _ =	vpop (xrf2);
	v25 =	vmul.f32 v25, v2;
	v27 =	vmax.f32 v27, v19  }
0x316: {  	v15 =	vbroadcast v15, $0xF;
	v13 =	vld [tilespmem:s7+$0xFFFFFFD0];
	(xrf2) =	vadd.scan.msk.f32 $0xffff, v26;
	v26 =	vmul.f32 v27, v1;
	v27 =	vadd.f32 v28, v16  }
0x317: {  	v19 =	vld [tilespmem:s7+$0xFFFFFFE0];
	v28 =	vmax.f32 v30, v31;
	v30 =	vmul.f32 $2.000000030e-01, v32;
	(xrf2) =	vadd.scan.msk.f32 $0xffff, v25;
	v21 =	vadd.f32 v21, v12  }
0x318: {  	v44 =	vnsel vm0, $0x0, v15;
	v15 =	vld [tilespmem:s7+$0xFFFFFFF0];
	v28 =	vmul.f32 v28, v0;
	v31, _, _ =	vpop (xrf2);
	(xrf2) =	vadd.scan.msk.f32 $0xffff, v26;
	v26 =	vmul.f32 $2.000000030e-01, v27  }
0x319: {  	v25 =	vld [tilespmem:s23+$0xFFFFFFE0];
	v30 =	vmax.f32 v32, v30;
	v47 =	vmul.f32 $2.000000030e-01, v21;
	v31 =	vbroadcast v31, $0xF;
	v45, _, _ =	vpop (xrf2)  }
0x31a: {  	(xrf2) =	vadd.scan.msk.f32 $0xffff, v28;
	v28 =	vmul.f32 v30, v0;
	v30 =	vbroadcast v45, $0xF;
	v26 =	vmax.f32 v27, v26  }
0x31b: {  	v27, _, _ =	vpop (xrf2);
	v21 =	vmax.f32 v21, v47;
	v31 =	vsel vm1, v44, v31;
	v26 =	vmul.f32 v26, v3  }
0x31c: {  	v27 =	vbroadcast v27, $0xF;
	v30 =	vsel vm2, v31, v30;
	v31 =	vadd.f32 v43, v13;
	v35 =	vpop (erf)  }
0x31d: {  	v32 =	vadd.f32 v46, v15;
	v48, _, _ =	vpop (xrf2);
	v51 =	vmul.f32 v21, v1;
	v49 =	vbroadcast v35, $0x4  }
0x31e: {  	s23 =	simm.s32 $0x73A0;
	v25 =	vadd.f32 v25, v19;
	(xrf2) =	vadd.scan.msk.f32 $0xffff, v26;
	v26 =	vbroadcast v48, $0xF;
	v50 =	vmul.f32 $2.000000030e-01, v31  }
0x31f: {  	v53 =	vld [tilespmem:s23+$0x40];
	v59 =	vbroadcast v35, $0x3;
	v36 =	vmul.f32 v49, v18  }
0x320: {  	v57 =	vld [tilespmem:s23+$0x20];
	v18 =	vmul.f32 $2.000000030e-01, v25;
	v21 =	vmax.f32 v31, v50;
	v31 =	vmul.f32 $2.000000030e-01, v32  }
0x321: {  	v60 =	vld [tilespmem:s23+$0xFFFFFFB0];
	v27 =	vsel vm3, v30, v27;
	v52 =	vbroadcast v35, $0x0  }
0x322: {  	s11 =	simm.s32 $0x3520;
	v63 =	vld [tilespmem:s23+$0x0];
	v30, _, _ =	vpop (xrf2);
	v26 =	vsel vm4, v27, v26;
	v40 =	vmul.f32 v59, v24;
	v18 =	vmax.f32 v25, v18  }
0x323: {  	(xrf2) =	vadd.scan.msk.f32 $0xffff, v28;
	v24 =	vld [tilespmem:s11+$0xFFFFFFC0];
	v28, _, _ =	vpop (xrf2);
	v25 =	vmul.f32 v18, v3;
	v18 =	vmul.f32 $1.442695020e+00, v26  }
0x324: {  	v42 =	vmul.f32 v52, v22;
	v52 =	vld [tilespmem:s23+$0xFFFFFFC0];
	v27 =	vmul.f32 v21, v2;
	v26 =	vmax.f32 v32, v31;
	v31, _, _ =	vpop (xrf2)  }
0x325: {  	v56 =	vbroadcast v35, $0x1;
	v21 =	vld [tilespmem:s11+$0x40];
	(erf) = vpow2.f32 v18;
	(xrf2) =	vadd.scan.msk.f32 $0xffff, v51;
	v54, _, _ =	vpop (xrf2)  }
0x326: {  	v58 =	vbroadcast v35, $0x2;
	v18 =	vld [tilespmem:s11+$0x20];
	(xrf2) =	vadd.scan.msk.f32 $0xffff, v27;
	v55 =	vbroadcast v54, $0xF  }
0x327: {  	v37 =	vmul.f32 v56, v20;
	v31 =	vbroadcast v31, $0xF;
	(xrf2) =	vadd.scan.msk.f32 $0xffff, v25;
	v25 =	vld [tilespmem:s11+$0x0]  }
0x328: {  	v22 =	vld [tilespmem:s11+$0xFFFFFFB0];
	v39 =	vmul.f32 v58, v23;
	v27 =	vbroadcast v28, $0xF;
	v28, _, _ =	vpop (xrf2);
	v34 =	vnsel vm0, $0x0, v55  }
0x329: {  	v30 =	vbroadcast v30, $0xF;
	v28 =	vbroadcast v28, $0xF;
	v31 =	vsel vm1, v34, v31  }
0x32a: {  	v20 =	vld [tilespmem:s11+$0x10];
	v26 =	vmul.f32 v26, v4;
	v61 =	vadd.f32 v53, v21;
	v27 =	vsel vm2, v31, v27  }
0x32b: {  	v50 =	vadd.f32 v52, v24;
	v62 =	vadd.f32 v57, v18;
	v31 =	vld [tilespmem:s23+$0x10];
	v23 =	vsel vm3, v27, v28  }
0x32c: {  	v28 =	vmul.f32 $2.000000030e-01, v61;
	v34 =	vadd.f32 v63, v25;
	v23 =	vsel vm4, v23, v30  }
0x32d: {  	v30 =	vmul.f32 $2.000000030e-01, v62;
	v27, _, _ =	vpop (xrf2);
	v23 =	vmul.f32 $1.442695020e+00, v23;
	(xrf2) =	vadd.scan.msk.f32 $0xffff, v26;
	v26 =	vadd.f32 v60, v22  }
0x32e: {  	v28 =	vmax.f32 v61, v28;
	v38 =	vpop (erf);
	v60 =	vmul.f32 $2.000000030e-01, v34;
	v27 =	vbroadcast v27, $0xF  }
0x32f: {  	v46 =	vld [tilespmem:s23+$0x30];
	v53 =	vmul.f32 v28, v4;
	v33 =	vmax.f32 v62, v30;
	v30 =	vbroadcast v38, $0x1  }
0x330: {  	v62 =	vmul.f32 $2.000000030e-01, v50;
	(erf) = vpow2.f32 v23;
	v23 =	vld [tilespmem:s11+$0x30];
	v55 =	vadd.f32 v31, v20  }
0x331: {  	v49 =	vld [tilespmem:s23+$0xFFFFFFD0];
	v54 =	vmul.f32 $2.000000030e-01, v26;
	v31 =	vbroadcast v38, $0x0  }
0x332: {  	v59 =	vld [tilespmem:s23+$0xFFFFFFE0];
	v33 =	vmul.f32 v33, v2;
	v34 =	vmax.f32 v34, v60;
	v28, _, _ =	vpop (xrf2);
	(xrf2) =	vadd.scan.msk.f32 $0xffff, v53;
	v57 =	vmul.f32 $2.000000030e-01, v55  }
0x333: {  	v27 =	vnsel vm0, $0x0, v27;
	v56 =	vbroadcast v28, $0xF;
	v28 =	vld [tilespmem:s11+$0xFFFFFFD0];
	v26 =	vmax.f32 v26, v54  }
0x334: {  	s25 =	simm.s32 $0x88A0;
	v47, _, _ =	vpop (xrf2);
	(xrf2) =	vadd.scan.msk.f32 $0xffff, v33;
	v33 =	vbroadcast v38, $0x2;
	v48 =	vmul.f32 v26, v0;
	v26 =	vld [tilespmem:s11+$0xFFFFFFE0];
	v58 =	vmax.f32 v55, v57  }
0x335: {  	[tilespmem:s25+$0x0] =	vst v35;
	v47 =	vbroadcast v47, $0xF;
	v61, _, _ =	vpop (xrf2);
	v32 =	vmul.f32 v58, v1;
	v46 =	vadd.f32 v46, v23  }
0x336: {  	[tilespmem:s6+$0x40] =	vst v36;
	v51 =	vld [tilespmem:s23+$0xFFFFFFF0];
	v54 =	vmul.f32 v34, v0;
	v27 =	vsel vm1, v27, v56;
	v41 =	vbroadcast v61, $0xF  }
0x337: {  	v45 =	vsel vm2, v27, v47;
	v27 =	vld [tilespmem:s11+$0xFFFFFFF0];
	v47 =	vmax.f32 v50, v62;
	(xrf2) =	vadd.scan.msk.f32 $0xffff, v32;
	v52 =	vmul.f32 $2.000000030e-01, v46  }
0x338: {  	[tilespmem:s6+$0x0] =	vst v42;
	v44 =	vmul.f32 v47, v1;
	v32 =	vbroadcast v38, $0x3;
	v49 =	vadd.f32 v49, v28;
	v63, _, _ =	vpop (xrf2)  }
0x339: {  	v43 =	vadd.f32 v59, v26;
	(xrf2) =	vadd.scan.msk.f32 $0xffff, v54;
	v55 =	vbroadcast v63, $0xF;
	v56 =	vmax.f32 v46, v52  }
0x33a: {  	[tilespmem:s6+$0x10] =	vst v37;
	v34 =	vpop (erf);
	v58 =	vmul.f32 $2.000000030e-01, v49;
	v36 =	vmul.f32 v56, v3  }
0x33b: {  	[tilespmem:s6+$0x20] =	vst v39;
	v41 =	vsel vm3, v45, v41;
	v57 =	vbroadcast v34, $0x4;
	v59 =	vmul.f32 $2.000000030e-01, v43  }
0x33c: {  	v60 =	vadd.f32 v51, v27;
	v39 =	vbroadcast v34, $0x0;
	v42 =	vmax.f32 v49, v58;
	v35, _, _ =	vpop (xrf2);
	(xrf2) =	vadd.scan.msk.f32 $0xffff, v36  }
0x33d: {  	[tilespmem:s6+$0x30] =	vst v40;
	v41 =	vsel vm4, v41, v55;
	v29 =	vmul.f32 v57, v29;
	v42 =	vmul.f32 v42, v2  }
0x33e: {  	[tilespmem:s25+$0xFFFFFFF0] =	vst v38;
	v61 =	vmul.f32 $2.000000030e-01, v60;
	v62 =	vmul.f32 $1.442695020e+00, v41  }
0x33f: {  	s25 =	simm.s32 $0x88C0;
	v37 =	vmax.f32 v43, v59;
	v41 =	vbroadcast v38, $0x4;
	v43, _, _ =	vpop (xrf2);
	v38 =	vbroadcast v34, $0x1;
	(xrf2) =	vadd.scan.msk.f32 $0xffff, v48  }
0x340: {  	[tilespmem:s25+$0x0] =	vst v34;
	v36 =	vbroadcast v34, $0x2;
	v40 =	vmul.f32 v37, v3;
	v63 =	vmax.f32 v60, v61  }
0x341: {  	s30 =	simm.s32 $0x4;
	s0 =	simm.s32 $0x35C0;
	[tilespmem:s7+$0x40] =	vst v29;
	(erf) = vpow2.f32 v62;
	v37 =	vmul.f32 v63, v4;
	v45, _, _ =	vpop (xrf2)  }
.LBB2_11:
0x342: {  	v29 =	vld [tilespmem:s0+$0x40];
	s23 =	sadd.s32 $0xA0, s23;
	(xrf2) =	vadd.scan.msk.f32 $0xffff, v44;
	v34 =	vbroadcast v34, $0x3;
	v31 =	vmul.f32 v31, v5;
	v5 =	vmovc v10;
	v10 =	vmov v22  }
0x343: {  	v30 =	vmul.f32 v30, v6;
	v33 =	vmul.f32 v33, v7;
	v6 =	vmov v12;
	v44 =	vld [tilespmem:s23+$0x40];
	v22, _, _ =	vpop (xrf2)  }
0x344: {  	v12 =	vmovc v24;
	v7 =	vmovc v13;
	v13 =	vmov v28;
	v46 =	vld [tilespmem:s0+$0x20];
	v22 =	vbroadcast v22, $0xF;
	[tilespmem:s6+$0xFFFFFFB0] =	vst v31;
	v31 =	vmul.f32 v32, v8  }
0x345: {  	v24 =	vbroadcast v45, $0xF;
	v17 =	vmul.f32 v41, v17;
	v8 =	vmovc v19;
	v28 =	vld [tilespmem:s23+$0x20];
	(xrf2) =	vadd.scan.msk.f32 $0xffff, v42;
	[tilespmem:s6+$0xFFFFFFC0] =	vst v30  }
0x346: {  	v43 =	vbroadcast v43, $0xF;
	v39 =	vmul.f32 v39, v14;
	v19 =	vld [tilespmem:s23+$0xFFFFFFB0];
	v30 =	vnsel vm0, $0x0, v22;
	v41, _, _ =	vpop (xrf2);
	[tilespmem:s6+$0xFFFFFFD0] =	vst v33  }
0x347: {  	v22 =	vld [tilespmem:s0+$0xFFFFFFB0];
	v42 =	vsel vm1, v30, v24;
	v24 =	vbroadcast v41, $0xF;
	v30 =	vmul.f32 v38, v9;
	[tilespmem:s6+$0xFFFFFFE0] =	vst v31;
	v9 =	vmovc v20  }
0x348: {  	v14 =	vmovc v25;
	v33 =	vbroadcast v35, $0xF;
	v20 =	vld [tilespmem:s0+$0x10];
	v31 =	vadd.f32 v44, v29;
	v41 =	vsel vm2, v42, v43;
	(xrf2) =	vadd.scan.msk.f32 $0xffff, v40  }
0x349: {  	v36 =	vmul.f32 v36, v11;
	v34 =	vmul.f32 v34, v16;
	v35 =	vld [tilespmem:s23+$0x10];
	v25 =	vsel vm3, v41, v24;
	v32, _, _ =	vpop (xrf2);
	[tilespmem:s6+$0xFFFFFFF0] =	vst v17;
	s6 =	smov.u32 s7;
	s7 =	smov.u32 s11;
	s11 =	smov.u32 s0  }
0x34a: {  	v24 =	vld [tilespmem:s0+$0xFFFFFFC0];
	v28 =	vadd.f32 v28, v46;
	v17 =	vmul.f32 $2.000000030e-01, v31;
	v33 =	vsel vm4, v25, v33;
	[tilespmem:s6+$0x0] =	vst v39;
	v38 =	vpop (erf)  }
0x34b: {  	v11 =	vmovc v18;
	v42 =	vbroadcast v32, $0xF;
	v25 =	vld [tilespmem:s0+$0x0];
	v32 =	vmul.f32 $1.442695020e+00, v33;
	(xrf2) =	vadd.scan.msk.f32 $0xffff, v37;
	[tilespmem:s25+$0xFFFFFFF0] =	vst v38  }
0x34c: {  	s30 =	sadd.s32 $0x2, s30;
	v33 =	vadd.f32 v19, v22;
	v37 =	vld [tilespmem:s23+$0x0];
	v39 =	vmul.f32 $2.000000030e-01, v28;
	v31 =	vmax.f32 v31, v17;
	v19, _, _ =	vpop (xrf2);
	[tilespmem:s6+$0x10] =	vst v30  }
0x34d: {  	p0 =	slt.u32 s30, $0x26;
	v16 =	vmovc v23;
	v18 =	vmovc v46;
	v41 =	vnsel vm0, $0x0, v42;
	v40 =	vld [tilespmem:s23+$0xFFFFFFC0];
	v30 =	vmul.f32 v31, v4;
	(erf) = vpow2.f32 v32;
	[tilespmem:s6+$0x20] =	vst v36  }
0x34e: {  	v36 =	vbroadcast v19, $0xF;
	v19 =	vmovc v26;
	v32 =	vmul.f32 $2.000000030e-01, v33;
	v23 =	vld [tilespmem:s0+$0x30];
	v35 =	vadd.f32 v35, v20;
	[tilespmem:s6+$0x30] =	vst v34;
	v17 =	vmovc v15  }
0x34f: {  	v31 =	vbroadcast v38, $0x0;
	v42 =	vmax.f32 v28, v39;
	v34 =	vld [tilespmem:s23+$0x30];
	(xrf2) =	vadd.scan.msk.f32 $0xffff, v30;
	v26, _, _ =	vpop (xrf2);
	v30 =	vbroadcast v38, $0x1  }
0x350: {  	v15 =	vmovc v27;
	v39 =	vmul.f32 v42, v2;
	v28 =	vld [tilespmem:s0+$0xFFFFFFD0];
	v32 =	vmax.f32 v33, v32;
	v33 =	vmul.f32 $2.000000030e-01, v35  }
0x351: {  	v27 =	vbroadcast v26, $0xF;
	v45 =	vmul.f32 v32, v0;
	v42 =	vld [tilespmem:s23+$0xFFFFFFD0];
	v32 =	vadd.f32 v37, v25  }
0x352: {  	v26 =	vld [tilespmem:s0+$0xFFFFFFE0];
	v37 =	vadd.f32 v40, v24;
	v33 =	vmax.f32 v35, v33;
	(xrf2) =	vadd.scan.msk.f32 $0xffff, v39;
	v35 =	vsel vm1, v41, v36;
	v36, _, _ =	vpop (xrf2)  }
0x353: {  	v39 =	vld [tilespmem:s23+$0xFFFFFFE0];
	v44 =	vmul.f32 $2.000000030e-01, v32;
	v33 =	vmul.f32 v33, v1;
	v41 =	vsel vm2, v35, v27  }
0x354: {  	v36 =	vbroadcast v36, $0xF;
	v27 =	vld [tilespmem:s0+$0xFFFFFFF0];
	v35 =	vmul.f32 $2.000000030e-01, v37;
	v43 =	vadd.f32 v34, v23  }
0x355: {  	v46 =	vld [tilespmem:s23+$0xFFFFFFF0];
	v48 =	vmax.f32 v32, v44;
	(xrf2) =	vadd.scan.msk.f32 $0xffff, v33;
	v40, _, _ =	vpop (xrf2);
	v33 =	vbroadcast v38, $0x2;
	v32 =	vbroadcast v38, $0x3  }
0x356: {  	v42 =	vadd.f32 v42, v28;
	v44 =	vmul.f32 v48, v0;
	v47 =	vmul.f32 $2.000000030e-01, v43;
	v34 =	vpop (erf)  }
0x357: {  	v37 =	vmax.f32 v37, v35;
	v40 =	vbroadcast v40, $0xF;
	v48 =	vbroadcast v34, $0x4  }
0x358: {  	v49 =	vmul.f32 $2.000000030e-01, v42;
	v39 =	vadd.f32 v39, v26;
	v47 =	vmax.f32 v43, v47;
	(xrf2) =	vadd.scan.msk.f32 $0xffff, v44  }
0x359: {  	s25 =	sadd.s32 $0x20, s25;
	v36 =	vsel vm3, v41, v36;
	v47 =	vmul.f32 v47, v3;
	v35, _, _ =	vpop (xrf2);
	v41 =	vmul.f32 v48, v21  }
0x35a: {  	v44 =	vmul.f32 v37, v1;
	v21 =	vmovc v29;
	v37 =	vmul.f32 $2.000000030e-01, v39;
	v46 =	vadd.f32 v46, v27;
	[tilespmem:s25+$0x0] =	vst v34  }
0x35b: {  	v36 =	vsel vm4, v36, v40;
	v29 =	vmax.f32 v42, v49;
	(xrf2) =	vadd.scan.msk.f32 $0xffff, v47;
	[tilespmem:s7+$0x40] =	vst v41  }
.Ltmp4:
0x35c: {  	v42 =	vmul.f32 v29, v2;
	v29 =	vmax.f32 v39, v37;
	v37 =	vmul.f32 $2.000000030e-01, v46;
	v43, _, _ =	vpop (xrf2);
	(pc) =	sbr.rel @p0 .LBB2_11-.Ltmp4, $4  }
0x35d: {  	v40 =	vmul.f32 v29, v3;
	v29 =	vmul.f32 $1.442695020e+00, v36  }
0x35e: {  	v41 =	vbroadcast v38, $0x4;
	v39 =	vbroadcast v34, $0x0;
	v36 =	vmax.f32 v46, v37;
	(xrf2) =	vadd.scan.msk.f32 $0xffff, v45  }
0x35f: {  	v38 =	vbroadcast v34, $0x1;
	v37 =	vmul.f32 v36, v4;
	v45, _, _ =	vpop (xrf2)  }
0x360: {  	s0 =	sadd.s32 $0xA0, s0;
	v36 =	vbroadcast v34, $0x2;
	(erf) = vpow2.f32 v29  }
0x361: {  	_ =	sdelay $0x1  }
0x362: {  	v29, _, _ =	vpop (xrf2);
	(xrf2) =	vadd.scan.msk.f32 $0xffff, v44  }
0x363: {  	v29 =	vbroadcast v29, $0xF;
	(xrf2) =	vadd.scan.msk.f32 $0xffff, v42  }
0x364: {  	v63 =	vbroadcast v45, $0xF;
	v47, _, _ =	vpop (xrf2);
	(xrf2) =	vadd.scan.msk.f32 $0xffff, v40  }
0x365: {  	v46 =	vbroadcast v43, $0xF;
	v29 =	vnsel vm0, $0x0, v29;
	(xrf2) =	vadd.scan.msk.f32 $0xffff, v37  }
0x366: {  	v29 =	vsel vm1, v29, v63;
	v43 =	vbroadcast v47, $0xF  }
0x367: {  	v35 =	vbroadcast v35, $0xF;
	v29 =	vsel vm2, v29, v46  }
0x368: {  	v29 =	vsel vm3, v29, v43  }
0x369: {  	v29 =	vsel vm4, v29, v35  }
0x36a: {  	v5 =	vmul.f32 v31, v5;
	v29 =	vmul.f32 $1.442695020e+00, v29  }
0x36b: {  	v6 =	vmul.f32 v30, v6;
	v7 =	vmul.f32 v33, v7;
	v48, _, _ =	vpop (xrf2)  }
0x36c: {  	(erf) = vpow2.f32 v29;
	v29 =	vbroadcast v48, $0xF;
	v49, _, _ =	vpop (xrf2)  }
0x36d: {  	[tilespmem:s6+$0xFFFFFFB0] =	vst v5;
	v5 =	vbroadcast v49, $0xF;
	v50, _, _ =	vpop (xrf2)  }
0x36e: {  	v8 =	vmul.f32 v32, v8;
	[tilespmem:s6+$0xFFFFFFC0] =	vst v6;
	v6 =	vnsel vm0, $0x0, v29;
	v51 =	vbroadcast v50, $0xF;
	v52, _, _ =	vpop (xrf2)  }
0x36f: {  	v17 =	vmul.f32 v41, v17;
	[tilespmem:s6+$0xFFFFFFD0] =	vst v7;
	v5 =	vsel vm1, v6, v5;
	v6 =	vbroadcast v52, $0xF;
	v7, _, _ =	vpop (xrf2)  }
0x370: {  	v14 =	vmul.f32 v39, v14;
	[tilespmem:s6+$0xFFFFFFE0] =	vst v8;
	v5 =	vsel vm2, v5, v51;
	v7 =	vbroadcast v7, $0xF  }
0x371: {  	v53 =	vbroadcast v34, $0x3;
	v9 =	vmul.f32 v38, v9;
	[tilespmem:s6+$0xFFFFFFF0] =	vst v17;
	v5 =	vsel vm3, v5, v6  }
0x372: {  	[tilespmem:s7+$0x0] =	vst v14;
	v5 =	vsel vm4, v5, v7;
	v7 =	vmul.f32 v36, v11  }
0x373: {  	v8 =	vmul.f32 v53, v16;
	[tilespmem:s7+$0x10] =	vst v9;
	v6 =	vpop (erf);
	v5 =	vmul.f32 $1.442695020e+00, v5  }
0x374: {  	[tilespmem:s7+$0x20] =	vst v7;
	v7 =	vbroadcast v6, $0x0;
	v57 =	vbroadcast v6, $0x2  }
0x375: {  	[tilespmem:s7+$0x30] =	vst v8;
	v54 =	vpop (erf);
	v58 =	vbroadcast v6, $0x3;
	(erf) = vpow2.f32 v5  }
0x376: {  	s0 =	sadd.s32 $0x20, s25;
	[tilespmem:s25+$0xFFFFFFF0] =	vst v6;
	v55 =	vbroadcast v54, $0x4;
	v7 =	vmul.f32 v7, v10  }
0x377: {  	v5 =	vbroadcast v6, $0x1;
	[tilespmem:s0+$0x0] =	vst v54;
	v59 =	vmul.f32 v57, v13  }
0x378: {  	v60 =	vmul.f32 v58, v19;
	[tilespmem:s7+$0xFFFFFFB0] =	vst v7;
	v7 =	vbroadcast v54, $0x0  }
0x379: {  	v6 =	vbroadcast v6, $0x4;
	v5 =	vmul.f32 v5, v12;
	[tilespmem:s7+$0xFFFFFFD0] =	vst v59  }
0x37a: {  	v56 =	vmul.f32 v55, v21;
	[tilespmem:s7+$0xFFFFFFE0] =	vst v60;
	v7 =	vmul.f32 v7, v25  }
0x37b: {  	v61 =	vbroadcast v54, $0x2;
	[tilespmem:s7+$0xFFFFFFC0] =	vst v5;
	v5 =	vmul.f32 v6, v15  }
0x37c: {  	[tilespmem:s11+$0x40] =	vst v56;
	v6 =	vbroadcast v54, $0x1  }
0x37d: {  	v8 =	vmul.f32 v61, v18;
	[tilespmem:s7+$0xFFFFFFF0] =	vst v5  }
0x37e: {  	v5 =	vbroadcast v54, $0x3;
	v6 =	vmul.f32 v6, v20;
	[tilespmem:s11+$0x0] =	vst v7;
	v7 =	vpop (erf)  }
0x37f: {  	[tilespmem:s11+$0x20] =	vst v8;
	v62 =	vbroadcast v7, $0x0  }
0x380: {  	v5 =	vmul.f32 v5, v23;
	[tilespmem:s11+$0x10] =	vst v6;
	v6 =	vbroadcast v7, $0x1  }
0x381: {  	[tilespmem:s0+$0xFFFFFFF0] =	vst v7;
	v63 =	vbroadcast v7, $0x2;
	v9 =	vmul.f32 v62, v22  }
0x382: {  	[tilespmem:s11+$0x30] =	vst v5;
	v5 =	vbroadcast v7, $0x3;
	v6 =	vmul.f32 v6, v24  }
0x383: {  	v7 =	vbroadcast v7, $0x4;
	v8 =	vmul.f32 v63, v28;
	[tilespmem:s11+$0xFFFFFFB0] =	vst v9  }
0x384: {  	v5 =	vmul.f32 v5, v26;
	[tilespmem:s11+$0xFFFFFFC0] =	vst v6  }
0x385: {  	v6 =	vmul.f32 v7, v27;
	[tilespmem:s11+$0xFFFFFFD0] =	vst v8  }
0x386: {  	[tilespmem:s11+$0xFFFFFFE0] =	vst v5  }
0x387: {  	[tilespmem:s11+$0xFFFFFFF0] =	vst v6  }
0x388: {  	[spmem:s3] =	stream.indirect.scatter.add.f32 [tilespmem:s14], [sflag:$0x5], $0x50, s15, s22, $0xb8;
	[tilespmem:$0x17B60] =	vst v63  }
0x389: {  	s30 =	simm.s32 $0x8890  }
0x38a: {  	[spmem:s4] =	stream.indirect.scatter.add.f32 [tilespmem:s30], [sflag:$0xA], $0x10, s15, s22, $0xb8;
	[tilespmem:$0x17B60] =	vst v63  }
0x38b: {  	_ =	swait.ge [sflag:s17], $0xC80  }
0x38c: {  	[sflag:s17] =	ssyncset.done $0x0  }
0x38d: {  	[sflag:s17] =	ssyncadd.s32 $0xFFFFF380  }
0x38e: {  	_ =	swait.ge [sflag:s16], $0x280  }
0x38f: {  	[sflag:s16] =	ssyncset.done $0x0  }
0x390: {  	[sflag:s16] =	ssyncadd.s32 $0xFFFFFD80  }
0x391: {  	_ =	swait.ge [sflag:s9], $0xC80  }
0x392: {  	[sflag:s9] =	ssyncset.done $0x0  }
0x393: {  	[sflag:s9] =	ssyncadd.s32 $0xFFFFF380  }
0x394: {  	_ =	swait.ge [sflag:s19], $0x280  }
0x395: {  	[sflag:s19] =	ssyncset.done $0x0  }
0x396: {  	[sflag:s19] =	ssyncadd.s32 $0xFFFFFD80  }
0x397: {  	_ =	swait.ge [sflag:s28], $0xC80  }
0x398: {  	[sflag:s28] =	ssyncset.done $0x0  }
0x399: {  	[sflag:s28] =	ssyncadd.s32 $0xFFFFF380  }
0x39a: {  	_ =	swait.ge [sflag:s24], $0x280  }
0x39b: {  	[sflag:s24] =	ssyncset.done $0x0  }
0x39c: {  	[sflag:s24] =	ssyncadd.s32 $0xFFFFFD80  }
0x39d: {  	_ =	swait.ge [sflag:s2], $0xC80  }
0x39e: {  	[sflag:s2] =	ssyncset.done $0x0  }
0x39f: {  	[sflag:s2] =	ssyncadd.s32 $0xFFFFF380  }
0x3a0: {  	_ =	swait.ge [sflag:s29], $0x280  }
0x3a1: {  	[sflag:s29] =	ssyncset.done $0x0  }
0x3a2: {  	s10 =	sadd.s32 $0x1, s10;
	[sflag:s29] =	ssyncadd.s32 $0xFFFFFD80  }
0x3a3: {  	p0 =	sne.s32 s10, $0x64;
	_ =	swait.ge [sflag:s8], $0xC80  }
.Ltmp5:
0x3a4: {  	[sflag:s8] =	ssyncset.done $0x0;
	(pc) =	sbr.rel @p0 .LBB2_2-.Ltmp5, $4  }
0x3a5: {  	[sflag:s8] =	ssyncadd.s32 $0xFFFFF380  }
0x3a6: {  	_ =	swait.ge [sflag:s1], $0x280  }
0x3a7: {  	[sflag:s1] =	ssyncset.done $0x0  }
0x3a8: {  	[sflag:s1] =	ssyncadd.s32 $0xFFFFFD80  }
0x3a9: {  	[bflag:$0x0] =	sbarrier.arrive $0xFFFF  }
0x3aa: {  	s10 =	rddreg [dreg:$0x8]  }
0x3ab: {  	s0 =	rddreg [dreg:$0xb]  }
0x3ac: {  	s6 =	rddreg [dreg:$0xe]  }
0x3ad: {  	[hbm:s0], [sflag:s10] =	dma.local [spmem:s6], $0x1900  }
0x3ae: {  	_ =	swait.ge [sflag:s18], $0x1900  }
0x3af: {  	[sflag:s18] =	ssyncset.done $0x0;
	s25 =	rddreg [dreg:$0xc]  }
0x3b0: {  	s7 =	rddreg [dreg:$0xf];
	[sflag:s18] =	ssyncadd.s32 $0xFFFFE700  }
0x3b1: {  	[hbm:s25], [sflag:s10] =	dma.local [spmem:s7], $0x500  }
0x3b2: {  	_ =	swait.ge [sflag:s18], $0x500  }
0x3b3: {  	s11 =	rddreg [dreg:$0x10]  }
0x3b4: {  	s30 =	rddreg [dreg:$0xd];
	s11 =	sadd.s32 $0x1, s11  }
0x3b5: {  	p0 =	sne.s32 s11, s30  }
.Ltmp6:
0x3b6: {  	_ = 	snop;
	(pc) =	sbr.rel @p0 .LBB2_1-.Ltmp6, $3  }
0x3b7: {  	_ =	sdelay $0x1  }
0x3b8: {  	[sflag:s18] =	ssyncset.done $0x0  }
0x3b9: {  	[sflag:s18] =	ssyncadd.s32 $0xFFFFFB00  }
0x3ba: {  	_ =	sfence.sel $0x180000  }
0x3bb: {  	[bflag:$0x0] =	sbarrier.arrive $0xFFFF  }
0x3bc: {  	_ =	strace $0x90000047  }
0x3bd: {  	s0 =	stileid.u32;
	[bflag:$0x2] =	sbarrier.arrive $0xFFFF  }
0x3be: {  	p0 =	sne.s32 s0, $0x0;
	s0 =	rddreg [dreg:$0x4]  }
0x3bf: {  	s0 =	sadd.s32 @!p0 $0x100000, s0  }
0x3c0: {  	[sflag:s0] =	ssyncadd.tile.s32 @!p0 $0x1;
	_ =	shalt  }
.Lfunc_end2:
_tile_overlayer_lowered:
.L_overlay_start_2:
0x3c1: {  	(tag) =	ssettag $0x2  }
0x3c2: {  	s0 =	rddreg [dreg:$0x0];
	s2 =	stileid.u32  }
0x3c3: {  	s1 =	rddreg [dreg:$0x1];
	p0 =	sne.s32 s2, $0x0  }
0x3c4: {  	s3 =	rddreg [dreg:$0x2];
	[bflag:$0x3] =	sbarrier.arrive $0xFFFF;
	s2 =	simm.s32 @!p0 $0x1C0B  }
0x3c5: {  	[timem:s3], [sflag:s2] =	dma.local @!p0 [hbm:s0], s1  }
0x3c6: {  	s0 =	simm.s32 @!p0 $0xB  }
0x3c7: {  	_ =	swait.ge @!p0 [sflag:s0], s1  }
0x3c8: {  	s1 =	ssub.s32 @!p0 $0x0, s1;
	[sflag:s0] =	ssyncset.done @!p0 $0x0  }
0x3c9: {  	[sflag:s0] =	ssyncadd.s32 @!p0 s1  }
0x3ca: {  	[bflag:$0x3] =	sbarrier.arrive $0xFFFF  }
0x3cb: {  	_ =	shalt  }

</sc_bundles>
